<compile_context>
chip_gen: v7x
topology: tpu7x:2x2x1
jax: 0.10.2.dev20260603
libtpu: 0.0.44.dev20260713+nightly
codegen_flags: <defaults>
</compile_context>

<pallas_src>
import functools

import jax
import jax.numpy as jnp
from jax import lax
from jax.experimental import pallas as pl
from jax.experimental.pallas import tpu as pltpu
from jax.experimental.pallas import tpu_sc as plsc

N = 10000
E = 320000
D = 128
H = 128
C = 40
L = 5
DT = 0.05

NP = 10240
NTILES = 16
ROWS_PT = NP // NTILES
CHUNK = 128
CPT = 160
TOT_CHUNKS = CPT * NTILES
EP = TOT_CHUNKS * CHUNK
IBUF = 32
NBLK = CPT // IBUF

_mesh = plsc.VectorSubcoreMesh(core_axis_name="c", subcore_axis_name="s")



@functools.partial(
    pl.kernel,
    mesh=_mesh,
    out_type=jax.ShapeDtypeStruct((NP, H), jnp.float32),
    scratch_types=[
        pltpu.VMEM((IBUF, CHUNK), jnp.int32),
        pltpu.VMEM((CHUNK, H), jnp.float32),
        pltpu.VMEM_SHARED((NP, H), jnp.float32),
    ],
)
def _deg_kernel(dst_hbm, z_hbm, ones_hbm, deg_out, dst_idx, ones_v, deg_sh):
    cid = lax.axis_index("c")
    sid = lax.axis_index("s")
    row0 = sid * ROWS_PT
    pltpu.sync_copy(z_hbm.at[pl.ds(row0, ROWS_PT)], deg_sh.at[pl.ds(row0, ROWS_PT)])
    pltpu.sync_copy(ones_hbm, ones_v)
    plsc.subcore_barrier()

    @pl.when(cid == 0)
    def _():
        @pl.loop(0, NBLK)
        def _(b):
            c0 = sid * CPT + b * IBUF
            pltpu.sync_copy(dst_hbm.at[pl.ds(c0, IBUF)], dst_idx)

            @pl.loop(0, IBUF)
            def _(j):
                pltpu.sync_copy(ones_v, deg_sh.at[dst_idx.at[j]], add=True)

    plsc.subcore_barrier()

    @pl.when(cid == 0)
    def _():
        pltpu.sync_copy(deg_sh.at[pl.ds(row0, ROWS_PT)], deg_out.at[pl.ds(row0, ROWS_PT)])


@functools.partial(
    pl.kernel,
    mesh=_mesh,
    out_type=(
        jax.ShapeDtypeStruct((NP, H), jnp.float32),
        jax.ShapeDtypeStruct((NP, H), jnp.float32),
    ),
    scratch_types=[
        pltpu.VMEM((IBUF, CHUNK), jnp.int32),
        pltpu.VMEM((IBUF, CHUNK), jnp.int32),
        pltpu.VMEM((CHUNK, H), jnp.float32),
        pltpu.VMEM((CHUNK, H), jnp.float32),
        pltpu.VMEM_SHARED((NP, H), jnp.float32),
        pltpu.SemaphoreType.DMA,
    ],
)
def _agg_kernel(x_hbm, y_hbm, src_hbm, dst_hbm, z_hbm,
                aggx_out, aggy_out, src_idx, dst_idx, rows0, rows1, agg_sh,
                sem):
    cid = lax.axis_index("c")
    sid = lax.axis_index("s")
    row0 = sid * ROWS_PT
    pltpu.sync_copy(z_hbm.at[pl.ds(row0, ROWS_PT)], agg_sh.at[pl.ds(row0, ROWS_PT)])
    plsc.subcore_barrier()

    def run(f_hbm):
        @pl.loop(0, NBLK)
        def _(b):
            c0 = sid * CPT + b * IBUF
            pltpu.sync_copy(src_hbm.at[pl.ds(c0, IBUF)], src_idx)
            pltpu.sync_copy(dst_hbm.at[pl.ds(c0, IBUF)], dst_idx)

            @pl.loop(0, IBUF, step=2)
            def _(j):
                cp0 = pltpu.async_copy(f_hbm.at[src_idx.at[j]], rows0, sem)
                cp1 = pltpu.async_copy(f_hbm.at[src_idx.at[j + 1]], rows1, sem)
                cp0.wait()
                cp1.wait()
                pltpu.sync_copy(rows0, agg_sh.at[dst_idx.at[j]], add=True)
                pltpu.sync_copy(rows1, agg_sh.at[dst_idx.at[j + 1]], add=True)

    @pl.when(cid == 0)
    def _():
        run(x_hbm)

    @pl.when(cid == 1)
    def _():
        run(y_hbm)

    plsc.subcore_barrier()

    @pl.when(cid == 0)
    def _():
        pltpu.sync_copy(agg_sh.at[pl.ds(row0, ROWS_PT)], aggx_out.at[pl.ds(row0, ROWS_PT)])

    @pl.when(cid == 1)
    def _():
        pltpu.sync_copy(agg_sh.at[pl.ds(row0, ROWS_PT)], aggy_out.at[pl.ds(row0, ROWS_PT)])



_BLK = 512
_GRID = NP // _BLK


def _lift_body(x_ref, wx_ref, bx_ref, wy_ref, by_ref, xo_ref, yo_ref):
    xb = x_ref[...]
    xo_ref[...] = jnp.tanh(
        jnp.dot(xb, wx_ref[...], preferred_element_type=jnp.float32) + bx_ref[...])
    yo_ref[...] = jnp.tanh(
        jnp.dot(xb, wy_ref[...], preferred_element_type=jnp.float32) + by_ref[...])


_lift = pl.pallas_call(
    _lift_body,
    grid=(_GRID,),
    in_specs=[
        pl.BlockSpec((_BLK, D), lambda i: (i, 0)),
        pl.BlockSpec((D, H), lambda i: (0, 0)),
        pl.BlockSpec((1, H), lambda i: (0, 0)),
        pl.BlockSpec((D, H), lambda i: (0, 0)),
        pl.BlockSpec((1, H), lambda i: (0, 0)),
    ],
    out_specs=(
        pl.BlockSpec((_BLK, H), lambda i: (i, 0)),
        pl.BlockSpec((_BLK, H), lambda i: (i, 0)),
    ),
    out_shape=(
        jax.ShapeDtypeStruct((NP, H), jnp.float32),
        jax.ShapeDtypeStruct((NP, H), jnp.float32),
    ),
)


def _update_body(x_ref, y_ref, ax_ref, ay_ref, deg_ref,
                 al_ref, be_ref, ga_ref, de_ref, xn_ref, yn_ref):
    invd = 1.0 / jnp.maximum(deg_ref[...], 1.0)
    xb = x_ref[...]
    yb = y_ref[...]
    max_ = ax_ref[...] * invd
    may_ = ay_ref[...] * invd
    xn_ref[...] = xb + DT * xb * (al_ref[...] - be_ref[...] * may_)
    yn_ref[...] = yb + DT * yb * (-ga_ref[...] + de_ref[...] * max_)


_update = pl.pallas_call(
    _update_body,
    grid=(_GRID,),
    in_specs=[
        pl.BlockSpec((_BLK, H), lambda i: (i, 0)),
        pl.BlockSpec((_BLK, H), lambda i: (i, 0)),
        pl.BlockSpec((_BLK, H), lambda i: (i, 0)),
        pl.BlockSpec((_BLK, H), lambda i: (i, 0)),
        pl.BlockSpec((_BLK, 1), lambda i: (i, 0)),
        pl.BlockSpec((1, H), lambda i: (0, 0)),
        pl.BlockSpec((1, H), lambda i: (0, 0)),
        pl.BlockSpec((1, H), lambda i: (0, 0)),
        pl.BlockSpec((1, H), lambda i: (0, 0)),
    ],
    out_specs=(
        pl.BlockSpec((_BLK, H), lambda i: (i, 0)),
        pl.BlockSpec((_BLK, H), lambda i: (i, 0)),
    ),
    out_shape=(
        jax.ShapeDtypeStruct((NP, H), jnp.float32),
        jax.ShapeDtypeStruct((NP, H), jnp.float32),
    ),
)


def _readout_body(x_ref, y_ref, wx_ref, wy_ref, br_ref, o_ref):
    o_ref[...] = (
        jnp.dot(x_ref[...], wx_ref[...], preferred_element_type=jnp.float32)
        + jnp.dot(y_ref[...], wy_ref[...], preferred_element_type=jnp.float32)
        + br_ref[...])


_readout = pl.pallas_call(
    _readout_body,
    grid=(_GRID,),
    in_specs=[
        pl.BlockSpec((_BLK, H), lambda i: (i, 0)),
        pl.BlockSpec((_BLK, H), lambda i: (i, 0)),
        pl.BlockSpec((H, 128), lambda i: (0, 0)),
        pl.BlockSpec((H, 128), lambda i: (0, 0)),
        pl.BlockSpec((1, 128), lambda i: (0, 0)),
    ],
    out_specs=pl.BlockSpec((_BLK, 128), lambda i: (i, 0)),
    out_shape=jax.ShapeDtypeStruct((NP, 128), jnp.float32),
)



def kernel(x, edge_index, Wx, bx, Wy, by, alpha, beta, gamma, delta, Wr, br):
    f32 = jnp.float32
    x_pad = jnp.pad(x, ((0, NP - N), (0, 0)))
    src2d = jnp.pad(edge_index[0], (0, EP - E)).reshape(TOT_CHUNKS, CHUNK)
    dst2d = jnp.pad(edge_index[1], (0, EP - E), constant_values=N).reshape(TOT_CHUNKS, CHUNK)
    zeros128 = jnp.zeros((NP, H), f32)
    ones128 = jnp.ones((CHUNK, H), f32)

    X, Y = _lift(x_pad, Wx, bx.reshape(1, H), Wy, by.reshape(1, H))
    deg = _deg_kernel(dst2d, zeros128, ones128)
    deg1 = deg[:, :1]

    for l in range(L):
        aggX, aggY = _agg_kernel(X, Y, src2d, dst2d, zeros128)
        X, Y = _update(X, Y, aggX, aggY, deg1,
                       alpha[l].reshape(1, H), beta[l].reshape(1, H),
                       gamma[l].reshape(1, H), delta[l].reshape(1, H))

    WrX = jnp.pad(Wr[:H], ((0, 0), (0, 128 - C)))
    WrY = jnp.pad(Wr[H:], ((0, 0), (0, 128 - C)))
    brp = jnp.pad(br, (0, 128 - C)).reshape(1, 128)
    out = _readout(X, Y, WrX, WrY, brp)
    return out[:N, :C]

# --- scband reference (transcript-rebuilt; emitter-appended) ---
"""Pipeline reference for scband-ppgnn-498216206705 (READ-ONLY COPY).

The authoritative reference and input builder live on the scoring server;
editing this copy changes nothing except your own understanding.
"""

import jax, jax.numpy as jnp
import numpy as np

N = 10000
E = 320000
D = 128
H = 128
C = 40
L = 5
DT = 0.05


def setup_inputs(seed: int = 0) -> dict:
    key = jax.random.key(seed)
    ks = jax.random.split(key, 12)
    x = jax.random.normal(ks[0], (N, D), dtype=jnp.float32)
    edge_index = jax.random.randint(ks[1], (2, E), 0, N, dtype=jnp.int32)
    s_in = 1.0 / np.sqrt(D)
    s_out = 1.0 / np.sqrt(2 * H)
    Wx = jax.random.normal(ks[2], (D, H), dtype=jnp.float32) * s_in
    bx = jnp.zeros((H,), dtype=jnp.float32)
    Wy = jax.random.normal(ks[3], (D, H), dtype=jnp.float32) * s_in
    by = jnp.zeros((H,), dtype=jnp.float32)
    alpha = jax.random.normal(ks[4], (L, H), dtype=jnp.float32) * 0.1 + 1.0
    beta = jax.random.normal(ks[5], (L, H), dtype=jnp.float32) * 0.1 + 1.0
    gamma = jax.random.normal(ks[6], (L, H), dtype=jnp.float32) * 0.1 + 1.0
    delta = jax.random.normal(ks[7], (L, H), dtype=jnp.float32) * 0.1 + 1.0
    Wr = jax.random.normal(ks[8], (2 * H, C), dtype=jnp.float32) * s_out
    br = jnp.zeros((C,), dtype=jnp.float32)
    return {"x": x, "edge_index": edge_index, "Wx": Wx, "bx": bx, "Wy": Wy, "by": by,
            "alpha": alpha, "beta": beta, "gamma": gamma, "delta": delta, "Wr": Wr, "br": br}


def reference(x, edge_index, Wx, bx, Wy, by, alpha, beta, gamma, delta, Wr, br):
    # lift
    X = jnp.tanh(x @ Wx + bx)
    Y = jnp.tanh(x @ Wy + by)
    src = edge_index[0]
    dst = edge_index[1]
    ones = jnp.ones((src.shape[0],), dtype=x.dtype)
    deg = jax.ops.segment_sum(ones, dst, num_segments=N)
    deg = jnp.clip(deg, 1.0, None)[:, None]
    # Lotka-Volterra Euler steps with mean-neighbor aggregation (dropout inactive in eval)
    for l in range(L):
        aggX = jax.ops.segment_sum(X[src], dst, num_segments=N) / deg
        aggY = jax.ops.segment_sum(Y[src], dst, num_segments=N) / deg
        Xn = X + DT * X * (alpha[l] - beta[l] * aggY)
        Yn = Y + DT * Y * (-gamma[l] + delta[l] * aggX)
        X, Y = Xn, Yn
    h = jnp.concatenate([X, Y], axis=-1)
    return h @ Wr + br

if __name__ == "__main__":
    import jax
    _d = setup_inputs()
    print(jax.jit(kernel)(*tuple(_d.values())))

</pallas_src>

<mosaic_0001>
#map = affine_map<(d0, d1) -> (0, 0)>
module attributes {stable_mosaic.version = 14 : i64} {
  func.func @_agg_kernel(%arg0: i32, %arg1: i32, %arg2: memref<10240x128xf32, #tpu.memory_space<hbm>>, %arg3: memref<10240x128xf32, #tpu.memory_space<hbm>>, %arg4: memref<2560x128xi32, #tpu.memory_space<hbm>>, %arg5: memref<2560x128xi32, #tpu.memory_space<hbm>>, %arg6: memref<10240x128xf32, #tpu.memory_space<hbm>>, %arg7: memref<10240x128xf32, #tpu.memory_space<hbm>>, %arg8: memref<10240x128xf32, #tpu.memory_space<hbm>>, %arg9: memref<32x128xi32, #tpu.memory_space<vmem>>, %arg10: memref<32x128xi32, #tpu.memory_space<vmem>>, %arg11: memref<128x128xf32, #tpu.memory_space<vmem>>, %arg12: memref<128x128xf32, #tpu.memory_space<vmem>>, %arg13: memref<10240x128xf32, #tpu.memory_space<vmem_shared>>, %arg14: memref<!tpu.dma_semaphore, #tpu.memory_space<semaphore_mem>>) attributes {dimension_semantics = [#tpu.dimension_semantics<core_parallel>, #tpu.dimension_semantics<subcore_parallel>], iteration_bounds = array<i64: 2, 16>, scalar_prefetch = 0 : i64, scratch_operands = 6 : i64, tpu.core_type = #tpu.core_type<sc_vector_subcore>, window_params = [{transform_indices = #map}, {transform_indices = #map}, {transform_indices = #map}, {transform_indices = #map}, {transform_indices = #map}, {transform_indices = #map}, {transform_indices = #map}]} {
    %mul3A = arith.constant 640 : i32
    %mul3A_0 = arith.muli %arg1, %mul3A : i32
    "tpu.region"() ({
      %run_scoped3A = tpu.sem_alloc : memref<!tpu.dma_semaphore, #tpu.memory_space<semaphore_mem>>
      %dma_start3A = arith.constant 0 : i32
      %dma_start3A_19 = tpu.memref_slice %arg13[%mul3A_0, %dma_start3A] : memref<10240x128xf32, #tpu.memory_space<vmem_shared>> -> memref<640x128xf32, #tpu.memory_space<vmem_shared>>
      %dma_start3A_20 = arith.constant 0 : i32
      %dma_start3A_21 = tpu.memref_slice %arg6[%mul3A_0, %dma_start3A_20] : memref<10240x128xf32, #tpu.memory_space<hbm>> -> memref<640x128xf32, #tpu.memory_space<hbm>>
      tpu.enqueue_dma source(%dma_start3A_21 : memref<640x128xf32, #tpu.memory_space<hbm>>) target(%dma_start3A_19 : memref<640x128xf32, #tpu.memory_space<vmem_shared>>) target_semaphore(%run_scoped3A : memref<!tpu.dma_semaphore, #tpu.memory_space<semaphore_mem>>)
      %dma_wait3A = arith.constant 0 : i32
      %dma_wait3A_22 = tpu.memref_slice %arg13[%mul3A_0, %dma_wait3A] : memref<10240x128xf32, #tpu.memory_space<vmem_shared>> -> memref<640x128xf32, #tpu.memory_space<vmem_shared>>
      %dma_wait3A_23 = arith.constant 0 : i32
      %dma_wait3A_24 = tpu.memref_slice %arg6[%mul3A_0, %dma_wait3A_23] : memref<10240x128xf32, #tpu.memory_space<hbm>> -> memref<640x128xf32, #tpu.memory_space<hbm>>
      tpu.wait_dma2 semaphore(%run_scoped3A : memref<!tpu.dma_semaphore, #tpu.memory_space<semaphore_mem>>) src(%dma_wait3A_24 : memref<640x128xf32, #tpu.memory_space<hbm>>) dst(%dma_wait3A_22 : memref<640x128xf32, #tpu.memory_space<vmem_shared>>)
      tpu.yield
    }) : () -> ()
    %barrier3A = arith.constant 0 : index
    tpu.barrier barrier_id(%barrier3A)
    %eq3A = arith.constant 0 : i32
    %eq3A_1 = arith.cmpi eq, %arg0, %eq3A : i32
    %convert_element_type3A = arith.extui %eq3A_1 : i1 to i32
    %cond3A = arith.constant 0 : i32
    %cond3A_2 = arith.cmpi ne, %convert_element_type3A, %cond3A : i32
    scf.if %cond3A_2 {
      %scan3A = arith.constant 0 : i32
      %scan3A_19 = arith.constant 5 : i32
      %scan3A_20 = arith.addi %scan3A, %scan3A_19 : i32
      %scan3A_21 = arith.constant 1 : i32
      scf.for %scan3A_23 = %scan3A to %scan3A_20 step %scan3A_21  : i32 {
        %mul3A_24 = arith.constant 1 : i32
        %mul3A_25 = arith.muli %scan3A_23, %mul3A_24 : i32
        %add3A = arith.constant 0 : i32
        %add3A_26 = arith.addi %add3A, %mul3A_25 : i32
        %mul3A_27 = arith.constant 160 : i32
        %mul3A_28 = arith.muli %arg1, %mul3A_27 : i32
        %mul3A_29 = arith.constant 32 : i32
        %mul3A_30 = arith.muli %add3A_26, %mul3A_29 : i32
        %add3A_31 = arith.addi %mul3A_28, %mul3A_30 : i32
        "tpu.region"() ({
          %run_scoped3A = tpu.sem_alloc : memref<!tpu.dma_semaphore, #tpu.memory_space<semaphore_mem>>
          %dma_start3A = arith.constant 0 : i32
          %dma_start3A_37 = tpu.memref_slice %arg4[%add3A_31, %dma_start3A] : memref<2560x128xi32, #tpu.memory_space<hbm>> -> memref<32x128xi32, #tpu.memory_space<hbm>>
          %dma_start3A_38 = arith.constant 0 : i32
          %dma_start3A_39 = tpu.memref_slice %arg4[%add3A_31, %dma_start3A_38] : memref<2560x128xi32, #tpu.memory_space<hbm>> -> memref<32x128xi32, #tpu.memory_space<hbm>>
          tpu.enqueue_dma source(%dma_start3A_39 : memref<32x128xi32, #tpu.memory_space<hbm>>) target(%arg9 : memref<32x128xi32, #tpu.memory_space<vmem>>) target_semaphore(%run_scoped3A : memref<!tpu.dma_semaphore, #tpu.memory_space<semaphore_mem>>)
          %dma_wait3A = arith.constant 0 : i32
          %dma_wait3A_40 = tpu.memref_slice %arg4[%add3A_31, %dma_wait3A] : memref<2560x128xi32, #tpu.memory_space<hbm>> -> memref<32x128xi32, #tpu.memory_space<hbm>>
          %dma_wait3A_41 = arith.constant 0 : i32
          %dma_wait3A_42 = tpu.memref_slice %arg4[%add3A_31, %dma_wait3A_41] : memref<2560x128xi32, #tpu.memory_space<hbm>> -> memref<32x128xi32, #tpu.memory_space<hbm>>
          tpu.wait_dma2 semaphore(%run_scoped3A : memref<!tpu.dma_semaphore, #tpu.memory_space<semaphore_mem>>) src(%dma_wait3A_42 : memref<32x128xi32, #tpu.memory_space<hbm>>) dst(%arg9 : memref<32x128xi32, #tpu.memory_space<vmem>>)
          tpu.yield
        }) : () -> ()
        "tpu.region"() ({
          %run_scoped3A = tpu.sem_alloc : memref<!tpu.dma_semaphore, #tpu.memory_space<semaphore_mem>>
          %dma_start3A = arith.constant 0 : i32
          %dma_start3A_37 = tpu.memref_slice %arg5[%add3A_31, %dma_start3A] : memref<2560x128xi32, #tpu.memory_space<hbm>> -> memref<32x128xi32, #tpu.memory_space<hbm>>
          %dma_start3A_38 = arith.constant 0 : i32
          %dma_start3A_39 = tpu.memref_slice %arg5[%add3A_31, %dma_start3A_38] : memref<2560x128xi32, #tpu.memory_space<hbm>> -> memref<32x128xi32, #tpu.memory_space<hbm>>
          tpu.enqueue_dma source(%dma_start3A_39 : memref<32x128xi32, #tpu.memory_space<hbm>>) target(%arg10 : memref<32x128xi32, #tpu.memory_space<vmem>>) target_semaphore(%run_scoped3A : memref<!tpu.dma_semaphore, #tpu.memory_space<semaphore_mem>>)
          %dma_wait3A = arith.constant 0 : i32
          %dma_wait3A_40 = tpu.memref_slice %arg5[%add3A_31, %dma_wait3A] : memref<2560x128xi32, #tpu.memory_space<hbm>> -> memref<32x128xi32, #tpu.memory_space<hbm>>
          %dma_wait3A_41 = arith.constant 0 : i32
          %dma_wait3A_42 = tpu.memref_slice %arg5[%add3A_31, %dma_wait3A_41] : memref<2560x128xi32, #tpu.memory_space<hbm>> -> memref<32x128xi32, #tpu.memory_space<hbm>>
          tpu.wait_dma2 semaphore(%run_scoped3A : memref<!tpu.dma_semaphore, #tpu.memory_space<semaphore_mem>>) src(%dma_wait3A_42 : memref<32x128xi32, #tpu.memory_space<hbm>>) dst(%arg10 : memref<32x128xi32, #tpu.memory_space<vmem>>)
          tpu.yield
        }) : () -> ()
        %scan3A_32 = arith.constant 0 : i32
        %scan3A_33 = arith.constant 16 : i32
        %scan3A_34 = arith.addi %scan3A_32, %scan3A_33 : i32
        %scan3A_35 = arith.constant 1 : i32
        scf.for %scan3A_37 = %scan3A_32 to %scan3A_34 step %scan3A_35  : i32 {
          %mul3A_38 = arith.constant 2 : i32
          %mul3A_39 = arith.muli %scan3A_37, %mul3A_38 : i32
          %add3A_40 = arith.constant 0 : i32
          %add3A_41 = arith.addi %add3A_40, %mul3A_39 : i32
          %dma_start3A = arith.constant 0 : i32
          %dma_start3A_42 = tpu.memref_slice %arg9[%add3A_41, %dma_start3A] : memref<32x128xi32, #tpu.memory_space<vmem>> -> memref<1x128xi32, #tpu.memory_space<vmem>>
          %dma_start3A_43 = tpu.memref_squeeze %dma_start3A_42 : memref<1x128xi32, #tpu.memory_space<vmem>> -> memref<128xi32, #tpu.memory_space<vmem>>
          %dma_start3A_44 = arith.constant 0 : i32
          %dma_start3A_45 = arith.constant 0 : i32
          %dma_start3A_46 = tpu.memref_slice %arg2[%dma_start3A_44, %dma_start3A_45] : memref<10240x128xf32, #tpu.memory_space<hbm>> -> memref<10240x128xf32, #tpu.memory_space<hbm>>
          tpu.enqueue_indirect_dma source(%dma_start3A_46 : memref<10240x128xf32, #tpu.memory_space<hbm>>) target(%arg11 : memref<128x128xf32, #tpu.memory_space<vmem>>) offsets(%dma_start3A_43 : memref<128xi32, #tpu.memory_space<vmem>>) semaphore(%arg14 : memref<!tpu.dma_semaphore, #tpu.memory_space<semaphore_mem>>)
          %add3A_47 = arith.constant 1 : i32
          %add3A_48 = arith.addi %add3A_41, %add3A_47 : i32
          %dma_start3A_49 = arith.constant 0 : i32
          %dma_start3A_50 = tpu.memref_slice %arg9[%add3A_48, %dma_start3A_49] : memref<32x128xi32, #tpu.memory_space<vmem>> -> memref<1x128xi32, #tpu.memory_space<vmem>>
          %dma_start3A_51 = tpu.memref_squeeze %dma_start3A_50 : memref<1x128xi32, #tpu.memory_space<vmem>> -> memref<128xi32, #tpu.memory_space<vmem>>
          %dma_start3A_52 = arith.constant 0 : i32
          %dma_start3A_53 = arith.constant 0 : i32
          %dma_start3A_54 = tpu.memref_slice %arg2[%dma_start3A_52, %dma_start3A_53] : memref<10240x128xf32, #tpu.memory_space<hbm>> -> memref<10240x128xf32, #tpu.memory_space<hbm>>
          tpu.enqueue_indirect_dma source(%dma_start3A_54 : memref<10240x128xf32, #tpu.memory_space<hbm>>) target(%arg12 : memref<128x128xf32, #tpu.memory_space<vmem>>) offsets(%dma_start3A_51 : memref<128xi32, #tpu.memory_space<vmem>>) semaphore(%arg14 : memref<!tpu.dma_semaphore, #tpu.memory_space<semaphore_mem>>)
          %dma_wait3A = arith.constant 0 : i32
          %dma_wait3A_55 = tpu.memref_slice %arg9[%add3A_41, %dma_wait3A] : memref<32x128xi32, #tpu.memory_space<vmem>> -> memref<1x128xi32, #tpu.memory_space<vmem>>
          %dma_wait3A_56 = tpu.memref_squeeze %dma_wait3A_55 : memref<1x128xi32, #tpu.memory_space<vmem>> -> memref<128xi32, #tpu.memory_space<vmem>>
          %dma_wait3A_57 = arith.constant 0 : i32
          %dma_wait3A_58 = arith.constant 0 : i32
          %dma_wait3A_59 = tpu.memref_slice %arg2[%dma_wait3A_57, %dma_wait3A_58] : memref<10240x128xf32, #tpu.memory_space<hbm>> -> memref<10240x128xf32, #tpu.memory_space<hbm>>
          tpu.wait_indirect_dma semaphore(%arg14 : memref<!tpu.dma_semaphore, #tpu.memory_space<semaphore_mem>>) src(%dma_wait3A_59 : memref<10240x128xf32, #tpu.memory_space<hbm>>) dst(%arg11 : memref<128x128xf32, #tpu.memory_space<vmem>>)
          %dma_wait3A_60 = arith.constant 0 : i32
          %dma_wait3A_61 = tpu.memref_slice %arg9[%add3A_48, %dma_wait3A_60] : memref<32x128xi32, #tpu.memory_space<vmem>> -> memref<1x128xi32, #tpu.memory_space<vmem>>
          %dma_wait3A_62 = tpu.memref_squeeze %dma_wait3A_61 : memref<1x128xi32, #tpu.memory_space<vmem>> -> memref<128xi32, #tpu.memory_space<vmem>>
          %dma_wait3A_63 = arith.constant 0 : i32
          %dma_wait3A_64 = arith.constant 0 : i32
          %dma_wait3A_65 = tpu.memref_slice %arg2[%dma_wait3A_63, %dma_wait3A_64] : memref<10240x128xf32, #tpu.memory_space<hbm>> -> memref<10240x128xf32, #tpu.memory_space<hbm>>
          tpu.wait_indirect_dma semaphore(%arg14 : memref<!tpu.dma_semaphore, #tpu.memory_space<semaphore_mem>>) src(%dma_wait3A_65 : memref<10240x128xf32, #tpu.memory_space<hbm>>) dst(%arg12 : memref<128x128xf32, #tpu.memory_space<vmem>>)
          "tpu.region"() ({
            %run_scoped3A = tpu.sem_alloc : memref<!tpu.dma_semaphore, #tpu.memory_space<semaphore_mem>>
            %dma_start3A_68 = arith.constant 0 : i32
            %dma_start3A_69 = tpu.memref_slice %arg10[%add3A_41, %dma_start3A_68] : memref<32x128xi32, #tpu.memory_space<vmem>> -> memref<1x128xi32, #tpu.memory_space<vmem>>
            %dma_start3A_70 = tpu.memref_squeeze %dma_start3A_69 : memref<1x128xi32, #tpu.memory_space<vmem>> -> memref<128xi32, #tpu.memory_space<vmem>>
            %dma_start3A_71 = arith.constant 0 : i32
            %dma_start3A_72 = arith.constant 0 : i32
            %dma_start3A_73 = tpu.memref_slice %arg13[%dma_start3A_71, %dma_start3A_72] : memref<10240x128xf32, #tpu.memory_space<vmem_shared>> -> memref<10240x128xf32, #tpu.memory_space<vmem_shared>>
            tpu.enqueue_indirect_dma source(%arg11 : memref<128x128xf32, #tpu.memory_space<vmem>>) target(%dma_start3A_73 : memref<10240x128xf32, #tpu.memory_space<vmem_shared>>) offsets(%dma_start3A_70 : memref<128xi32, #tpu.memory_space<vmem>>) semaphore(%run_scoped3A : memref<!tpu.dma_semaphore, #tpu.memory_space<semaphore_mem>>) {add = true}
            %dma_wait3A_74 = arith.constant 0 : i32
            %dma_wait3A_75 = tpu.memref_slice %arg10[%add3A_41, %dma_wait3A_74] : memref<32x128xi32, #tpu.memory_space<vmem>> -> memref<1x128xi32, #tpu.memory_space<vmem>>
            %dma_wait3A_76 = tpu.memref_squeeze %dma_wait3A_75 : memref<1x128xi32, #tpu.memory_space<vmem>> -> memref<128xi32, #tpu.memory_space<vmem>>
            %dma_wait3A_77 = arith.constant 0 : i32
            %dma_wait3A_78 = arith.constant 0 : i32
            %dma_wait3A_79 = tpu.memref_slice %arg13[%dma_wait3A_77, %dma_wait3A_78] : memref<10240x128xf32, #tpu.memory_space<vmem_shared>> -> memref<10240x128xf32, #tpu.memory_space<vmem_shared>>
            tpu.wait_indirect_dma semaphore(%run_scoped3A : memref<!tpu.dma_semaphore, #tpu.memory_space<semaphore_mem>>) src(%arg11 : memref<128x128xf32, #tpu.memory_space<vmem>>) dst(%dma_wait3A_79 : memref<10240x128xf32, #tpu.memory_space<vmem_shared>>)
            tpu.yield
          }) : () -> ()
          %add3A_66 = arith.constant 1 : i32
          %add3A_67 = arith.addi %add3A_41, %add3A_66 : i32
          "tpu.region"() ({
            %run_scoped3A = tpu.sem_alloc : memref<!tpu.dma_semaphore, #tpu.memory_space<semaphore_mem>>
            %dma_start3A_68 = arith.constant 0 : i32
            %dma_start3A_69 = tpu.memref_slice %arg10[%add3A_67, %dma_start3A_68] : memref<32x128xi32, #tpu.memory_space<vmem>> -> memref<1x128xi32, #tpu.memory_space<vmem>>
            %dma_start3A_70 = tpu.memref_squeeze %dma_start3A_69 : memref<1x128xi32, #tpu.memory_space<vmem>> -> memref<128xi32, #tpu.memory_space<vmem>>
            %dma_start3A_71 = arith.constant 0 : i32
            %dma_start3A_72 = arith.constant 0 : i32
            %dma_start3A_73 = tpu.memref_slice %arg13[%dma_start3A_71, %dma_start3A_72] : memref<10240x128xf32, #tpu.memory_space<vmem_shared>> -> memref<10240x128xf32, #tpu.memory_space<vmem_shared>>
            tpu.enqueue_indirect_dma source(%arg12 : memref<128x128xf32, #tpu.memory_space<vmem>>) target(%dma_start3A_73 : memref<10240x128xf32, #tpu.memory_space<vmem_shared>>) offsets(%dma_start3A_70 : memref<128xi32, #tpu.memory_space<vmem>>) semaphore(%run_scoped3A : memref<!tpu.dma_semaphore, #tpu.memory_space<semaphore_mem>>) {add = true}
            %dma_wait3A_74 = arith.constant 0 : i32
            %dma_wait3A_75 = tpu.memref_slice %arg10[%add3A_67, %dma_wait3A_74] : memref<32x128xi32, #tpu.memory_space<vmem>> -> memref<1x128xi32, #tpu.memory_space<vmem>>
            %dma_wait3A_76 = tpu.memref_squeeze %dma_wait3A_75 : memref<1x128xi32, #tpu.memory_space<vmem>> -> memref<128xi32, #tpu.memory_space<vmem>>
            %dma_wait3A_77 = arith.constant 0 : i32
            %dma_wait3A_78 = arith.constant 0 : i32
            %dma_wait3A_79 = tpu.memref_slice %arg13[%dma_wait3A_77, %dma_wait3A_78] : memref<10240x128xf32, #tpu.memory_space<vmem_shared>> -> memref<10240x128xf32, #tpu.memory_space<vmem_shared>>
            tpu.wait_indirect_dma semaphore(%run_scoped3A : memref<!tpu.dma_semaphore, #tpu.memory_space<semaphore_mem>>) src(%arg12 : memref<128x128xf32, #tpu.memory_space<vmem>>) dst(%dma_wait3A_79 : memref<10240x128xf32, #tpu.memory_space<vmem_shared>>)
            tpu.yield
          }) : () -> ()
        }
        %scan3A_36 = arith.constant 16 : i32
      }
      %scan3A_22 = arith.constant 5 : i32
    } else {
    }
    %eq3A_3 = arith.constant 1 : i32
    %eq3A_4 = arith.cmpi eq, %arg0, %eq3A_3 : i32
    %convert_element_type3A_5 = arith.extui %eq3A_4 : i1 to i32
    %cond3A_6 = arith.constant 0 : i32
    %cond3A_7 = arith.cmpi ne, %convert_element_type3A_5, %cond3A_6 : i32
    scf.if %cond3A_7 {
      %scan3A = arith.constant 0 : i32
      %scan3A_19 = arith.constant 5 : i32
      %scan3A_20 = arith.addi %scan3A, %scan3A_19 : i32
      %scan3A_21 = arith.constant 1 : i32
      scf.for %scan3A_23 = %scan3A to %scan3A_20 step %scan3A_21  : i32 {
        %mul3A_24 = arith.constant 1 : i32
        %mul3A_25 = arith.muli %scan3A_23, %mul3A_24 : i32
        %add3A = arith.constant 0 : i32
        %add3A_26 = arith.addi %add3A, %mul3A_25 : i32
        %mul3A_27 = arith.constant 160 : i32
        %mul3A_28 = arith.muli %arg1, %mul3A_27 : i32
        %mul3A_29 = arith.constant 32 : i32
        %mul3A_30 = arith.muli %add3A_26, %mul3A_29 : i32
        %add3A_31 = arith.addi %mul3A_28, %mul3A_30 : i32
        "tpu.region"() ({
          %run_scoped3A = tpu.sem_alloc : memref<!tpu.dma_semaphore, #tpu.memory_space<semaphore_mem>>
          %dma_start3A = arith.constant 0 : i32
          %dma_start3A_37 = tpu.memref_slice %arg4[%add3A_31, %dma_start3A] : memref<2560x128xi32, #tpu.memory_space<hbm>> -> memref<32x128xi32, #tpu.memory_space<hbm>>
          %dma_start3A_38 = arith.constant 0 : i32
          %dma_start3A_39 = tpu.memref_slice %arg4[%add3A_31, %dma_start3A_38] : memref<2560x128xi32, #tpu.memory_space<hbm>> -> memref<32x128xi32, #tpu.memory_space<hbm>>
          tpu.enqueue_dma source(%dma_start3A_39 : memref<32x128xi32, #tpu.memory_space<hbm>>) target(%arg9 : memref<32x128xi32, #tpu.memory_space<vmem>>) target_semaphore(%run_scoped3A : memref<!tpu.dma_semaphore, #tpu.memory_space<semaphore_mem>>)
          %dma_wait3A = arith.constant 0 : i32
          %dma_wait3A_40 = tpu.memref_slice %arg4[%add3A_31, %dma_wait3A] : memref<2560x128xi32, #tpu.memory_space<hbm>> -> memref<32x128xi32, #tpu.memory_space<hbm>>
          %dma_wait3A_41 = arith.constant 0 : i32
          %dma_wait3A_42 = tpu.memref_slice %arg4[%add3A_31, %dma_wait3A_41] : memref<2560x128xi32, #tpu.memory_space<hbm>> -> memref<32x128xi32, #tpu.memory_space<hbm>>
          tpu.wait_dma2 semaphore(%run_scoped3A : memref<!tpu.dma_semaphore, #tpu.memory_space<semaphore_mem>>) src(%dma_wait3A_42 : memref<32x128xi32, #tpu.memory_space<hbm>>) dst(%arg9 : memref<32x128xi32, #tpu.memory_space<vmem>>)
          tpu.yield
        }) : () -> ()
        "tpu.region"() ({
          %run_scoped3A = tpu.sem_alloc : memref<!tpu.dma_semaphore, #tpu.memory_space<semaphore_mem>>
          %dma_start3A = arith.constant 0 : i32
          %dma_start3A_37 = tpu.memref_slice %arg5[%add3A_31, %dma_start3A] : memref<2560x128xi32, #tpu.memory_space<hbm>> -> memref<32x128xi32, #tpu.memory_space<hbm>>
          %dma_start3A_38 = arith.constant 0 : i32
          %dma_start3A_39 = tpu.memref_slice %arg5[%add3A_31, %dma_start3A_38] : memref<2560x128xi32, #tpu.memory_space<hbm>> -> memref<32x128xi32, #tpu.memory_space<hbm>>
          tpu.enqueue_dma source(%dma_start3A_39 : memref<32x128xi32, #tpu.memory_space<hbm>>) target(%arg10 : memref<32x128xi32, #tpu.memory_space<vmem>>) target_semaphore(%run_scoped3A : memref<!tpu.dma_semaphore, #tpu.memory_space<semaphore_mem>>)
          %dma_wait3A = arith.constant 0 : i32
          %dma_wait3A_40 = tpu.memref_slice %arg5[%add3A_31, %dma_wait3A] : memref<2560x128xi32, #tpu.memory_space<hbm>> -> memref<32x128xi32, #tpu.memory_space<hbm>>
          %dma_wait3A_41 = arith.constant 0 : i32
          %dma_wait3A_42 = tpu.memref_slice %arg5[%add3A_31, %dma_wait3A_41] : memref<2560x128xi32, #tpu.memory_space<hbm>> -> memref<32x128xi32, #tpu.memory_space<hbm>>
          tpu.wait_dma2 semaphore(%run_scoped3A : memref<!tpu.dma_semaphore, #tpu.memory_space<semaphore_mem>>) src(%dma_wait3A_42 : memref<32x128xi32, #tpu.memory_space<hbm>>) dst(%arg10 : memref<32x128xi32, #tpu.memory_space<vmem>>)
          tpu.yield
        }) : () -> ()
        %scan3A_32 = arith.constant 0 : i32
        %scan3A_33 = arith.constant 16 : i32
        %scan3A_34 = arith.addi %scan3A_32, %scan3A_33 : i32
        %scan3A_35 = arith.constant 1 : i32
        scf.for %scan3A_37 = %scan3A_32 to %scan3A_34 step %scan3A_35  : i32 {
          %mul3A_38 = arith.constant 2 : i32
          %mul3A_39 = arith.muli %scan3A_37, %mul3A_38 : i32
          %add3A_40 = arith.constant 0 : i32
          %add3A_41 = arith.addi %add3A_40, %mul3A_39 : i32
          %dma_start3A = arith.constant 0 : i32
          %dma_start3A_42 = tpu.memref_slice %arg9[%add3A_41, %dma_start3A] : memref<32x128xi32, #tpu.memory_space<vmem>> -> memref<1x128xi32, #tpu.memory_space<vmem>>
          %dma_start3A_43 = tpu.memref_squeeze %dma_start3A_42 : memref<1x128xi32, #tpu.memory_space<vmem>> -> memref<128xi32, #tpu.memory_space<vmem>>
          %dma_start3A_44 = arith.constant 0 : i32
          %dma_start3A_45 = arith.constant 0 : i32
          %dma_start3A_46 = tpu.memref_slice %arg3[%dma_start3A_44, %dma_start3A_45] : memref<10240x128xf32, #tpu.memory_space<hbm>> -> memref<10240x128xf32, #tpu.memory_space<hbm>>
          tpu.enqueue_indirect_dma source(%dma_start3A_46 : memref<10240x128xf32, #tpu.memory_space<hbm>>) target(%arg11 : memref<128x128xf32, #tpu.memory_space<vmem>>) offsets(%dma_start3A_43 : memref<128xi32, #tpu.memory_space<vmem>>) semaphore(%arg14 : memref<!tpu.dma_semaphore, #tpu.memory_space<semaphore_mem>>)
          %add3A_47 = arith.constant 1 : i32
          %add3A_48 = arith.addi %add3A_41, %add3A_47 : i32
          %dma_start3A_49 = arith.constant 0 : i32
          %dma_start3A_50 = tpu.memref_slice %arg9[%add3A_48, %dma_start3A_49] : memref<32x128xi32, #tpu.memory_space<vmem>> -> memref<1x128xi32, #tpu.memory_space<vmem>>
          %dma_start3A_51 = tpu.memref_squeeze %dma_start3A_50 : memref<1x128xi32, #tpu.memory_space<vmem>> -> memref<128xi32, #tpu.memory_space<vmem>>
          %dma_start3A_52 = arith.constant 0 : i32
          %dma_start3A_53 = arith.constant 0 : i32
          %dma_start3A_54 = tpu.memref_slice %arg3[%dma_start3A_52, %dma_start3A_53] : memref<10240x128xf32, #tpu.memory_space<hbm>> -> memref<10240x128xf32, #tpu.memory_space<hbm>>
          tpu.enqueue_indirect_dma source(%dma_start3A_54 : memref<10240x128xf32, #tpu.memory_space<hbm>>) target(%arg12 : memref<128x128xf32, #tpu.memory_space<vmem>>) offsets(%dma_start3A_51 : memref<128xi32, #tpu.memory_space<vmem>>) semaphore(%arg14 : memref<!tpu.dma_semaphore, #tpu.memory_space<semaphore_mem>>)
          %dma_wait3A = arith.constant 0 : i32
          %dma_wait3A_55 = tpu.memref_slice %arg9[%add3A_41, %dma_wait3A] : memref<32x128xi32, #tpu.memory_space<vmem>> -> memref<1x128xi32, #tpu.memory_space<vmem>>
          %dma_wait3A_56 = tpu.memref_squeeze %dma_wait3A_55 : memref<1x128xi32, #tpu.memory_space<vmem>> -> memref<128xi32, #tpu.memory_space<vmem>>
          %dma_wait3A_57 = arith.constant 0 : i32
          %dma_wait3A_58 = arith.constant 0 : i32
          %dma_wait3A_59 = tpu.memref_slice %arg3[%dma_wait3A_57, %dma_wait3A_58] : memref<10240x128xf32, #tpu.memory_space<hbm>> -> memref<10240x128xf32, #tpu.memory_space<hbm>>
          tpu.wait_indirect_dma semaphore(%arg14 : memref<!tpu.dma_semaphore, #tpu.memory_space<semaphore_mem>>) src(%dma_wait3A_59 : memref<10240x128xf32, #tpu.memory_space<hbm>>) dst(%arg11 : memref<128x128xf32, #tpu.memory_space<vmem>>)
          %dma_wait3A_60 = arith.constant 0 : i32
          %dma_wait3A_61 = tpu.memref_slice %arg9[%add3A_48, %dma_wait3A_60] : memref<32x128xi32, #tpu.memory_space<vmem>> -> memref<1x128xi32, #tpu.memory_space<vmem>>
          %dma_wait3A_62 = tpu.memref_squeeze %dma_wait3A_61 : memref<1x128xi32, #tpu.memory_space<vmem>> -> memref<128xi32, #tpu.memory_space<vmem>>
          %dma_wait3A_63 = arith.constant 0 : i32
          %dma_wait3A_64 = arith.constant 0 : i32
          %dma_wait3A_65 = tpu.memref_slice %arg3[%dma_wait3A_63, %dma_wait3A_64] : memref<10240x128xf32, #tpu.memory_space<hbm>> -> memref<10240x128xf32, #tpu.memory_space<hbm>>
          tpu.wait_indirect_dma semaphore(%arg14 : memref<!tpu.dma_semaphore, #tpu.memory_space<semaphore_mem>>) src(%dma_wait3A_65 : memref<10240x128xf32, #tpu.memory_space<hbm>>) dst(%arg12 : memref<128x128xf32, #tpu.memory_space<vmem>>)
          "tpu.region"() ({
            %run_scoped3A = tpu.sem_alloc : memref<!tpu.dma_semaphore, #tpu.memory_space<semaphore_mem>>
            %dma_start3A_68 = arith.constant 0 : i32
            %dma_start3A_69 = tpu.memref_slice %arg10[%add3A_41, %dma_start3A_68] : memref<32x128xi32, #tpu.memory_space<vmem>> -> memref<1x128xi32, #tpu.memory_space<vmem>>
            %dma_start3A_70 = tpu.memref_squeeze %dma_start3A_69 : memref<1x128xi32, #tpu.memory_space<vmem>> -> memref<128xi32, #tpu.memory_space<vmem>>
            %dma_start3A_71 = arith.constant 0 : i32
            %dma_start3A_72 = arith.constant 0 : i32
            %dma_start3A_73 = tpu.memref_slice %arg13[%dma_start3A_71, %dma_start3A_72] : memref<10240x128xf32, #tpu.memory_space<vmem_shared>> -> memref<10240x128xf32, #tpu.memory_space<vmem_shared>>
            tpu.enqueue_indirect_dma source(%arg11 : memref<128x128xf32, #tpu.memory_space<vmem>>) target(%dma_start3A_73 : memref<10240x128xf32, #tpu.memory_space<vmem_shared>>) offsets(%dma_start3A_70 : memref<128xi32, #tpu.memory_space<vmem>>) semaphore(%run_scoped3A : memref<!tpu.dma_semaphore, #tpu.memory_space<semaphore_mem>>) {add = true}
            %dma_wait3A_74 = arith.constant 0 : i32
            %dma_wait3A_75 = tpu.memref_slice %arg10[%add3A_41, %dma_wait3A_74] : memref<32x128xi32, #tpu.memory_space<vmem>> -> memref<1x128xi32, #tpu.memory_space<vmem>>
            %dma_wait3A_76 = tpu.memref_squeeze %dma_wait3A_75 : memref<1x128xi32, #tpu.memory_space<vmem>> -> memref<128xi32, #tpu.memory_space<vmem>>
            %dma_wait3A_77 = arith.constant 0 : i32
            %dma_wait3A_78 = arith.constant 0 : i32
            %dma_wait3A_79 = tpu.memref_slice %arg13[%dma_wait3A_77, %dma_wait3A_78] : memref<10240x128xf32, #tpu.memory_space<vmem_shared>> -> memref<10240x128xf32, #tpu.memory_space<vmem_shared>>
            tpu.wait_indirect_dma semaphore(%run_scoped3A : memref<!tpu.dma_semaphore, #tpu.memory_space<semaphore_mem>>) src(%arg11 : memref<128x128xf32, #tpu.memory_space<vmem>>) dst(%dma_wait3A_79 : memref<10240x128xf32, #tpu.memory_space<vmem_shared>>)
            tpu.yield
          }) : () -> ()
          %add3A_66 = arith.constant 1 : i32
          %add3A_67 = arith.addi %add3A_41, %add3A_66 : i32
          "tpu.region"() ({
            %run_scoped3A = tpu.sem_alloc : memref<!tpu.dma_semaphore, #tpu.memory_space<semaphore_mem>>
            %dma_start3A_68 = arith.constant 0 : i32
            %dma_start3A_69 = tpu.memref_slice %arg10[%add3A_67, %dma_start3A_68] : memref<32x128xi32, #tpu.memory_space<vmem>> -> memref<1x128xi32, #tpu.memory_space<vmem>>
            %dma_start3A_70 = tpu.memref_squeeze %dma_start3A_69 : memref<1x128xi32, #tpu.memory_space<vmem>> -> memref<128xi32, #tpu.memory_space<vmem>>
            %dma_start3A_71 = arith.constant 0 : i32
            %dma_start3A_72 = arith.constant 0 : i32
            %dma_start3A_73 = tpu.memref_slice %arg13[%dma_start3A_71, %dma_start3A_72] : memref<10240x128xf32, #tpu.memory_space<vmem_shared>> -> memref<10240x128xf32, #tpu.memory_space<vmem_shared>>
            tpu.enqueue_indirect_dma source(%arg12 : memref<128x128xf32, #tpu.memory_space<vmem>>) target(%dma_start3A_73 : memref<10240x128xf32, #tpu.memory_space<vmem_shared>>) offsets(%dma_start3A_70 : memref<128xi32, #tpu.memory_space<vmem>>) semaphore(%run_scoped3A : memref<!tpu.dma_semaphore, #tpu.memory_space<semaphore_mem>>) {add = true}
            %dma_wait3A_74 = arith.constant 0 : i32
            %dma_wait3A_75 = tpu.memref_slice %arg10[%add3A_67, %dma_wait3A_74] : memref<32x128xi32, #tpu.memory_space<vmem>> -> memref<1x128xi32, #tpu.memory_space<vmem>>
            %dma_wait3A_76 = tpu.memref_squeeze %dma_wait3A_75 : memref<1x128xi32, #tpu.memory_space<vmem>> -> memref<128xi32, #tpu.memory_space<vmem>>
            %dma_wait3A_77 = arith.constant 0 : i32
            %dma_wait3A_78 = arith.constant 0 : i32
            %dma_wait3A_79 = tpu.memref_slice %arg13[%dma_wait3A_77, %dma_wait3A_78] : memref<10240x128xf32, #tpu.memory_space<vmem_shared>> -> memref<10240x128xf32, #tpu.memory_space<vmem_shared>>
            tpu.wait_indirect_dma semaphore(%run_scoped3A : memref<!tpu.dma_semaphore, #tpu.memory_space<semaphore_mem>>) src(%arg12 : memref<128x128xf32, #tpu.memory_space<vmem>>) dst(%dma_wait3A_79 : memref<10240x128xf32, #tpu.memory_space<vmem_shared>>)
            tpu.yield
          }) : () -> ()
        }
        %scan3A_36 = arith.constant 16 : i32
      }
      %scan3A_22 = arith.constant 5 : i32
    } else {
    }
    %barrier3A_8 = arith.constant 0 : index
    tpu.barrier barrier_id(%barrier3A_8)
    %eq3A_9 = arith.constant 0 : i32
    %eq3A_10 = arith.cmpi eq, %arg0, %eq3A_9 : i32
    %convert_element_type3A_11 = arith.extui %eq3A_10 : i1 to i32
    %cond3A_12 = arith.constant 0 : i32
    %cond3A_13 = arith.cmpi ne, %convert_element_type3A_11, %cond3A_12 : i32
    scf.if %cond3A_13 {
      "tpu.region"() ({
        %run_scoped3A = tpu.sem_alloc : memref<!tpu.dma_semaphore, #tpu.memory_space<semaphore_mem>>
        %dma_start3A = arith.constant 0 : i32
        %dma_start3A_19 = tpu.memref_slice %arg7[%mul3A_0, %dma_start3A] : memref<10240x128xf32, #tpu.memory_space<hbm>> -> memref<640x128xf32, #tpu.memory_space<hbm>>
        %dma_start3A_20 = arith.constant 0 : i32
        %dma_start3A_21 = tpu.memref_slice %arg13[%mul3A_0, %dma_start3A_20] : memref<10240x128xf32, #tpu.memory_space<vmem_shared>> -> memref<640x128xf32, #tpu.memory_space<vmem_shared>>
        tpu.enqueue_dma source(%dma_start3A_21 : memref<640x128xf32, #tpu.memory_space<vmem_shared>>) target(%dma_start3A_19 : memref<640x128xf32, #tpu.memory_space<hbm>>) target_semaphore(%run_scoped3A : memref<!tpu.dma_semaphore, #tpu.memory_space<semaphore_mem>>)
        %dma_wait3A = arith.constant 0 : i32
        %dma_wait3A_22 = tpu.memref_slice %arg7[%mul3A_0, %dma_wait3A] : memref<10240x128xf32, #tpu.memory_space<hbm>> -> memref<640x128xf32, #tpu.memory_space<hbm>>
        %dma_wait3A_23 = arith.constant 0 : i32
        %dma_wait3A_24 = tpu.memref_slice %arg13[%mul3A_0, %dma_wait3A_23] : memref<10240x128xf32, #tpu.memory_space<vmem_shared>> -> memref<640x128xf32, #tpu.memory_space<vmem_shared>>
        tpu.wait_dma2 semaphore(%run_scoped3A : memref<!tpu.dma_semaphore, #tpu.memory_space<semaphore_mem>>) src(%dma_wait3A_24 : memref<640x128xf32, #tpu.memory_space<vmem_shared>>) dst(%dma_wait3A_22 : memref<640x128xf32, #tpu.memory_space<hbm>>)
        tpu.yield
      }) : () -> ()
    } else {
    }
    %eq3A_14 = arith.constant 1 : i32
    %eq3A_15 = arith.cmpi eq, %arg0, %eq3A_14 : i32
    %convert_element_type3A_16 = arith.extui %eq3A_15 : i1 to i32
    %cond3A_17 = arith.constant 0 : i32
    %cond3A_18 = arith.cmpi ne, %convert_element_type3A_16, %cond3A_17 : i32
    scf.if %cond3A_18 {
      "tpu.region"() ({
        %run_scoped3A = tpu.sem_alloc : memref<!tpu.dma_semaphore, #tpu.memory_space<semaphore_mem>>
        %dma_start3A = arith.constant 0 : i32
        %dma_start3A_19 = tpu.memref_slice %arg8[%mul3A_0, %dma_start3A] : memref<10240x128xf32, #tpu.memory_space<hbm>> -> memref<640x128xf32, #tpu.memory_space<hbm>>
        %dma_start3A_20 = arith.constant 0 : i32
        %dma_start3A_21 = tpu.memref_slice %arg13[%mul3A_0, %dma_start3A_20] : memref<10240x128xf32, #tpu.memory_space<vmem_shared>> -> memref<640x128xf32, #tpu.memory_space<vmem_shared>>
        tpu.enqueue_dma source(%dma_start3A_21 : memref<640x128xf32, #tpu.memory_space<vmem_shared>>) target(%dma_start3A_19 : memref<640x128xf32, #tpu.memory_space<hbm>>) target_semaphore(%run_scoped3A : memref<!tpu.dma_semaphore, #tpu.memory_space<semaphore_mem>>)
        %dma_wait3A = arith.constant 0 : i32
        %dma_wait3A_22 = tpu.memref_slice %arg8[%mul3A_0, %dma_wait3A] : memref<10240x128xf32, #tpu.memory_space<hbm>> -> memref<640x128xf32, #tpu.memory_space<hbm>>
        %dma_wait3A_23 = arith.constant 0 : i32
        %dma_wait3A_24 = tpu.memref_slice %arg13[%mul3A_0, %dma_wait3A_23] : memref<10240x128xf32, #tpu.memory_space<vmem_shared>> -> memref<640x128xf32, #tpu.memory_space<vmem_shared>>
        tpu.wait_dma2 semaphore(%run_scoped3A : memref<!tpu.dma_semaphore, #tpu.memory_space<semaphore_mem>>) src(%dma_wait3A_24 : memref<640x128xf32, #tpu.memory_space<vmem_shared>>) dst(%dma_wait3A_22 : memref<640x128xf32, #tpu.memory_space<hbm>>)
        tpu.yield
      }) : () -> ()
    } else {
    }
    return
  }
}

#map = affine_map<(d0, d1) -> (0, 0)>
module attributes {stable_mosaic.version = 14 : i64} {
  func.func @_deg_kernel(%arg0: i32, %arg1: i32, %arg2: memref<2560x128xi32, #tpu.memory_space<hbm>>, %arg3: memref<10240x128xf32, #tpu.memory_space<hbm>>, %arg4: memref<128x128xf32, #tpu.memory_space<hbm>>, %arg5: memref<10240x128xf32, #tpu.memory_space<hbm>>, %arg6: memref<32x128xi32, #tpu.memory_space<vmem>>, %arg7: memref<128x128xf32, #tpu.memory_space<vmem>>, %arg8: memref<10240x128xf32, #tpu.memory_space<vmem_shared>>) attributes {dimension_semantics = [#tpu.dimension_semantics<core_parallel>, #tpu.dimension_semantics<subcore_parallel>], iteration_bounds = array<i64: 2, 16>, scalar_prefetch = 0 : i64, scratch_operands = 3 : i64, tpu.core_type = #tpu.core_type<sc_vector_subcore>, window_params = [{transform_indices = #map}, {transform_indices = #map}, {transform_indices = #map}, {transform_indices = #map}]} {
    %mul3A = arith.constant 640 : i32
    %mul3A_0 = arith.muli %arg1, %mul3A : i32
    "tpu.region"() ({
      %run_scoped3A = tpu.sem_alloc : memref<!tpu.dma_semaphore, #tpu.memory_space<semaphore_mem>>
      %dma_start3A = arith.constant 0 : i32
      %dma_start3A_9 = tpu.memref_slice %arg8[%mul3A_0, %dma_start3A] : memref<10240x128xf32, #tpu.memory_space<vmem_shared>> -> memref<640x128xf32, #tpu.memory_space<vmem_shared>>
      %dma_start3A_10 = arith.constant 0 : i32
      %dma_start3A_11 = tpu.memref_slice %arg3[%mul3A_0, %dma_start3A_10] : memref<10240x128xf32, #tpu.memory_space<hbm>> -> memref<640x128xf32, #tpu.memory_space<hbm>>
      tpu.enqueue_dma source(%dma_start3A_11 : memref<640x128xf32, #tpu.memory_space<hbm>>) target(%dma_start3A_9 : memref<640x128xf32, #tpu.memory_space<vmem_shared>>) target_semaphore(%run_scoped3A : memref<!tpu.dma_semaphore, #tpu.memory_space<semaphore_mem>>)
      %dma_wait3A = arith.constant 0 : i32
      %dma_wait3A_12 = tpu.memref_slice %arg8[%mul3A_0, %dma_wait3A] : memref<10240x128xf32, #tpu.memory_space<vmem_shared>> -> memref<640x128xf32, #tpu.memory_space<vmem_shared>>
      %dma_wait3A_13 = arith.constant 0 : i32
      %dma_wait3A_14 = tpu.memref_slice %arg3[%mul3A_0, %dma_wait3A_13] : memref<10240x128xf32, #tpu.memory_space<hbm>> -> memref<640x128xf32, #tpu.memory_space<hbm>>
      tpu.wait_dma2 semaphore(%run_scoped3A : memref<!tpu.dma_semaphore, #tpu.memory_space<semaphore_mem>>) src(%dma_wait3A_14 : memref<640x128xf32, #tpu.memory_space<hbm>>) dst(%dma_wait3A_12 : memref<640x128xf32, #tpu.memory_space<vmem_shared>>)
      tpu.yield
    }) : () -> ()
    "tpu.region"() ({
      %run_scoped3A = tpu.sem_alloc : memref<!tpu.dma_semaphore, #tpu.memory_space<semaphore_mem>>
      tpu.enqueue_dma source(%arg4 : memref<128x128xf32, #tpu.memory_space<hbm>>) target(%arg7 : memref<128x128xf32, #tpu.memory_space<vmem>>) target_semaphore(%run_scoped3A : memref<!tpu.dma_semaphore, #tpu.memory_space<semaphore_mem>>)
      tpu.wait_dma2 semaphore(%run_scoped3A : memref<!tpu.dma_semaphore, #tpu.memory_space<semaphore_mem>>) src(%arg4 : memref<128x128xf32, #tpu.memory_space<hbm>>) dst(%arg7 : memref<128x128xf32, #tpu.memory_space<vmem>>)
      tpu.yield
    }) : () -> ()
    %barrier3A = arith.constant 0 : index
    tpu.barrier barrier_id(%barrier3A)
    %eq3A = arith.constant 0 : i32
    %eq3A_1 = arith.cmpi eq, %arg0, %eq3A : i32
    %convert_element_type3A = arith.extui %eq3A_1 : i1 to i32
    %cond3A = arith.constant 0 : i32
    %cond3A_2 = arith.cmpi ne, %convert_element_type3A, %cond3A : i32
    scf.if %cond3A_2 {
      %scan3A = arith.constant 0 : i32
      %scan3A_9 = arith.constant 5 : i32
      %scan3A_10 = arith.addi %scan3A, %scan3A_9 : i32
      %scan3A_11 = arith.constant 1 : i32
      scf.for %scan3A_13 = %scan3A to %scan3A_10 step %scan3A_11  : i32 {
        %mul3A_14 = arith.constant 1 : i32
        %mul3A_15 = arith.muli %scan3A_13, %mul3A_14 : i32
        %add3A = arith.constant 0 : i32
        %add3A_16 = arith.addi %add3A, %mul3A_15 : i32
        %mul3A_17 = arith.constant 160 : i32
        %mul3A_18 = arith.muli %arg1, %mul3A_17 : i32
        %mul3A_19 = arith.constant 32 : i32
        %mul3A_20 = arith.muli %add3A_16, %mul3A_19 : i32
        %add3A_21 = arith.addi %mul3A_18, %mul3A_20 : i32
        "tpu.region"() ({
          %run_scoped3A = tpu.sem_alloc : memref<!tpu.dma_semaphore, #tpu.memory_space<semaphore_mem>>
          %dma_start3A = arith.constant 0 : i32
          %dma_start3A_27 = tpu.memref_slice %arg2[%add3A_21, %dma_start3A] : memref<2560x128xi32, #tpu.memory_space<hbm>> -> memref<32x128xi32, #tpu.memory_space<hbm>>
          %dma_start3A_28 = arith.constant 0 : i32
          %dma_start3A_29 = tpu.memref_slice %arg2[%add3A_21, %dma_start3A_28] : memref<2560x128xi32, #tpu.memory_space<hbm>> -> memref<32x128xi32, #tpu.memory_space<hbm>>
          tpu.enqueue_dma source(%dma_start3A_29 : memref<32x128xi32, #tpu.memory_space<hbm>>) target(%arg6 : memref<32x128xi32, #tpu.memory_space<vmem>>) target_semaphore(%run_scoped3A : memref<!tpu.dma_semaphore, #tpu.memory_space<semaphore_mem>>)
          %dma_wait3A = arith.constant 0 : i32
          %dma_wait3A_30 = tpu.memref_slice %arg2[%add3A_21, %dma_wait3A] : memref<2560x128xi32, #tpu.memory_space<hbm>> -> memref<32x128xi32, #tpu.memory_space<hbm>>
          %dma_wait3A_31 = arith.constant 0 : i32
          %dma_wait3A_32 = tpu.memref_slice %arg2[%add3A_21, %dma_wait3A_31] : memref<2560x128xi32, #tpu.memory_space<hbm>> -> memref<32x128xi32, #tpu.memory_space<hbm>>
          tpu.wait_dma2 semaphore(%run_scoped3A : memref<!tpu.dma_semaphore, #tpu.memory_space<semaphore_mem>>) src(%dma_wait3A_32 : memref<32x128xi32, #tpu.memory_space<hbm>>) dst(%arg6 : memref<32x128xi32, #tpu.memory_space<vmem>>)
          tpu.yield
        }) : () -> ()
        %scan3A_22 = arith.constant 0 : i32
        %scan3A_23 = arith.constant 32 : i32
        %scan3A_24 = arith.addi %scan3A_22, %scan3A_23 : i32
        %scan3A_25 = arith.constant 1 : i32
        scf.for %scan3A_27 = %scan3A_22 to %scan3A_24 step %scan3A_25  : i32 {
          %mul3A_28 = arith.constant 1 : i32
          %mul3A_29 = arith.muli %scan3A_27, %mul3A_28 : i32
          %add3A_30 = arith.constant 0 : i32
          %add3A_31 = arith.addi %add3A_30, %mul3A_29 : i32
          "tpu.region"() ({
            %run_scoped3A = tpu.sem_alloc : memref<!tpu.dma_semaphore, #tpu.memory_space<semaphore_mem>>
            %dma_start3A = arith.constant 0 : i32
            %dma_start3A_32 = tpu.memref_slice %arg6[%add3A_31, %dma_start3A] : memref<32x128xi32, #tpu.memory_space<vmem>> -> memref<1x128xi32, #tpu.memory_space<vmem>>
            %dma_start3A_33 = tpu.memref_squeeze %dma_start3A_32 : memref<1x128xi32, #tpu.memory_space<vmem>> -> memref<128xi32, #tpu.memory_space<vmem>>
            %dma_start3A_34 = arith.constant 0 : i32
            %dma_start3A_35 = arith.constant 0 : i32
            %dma_start3A_36 = tpu.memref_slice %arg8[%dma_start3A_34, %dma_start3A_35] : memref<10240x128xf32, #tpu.memory_space<vmem_shared>> -> memref<10240x128xf32, #tpu.memory_space<vmem_shared>>
            tpu.enqueue_indirect_dma source(%arg7 : memref<128x128xf32, #tpu.memory_space<vmem>>) target(%dma_start3A_36 : memref<10240x128xf32, #tpu.memory_space<vmem_shared>>) offsets(%dma_start3A_33 : memref<128xi32, #tpu.memory_space<vmem>>) semaphore(%run_scoped3A : memref<!tpu.dma_semaphore, #tpu.memory_space<semaphore_mem>>) {add = true}
            %dma_wait3A = arith.constant 0 : i32
            %dma_wait3A_37 = tpu.memref_slice %arg6[%add3A_31, %dma_wait3A] : memref<32x128xi32, #tpu.memory_space<vmem>> -> memref<1x128xi32, #tpu.memory_space<vmem>>
            %dma_wait3A_38 = tpu.memref_squeeze %dma_wait3A_37 : memref<1x128xi32, #tpu.memory_space<vmem>> -> memref<128xi32, #tpu.memory_space<vmem>>
            %dma_wait3A_39 = arith.constant 0 : i32
            %dma_wait3A_40 = arith.constant 0 : i32
            %dma_wait3A_41 = tpu.memref_slice %arg8[%dma_wait3A_39, %dma_wait3A_40] : memref<10240x128xf32, #tpu.memory_space<vmem_shared>> -> memref<10240x128xf32, #tpu.memory_space<vmem_shared>>
            tpu.wait_indirect_dma semaphore(%run_scoped3A : memref<!tpu.dma_semaphore, #tpu.memory_space<semaphore_mem>>) src(%arg7 : memref<128x128xf32, #tpu.memory_space<vmem>>) dst(%dma_wait3A_41 : memref<10240x128xf32, #tpu.memory_space<vmem_shared>>)
            tpu.yield
          }) : () -> ()
        }
        %scan3A_26 = arith.constant 32 : i32
      }
      %scan3A_12 = arith.constant 5 : i32
    } else {
    }
    %barrier3A_3 = arith.constant 0 : index
    tpu.barrier barrier_id(%barrier3A_3)
    %eq3A_4 = arith.constant 0 : i32
    %eq3A_5 = arith.cmpi eq, %arg0, %eq3A_4 : i32
    %convert_element_type3A_6 = arith.extui %eq3A_5 : i1 to i32
    %cond3A_7 = arith.constant 0 : i32
    %cond3A_8 = arith.cmpi ne, %convert_element_type3A_6, %cond3A_7 : i32
    scf.if %cond3A_8 {
      "tpu.region"() ({
        %run_scoped3A = tpu.sem_alloc : memref<!tpu.dma_semaphore, #tpu.memory_space<semaphore_mem>>
        %dma_start3A = arith.constant 0 : i32
        %dma_start3A_9 = tpu.memref_slice %arg5[%mul3A_0, %dma_start3A] : memref<10240x128xf32, #tpu.memory_space<hbm>> -> memref<640x128xf32, #tpu.memory_space<hbm>>
        %dma_start3A_10 = arith.constant 0 : i32
        %dma_start3A_11 = tpu.memref_slice %arg8[%mul3A_0, %dma_start3A_10] : memref<10240x128xf32, #tpu.memory_space<vmem_shared>> -> memref<640x128xf32, #tpu.memory_space<vmem_shared>>
        tpu.enqueue_dma source(%dma_start3A_11 : memref<640x128xf32, #tpu.memory_space<vmem_shared>>) target(%dma_start3A_9 : memref<640x128xf32, #tpu.memory_space<hbm>>) target_semaphore(%run_scoped3A : memref<!tpu.dma_semaphore, #tpu.memory_space<semaphore_mem>>)
        %dma_wait3A = arith.constant 0 : i32
        %dma_wait3A_12 = tpu.memref_slice %arg5[%mul3A_0, %dma_wait3A] : memref<10240x128xf32, #tpu.memory_space<hbm>> -> memref<640x128xf32, #tpu.memory_space<hbm>>
        %dma_wait3A_13 = arith.constant 0 : i32
        %dma_wait3A_14 = tpu.memref_slice %arg8[%mul3A_0, %dma_wait3A_13] : memref<10240x128xf32, #tpu.memory_space<vmem_shared>> -> memref<640x128xf32, #tpu.memory_space<vmem_shared>>
        tpu.wait_dma2 semaphore(%run_scoped3A : memref<!tpu.dma_semaphore, #tpu.memory_space<semaphore_mem>>) src(%dma_wait3A_14 : memref<640x128xf32, #tpu.memory_space<vmem_shared>>) dst(%dma_wait3A_12 : memref<640x128xf32, #tpu.memory_space<hbm>>)
        tpu.yield
      }) : () -> ()
    } else {
    }
    return
  }
}

#map = affine_map<(d0, d1) -> (0, 0)>
module attributes {stable_mosaic.version = 14 : i64} {
  func.func @_agg_kernel(%arg0: i32, %arg1: i32, %arg2: memref<10240x128xf32, #tpu.memory_space<hbm>>, %arg3: memref<10240x128xf32, #tpu.memory_space<hbm>>, %arg4: memref<2560x128xi32, #tpu.memory_space<hbm>>, %arg5: memref<2560x128xi32, #tpu.memory_space<hbm>>, %arg6: memref<10240x128xf32, #tpu.memory_space<hbm>>, %arg7: memref<10240x128xf32, #tpu.memory_space<hbm>>, %arg8: memref<10240x128xf32, #tpu.memory_space<hbm>>, %arg9: memref<32x128xi32, #tpu.memory_space<vmem>>, %arg10: memref<32x128xi32, #tpu.memory_space<vmem>>, %arg11: memref<128x128xf32, #tpu.memory_space<vmem>>, %arg12: memref<128x128xf32, #tpu.memory_space<vmem>>, %arg13: memref<10240x128xf32, #tpu.memory_space<vmem_shared>>, %arg14: memref<!tpu.dma_semaphore, #tpu.memory_space<semaphore_mem>>) attributes {dimension_semantics = [#tpu.dimension_semantics<core_parallel>, #tpu.dimension_semantics<subcore_parallel>], iteration_bounds = array<i64: 2, 16>, scalar_prefetch = 0 : i64, scratch_operands = 6 : i64, tpu.core_type = #tpu.core_type<sc_vector_subcore>, window_params = [{transform_indices = #map}, {transform_indices = #map}, {transform_indices = #map}, {transform_indices = #map}, {transform_indices = #map}, {transform_indices = #map}, {transform_indices = #map}]} {
    %mul3A = arith.constant 640 : i32
    %mul3A_0 = arith.muli %arg1, %mul3A : i32
    "tpu.region"() ({
      %run_scoped3A = tpu.sem_alloc : memref<!tpu.dma_semaphore, #tpu.memory_space<semaphore_mem>>
      %dma_start3A = arith.constant 0 : i32
      %dma_start3A_19 = tpu.memref_slice %arg13[%mul3A_0, %dma_start3A] : memref<10240x128xf32, #tpu.memory_space<vmem_shared>> -> memref<640x128xf32, #tpu.memory_space<vmem_shared>>
      %dma_start3A_20 = arith.constant 0 : i32
      %dma_start3A_21 = tpu.memref_slice %arg6[%mul3A_0, %dma_start3A_20] : memref<10240x128xf32, #tpu.memory_space<hbm>> -> memref<640x128xf32, #tpu.memory_space<hbm>>
      tpu.enqueue_dma source(%dma_start3A_21 : memref<640x128xf32, #tpu.memory_space<hbm>>) target(%dma_start3A_19 : memref<640x128xf32, #tpu.memory_space<vmem_shared>>) target_semaphore(%run_scoped3A : memref<!tpu.dma_semaphore, #tpu.memory_space<semaphore_mem>>)
      %dma_wait3A = arith.constant 0 : i32
      %dma_wait3A_22 = tpu.memref_slice %arg13[%mul3A_0, %dma_wait3A] : memref<10240x128xf32, #tpu.memory_space<vmem_shared>> -> memref<640x128xf32, #tpu.memory_space<vmem_shared>>
      %dma_wait3A_23 = arith.constant 0 : i32
      %dma_wait3A_24 = tpu.memref_slice %arg6[%mul3A_0, %dma_wait3A_23] : memref<10240x128xf32, #tpu.memory_space<hbm>> -> memref<640x128xf32, #tpu.memory_space<hbm>>
      tpu.wait_dma2 semaphore(%run_scoped3A : memref<!tpu.dma_semaphore, #tpu.memory_space<semaphore_mem>>) src(%dma_wait3A_24 : memref<640x128xf32, #tpu.memory_space<hbm>>) dst(%dma_wait3A_22 : memref<640x128xf32, #tpu.memory_space<vmem_shared>>)
      tpu.yield
    }) : () -> ()
    %barrier3A = arith.constant 0 : index
    tpu.barrier barrier_id(%barrier3A)
    %eq3A = arith.constant 0 : i32
    %eq3A_1 = arith.cmpi eq, %arg0, %eq3A : i32
    %convert_element_type3A = arith.extui %eq3A_1 : i1 to i32
    %cond3A = arith.constant 0 : i32
    %cond3A_2 = arith.cmpi ne, %convert_element_type3A, %cond3A : i32
    scf.if %cond3A_2 {
      %scan3A = arith.constant 0 : i32
      %scan3A_19 = arith.constant 5 : i32
      %scan3A_20 = arith.addi %scan3A, %scan3A_19 : i32
      %scan3A_21 = arith.constant 1 : i32
      scf.for %scan3A_23 = %scan3A to %scan3A_20 step %scan3A_21  : i32 {
        %mul3A_24 = arith.constant 1 : i32
        %mul3A_25 = arith.muli %scan3A_23, %mul3A_24 : i32
        %add3A = arith.constant 0 : i32
        %add3A_26 = arith.addi %add3A, %mul3A_25 : i32
        %mul3A_27 = arith.constant 160 : i32
        %mul3A_28 = arith.muli %arg1, %mul3A_27 : i32
        %mul3A_29 = arith.constant 32 : i32
        %mul3A_30 = arith.muli %add3A_26, %mul3A_29 : i32
        %add3A_31 = arith.addi %mul3A_28, %mul3A_30 : i32
        "tpu.region"() ({
          %run_scoped3A = tpu.sem_alloc : memref<!tpu.dma_semaphore, #tpu.memory_space<semaphore_mem>>
          %dma_start3A = arith.constant 0 : i32
          %dma_start3A_37 = tpu.memref_slice %arg4[%add3A_31, %dma_start3A] : memref<2560x128xi32, #tpu.memory_space<hbm>> -> memref<32x128xi32, #tpu.memory_space<hbm>>
          %dma_start3A_38 = arith.constant 0 : i32
          %dma_start3A_39 = tpu.memref_slice %arg4[%add3A_31, %dma_start3A_38] : memref<2560x128xi32, #tpu.memory_space<hbm>> -> memref<32x128xi32, #tpu.memory_space<hbm>>
          tpu.enqueue_dma source(%dma_start3A_39 : memref<32x128xi32, #tpu.memory_space<hbm>>) target(%arg9 : memref<32x128xi32, #tpu.memory_space<vmem>>) target_semaphore(%run_scoped3A : memref<!tpu.dma_semaphore, #tpu.memory_space<semaphore_mem>>)
          %dma_wait3A = arith.constant 0 : i32
          %dma_wait3A_40 = tpu.memref_slice %arg4[%add3A_31, %dma_wait3A] : memref<2560x128xi32, #tpu.memory_space<hbm>> -> memref<32x128xi32, #tpu.memory_space<hbm>>
          %dma_wait3A_41 = arith.constant 0 : i32
          %dma_wait3A_42 = tpu.memref_slice %arg4[%add3A_31, %dma_wait3A_41] : memref<2560x128xi32, #tpu.memory_space<hbm>> -> memref<32x128xi32, #tpu.memory_space<hbm>>
          tpu.wait_dma2 semaphore(%run_scoped3A : memref<!tpu.dma_semaphore, #tpu.memory_space<semaphore_mem>>) src(%dma_wait3A_42 : memref<32x128xi32, #tpu.memory_space<hbm>>) dst(%arg9 : memref<32x128xi32, #tpu.memory_space<vmem>>)
          tpu.yield
        }) : () -> ()
        "tpu.region"() ({
          %run_scoped3A = tpu.sem_alloc : memref<!tpu.dma_semaphore, #tpu.memory_space<semaphore_mem>>
          %dma_start3A = arith.constant 0 : i32
          %dma_start3A_37 = tpu.memref_slice %arg5[%add3A_31, %dma_start3A] : memref<2560x128xi32, #tpu.memory_space<hbm>> -> memref<32x128xi32, #tpu.memory_space<hbm>>
          %dma_start3A_38 = arith.constant 0 : i32
          %dma_start3A_39 = tpu.memref_slice %arg5[%add3A_31, %dma_start3A_38] : memref<2560x128xi32, #tpu.memory_space<hbm>> -> memref<32x128xi32, #tpu.memory_space<hbm>>
          tpu.enqueue_dma source(%dma_start3A_39 : memref<32x128xi32, #tpu.memory_space<hbm>>) target(%arg10 : memref<32x128xi32, #tpu.memory_space<vmem>>) target_semaphore(%run_scoped3A : memref<!tpu.dma_semaphore, #tpu.memory_space<semaphore_mem>>)
          %dma_wait3A = arith.constant 0 : i32
          %dma_wait3A_40 = tpu.memref_slice %arg5[%add3A_31, %dma_wait3A] : memref<2560x128xi32, #tpu.memory_space<hbm>> -> memref<32x128xi32, #tpu.memory_space<hbm>>
          %dma_wait3A_41 = arith.constant 0 : i32
          %dma_wait3A_42 = tpu.memref_slice %arg5[%add3A_31, %dma_wait3A_41] : memref<2560x128xi32, #tpu.memory_space<hbm>> -> memref<32x128xi32, #tpu.memory_space<hbm>>
          tpu.wait_dma2 semaphore(%run_scoped3A : memref<!tpu.dma_semaphore, #tpu.memory_space<semaphore_mem>>) src(%dma_wait3A_42 : memref<32x128xi32, #tpu.memory_space<hbm>>) dst(%arg10 : memref<32x128xi32, #tpu.memory_space<vmem>>)
          tpu.yield
        }) : () -> ()
        %scan3A_32 = arith.constant 0 : i32
        %scan3A_33 = arith.constant 16 : i32
        %scan3A_34 = arith.addi %scan3A_32, %scan3A_33 : i32
        %scan3A_35 = arith.constant 1 : i32
        scf.for %scan3A_37 = %scan3A_32 to %scan3A_34 step %scan3A_35  : i32 {
          %mul3A_38 = arith.constant 2 : i32
          %mul3A_39 = arith.muli %scan3A_37, %mul3A_38 : i32
          %add3A_40 = arith.constant 0 : i32
          %add3A_41 = arith.addi %add3A_40, %mul3A_39 : i32
          %dma_start3A = arith.constant 0 : i32
          %dma_start3A_42 = tpu.memref_slice %arg9[%add3A_41, %dma_start3A] : memref<32x128xi32, #tpu.memory_space<vmem>> -> memref<1x128xi32, #tpu.memory_space<vmem>>
          %dma_start3A_43 = tpu.memref_squeeze %dma_start3A_42 : memref<1x128xi32, #tpu.memory_space<vmem>> -> memref<128xi32, #tpu.memory_space<vmem>>
          %dma_start3A_44 = arith.constant 0 : i32
          %dma_start3A_45 = arith.constant 0 : i32
          %dma_start3A_46 = tpu.memref_slice %arg2[%dma_start3A_44, %dma_start3A_45] : memref<10240x128xf32, #tpu.memory_space<hbm>> -> memref<10240x128xf32, #tpu.memory_space<hbm>>
          tpu.enqueue_indirect_dma source(%dma_start3A_46 : memref<10240x128xf32, #tpu.memory_space<hbm>>) target(%arg11 : memref<128x128xf32, #tpu.memory_space<vmem>>) offsets(%dma_start3A_43 : memref<128xi32, #tpu.memory_space<vmem>>) semaphore(%arg14 : memref<!tpu.dma_semaphore, #tpu.memory_space<semaphore_mem>>)
          %add3A_47 = arith.constant 1 : i32
          %add3A_48 = arith.addi %add3A_41, %add3A_47 : i32
          %dma_start3A_49 = arith.constant 0 : i32
          %dma_start3A_50 = tpu.memref_slice %arg9[%add3A_48, %dma_start3A_49] : memref<32x128xi32, #tpu.memory_space<vmem>> -> memref<1x128xi32, #tpu.memory_space<vmem>>
          %dma_start3A_51 = tpu.memref_squeeze %dma_start3A_50 : memref<1x128xi32, #tpu.memory_space<vmem>> -> memref<128xi32, #tpu.memory_space<vmem>>
          %dma_start3A_52 = arith.constant 0 : i32
          %dma_start3A_53 = arith.constant 0 : i32
          %dma_start3A_54 = tpu.memref_slice %arg2[%dma_start3A_52, %dma_start3A_53] : memref<10240x128xf32, #tpu.memory_space<hbm>> -> memref<10240x128xf32, #tpu.memory_space<hbm>>
          tpu.enqueue_indirect_dma source(%dma_start3A_54 : memref<10240x128xf32, #tpu.memory_space<hbm>>) target(%arg12 : memref<128x128xf32, #tpu.memory_space<vmem>>) offsets(%dma_start3A_51 : memref<128xi32, #tpu.memory_space<vmem>>) semaphore(%arg14 : memref<!tpu.dma_semaphore, #tpu.memory_space<semaphore_mem>>)
          %dma_wait3A = arith.constant 0 : i32
          %dma_wait3A_55 = tpu.memref_slice %arg9[%add3A_41, %dma_wait3A] : memref<32x128xi32, #tpu.memory_space<vmem>> -> memref<1x128xi32, #tpu.memory_space<vmem>>
          %dma_wait3A_56 = tpu.memref_squeeze %dma_wait3A_55 : memref<1x128xi32, #tpu.memory_space<vmem>> -> memref<128xi32, #tpu.memory_space<vmem>>
          %dma_wait3A_57 = arith.constant 0 : i32
          %dma_wait3A_58 = arith.constant 0 : i32
          %dma_wait3A_59 = tpu.memref_slice %arg2[%dma_wait3A_57, %dma_wait3A_58] : memref<10240x128xf32, #tpu.memory_space<hbm>> -> memref<10240x128xf32, #tpu.memory_space<hbm>>
          tpu.wait_indirect_dma semaphore(%arg14 : memref<!tpu.dma_semaphore, #tpu.memory_space<semaphore_mem>>) src(%dma_wait3A_59 : memref<10240x128xf32, #tpu.memory_space<hbm>>) dst(%arg11 : memref<128x128xf32, #tpu.memory_space<vmem>>)
          %dma_wait3A_60 = arith.constant 0 : i32
          %dma_wait3A_61 = tpu.memref_slice %arg9[%add3A_48, %dma_wait3A_60] : memref<32x128xi32, #tpu.memory_space<vmem>> -> memref<1x128xi32, #tpu.memory_space<vmem>>
          %dma_wait3A_62 = tpu.memref_squeeze %dma_wait3A_61 : memref<1x128xi32, #tpu.memory_space<vmem>> -> memref<128xi32, #tpu.memory_space<vmem>>
          %dma_wait3A_63 = arith.constant 0 : i32
          %dma_wait3A_64 = arith.constant 0 : i32
          %dma_wait3A_65 = tpu.memref_slice %arg2[%dma_wait3A_63, %dma_wait3A_64] : memref<10240x128xf32, #tpu.memory_space<hbm>> -> memref<10240x128xf32, #tpu.memory_space<hbm>>
          tpu.wait_indirect_dma semaphore(%arg14 : memref<!tpu.dma_semaphore, #tpu.memory_space<semaphore_mem>>) src(%dma_wait3A_65 : memref<10240x128xf32, #tpu.memory_space<hbm>>) dst(%arg12 : memref<128x128xf32, #tpu.memory_space<vmem>>)
          "tpu.region"() ({
            %run_scoped3A = tpu.sem_alloc : memref<!tpu.dma_semaphore, #tpu.memory_space<semaphore_mem>>
            %dma_start3A_68 = arith.constant 0 : i32
            %dma_start3A_69 = tpu.memref_slice %arg10[%add3A_41, %dma_start3A_68] : memref<32x128xi32, #tpu.memory_space<vmem>> -> memref<1x128xi32, #tpu.memory_space<vmem>>
            %dma_start3A_70 = tpu.memref_squeeze %dma_start3A_69 : memref<1x128xi32, #tpu.memory_space<vmem>> -> memref<128xi32, #tpu.memory_space<vmem>>
            %dma_start3A_71 = arith.constant 0 : i32
            %dma_start3A_72 = arith.constant 0 : i32
            %dma_start3A_73 = tpu.memref_slice %arg13[%dma_start3A_71, %dma_start3A_72] : memref<10240x128xf32, #tpu.memory_space<vmem_shared>> -> memref<10240x128xf32, #tpu.memory_space<vmem_shared>>
            tpu.enqueue_indirect_dma source(%arg11 : memref<128x128xf32, #tpu.memory_space<vmem>>) target(%dma_start3A_73 : memref<10240x128xf32, #tpu.memory_space<vmem_shared>>) offsets(%dma_start3A_70 : memref<128xi32, #tpu.memory_space<vmem>>) semaphore(%run_scoped3A : memref<!tpu.dma_semaphore, #tpu.memory_space<semaphore_mem>>) {add = true}
            %dma_wait3A_74 = arith.constant 0 : i32
            %dma_wait3A_75 = tpu.memref_slice %arg10[%add3A_41, %dma_wait3A_74] : memref<32x128xi32, #tpu.memory_space<vmem>> -> memref<1x128xi32, #tpu.memory_space<vmem>>
            %dma_wait3A_76 = tpu.memref_squeeze %dma_wait3A_75 : memref<1x128xi32, #tpu.memory_space<vmem>> -> memref<128xi32, #tpu.memory_space<vmem>>
            %dma_wait3A_77 = arith.constant 0 : i32
            %dma_wait3A_78 = arith.constant 0 : i32
            %dma_wait3A_79 = tpu.memref_slice %arg13[%dma_wait3A_77, %dma_wait3A_78] : memref<10240x128xf32, #tpu.memory_space<vmem_shared>> -> memref<10240x128xf32, #tpu.memory_space<vmem_shared>>
            tpu.wait_indirect_dma semaphore(%run_scoped3A : memref<!tpu.dma_semaphore, #tpu.memory_space<semaphore_mem>>) src(%arg11 : memref<128x128xf32, #tpu.memory_space<vmem>>) dst(%dma_wait3A_79 : memref<10240x128xf32, #tpu.memory_space<vmem_shared>>)
            tpu.yield
          }) : () -> ()
          %add3A_66 = arith.constant 1 : i32
          %add3A_67 = arith.addi %add3A_41, %add3A_66 : i32
          "tpu.region"() ({
            %run_scoped3A = tpu.sem_alloc : memref<!tpu.dma_semaphore, #tpu.memory_space<semaphore_mem>>
            %dma_start3A_68 = arith.constant 0 : i32
            %dma_start3A_69 = tpu.memref_slice %arg10[%add3A_67, %dma_start3A_68] : memref<32x128xi32, #tpu.memory_space<vmem>> -> memref<1x128xi32, #tpu.memory_space<vmem>>
            %dma_start3A_70 = tpu.memref_squeeze %dma_start3A_69 : memref<1x128xi32, #tpu.memory_space<vmem>> -> memref<128xi32, #tpu.memory_space<vmem>>
            %dma_start3A_71 = arith.constant 0 : i32
            %dma_start3A_72 = arith.constant 0 : i32
            %dma_start3A_73 = tpu.memref_slice %arg13[%dma_start3A_71, %dma_start3A_72] : memref<10240x128xf32, #tpu.memory_space<vmem_shared>> -> memref<10240x128xf32, #tpu.memory_space<vmem_shared>>
            tpu.enqueue_indirect_dma source(%arg12 : memref<128x128xf32, #tpu.memory_space<vmem>>) target(%dma_start3A_73 : memref<10240x128xf32, #tpu.memory_space<vmem_shared>>) offsets(%dma_start3A_70 : memref<128xi32, #tpu.memory_space<vmem>>) semaphore(%run_scoped3A : memref<!tpu.dma_semaphore, #tpu.memory_space<semaphore_mem>>) {add = true}
            %dma_wait3A_74 = arith.constant 0 : i32
            %dma_wait3A_75 = tpu.memref_slice %arg10[%add3A_67, %dma_wait3A_74] : memref<32x128xi32, #tpu.memory_space<vmem>> -> memref<1x128xi32, #tpu.memory_space<vmem>>
            %dma_wait3A_76 = tpu.memref_squeeze %dma_wait3A_75 : memref<1x128xi32, #tpu.memory_space<vmem>> -> memref<128xi32, #tpu.memory_space<vmem>>
            %dma_wait3A_77 = arith.constant 0 : i32
            %dma_wait3A_78 = arith.constant 0 : i32
            %dma_wait3A_79 = tpu.memref_slice %arg13[%dma_wait3A_77, %dma_wait3A_78] : memref<10240x128xf32, #tpu.memory_space<vmem_shared>> -> memref<10240x128xf32, #tpu.memory_space<vmem_shared>>
            tpu.wait_indirect_dma semaphore(%run_scoped3A : memref<!tpu.dma_semaphore, #tpu.memory_space<semaphore_mem>>) src(%arg12 : memref<128x128xf32, #tpu.memory_space<vmem>>) dst(%dma_wait3A_79 : memref<10240x128xf32, #tpu.memory_space<vmem_shared>>)
            tpu.yield
          }) : () -> ()
        }
        %scan3A_36 = arith.constant 16 : i32
      }
      %scan3A_22 = arith.constant 5 : i32
    } else {
    }
    %eq3A_3 = arith.constant 1 : i32
    %eq3A_4 = arith.cmpi eq, %arg0, %eq3A_3 : i32
    %convert_element_type3A_5 = arith.extui %eq3A_4 : i1 to i32
    %cond3A_6 = arith.constant 0 : i32
    %cond3A_7 = arith.cmpi ne, %convert_element_type3A_5, %cond3A_6 : i32
    scf.if %cond3A_7 {
      %scan3A = arith.constant 0 : i32
      %scan3A_19 = arith.constant 5 : i32
      %scan3A_20 = arith.addi %scan3A, %scan3A_19 : i32
      %scan3A_21 = arith.constant 1 : i32
      scf.for %scan3A_23 = %scan3A to %scan3A_20 step %scan3A_21  : i32 {
        %mul3A_24 = arith.constant 1 : i32
        %mul3A_25 = arith.muli %scan3A_23, %mul3A_24 : i32
        %add3A = arith.constant 0 : i32
        %add3A_26 = arith.addi %add3A, %mul3A_25 : i32
        %mul3A_27 = arith.constant 160 : i32
        %mul3A_28 = arith.muli %arg1, %mul3A_27 : i32
        %mul3A_29 = arith.constant 32 : i32
        %mul3A_30 = arith.muli %add3A_26, %mul3A_29 : i32
        %add3A_31 = arith.addi %mul3A_28, %mul3A_30 : i32
        "tpu.region"() ({
          %run_scoped3A = tpu.sem_alloc : memref<!tpu.dma_semaphore, #tpu.memory_space<semaphore_mem>>
          %dma_start3A = arith.constant 0 : i32
          %dma_start3A_37 = tpu.memref_slice %arg4[%add3A_31, %dma_start3A] : memref<2560x128xi32, #tpu.memory_space<hbm>> -> memref<32x128xi32, #tpu.memory_space<hbm>>
          %dma_start3A_38 = arith.constant 0 : i32
          %dma_start3A_39 = tpu.memref_slice %arg4[%add3A_31, %dma_start3A_38] : memref<2560x128xi32, #tpu.memory_space<hbm>> -> memref<32x128xi32, #tpu.memory_space<hbm>>
          tpu.enqueue_dma source(%dma_start3A_39 : memref<32x128xi32, #tpu.memory_space<hbm>>) target(%arg9 : memref<32x128xi32, #tpu.memory_space<vmem>>) target_semaphore(%run_scoped3A : memref<!tpu.dma_semaphore, #tpu.memory_space<semaphore_mem>>)
          %dma_wait3A = arith.constant 0 : i32
          %dma_wait3A_40 = tpu.memref_slice %arg4[%add3A_31, %dma_wait3A] : memref<2560x128xi32, #tpu.memory_space<hbm>> -> memref<32x128xi32, #tpu.memory_space<hbm>>
          %dma_wait3A_41 = arith.constant 0 : i32
          %dma_wait3A_42 = tpu.memref_slice %arg4[%add3A_31, %dma_wait3A_41] : memref<2560x128xi32, #tpu.memory_space<hbm>> -> memref<32x128xi32, #tpu.memory_space<hbm>>
          tpu.wait_dma2 semaphore(%run_scoped3A : memref<!tpu.dma_semaphore, #tpu.memory_space<semaphore_mem>>) src(%dma_wait3A_42 : memref<32x128xi32, #tpu.memory_space<hbm>>) dst(%arg9 : memref<32x128xi32, #tpu.memory_space<vmem>>)
          tpu.yield
        }) : () -> ()
        "tpu.region"() ({
          %run_scoped3A = tpu.sem_alloc : memref<!tpu.dma_semaphore, #tpu.memory_space<semaphore_mem>>
          %dma_start3A = arith.constant 0 : i32
          %dma_start3A_37 = tpu.memref_slice %arg5[%add3A_31, %dma_start3A] : memref<2560x128xi32, #tpu.memory_space<hbm>> -> memref<32x128xi32, #tpu.memory_space<hbm>>
          %dma_start3A_38 = arith.constant 0 : i32
          %dma_start3A_39 = tpu.memref_slice %arg5[%add3A_31, %dma_start3A_38] : memref<2560x128xi32, #tpu.memory_space<hbm>> -> memref<32x128xi32, #tpu.memory_space<hbm>>
          tpu.enqueue_dma source(%dma_start3A_39 : memref<32x128xi32, #tpu.memory_space<hbm>>) target(%arg10 : memref<32x128xi32, #tpu.memory_space<vmem>>) target_semaphore(%run_scoped3A : memref<!tpu.dma_semaphore, #tpu.memory_space<semaphore_mem>>)
          %dma_wait3A = arith.constant 0 : i32
          %dma_wait3A_40 = tpu.memref_slice %arg5[%add3A_31, %dma_wait3A] : memref<2560x128xi32, #tpu.memory_space<hbm>> -> memref<32x128xi32, #tpu.memory_space<hbm>>
          %dma_wait3A_41 = arith.constant 0 : i32
          %dma_wait3A_42 = tpu.memref_slice %arg5[%add3A_31, %dma_wait3A_41] : memref<2560x128xi32, #tpu.memory_space<hbm>> -> memref<32x128xi32, #tpu.memory_space<hbm>>
          tpu.wait_dma2 semaphore(%run_scoped3A : memref<!tpu.dma_semaphore, #tpu.memory_space<semaphore_mem>>) src(%dma_wait3A_42 : memref<32x128xi32, #tpu.memory_space<hbm>>) dst(%arg10 : memref<32x128xi32, #tpu.memory_space<vmem>>)
          tpu.yield
        }) : () -> ()
        %scan3A_32 = arith.constant 0 : i32
        %scan3A_33 = arith.constant 16 : i32
        %scan3A_34 = arith.addi %scan3A_32, %scan3A_33 : i32
        %scan3A_35 = arith.constant 1 : i32
        scf.for %scan3A_37 = %scan3A_32 to %scan3A_34 step %scan3A_35  : i32 {
          %mul3A_38 = arith.constant 2 : i32
          %mul3A_39 = arith.muli %scan3A_37, %mul3A_38 : i32
          %add3A_40 = arith.constant 0 : i32
          %add3A_41 = arith.addi %add3A_40, %mul3A_39 : i32
          %dma_start3A = arith.constant 0 : i32
          %dma_start3A_42 = tpu.memref_slice %arg9[%add3A_41, %dma_start3A] : memref<32x128xi32, #tpu.memory_space<vmem>> -> memref<1x128xi32, #tpu.memory_space<vmem>>
          %dma_start3A_43 = tpu.memref_squeeze %dma_start3A_42 : memref<1x128xi32, #tpu.memory_space<vmem>> -> memref<128xi32, #tpu.memory_space<vmem>>
          %dma_start3A_44 = arith.constant 0 : i32
          %dma_start3A_45 = arith.constant 0 : i32
          %dma_start3A_46 = tpu.memref_slice %arg3[%dma_start3A_44, %dma_start3A_45] : memref<10240x128xf32, #tpu.memory_space<hbm>> -> memref<10240x128xf32, #tpu.memory_space<hbm>>
          tpu.enqueue_indirect_dma source(%dma_start3A_46 : memref<10240x128xf32, #tpu.memory_space<hbm>>) target(%arg11 : memref<128x128xf32, #tpu.memory_space<vmem>>) offsets(%dma_start3A_43 : memref<128xi32, #tpu.memory_space<vmem>>) semaphore(%arg14 : memref<!tpu.dma_semaphore, #tpu.memory_space<semaphore_mem>>)
          %add3A_47 = arith.constant 1 : i32
          %add3A_48 = arith.addi %add3A_41, %add3A_47 : i32
          %dma_start3A_49 = arith.constant 0 : i32
          %dma_start3A_50 = tpu.memref_slice %arg9[%add3A_48, %dma_start3A_49] : memref<32x128xi32, #tpu.memory_space<vmem>> -> memref<1x128xi32, #tpu.memory_space<vmem>>
          %dma_start3A_51 = tpu.memref_squeeze %dma_start3A_50 : memref<1x128xi32, #tpu.memory_space<vmem>> -> memref<128xi32, #tpu.memory_space<vmem>>
          %dma_start3A_52 = arith.constant 0 : i32
          %dma_start3A_53 = arith.constant 0 : i32
          %dma_start3A_54 = tpu.memref_slice %arg3[%dma_start3A_52, %dma_start3A_53] : memref<10240x128xf32, #tpu.memory_space<hbm>> -> memref<10240x128xf32, #tpu.memory_space<hbm>>
          tpu.enqueue_indirect_dma source(%dma_start3A_54 : memref<10240x128xf32, #tpu.memory_space<hbm>>) target(%arg12 : memref<128x128xf32, #tpu.memory_space<vmem>>) offsets(%dma_start3A_51 : memref<128xi32, #tpu.memory_space<vmem>>) semaphore(%arg14 : memref<!tpu.dma_semaphore, #tpu.memory_space<semaphore_mem>>)
          %dma_wait3A = arith.constant 0 : i32
          %dma_wait3A_55 = tpu.memref_slice %arg9[%add3A_41, %dma_wait3A] : memref<32x128xi32, #tpu.memory_space<vmem>> -> memref<1x128xi32, #tpu.memory_space<vmem>>
          %dma_wait3A_56 = tpu.memref_squeeze %dma_wait3A_55 : memref<1x128xi32, #tpu.memory_space<vmem>> -> memref<128xi32, #tpu.memory_space<vmem>>
          %dma_wait3A_57 = arith.constant 0 : i32
          %dma_wait3A_58 = arith.constant 0 : i32
          %dma_wait3A_59 = tpu.memref_slice %arg3[%dma_wait3A_57, %dma_wait3A_58] : memref<10240x128xf32, #tpu.memory_space<hbm>> -> memref<10240x128xf32, #tpu.memory_space<hbm>>
          tpu.wait_indirect_dma semaphore(%arg14 : memref<!tpu.dma_semaphore, #tpu.memory_space<semaphore_mem>>) src(%dma_wait3A_59 : memref<10240x128xf32, #tpu.memory_space<hbm>>) dst(%arg11 : memref<128x128xf32, #tpu.memory_space<vmem>>)
          %dma_wait3A_60 = arith.constant 0 : i32
          %dma_wait3A_61 = tpu.memref_slice %arg9[%add3A_48, %dma_wait3A_60] : memref<32x128xi32, #tpu.memory_space<vmem>> -> memref<1x128xi32, #tpu.memory_space<vmem>>
          %dma_wait3A_62 = tpu.memref_squeeze %dma_wait3A_61 : memref<1x128xi32, #tpu.memory_space<vmem>> -> memref<128xi32, #tpu.memory_space<vmem>>
          %dma_wait3A_63 = arith.constant 0 : i32
          %dma_wait3A_64 = arith.constant 0 : i32
          %dma_wait3A_65 = tpu.memref_slice %arg3[%dma_wait3A_63, %dma_wait3A_64] : memref<10240x128xf32, #tpu.memory_space<hbm>> -> memref<10240x128xf32, #tpu.memory_space<hbm>>
          tpu.wait_indirect_dma semaphore(%arg14 : memref<!tpu.dma_semaphore, #tpu.memory_space<semaphore_mem>>) src(%dma_wait3A_65 : memref<10240x128xf32, #tpu.memory_space<hbm>>) dst(%arg12 : memref<128x128xf32, #tpu.memory_space<vmem>>)
          "tpu.region"() ({
            %run_scoped3A = tpu.sem_alloc : memref<!tpu.dma_semaphore, #tpu.memory_space<semaphore_mem>>
            %dma_start3A_68 = arith.constant 0 : i32
            %dma_start3A_69 = tpu.memref_slice %arg10[%add3A_41, %dma_start3A_68] : memref<32x128xi32, #tpu.memory_space<vmem>> -> memref<1x128xi32, #tpu.memory_space<vmem>>
            %dma_start3A_70 = tpu.memref_squeeze %dma_start3A_69 : memref<1x128xi32, #tpu.memory_space<vmem>> -> memref<128xi32, #tpu.memory_space<vmem>>
            %dma_start3A_71 = arith.constant 0 : i32
            %dma_start3A_72 = arith.constant 0 : i32
            %dma_start3A_73 = tpu.memref_slice %arg13[%dma_start3A_71, %dma_start3A_72] : memref<10240x128xf32, #tpu.memory_space<vmem_shared>> -> memref<10240x128xf32, #tpu.memory_space<vmem_shared>>
            tpu.enqueue_indirect_dma source(%arg11 : memref<128x128xf32, #tpu.memory_space<vmem>>) target(%dma_start3A_73 : memref<10240x128xf32, #tpu.memory_space<vmem_shared>>) offsets(%dma_start3A_70 : memref<128xi32, #tpu.memory_space<vmem>>) semaphore(%run_scoped3A : memref<!tpu.dma_semaphore, #tpu.memory_space<semaphore_mem>>) {add = true}
            %dma_wait3A_74 = arith.constant 0 : i32
            %dma_wait3A_75 = tpu.memref_slice %arg10[%add3A_41, %dma_wait3A_74] : memref<32x128xi32, #tpu.memory_space<vmem>> -> memref<1x128xi32, #tpu.memory_space<vmem>>
            %dma_wait3A_76 = tpu.memref_squeeze %dma_wait3A_75 : memref<1x128xi32, #tpu.memory_space<vmem>> -> memref<128xi32, #tpu.memory_space<vmem>>
            %dma_wait3A_77 = arith.constant 0 : i32
            %dma_wait3A_78 = arith.constant 0 : i32
            %dma_wait3A_79 = tpu.memref_slice %arg13[%dma_wait3A_77, %dma_wait3A_78] : memref<10240x128xf32, #tpu.memory_space<vmem_shared>> -> memref<10240x128xf32, #tpu.memory_space<vmem_shared>>
            tpu.wait_indirect_dma semaphore(%run_scoped3A : memref<!tpu.dma_semaphore, #tpu.memory_space<semaphore_mem>>) src(%arg11 : memref<128x128xf32, #tpu.memory_space<vmem>>) dst(%dma_wait3A_79 : memref<10240x128xf32, #tpu.memory_space<vmem_shared>>)
            tpu.yield
          }) : () -> ()
          %add3A_66 = arith.constant 1 : i32
          %add3A_67 = arith.addi %add3A_41, %add3A_66 : i32
          "tpu.region"() ({
            %run_scoped3A = tpu.sem_alloc : memref<!tpu.dma_semaphore, #tpu.memory_space<semaphore_mem>>
            %dma_start3A_68 = arith.constant 0 : i32
            %dma_start3A_69 = tpu.memref_slice %arg10[%add3A_67, %dma_start3A_68] : memref<32x128xi32, #tpu.memory_space<vmem>> -> memref<1x128xi32, #tpu.memory_space<vmem>>
            %dma_start3A_70 = tpu.memref_squeeze %dma_start3A_69 : memref<1x128xi32, #tpu.memory_space<vmem>> -> memref<128xi32, #tpu.memory_space<vmem>>
            %dma_start3A_71 = arith.constant 0 : i32
            %dma_start3A_72 = arith.constant 0 : i32
            %dma_start3A_73 = tpu.memref_slice %arg13[%dma_start3A_71, %dma_start3A_72] : memref<10240x128xf32, #tpu.memory_space<vmem_shared>> -> memref<10240x128xf32, #tpu.memory_space<vmem_shared>>
            tpu.enqueue_indirect_dma source(%arg12 : memref<128x128xf32, #tpu.memory_space<vmem>>) target(%dma_start3A_73 : memref<10240x128xf32, #tpu.memory_space<vmem_shared>>) offsets(%dma_start3A_70 : memref<128xi32, #tpu.memory_space<vmem>>) semaphore(%run_scoped3A : memref<!tpu.dma_semaphore, #tpu.memory_space<semaphore_mem>>) {add = true}
            %dma_wait3A_74 = arith.constant 0 : i32
            %dma_wait3A_75 = tpu.memref_slice %arg10[%add3A_67, %dma_wait3A_74] : memref<32x128xi32, #tpu.memory_space<vmem>> -> memref<1x128xi32, #tpu.memory_space<vmem>>
            %dma_wait3A_76 = tpu.memref_squeeze %dma_wait3A_75 : memref<1x128xi32, #tpu.memory_space<vmem>> -> memref<128xi32, #tpu.memory_space<vmem>>
            %dma_wait3A_77 = arith.constant 0 : i32
            %dma_wait3A_78 = arith.constant 0 : i32
            %dma_wait3A_79 = tpu.memref_slice %arg13[%dma_wait3A_77, %dma_wait3A_78] : memref<10240x128xf32, #tpu.memory_space<vmem_shared>> -> memref<10240x128xf32, #tpu.memory_space<vmem_shared>>
            tpu.wait_indirect_dma semaphore(%run_scoped3A : memref<!tpu.dma_semaphore, #tpu.memory_space<semaphore_mem>>) src(%arg12 : memref<128x128xf32, #tpu.memory_space<vmem>>) dst(%dma_wait3A_79 : memref<10240x128xf32, #tpu.memory_space<vmem_shared>>)
            tpu.yield
          }) : () -> ()
        }
        %scan3A_36 = arith.constant 16 : i32
      }
      %scan3A_22 = arith.constant 5 : i32
    } else {
    }
    %barrier3A_8 = arith.constant 0 : index
    tpu.barrier barrier_id(%barrier3A_8)
    %eq3A_9 = arith.constant 0 : i32
    %eq3A_10 = arith.cmpi eq, %arg0, %eq3A_9 : i32
    %convert_element_type3A_11 = arith.extui %eq3A_10 : i1 to i32
    %cond3A_12 = arith.constant 0 : i32
    %cond3A_13 = arith.cmpi ne, %convert_element_type3A_11, %cond3A_12 : i32
    scf.if %cond3A_13 {
      "tpu.region"() ({
        %run_scoped3A = tpu.sem_alloc : memref<!tpu.dma_semaphore, #tpu.memory_space<semaphore_mem>>
        %dma_start3A = arith.constant 0 : i32
        %dma_start3A_19 = tpu.memref_slice %arg7[%mul3A_0, %dma_start3A] : memref<10240x128xf32, #tpu.memory_space<hbm>> -> memref<640x128xf32, #tpu.memory_space<hbm>>
        %dma_start3A_20 = arith.constant 0 : i32
        %dma_start3A_21 = tpu.memref_slice %arg13[%mul3A_0, %dma_start3A_20] : memref<10240x128xf32, #tpu.memory_space<vmem_shared>> -> memref<640x128xf32, #tpu.memory_space<vmem_shared>>
        tpu.enqueue_dma source(%dma_start3A_21 : memref<640x128xf32, #tpu.memory_space<vmem_shared>>) target(%dma_start3A_19 : memref<640x128xf32, #tpu.memory_space<hbm>>) target_semaphore(%run_scoped3A : memref<!tpu.dma_semaphore, #tpu.memory_space<semaphore_mem>>)
        %dma_wait3A = arith.constant 0 : i32
        %dma_wait3A_22 = tpu.memref_slice %arg7[%mul3A_0, %dma_wait3A] : memref<10240x128xf32, #tpu.memory_space<hbm>> -> memref<640x128xf32, #tpu.memory_space<hbm>>
        %dma_wait3A_23 = arith.constant 0 : i32
        %dma_wait3A_24 = tpu.memref_slice %arg13[%mul3A_0, %dma_wait3A_23] : memref<10240x128xf32, #tpu.memory_space<vmem_shared>> -> memref<640x128xf32, #tpu.memory_space<vmem_shared>>
        tpu.wait_dma2 semaphore(%run_scoped3A : memref<!tpu.dma_semaphore, #tpu.memory_space<semaphore_mem>>) src(%dma_wait3A_24 : memref<640x128xf32, #tpu.memory_space<vmem_shared>>) dst(%dma_wait3A_22 : memref<640x128xf32, #tpu.memory_space<hbm>>)
        tpu.yield
      }) : () -> ()
    } else {
    }
    %eq3A_14 = arith.constant 1 : i32
    %eq3A_15 = arith.cmpi eq, %arg0, %eq3A_14 : i32
    %convert_element_type3A_16 = arith.extui %eq3A_15 : i1 to i32
    %cond3A_17 = arith.constant 0 : i32
    %cond3A_18 = arith.cmpi ne, %convert_element_type3A_16, %cond3A_17 : i32
    scf.if %cond3A_18 {
      "tpu.region"() ({
        %run_scoped3A = tpu.sem_alloc : memref<!tpu.dma_semaphore, #tpu.memory_space<semaphore_mem>>
        %dma_start3A = arith.constant 0 : i32
        %dma_start3A_19 = tpu.memref_slice %arg8[%mul3A_0, %dma_start3A] : memref<10240x128xf32, #tpu.memory_space<hbm>> -> memref<640x128xf32, #tpu.memory_space<hbm>>
        %dma_start3A_20 = arith.constant 0 : i32
        %dma_start3A_21 = tpu.memref_slice %arg13[%mul3A_0, %dma_start3A_20] : memref<10240x128xf32, #tpu.memory_space<vmem_shared>> -> memref<640x128xf32, #tpu.memory_space<vmem_shared>>
        tpu.enqueue_dma source(%dma_start3A_21 : memref<640x128xf32, #tpu.memory_space<vmem_shared>>) target(%dma_start3A_19 : memref<640x128xf32, #tpu.memory_space<hbm>>) target_semaphore(%run_scoped3A : memref<!tpu.dma_semaphore, #tpu.memory_space<semaphore_mem>>)
        %dma_wait3A = arith.constant 0 : i32
        %dma_wait3A_22 = tpu.memref_slice %arg8[%mul3A_0, %dma_wait3A] : memref<10240x128xf32, #tpu.memory_space<hbm>> -> memref<640x128xf32, #tpu.memory_space<hbm>>
        %dma_wait3A_23 = arith.constant 0 : i32
        %dma_wait3A_24 = tpu.memref_slice %arg13[%mul3A_0, %dma_wait3A_23] : memref<10240x128xf32, #tpu.memory_space<vmem_shared>> -> memref<640x128xf32, #tpu.memory_space<vmem_shared>>
        tpu.wait_dma2 semaphore(%run_scoped3A : memref<!tpu.dma_semaphore, #tpu.memory_space<semaphore_mem>>) src(%dma_wait3A_24 : memref<640x128xf32, #tpu.memory_space<vmem_shared>>) dst(%dma_wait3A_22 : memref<640x128xf32, #tpu.memory_space<hbm>>)
        tpu.yield
      }) : () -> ()
    } else {
    }
    return
  }
}

#map = affine_map<(d0, d1) -> (0, 0)>
module attributes {stable_mosaic.version = 14 : i64} {
  func.func @_agg_kernel(%arg0: i32, %arg1: i32, %arg2: memref<10240x128xf32, #tpu.memory_space<hbm>>, %arg3: memref<10240x128xf32, #tpu.memory_space<hbm>>, %arg4: memref<2560x128xi32, #tpu.memory_space<hbm>>, %arg5: memref<2560x128xi32, #tpu.memory_space<hbm>>, %arg6: memref<10240x128xf32, #tpu.memory_space<hbm>>, %arg7: memref<10240x128xf32, #tpu.memory_space<hbm>>, %arg8: memref<10240x128xf32, #tpu.memory_space<hbm>>, %arg9: memref<32x128xi32, #tpu.memory_space<vmem>>, %arg10: memref<32x128xi32, #tpu.memory_space<vmem>>, %arg11: memref<128x128xf32, #tpu.memory_space<vmem>>, %arg12: memref<128x128xf32, #tpu.memory_space<vmem>>, %arg13: memref<10240x128xf32, #tpu.memory_space<vmem_shared>>, %arg14: memref<!tpu.dma_semaphore, #tpu.memory_space<semaphore_mem>>) attributes {dimension_semantics = [#tpu.dimension_semantics<core_parallel>, #tpu.dimension_semantics<subcore_parallel>], iteration_bounds = array<i64: 2, 16>, scalar_prefetch = 0 : i64, scratch_operands = 6 : i64, tpu.core_type = #tpu.core_type<sc_vector_subcore>, window_params = [{transform_indices = #map}, {transform_indices = #map}, {transform_indices = #map}, {transform_indices = #map}, {transform_indices = #map}, {transform_indices = #map}, {transform_indices = #map}]} {
    %mul3A = arith.constant 640 : i32
    %mul3A_0 = arith.muli %arg1, %mul3A : i32
    "tpu.region"() ({
      %run_scoped3A = tpu.sem_alloc : memref<!tpu.dma_semaphore, #tpu.memory_space<semaphore_mem>>
      %dma_start3A = arith.constant 0 : i32
      %dma_start3A_19 = tpu.memref_slice %arg13[%mul3A_0, %dma_start3A] : memref<10240x128xf32, #tpu.memory_space<vmem_shared>> -> memref<640x128xf32, #tpu.memory_space<vmem_shared>>
      %dma_start3A_20 = arith.constant 0 : i32
      %dma_start3A_21 = tpu.memref_slice %arg6[%mul3A_0, %dma_start3A_20] : memref<10240x128xf32, #tpu.memory_space<hbm>> -> memref<640x128xf32, #tpu.memory_space<hbm>>
      tpu.enqueue_dma source(%dma_start3A_21 : memref<640x128xf32, #tpu.memory_space<hbm>>) target(%dma_start3A_19 : memref<640x128xf32, #tpu.memory_space<vmem_shared>>) target_semaphore(%run_scoped3A : memref<!tpu.dma_semaphore, #tpu.memory_space<semaphore_mem>>)
      %dma_wait3A = arith.constant 0 : i32
      %dma_wait3A_22 = tpu.memref_slice %arg13[%mul3A_0, %dma_wait3A] : memref<10240x128xf32, #tpu.memory_space<vmem_shared>> -> memref<640x128xf32, #tpu.memory_space<vmem_shared>>
      %dma_wait3A_23 = arith.constant 0 : i32
      %dma_wait3A_24 = tpu.memref_slice %arg6[%mul3A_0, %dma_wait3A_23] : memref<10240x128xf32, #tpu.memory_space<hbm>> -> memref<640x128xf32, #tpu.memory_space<hbm>>
      tpu.wait_dma2 semaphore(%run_scoped3A : memref<!tpu.dma_semaphore, #tpu.memory_space<semaphore_mem>>) src(%dma_wait3A_24 : memref<640x128xf32, #tpu.memory_space<hbm>>) dst(%dma_wait3A_22 : memref<640x128xf32, #tpu.memory_space<vmem_shared>>)
      tpu.yield
    }) : () -> ()
    %barrier3A = arith.constant 0 : index
    tpu.barrier barrier_id(%barrier3A)
    %eq3A = arith.constant 0 : i32
    %eq3A_1 = arith.cmpi eq, %arg0, %eq3A : i32
    %convert_element_type3A = arith.extui %eq3A_1 : i1 to i32
    %cond3A = arith.constant 0 : i32
    %cond3A_2 = arith.cmpi ne, %convert_element_type3A, %cond3A : i32
    scf.if %cond3A_2 {
      %scan3A = arith.constant 0 : i32
      %scan3A_19 = arith.constant 5 : i32
      %scan3A_20 = arith.addi %scan3A, %scan3A_19 : i32
      %scan3A_21 = arith.constant 1 : i32
      scf.for %scan3A_23 = %scan3A to %scan3A_20 step %scan3A_21  : i32 {
        %mul3A_24 = arith.constant 1 : i32
        %mul3A_25 = arith.muli %scan3A_23, %mul3A_24 : i32
        %add3A = arith.constant 0 : i32
        %add3A_26 = arith.addi %add3A, %mul3A_25 : i32
        %mul3A_27 = arith.constant 160 : i32
        %mul3A_28 = arith.muli %arg1, %mul3A_27 : i32
        %mul3A_29 = arith.constant 32 : i32
        %mul3A_30 = arith.muli %add3A_26, %mul3A_29 : i32
        %add3A_31 = arith.addi %mul3A_28, %mul3A_30 : i32
        "tpu.region"() ({
          %run_scoped3A = tpu.sem_alloc : memref<!tpu.dma_semaphore, #tpu.memory_space<semaphore_mem>>
          %dma_start3A = arith.constant 0 : i32
          %dma_start3A_37 = tpu.memref_slice %arg4[%add3A_31, %dma_start3A] : memref<2560x128xi32, #tpu.memory_space<hbm>> -> memref<32x128xi32, #tpu.memory_space<hbm>>
          %dma_start3A_38 = arith.constant 0 : i32
          %dma_start3A_39 = tpu.memref_slice %arg4[%add3A_31, %dma_start3A_38] : memref<2560x128xi32, #tpu.memory_space<hbm>> -> memref<32x128xi32, #tpu.memory_space<hbm>>
          tpu.enqueue_dma source(%dma_start3A_39 : memref<32x128xi32, #tpu.memory_space<hbm>>) target(%arg9 : memref<32x128xi32, #tpu.memory_space<vmem>>) target_semaphore(%run_scoped3A : memref<!tpu.dma_semaphore, #tpu.memory_space<semaphore_mem>>)
          %dma_wait3A = arith.constant 0 : i32
          %dma_wait3A_40 = tpu.memref_slice %arg4[%add3A_31, %dma_wait3A] : memref<2560x128xi32, #tpu.memory_space<hbm>> -> memref<32x128xi32, #tpu.memory_space<hbm>>
          %dma_wait3A_41 = arith.constant 0 : i32
          %dma_wait3A_42 = tpu.memref_slice %arg4[%add3A_31, %dma_wait3A_41] : memref<2560x128xi32, #tpu.memory_space<hbm>> -> memref<32x128xi32, #tpu.memory_space<hbm>>
          tpu.wait_dma2 semaphore(%run_scoped3A : memref<!tpu.dma_semaphore, #tpu.memory_space<semaphore_mem>>) src(%dma_wait3A_42 : memref<32x128xi32, #tpu.memory_space<hbm>>) dst(%arg9 : memref<32x128xi32, #tpu.memory_space<vmem>>)
          tpu.yield
        }) : () -> ()
        "tpu.region"() ({
          %run_scoped3A = tpu.sem_alloc : memref<!tpu.dma_semaphore, #tpu.memory_space<semaphore_mem>>
          %dma_start3A = arith.constant 0 : i32
          %dma_start3A_37 = tpu.memref_slice %arg5[%add3A_31, %dma_start3A] : memref<2560x128xi32, #tpu.memory_space<hbm>> -> memref<32x128xi32, #tpu.memory_space<hbm>>
          %dma_start3A_38 = arith.constant 0 : i32
          %dma_start3A_39 = tpu.memref_slice %arg5[%add3A_31, %dma_start3A_38] : memref<2560x128xi32, #tpu.memory_space<hbm>> -> memref<32x128xi32, #tpu.memory_space<hbm>>
          tpu.enqueue_dma source(%dma_start3A_39 : memref<32x128xi32, #tpu.memory_space<hbm>>) target(%arg10 : memref<32x128xi32, #tpu.memory_space<vmem>>) target_semaphore(%run_scoped3A : memref<!tpu.dma_semaphore, #tpu.memory_space<semaphore_mem>>)
          %dma_wait3A = arith.constant 0 : i32
          %dma_wait3A_40 = tpu.memref_slice %arg5[%add3A_31, %dma_wait3A] : memref<2560x128xi32, #tpu.memory_space<hbm>> -> memref<32x128xi32, #tpu.memory_space<hbm>>
          %dma_wait3A_41 = arith.constant 0 : i32
          %dma_wait3A_42 = tpu.memref_slice %arg5[%add3A_31, %dma_wait3A_41] : memref<2560x128xi32, #tpu.memory_space<hbm>> -> memref<32x128xi32, #tpu.memory_space<hbm>>
          tpu.wait_dma2 semaphore(%run_scoped3A : memref<!tpu.dma_semaphore, #tpu.memory_space<semaphore_mem>>) src(%dma_wait3A_42 : memref<32x128xi32, #tpu.memory_space<hbm>>) dst(%arg10 : memref<32x128xi32, #tpu.memory_space<vmem>>)
          tpu.yield
        }) : () -> ()
        %scan3A_32 = arith.constant 0 : i32
        %scan3A_33 = arith.constant 16 : i32
        %scan3A_34 = arith.addi %scan3A_32, %scan3A_33 : i32
        %scan3A_35 = arith.constant 1 : i32
        scf.for %scan3A_37 = %scan3A_32 to %scan3A_34 step %scan3A_35  : i32 {
          %mul3A_38 = arith.constant 2 : i32
          %mul3A_39 = arith.muli %scan3A_37, %mul3A_38 : i32
          %add3A_40 = arith.constant 0 : i32
          %add3A_41 = arith.addi %add3A_40, %mul3A_39 : i32
          %dma_start3A = arith.constant 0 : i32
          %dma_start3A_42 = tpu.memref_slice %arg9[%add3A_41, %dma_start3A] : memref<32x128xi32, #tpu.memory_space<vmem>> -> memref<1x128xi32, #tpu.memory_space<vmem>>
          %dma_start3A_43 = tpu.memref_squeeze %dma_start3A_42 : memref<1x128xi32, #tpu.memory_space<vmem>> -> memref<128xi32, #tpu.memory_space<vmem>>
          %dma_start3A_44 = arith.constant 0 : i32
          %dma_start3A_45 = arith.constant 0 : i32
          %dma_start3A_46 = tpu.memref_slice %arg2[%dma_start3A_44, %dma_start3A_45] : memref<10240x128xf32, #tpu.memory_space<hbm>> -> memref<10240x128xf32, #tpu.memory_space<hbm>>
          tpu.enqueue_indirect_dma source(%dma_start3A_46 : memref<10240x128xf32, #tpu.memory_space<hbm>>) target(%arg11 : memref<128x128xf32, #tpu.memory_space<vmem>>) offsets(%dma_start3A_43 : memref<128xi32, #tpu.memory_space<vmem>>) semaphore(%arg14 : memref<!tpu.dma_semaphore, #tpu.memory_space<semaphore_mem>>)
          %add3A_47 = arith.constant 1 : i32
          %add3A_48 = arith.addi %add3A_41, %add3A_47 : i32
          %dma_start3A_49 = arith.constant 0 : i32
          %dma_start3A_50 = tpu.memref_slice %arg9[%add3A_48, %dma_start3A_49] : memref<32x128xi32, #tpu.memory_space<vmem>> -> memref<1x128xi32, #tpu.memory_space<vmem>>
          %dma_start3A_51 = tpu.memref_squeeze %dma_start3A_50 : memref<1x128xi32, #tpu.memory_space<vmem>> -> memref<128xi32, #tpu.memory_space<vmem>>
          %dma_start3A_52 = arith.constant 0 : i32
          %dma_start3A_53 = arith.constant 0 : i32
          %dma_start3A_54 = tpu.memref_slice %arg2[%dma_start3A_52, %dma_start3A_53] : memref<10240x128xf32, #tpu.memory_space<hbm>> -> memref<10240x128xf32, #tpu.memory_space<hbm>>
          tpu.enqueue_indirect_dma source(%dma_start3A_54 : memref<10240x128xf32, #tpu.memory_space<hbm>>) target(%arg12 : memref<128x128xf32, #tpu.memory_space<vmem>>) offsets(%dma_start3A_51 : memref<128xi32, #tpu.memory_space<vmem>>) semaphore(%arg14 : memref<!tpu.dma_semaphore, #tpu.memory_space<semaphore_mem>>)
          %dma_wait3A = arith.constant 0 : i32
          %dma_wait3A_55 = tpu.memref_slice %arg9[%add3A_41, %dma_wait3A] : memref<32x128xi32, #tpu.memory_space<vmem>> -> memref<1x128xi32, #tpu.memory_space<vmem>>
          %dma_wait3A_56 = tpu.memref_squeeze %dma_wait3A_55 : memref<1x128xi32, #tpu.memory_space<vmem>> -> memref<128xi32, #tpu.memory_space<vmem>>
          %dma_wait3A_57 = arith.constant 0 : i32
          %dma_wait3A_58 = arith.constant 0 : i32
          %dma_wait3A_59 = tpu.memref_slice %arg2[%dma_wait3A_57, %dma_wait3A_58] : memref<10240x128xf32, #tpu.memory_space<hbm>> -> memref<10240x128xf32, #tpu.memory_space<hbm>>
          tpu.wait_indirect_dma semaphore(%arg14 : memref<!tpu.dma_semaphore, #tpu.memory_space<semaphore_mem>>) src(%dma_wait3A_59 : memref<10240x128xf32, #tpu.memory_space<hbm>>) dst(%arg11 : memref<128x128xf32, #tpu.memory_space<vmem>>)
          %dma_wait3A_60 = arith.constant 0 : i32
          %dma_wait3A_61 = tpu.memref_slice %arg9[%add3A_48, %dma_wait3A_60] : memref<32x128xi32, #tpu.memory_space<vmem>> -> memref<1x128xi32, #tpu.memory_space<vmem>>
          %dma_wait3A_62 = tpu.memref_squeeze %dma_wait3A_61 : memref<1x128xi32, #tpu.memory_space<vmem>> -> memref<128xi32, #tpu.memory_space<vmem>>
          %dma_wait3A_63 = arith.constant 0 : i32
          %dma_wait3A_64 = arith.constant 0 : i32
          %dma_wait3A_65 = tpu.memref_slice %arg2[%dma_wait3A_63, %dma_wait3A_64] : memref<10240x128xf32, #tpu.memory_space<hbm>> -> memref<10240x128xf32, #tpu.memory_space<hbm>>
          tpu.wait_indirect_dma semaphore(%arg14 : memref<!tpu.dma_semaphore, #tpu.memory_space<semaphore_mem>>) src(%dma_wait3A_65 : memref<10240x128xf32, #tpu.memory_space<hbm>>) dst(%arg12 : memref<128x128xf32, #tpu.memory_space<vmem>>)
          "tpu.region"() ({
            %run_scoped3A = tpu.sem_alloc : memref<!tpu.dma_semaphore, #tpu.memory_space<semaphore_mem>>
            %dma_start3A_68 = arith.constant 0 : i32
            %dma_start3A_69 = tpu.memref_slice %arg10[%add3A_41, %dma_start3A_68] : memref<32x128xi32, #tpu.memory_space<vmem>> -> memref<1x128xi32, #tpu.memory_space<vmem>>
            %dma_start3A_70 = tpu.memref_squeeze %dma_start3A_69 : memref<1x128xi32, #tpu.memory_space<vmem>> -> memref<128xi32, #tpu.memory_space<vmem>>
            %dma_start3A_71 = arith.constant 0 : i32
            %dma_start3A_72 = arith.constant 0 : i32
            %dma_start3A_73 = tpu.memref_slice %arg13[%dma_start3A_71, %dma_start3A_72] : memref<10240x128xf32, #tpu.memory_space<vmem_shared>> -> memref<10240x128xf32, #tpu.memory_space<vmem_shared>>
            tpu.enqueue_indirect_dma source(%arg11 : memref<128x128xf32, #tpu.memory_space<vmem>>) target(%dma_start3A_73 : memref<10240x128xf32, #tpu.memory_space<vmem_shared>>) offsets(%dma_start3A_70 : memref<128xi32, #tpu.memory_space<vmem>>) semaphore(%run_scoped3A : memref<!tpu.dma_semaphore, #tpu.memory_space<semaphore_mem>>) {add = true}
            %dma_wait3A_74 = arith.constant 0 : i32
            %dma_wait3A_75 = tpu.memref_slice %arg10[%add3A_41, %dma_wait3A_74] : memref<32x128xi32, #tpu.memory_space<vmem>> -> memref<1x128xi32, #tpu.memory_space<vmem>>
            %dma_wait3A_76 = tpu.memref_squeeze %dma_wait3A_75 : memref<1x128xi32, #tpu.memory_space<vmem>> -> memref<128xi32, #tpu.memory_space<vmem>>
            %dma_wait3A_77 = arith.constant 0 : i32
            %dma_wait3A_78 = arith.constant 0 : i32
            %dma_wait3A_79 = tpu.memref_slice %arg13[%dma_wait3A_77, %dma_wait3A_78] : memref<10240x128xf32, #tpu.memory_space<vmem_shared>> -> memref<10240x128xf32, #tpu.memory_space<vmem_shared>>
            tpu.wait_indirect_dma semaphore(%run_scoped3A : memref<!tpu.dma_semaphore, #tpu.memory_space<semaphore_mem>>) src(%arg11 : memref<128x128xf32, #tpu.memory_space<vmem>>) dst(%dma_wait3A_79 : memref<10240x128xf32, #tpu.memory_space<vmem_shared>>)
            tpu.yield
          }) : () -> ()
          %add3A_66 = arith.constant 1 : i32
          %add3A_67 = arith.addi %add3A_41, %add3A_66 : i32
          "tpu.region"() ({
            %run_scoped3A = tpu.sem_alloc : memref<!tpu.dma_semaphore, #tpu.memory_space<semaphore_mem>>
            %dma_start3A_68 = arith.constant 0 : i32
            %dma_start3A_69 = tpu.memref_slice %arg10[%add3A_67, %dma_start3A_68] : memref<32x128xi32, #tpu.memory_space<vmem>> -> memref<1x128xi32, #tpu.memory_space<vmem>>
            %dma_start3A_70 = tpu.memref_squeeze %dma_start3A_69 : memref<1x128xi32, #tpu.memory_space<vmem>> -> memref<128xi32, #tpu.memory_space<vmem>>
            %dma_start3A_71 = arith.constant 0 : i32
            %dma_start3A_72 = arith.constant 0 : i32
            %dma_start3A_73 = tpu.memref_slice %arg13[%dma_start3A_71, %dma_start3A_72] : memref<10240x128xf32, #tpu.memory_space<vmem_shared>> -> memref<10240x128xf32, #tpu.memory_space<vmem_shared>>
            tpu.enqueue_indirect_dma source(%arg12 : memref<128x128xf32, #tpu.memory_space<vmem>>) target(%dma_start3A_73 : memref<10240x128xf32, #tpu.memory_space<vmem_shared>>) offsets(%dma_start3A_70 : memref<128xi32, #tpu.memory_space<vmem>>) semaphore(%run_scoped3A : memref<!tpu.dma_semaphore, #tpu.memory_space<semaphore_mem>>) {add = true}
            %dma_wait3A_74 = arith.constant 0 : i32
            %dma_wait3A_75 = tpu.memref_slice %arg10[%add3A_67, %dma_wait3A_74] : memref<32x128xi32, #tpu.memory_space<vmem>> -> memref<1x128xi32, #tpu.memory_space<vmem>>
            %dma_wait3A_76 = tpu.memref_squeeze %dma_wait3A_75 : memref<1x128xi32, #tpu.memory_space<vmem>> -> memref<128xi32, #tpu.memory_space<vmem>>
            %dma_wait3A_77 = arith.constant 0 : i32
            %dma_wait3A_78 = arith.constant 0 : i32
            %dma_wait3A_79 = tpu.memref_slice %arg13[%dma_wait3A_77, %dma_wait3A_78] : memref<10240x128xf32, #tpu.memory_space<vmem_shared>> -> memref<10240x128xf32, #tpu.memory_space<vmem_shared>>
            tpu.wait_indirect_dma semaphore(%run_scoped3A : memref<!tpu.dma_semaphore, #tpu.memory_space<semaphore_mem>>) src(%arg12 : memref<128x128xf32, #tpu.memory_space<vmem>>) dst(%dma_wait3A_79 : memref<10240x128xf32, #tpu.memory_space<vmem_shared>>)
            tpu.yield
          }) : () -> ()
        }
        %scan3A_36 = arith.constant 16 : i32
      }
      %scan3A_22 = arith.constant 5 : i32
    } else {
    }
    %eq3A_3 = arith.constant 1 : i32
    %eq3A_4 = arith.cmpi eq, %arg0, %eq3A_3 : i32
    %convert_element_type3A_5 = arith.extui %eq3A_4 : i1 to i32
    %cond3A_6 = arith.constant 0 : i32
    %cond3A_7 = arith.cmpi ne, %convert_element_type3A_5, %cond3A_6 : i32
    scf.if %cond3A_7 {
      %scan3A = arith.constant 0 : i32
      %scan3A_19 = arith.constant 5 : i32
      %scan3A_20 = arith.addi %scan3A, %scan3A_19 : i32
      %scan3A_21 = arith.constant 1 : i32
      scf.for %scan3A_23 = %scan3A to %scan3A_20 step %scan3A_21  : i32 {
        %mul3A_24 = arith.constant 1 : i32
        %mul3A_25 = arith.muli %scan3A_23, %mul3A_24 : i32
        %add3A = arith.constant 0 : i32
        %add3A_26 = arith.addi %add3A, %mul3A_25 : i32
        %mul3A_27 = arith.constant 160 : i32
        %mul3A_28 = arith.muli %arg1, %mul3A_27 : i32
        %mul3A_29 = arith.constant 32 : i32
        %mul3A_30 = arith.muli %add3A_26, %mul3A_29 : i32
        %add3A_31 = arith.addi %mul3A_28, %mul3A_30 : i32
        "tpu.region"() ({
          %run_scoped3A = tpu.sem_alloc : memref<!tpu.dma_semaphore, #tpu.memory_space<semaphore_mem>>
          %dma_start3A = arith.constant 0 : i32
          %dma_start3A_37 = tpu.memref_slice %arg4[%add3A_31, %dma_start3A] : memref<2560x128xi32, #tpu.memory_space<hbm>> -> memref<32x128xi32, #tpu.memory_space<hbm>>
          %dma_start3A_38 = arith.constant 0 : i32
          %dma_start3A_39 = tpu.memref_slice %arg4[%add3A_31, %dma_start3A_38] : memref<2560x128xi32, #tpu.memory_space<hbm>> -> memref<32x128xi32, #tpu.memory_space<hbm>>
          tpu.enqueue_dma source(%dma_start3A_39 : memref<32x128xi32, #tpu.memory_space<hbm>>) target(%arg9 : memref<32x128xi32, #tpu.memory_space<vmem>>) target_semaphore(%run_scoped3A : memref<!tpu.dma_semaphore, #tpu.memory_space<semaphore_mem>>)
          %dma_wait3A = arith.constant 0 : i32
          %dma_wait3A_40 = tpu.memref_slice %arg4[%add3A_31, %dma_wait3A] : memref<2560x128xi32, #tpu.memory_space<hbm>> -> memref<32x128xi32, #tpu.memory_space<hbm>>
          %dma_wait3A_41 = arith.constant 0 : i32
          %dma_wait3A_42 = tpu.memref_slice %arg4[%add3A_31, %dma_wait3A_41] : memref<2560x128xi32, #tpu.memory_space<hbm>> -> memref<32x128xi32, #tpu.memory_space<hbm>>
          tpu.wait_dma2 semaphore(%run_scoped3A : memref<!tpu.dma_semaphore, #tpu.memory_space<semaphore_mem>>) src(%dma_wait3A_42 : memref<32x128xi32, #tpu.memory_space<hbm>>) dst(%arg9 : memref<32x128xi32, #tpu.memory_space<vmem>>)
          tpu.yield
        }) : () -> ()
        "tpu.region"() ({
          %run_scoped3A = tpu.sem_alloc : memref<!tpu.dma_semaphore, #tpu.memory_space<semaphore_mem>>
          %dma_start3A = arith.constant 0 : i32
          %dma_start3A_37 = tpu.memref_slice %arg5[%add3A_31, %dma_start3A] : memref<2560x128xi32, #tpu.memory_space<hbm>> -> memref<32x128xi32, #tpu.memory_space<hbm>>
          %dma_start3A_38 = arith.constant 0 : i32
          %dma_start3A_39 = tpu.memref_slice %arg5[%add3A_31, %dma_start3A_38] : memref<2560x128xi32, #tpu.memory_space<hbm>> -> memref<32x128xi32, #tpu.memory_space<hbm>>
          tpu.enqueue_dma source(%dma_start3A_39 : memref<32x128xi32, #tpu.memory_space<hbm>>) target(%arg10 : memref<32x128xi32, #tpu.memory_space<vmem>>) target_semaphore(%run_scoped3A : memref<!tpu.dma_semaphore, #tpu.memory_space<semaphore_mem>>)
          %dma_wait3A = arith.constant 0 : i32
          %dma_wait3A_40 = tpu.memref_slice %arg5[%add3A_31, %dma_wait3A] : memref<2560x128xi32, #tpu.memory_space<hbm>> -> memref<32x128xi32, #tpu.memory_space<hbm>>
          %dma_wait3A_41 = arith.constant 0 : i32
          %dma_wait3A_42 = tpu.memref_slice %arg5[%add3A_31, %dma_wait3A_41] : memref<2560x128xi32, #tpu.memory_space<hbm>> -> memref<32x128xi32, #tpu.memory_space<hbm>>
          tpu.wait_dma2 semaphore(%run_scoped3A : memref<!tpu.dma_semaphore, #tpu.memory_space<semaphore_mem>>) src(%dma_wait3A_42 : memref<32x128xi32, #tpu.memory_space<hbm>>) dst(%arg10 : memref<32x128xi32, #tpu.memory_space<vmem>>)
          tpu.yield
        }) : () -> ()
        %scan3A_32 = arith.constant 0 : i32
        %scan3A_33 = arith.constant 16 : i32
        %scan3A_34 = arith.addi %scan3A_32, %scan3A_33 : i32
        %scan3A_35 = arith.constant 1 : i32
        scf.for %scan3A_37 = %scan3A_32 to %scan3A_34 step %scan3A_35  : i32 {
          %mul3A_38 = arith.constant 2 : i32
          %mul3A_39 = arith.muli %scan3A_37, %mul3A_38 : i32
          %add3A_40 = arith.constant 0 : i32
          %add3A_41 = arith.addi %add3A_40, %mul3A_39 : i32
          %dma_start3A = arith.constant 0 : i32
          %dma_start3A_42 = tpu.memref_slice %arg9[%add3A_41, %dma_start3A] : memref<32x128xi32, #tpu.memory_space<vmem>> -> memref<1x128xi32, #tpu.memory_space<vmem>>
          %dma_start3A_43 = tpu.memref_squeeze %dma_start3A_42 : memref<1x128xi32, #tpu.memory_space<vmem>> -> memref<128xi32, #tpu.memory_space<vmem>>
          %dma_start3A_44 = arith.constant 0 : i32
          %dma_start3A_45 = arith.constant 0 : i32
          %dma_start3A_46 = tpu.memref_slice %arg3[%dma_start3A_44, %dma_start3A_45] : memref<10240x128xf32, #tpu.memory_space<hbm>> -> memref<10240x128xf32, #tpu.memory_space<hbm>>
          tpu.enqueue_indirect_dma source(%dma_start3A_46 : memref<10240x128xf32, #tpu.memory_space<hbm>>) target(%arg11 : memref<128x128xf32, #tpu.memory_space<vmem>>) offsets(%dma_start3A_43 : memref<128xi32, #tpu.memory_space<vmem>>) semaphore(%arg14 : memref<!tpu.dma_semaphore, #tpu.memory_space<semaphore_mem>>)
          %add3A_47 = arith.constant 1 : i32
          %add3A_48 = arith.addi %add3A_41, %add3A_47 : i32
          %dma_start3A_49 = arith.constant 0 : i32
          %dma_start3A_50 = tpu.memref_slice %arg9[%add3A_48, %dma_start3A_49] : memref<32x128xi32, #tpu.memory_space<vmem>> -> memref<1x128xi32, #tpu.memory_space<vmem>>
          %dma_start3A_51 = tpu.memref_squeeze %dma_start3A_50 : memref<1x128xi32, #tpu.memory_space<vmem>> -> memref<128xi32, #tpu.memory_space<vmem>>
          %dma_start3A_52 = arith.constant 0 : i32
          %dma_start3A_53 = arith.constant 0 : i32
          %dma_start3A_54 = tpu.memref_slice %arg3[%dma_start3A_52, %dma_start3A_53] : memref<10240x128xf32, #tpu.memory_space<hbm>> -> memref<10240x128xf32, #tpu.memory_space<hbm>>
          tpu.enqueue_indirect_dma source(%dma_start3A_54 : memref<10240x128xf32, #tpu.memory_space<hbm>>) target(%arg12 : memref<128x128xf32, #tpu.memory_space<vmem>>) offsets(%dma_start3A_51 : memref<128xi32, #tpu.memory_space<vmem>>) semaphore(%arg14 : memref<!tpu.dma_semaphore, #tpu.memory_space<semaphore_mem>>)
          %dma_wait3A = arith.constant 0 : i32
          %dma_wait3A_55 = tpu.memref_slice %arg9[%add3A_41, %dma_wait3A] : memref<32x128xi32, #tpu.memory_space<vmem>> -> memref<1x128xi32, #tpu.memory_space<vmem>>
          %dma_wait3A_56 = tpu.memref_squeeze %dma_wait3A_55 : memref<1x128xi32, #tpu.memory_space<vmem>> -> memref<128xi32, #tpu.memory_space<vmem>>
          %dma_wait3A_57 = arith.constant 0 : i32
          %dma_wait3A_58 = arith.constant 0 : i32
          %dma_wait3A_59 = tpu.memref_slice %arg3[%dma_wait3A_57, %dma_wait3A_58] : memref<10240x128xf32, #tpu.memory_space<hbm>> -> memref<10240x128xf32, #tpu.memory_space<hbm>>
          tpu.wait_indirect_dma semaphore(%arg14 : memref<!tpu.dma_semaphore, #tpu.memory_space<semaphore_mem>>) src(%dma_wait3A_59 : memref<10240x128xf32, #tpu.memory_space<hbm>>) dst(%arg11 : memref<128x128xf32, #tpu.memory_space<vmem>>)
          %dma_wait3A_60 = arith.constant 0 : i32
          %dma_wait3A_61 = tpu.memref_slice %arg9[%add3A_48, %dma_wait3A_60] : memref<32x128xi32, #tpu.memory_space<vmem>> -> memref<1x128xi32, #tpu.memory_space<vmem>>
          %dma_wait3A_62 = tpu.memref_squeeze %dma_wait3A_61 : memref<1x128xi32, #tpu.memory_space<vmem>> -> memref<128xi32, #tpu.memory_space<vmem>>
          %dma_wait3A_63 = arith.constant 0 : i32
          %dma_wait3A_64 = arith.constant 0 : i32
          %dma_wait3A_65 = tpu.memref_slice %arg3[%dma_wait3A_63, %dma_wait3A_64] : memref<10240x128xf32, #tpu.memory_space<hbm>> -> memref<10240x128xf32, #tpu.memory_space<hbm>>
          tpu.wait_indirect_dma semaphore(%arg14 : memref<!tpu.dma_semaphore, #tpu.memory_space<semaphore_mem>>) src(%dma_wait3A_65 : memref<10240x128xf32, #tpu.memory_space<hbm>>) dst(%arg12 : memref<128x128xf32, #tpu.memory_space<vmem>>)
          "tpu.region"() ({
            %run_scoped3A = tpu.sem_alloc : memref<!tpu.dma_semaphore, #tpu.memory_space<semaphore_mem>>
            %dma_start3A_68 = arith.constant 0 : i32
            %dma_start3A_69 = tpu.memref_slice %arg10[%add3A_41, %dma_start3A_68] : memref<32x128xi32, #tpu.memory_space<vmem>> -> memref<1x128xi32, #tpu.memory_space<vmem>>
            %dma_start3A_70 = tpu.memref_squeeze %dma_start3A_69 : memref<1x128xi32, #tpu.memory_space<vmem>> -> memref<128xi32, #tpu.memory_space<vmem>>
            %dma_start3A_71 = arith.constant 0 : i32
            %dma_start3A_72 = arith.constant 0 : i32
            %dma_start3A_73 = tpu.memref_slice %arg13[%dma_start3A_71, %dma_start3A_72] : memref<10240x128xf32, #tpu.memory_space<vmem_shared>> -> memref<10240x128xf32, #tpu.memory_space<vmem_shared>>
            tpu.enqueue_indirect_dma source(%arg11 : memref<128x128xf32, #tpu.memory_space<vmem>>) target(%dma_start3A_73 : memref<10240x128xf32, #tpu.memory_space<vmem_shared>>) offsets(%dma_start3A_70 : memref<128xi32, #tpu.memory_space<vmem>>) semaphore(%run_scoped3A : memref<!tpu.dma_semaphore, #tpu.memory_space<semaphore_mem>>) {add = true}
            %dma_wait3A_74 = arith.constant 0 : i32
            %dma_wait3A_75 = tpu.memref_slice %arg10[%add3A_41, %dma_wait3A_74] : memref<32x128xi32, #tpu.memory_space<vmem>> -> memref<1x128xi32, #tpu.memory_space<vmem>>
            %dma_wait3A_76 = tpu.memref_squeeze %dma_wait3A_75 : memref<1x128xi32, #tpu.memory_space<vmem>> -> memref<128xi32, #tpu.memory_space<vmem>>
            %dma_wait3A_77 = arith.constant 0 : i32
            %dma_wait3A_78 = arith.constant 0 : i32
            %dma_wait3A_79 = tpu.memref_slice %arg13[%dma_wait3A_77, %dma_wait3A_78] : memref<10240x128xf32, #tpu.memory_space<vmem_shared>> -> memref<10240x128xf32, #tpu.memory_space<vmem_shared>>
            tpu.wait_indirect_dma semaphore(%run_scoped3A : memref<!tpu.dma_semaphore, #tpu.memory_space<semaphore_mem>>) src(%arg11 : memref<128x128xf32, #tpu.memory_space<vmem>>) dst(%dma_wait3A_79 : memref<10240x128xf32, #tpu.memory_space<vmem_shared>>)
            tpu.yield
          }) : () -> ()
          %add3A_66 = arith.constant 1 : i32
          %add3A_67 = arith.addi %add3A_41, %add3A_66 : i32
          "tpu.region"() ({
            %run_scoped3A = tpu.sem_alloc : memref<!tpu.dma_semaphore, #tpu.memory_space<semaphore_mem>>
            %dma_start3A_68 = arith.constant 0 : i32
            %dma_start3A_69 = tpu.memref_slice %arg10[%add3A_67, %dma_start3A_68] : memref<32x128xi32, #tpu.memory_space<vmem>> -> memref<1x128xi32, #tpu.memory_space<vmem>>
            %dma_start3A_70 = tpu.memref_squeeze %dma_start3A_69 : memref<1x128xi32, #tpu.memory_space<vmem>> -> memref<128xi32, #tpu.memory_space<vmem>>
            %dma_start3A_71 = arith.constant 0 : i32
            %dma_start3A_72 = arith.constant 0 : i32
            %dma_start3A_73 = tpu.memref_slice %arg13[%dma_start3A_71, %dma_start3A_72] : memref<10240x128xf32, #tpu.memory_space<vmem_shared>> -> memref<10240x128xf32, #tpu.memory_space<vmem_shared>>
            tpu.enqueue_indirect_dma source(%arg12 : memref<128x128xf32, #tpu.memory_space<vmem>>) target(%dma_start3A_73 : memref<10240x128xf32, #tpu.memory_space<vmem_shared>>) offsets(%dma_start3A_70 : memref<128xi32, #tpu.memory_space<vmem>>) semaphore(%run_scoped3A : memref<!tpu.dma_semaphore, #tpu.memory_space<semaphore_mem>>) {add = true}
            %dma_wait3A_74 = arith.constant 0 : i32
            %dma_wait3A_75 = tpu.memref_slice %arg10[%add3A_67, %dma_wait3A_74] : memref<32x128xi32, #tpu.memory_space<vmem>> -> memref<1x128xi32, #tpu.memory_space<vmem>>
            %dma_wait3A_76 = tpu.memref_squeeze %dma_wait3A_75 : memref<1x128xi32, #tpu.memory_space<vmem>> -> memref<128xi32, #tpu.memory_space<vmem>>
            %dma_wait3A_77 = arith.constant 0 : i32
            %dma_wait3A_78 = arith.constant 0 : i32
            %dma_wait3A_79 = tpu.memref_slice %arg13[%dma_wait3A_77, %dma_wait3A_78] : memref<10240x128xf32, #tpu.memory_space<vmem_shared>> -> memref<10240x128xf32, #tpu.memory_space<vmem_shared>>
            tpu.wait_indirect_dma semaphore(%run_scoped3A : memref<!tpu.dma_semaphore, #tpu.memory_space<semaphore_mem>>) src(%arg12 : memref<128x128xf32, #tpu.memory_space<vmem>>) dst(%dma_wait3A_79 : memref<10240x128xf32, #tpu.memory_space<vmem_shared>>)
            tpu.yield
          }) : () -> ()
        }
        %scan3A_36 = arith.constant 16 : i32
      }
      %scan3A_22 = arith.constant 5 : i32
    } else {
    }
    %barrier3A_8 = arith.constant 0 : index
    tpu.barrier barrier_id(%barrier3A_8)
    %eq3A_9 = arith.constant 0 : i32
    %eq3A_10 = arith.cmpi eq, %arg0, %eq3A_9 : i32
    %convert_element_type3A_11 = arith.extui %eq3A_10 : i1 to i32
    %cond3A_12 = arith.constant 0 : i32
    %cond3A_13 = arith.cmpi ne, %convert_element_type3A_11, %cond3A_12 : i32
    scf.if %cond3A_13 {
      "tpu.region"() ({
        %run_scoped3A = tpu.sem_alloc : memref<!tpu.dma_semaphore, #tpu.memory_space<semaphore_mem>>
        %dma_start3A = arith.constant 0 : i32
        %dma_start3A_19 = tpu.memref_slice %arg7[%mul3A_0, %dma_start3A] : memref<10240x128xf32, #tpu.memory_space<hbm>> -> memref<640x128xf32, #tpu.memory_space<hbm>>
        %dma_start3A_20 = arith.constant 0 : i32
        %dma_start3A_21 = tpu.memref_slice %arg13[%mul3A_0, %dma_start3A_20] : memref<10240x128xf32, #tpu.memory_space<vmem_shared>> -> memref<640x128xf32, #tpu.memory_space<vmem_shared>>
        tpu.enqueue_dma source(%dma_start3A_21 : memref<640x128xf32, #tpu.memory_space<vmem_shared>>) target(%dma_start3A_19 : memref<640x128xf32, #tpu.memory_space<hbm>>) target_semaphore(%run_scoped3A : memref<!tpu.dma_semaphore, #tpu.memory_space<semaphore_mem>>)
        %dma_wait3A = arith.constant 0 : i32
        %dma_wait3A_22 = tpu.memref_slice %arg7[%mul3A_0, %dma_wait3A] : memref<10240x128xf32, #tpu.memory_space<hbm>> -> memref<640x128xf32, #tpu.memory_space<hbm>>
        %dma_wait3A_23 = arith.constant 0 : i32
        %dma_wait3A_24 = tpu.memref_slice %arg13[%mul3A_0, %dma_wait3A_23] : memref<10240x128xf32, #tpu.memory_space<vmem_shared>> -> memref<640x128xf32, #tpu.memory_space<vmem_shared>>
        tpu.wait_dma2 semaphore(%run_scoped3A : memref<!tpu.dma_semaphore, #tpu.memory_space<semaphore_mem>>) src(%dma_wait3A_24 : memref<640x128xf32, #tpu.memory_space<vmem_shared>>) dst(%dma_wait3A_22 : memref<640x128xf32, #tpu.memory_space<hbm>>)
        tpu.yield
      }) : () -> ()
    } else {
    }
    %eq3A_14 = arith.constant 1 : i32
    %eq3A_15 = arith.cmpi eq, %arg0, %eq3A_14 : i32
    %convert_element_type3A_16 = arith.extui %eq3A_15 : i1 to i32
    %cond3A_17 = arith.constant 0 : i32
    %cond3A_18 = arith.cmpi ne, %convert_element_type3A_16, %cond3A_17 : i32
    scf.if %cond3A_18 {
      "tpu.region"() ({
        %run_scoped3A = tpu.sem_alloc : memref<!tpu.dma_semaphore, #tpu.memory_space<semaphore_mem>>
        %dma_start3A = arith.constant 0 : i32
        %dma_start3A_19 = tpu.memref_slice %arg8[%mul3A_0, %dma_start3A] : memref<10240x128xf32, #tpu.memory_space<hbm>> -> memref<640x128xf32, #tpu.memory_space<hbm>>
        %dma_start3A_20 = arith.constant 0 : i32
        %dma_start3A_21 = tpu.memref_slice %arg13[%mul3A_0, %dma_start3A_20] : memref<10240x128xf32, #tpu.memory_space<vmem_shared>> -> memref<640x128xf32, #tpu.memory_space<vmem_shared>>
        tpu.enqueue_dma source(%dma_start3A_21 : memref<640x128xf32, #tpu.memory_space<vmem_shared>>) target(%dma_start3A_19 : memref<640x128xf32, #tpu.memory_space<hbm>>) target_semaphore(%run_scoped3A : memref<!tpu.dma_semaphore, #tpu.memory_space<semaphore_mem>>)
        %dma_wait3A = arith.constant 0 : i32
        %dma_wait3A_22 = tpu.memref_slice %arg8[%mul3A_0, %dma_wait3A] : memref<10240x128xf32, #tpu.memory_space<hbm>> -> memref<640x128xf32, #tpu.memory_space<hbm>>
        %dma_wait3A_23 = arith.constant 0 : i32
        %dma_wait3A_24 = tpu.memref_slice %arg13[%mul3A_0, %dma_wait3A_23] : memref<10240x128xf32, #tpu.memory_space<vmem_shared>> -> memref<640x128xf32, #tpu.memory_space<vmem_shared>>
        tpu.wait_dma2 semaphore(%run_scoped3A : memref<!tpu.dma_semaphore, #tpu.memory_space<semaphore_mem>>) src(%dma_wait3A_24 : memref<640x128xf32, #tpu.memory_space<vmem_shared>>) dst(%dma_wait3A_22 : memref<640x128xf32, #tpu.memory_space<hbm>>)
        tpu.yield
      }) : () -> ()
    } else {
    }
    return
  }
}

#map = affine_map<(d0, d1) -> (0, 0)>
module attributes {stable_mosaic.version = 14 : i64} {
  func.func @_agg_kernel(%arg0: i32, %arg1: i32, %arg2: memref<10240x128xf32, #tpu.memory_space<hbm>>, %arg3: memref<10240x128xf32, #tpu.memory_space<hbm>>, %arg4: memref<2560x128xi32, #tpu.memory_space<hbm>>, %arg5: memref<2560x128xi32, #tpu.memory_space<hbm>>, %arg6: memref<10240x128xf32, #tpu.memory_space<hbm>>, %arg7: memref<10240x128xf32, #tpu.memory_space<hbm>>, %arg8: memref<10240x128xf32, #tpu.memory_space<hbm>>, %arg9: memref<32x128xi32, #tpu.memory_space<vmem>>, %arg10: memref<32x128xi32, #tpu.memory_space<vmem>>, %arg11: memref<128x128xf32, #tpu.memory_space<vmem>>, %arg12: memref<128x128xf32, #tpu.memory_space<vmem>>, %arg13: memref<10240x128xf32, #tpu.memory_space<vmem_shared>>, %arg14: memref<!tpu.dma_semaphore, #tpu.memory_space<semaphore_mem>>) attributes {dimension_semantics = [#tpu.dimension_semantics<core_parallel>, #tpu.dimension_semantics<subcore_parallel>], iteration_bounds = array<i64: 2, 16>, scalar_prefetch = 0 : i64, scratch_operands = 6 : i64, tpu.core_type = #tpu.core_type<sc_vector_subcore>, window_params = [{transform_indices = #map}, {transform_indices = #map}, {transform_indices = #map}, {transform_indices = #map}, {transform_indices = #map}, {transform_indices = #map}, {transform_indices = #map}]} {
    %mul3A = arith.constant 640 : i32
    %mul3A_0 = arith.muli %arg1, %mul3A : i32
    "tpu.region"() ({
      %run_scoped3A = tpu.sem_alloc : memref<!tpu.dma_semaphore, #tpu.memory_space<semaphore_mem>>
      %dma_start3A = arith.constant 0 : i32
      %dma_start3A_19 = tpu.memref_slice %arg13[%mul3A_0, %dma_start3A] : memref<10240x128xf32, #tpu.memory_space<vmem_shared>> -> memref<640x128xf32, #tpu.memory_space<vmem_shared>>
      %dma_start3A_20 = arith.constant 0 : i32
      %dma_start3A_21 = tpu.memref_slice %arg6[%mul3A_0, %dma_start3A_20] : memref<10240x128xf32, #tpu.memory_space<hbm>> -> memref<640x128xf32, #tpu.memory_space<hbm>>
      tpu.enqueue_dma source(%dma_start3A_21 : memref<640x128xf32, #tpu.memory_space<hbm>>) target(%dma_start3A_19 : memref<640x128xf32, #tpu.memory_space<vmem_shared>>) target_semaphore(%run_scoped3A : memref<!tpu.dma_semaphore, #tpu.memory_space<semaphore_mem>>)
      %dma_wait3A = arith.constant 0 : i32
      %dma_wait3A_22 = tpu.memref_slice %arg13[%mul3A_0, %dma_wait3A] : memref<10240x128xf32, #tpu.memory_space<vmem_shared>> -> memref<640x128xf32, #tpu.memory_space<vmem_shared>>
      %dma_wait3A_23 = arith.constant 0 : i32
      %dma_wait3A_24 = tpu.memref_slice %arg6[%mul3A_0, %dma_wait3A_23] : memref<10240x128xf32, #tpu.memory_space<hbm>> -> memref<640x128xf32, #tpu.memory_space<hbm>>
      tpu.wait_dma2 semaphore(%run_scoped3A : memref<!tpu.dma_semaphore, #tpu.memory_space<semaphore_mem>>) src(%dma_wait3A_24 : memref<640x128xf32, #tpu.memory_space<hbm>>) dst(%dma_wait3A_22 : memref<640x128xf32, #tpu.memory_space<vmem_shared>>)
      tpu.yield
    }) : () -> ()
    %barrier3A = arith.constant 0 : index
    tpu.barrier barrier_id(%barrier3A)
    %eq3A = arith.constant 0 : i32
    %eq3A_1 = arith.cmpi eq, %arg0, %eq3A : i32
    %convert_element_type3A = arith.extui %eq3A_1 : i1 to i32
    %cond3A = arith.constant 0 : i32
    %cond3A_2 = arith.cmpi ne, %convert_element_type3A, %cond3A : i32
    scf.if %cond3A_2 {
      %scan3A = arith.constant 0 : i32
      %scan3A_19 = arith.constant 5 : i32
      %scan3A_20 = arith.addi %scan3A, %scan3A_19 : i32
      %scan3A_21 = arith.constant 1 : i32
      scf.for %scan3A_23 = %scan3A to %scan3A_20 step %scan3A_21  : i32 {
        %mul3A_24 = arith.constant 1 : i32
        %mul3A_25 = arith.muli %scan3A_23, %mul3A_24 : i32
        %add3A = arith.constant 0 : i32
        %add3A_26 = arith.addi %add3A, %mul3A_25 : i32
        %mul3A_27 = arith.constant 160 : i32
        %mul3A_28 = arith.muli %arg1, %mul3A_27 : i32
        %mul3A_29 = arith.constant 32 : i32
        %mul3A_30 = arith.muli %add3A_26, %mul3A_29 : i32
        %add3A_31 = arith.addi %mul3A_28, %mul3A_30 : i32
        "tpu.region"() ({
          %run_scoped3A = tpu.sem_alloc : memref<!tpu.dma_semaphore, #tpu.memory_space<semaphore_mem>>
          %dma_start3A = arith.constant 0 : i32
          %dma_start3A_37 = tpu.memref_slice %arg4[%add3A_31, %dma_start3A] : memref<2560x128xi32, #tpu.memory_space<hbm>> -> memref<32x128xi32, #tpu.memory_space<hbm>>
          %dma_start3A_38 = arith.constant 0 : i32
          %dma_start3A_39 = tpu.memref_slice %arg4[%add3A_31, %dma_start3A_38] : memref<2560x128xi32, #tpu.memory_space<hbm>> -> memref<32x128xi32, #tpu.memory_space<hbm>>
          tpu.enqueue_dma source(%dma_start3A_39 : memref<32x128xi32, #tpu.memory_space<hbm>>) target(%arg9 : memref<32x128xi32, #tpu.memory_space<vmem>>) target_semaphore(%run_scoped3A : memref<!tpu.dma_semaphore, #tpu.memory_space<semaphore_mem>>)
          %dma_wait3A = arith.constant 0 : i32
          %dma_wait3A_40 = tpu.memref_slice %arg4[%add3A_31, %dma_wait3A] : memref<2560x128xi32, #tpu.memory_space<hbm>> -> memref<32x128xi32, #tpu.memory_space<hbm>>
          %dma_wait3A_41 = arith.constant 0 : i32
          %dma_wait3A_42 = tpu.memref_slice %arg4[%add3A_31, %dma_wait3A_41] : memref<2560x128xi32, #tpu.memory_space<hbm>> -> memref<32x128xi32, #tpu.memory_space<hbm>>
          tpu.wait_dma2 semaphore(%run_scoped3A : memref<!tpu.dma_semaphore, #tpu.memory_space<semaphore_mem>>) src(%dma_wait3A_42 : memref<32x128xi32, #tpu.memory_space<hbm>>) dst(%arg9 : memref<32x128xi32, #tpu.memory_space<vmem>>)
          tpu.yield
        }) : () -> ()
        "tpu.region"() ({
          %run_scoped3A = tpu.sem_alloc : memref<!tpu.dma_semaphore, #tpu.memory_space<semaphore_mem>>
          %dma_start3A = arith.constant 0 : i32
          %dma_start3A_37 = tpu.memref_slice %arg5[%add3A_31, %dma_start3A] : memref<2560x128xi32, #tpu.memory_space<hbm>> -> memref<32x128xi32, #tpu.memory_space<hbm>>
          %dma_start3A_38 = arith.constant 0 : i32
          %dma_start3A_39 = tpu.memref_slice %arg5[%add3A_31, %dma_start3A_38] : memref<2560x128xi32, #tpu.memory_space<hbm>> -> memref<32x128xi32, #tpu.memory_space<hbm>>
          tpu.enqueue_dma source(%dma_start3A_39 : memref<32x128xi32, #tpu.memory_space<hbm>>) target(%arg10 : memref<32x128xi32, #tpu.memory_space<vmem>>) target_semaphore(%run_scoped3A : memref<!tpu.dma_semaphore, #tpu.memory_space<semaphore_mem>>)
          %dma_wait3A = arith.constant 0 : i32
          %dma_wait3A_40 = tpu.memref_slice %arg5[%add3A_31, %dma_wait3A] : memref<2560x128xi32, #tpu.memory_space<hbm>> -> memref<32x128xi32, #tpu.memory_space<hbm>>
          %dma_wait3A_41 = arith.constant 0 : i32
          %dma_wait3A_42 = tpu.memref_slice %arg5[%add3A_31, %dma_wait3A_41] : memref<2560x128xi32, #tpu.memory_space<hbm>> -> memref<32x128xi32, #tpu.memory_space<hbm>>
          tpu.wait_dma2 semaphore(%run_scoped3A : memref<!tpu.dma_semaphore, #tpu.memory_space<semaphore_mem>>) src(%dma_wait3A_42 : memref<32x128xi32, #tpu.memory_space<hbm>>) dst(%arg10 : memref<32x128xi32, #tpu.memory_space<vmem>>)
          tpu.yield
        }) : () -> ()
        %scan3A_32 = arith.constant 0 : i32
        %scan3A_33 = arith.constant 16 : i32
        %scan3A_34 = arith.addi %scan3A_32, %scan3A_33 : i32
        %scan3A_35 = arith.constant 1 : i32
        scf.for %scan3A_37 = %scan3A_32 to %scan3A_34 step %scan3A_35  : i32 {
          %mul3A_38 = arith.constant 2 : i32
          %mul3A_39 = arith.muli %scan3A_37, %mul3A_38 : i32
          %add3A_40 = arith.constant 0 : i32
          %add3A_41 = arith.addi %add3A_40, %mul3A_39 : i32
          %dma_start3A = arith.constant 0 : i32
          %dma_start3A_42 = tpu.memref_slice %arg9[%add3A_41, %dma_start3A] : memref<32x128xi32, #tpu.memory_space<vmem>> -> memref<1x128xi32, #tpu.memory_space<vmem>>
          %dma_start3A_43 = tpu.memref_squeeze %dma_start3A_42 : memref<1x128xi32, #tpu.memory_space<vmem>> -> memref<128xi32, #tpu.memory_space<vmem>>
          %dma_start3A_44 = arith.constant 0 : i32
          %dma_start3A_45 = arith.constant 0 : i32
          %dma_start3A_46 = tpu.memref_slice %arg2[%dma_start3A_44, %dma_start3A_45] : memref<10240x128xf32, #tpu.memory_space<hbm>> -> memref<10240x128xf32, #tpu.memory_space<hbm>>
          tpu.enqueue_indirect_dma source(%dma_start3A_46 : memref<10240x128xf32, #tpu.memory_space<hbm>>) target(%arg11 : memref<128x128xf32, #tpu.memory_space<vmem>>) offsets(%dma_start3A_43 : memref<128xi32, #tpu.memory_space<vmem>>) semaphore(%arg14 : memref<!tpu.dma_semaphore, #tpu.memory_space<semaphore_mem>>)
          %add3A_47 = arith.constant 1 : i32
          %add3A_48 = arith.addi %add3A_41, %add3A_47 : i32
          %dma_start3A_49 = arith.constant 0 : i32
          %dma_start3A_50 = tpu.memref_slice %arg9[%add3A_48, %dma_start3A_49] : memref<32x128xi32, #tpu.memory_space<vmem>> -> memref<1x128xi32, #tpu.memory_space<vmem>>
          %dma_start3A_51 = tpu.memref_squeeze %dma_start3A_50 : memref<1x128xi32, #tpu.memory_space<vmem>> -> memref<128xi32, #tpu.memory_space<vmem>>
          %dma_start3A_52 = arith.constant 0 : i32
          %dma_start3A_53 = arith.constant 0 : i32
          %dma_start3A_54 = tpu.memref_slice %arg2[%dma_start3A_52, %dma_start3A_53] : memref<10240x128xf32, #tpu.memory_space<hbm>> -> memref<10240x128xf32, #tpu.memory_space<hbm>>
          tpu.enqueue_indirect_dma source(%dma_start3A_54 : memref<10240x128xf32, #tpu.memory_space<hbm>>) target(%arg12 : memref<128x128xf32, #tpu.memory_space<vmem>>) offsets(%dma_start3A_51 : memref<128xi32, #tpu.memory_space<vmem>>) semaphore(%arg14 : memref<!tpu.dma_semaphore, #tpu.memory_space<semaphore_mem>>)
          %dma_wait3A = arith.constant 0 : i32
          %dma_wait3A_55 = tpu.memref_slice %arg9[%add3A_41, %dma_wait3A] : memref<32x128xi32, #tpu.memory_space<vmem>> -> memref<1x128xi32, #tpu.memory_space<vmem>>
          %dma_wait3A_56 = tpu.memref_squeeze %dma_wait3A_55 : memref<1x128xi32, #tpu.memory_space<vmem>> -> memref<128xi32, #tpu.memory_space<vmem>>
          %dma_wait3A_57 = arith.constant 0 : i32
          %dma_wait3A_58 = arith.constant 0 : i32
          %dma_wait3A_59 = tpu.memref_slice %arg2[%dma_wait3A_57, %dma_wait3A_58] : memref<10240x128xf32, #tpu.memory_space<hbm>> -> memref<10240x128xf32, #tpu.memory_space<hbm>>
          tpu.wait_indirect_dma semaphore(%arg14 : memref<!tpu.dma_semaphore, #tpu.memory_space<semaphore_mem>>) src(%dma_wait3A_59 : memref<10240x128xf32, #tpu.memory_space<hbm>>) dst(%arg11 : memref<128x128xf32, #tpu.memory_space<vmem>>)
          %dma_wait3A_60 = arith.constant 0 : i32
          %dma_wait3A_61 = tpu.memref_slice %arg9[%add3A_48, %dma_wait3A_60] : memref<32x128xi32, #tpu.memory_space<vmem>> -> memref<1x128xi32, #tpu.memory_space<vmem>>
          %dma_wait3A_62 = tpu.memref_squeeze %dma_wait3A_61 : memref<1x128xi32, #tpu.memory_space<vmem>> -> memref<128xi32, #tpu.memory_space<vmem>>
          %dma_wait3A_63 = arith.constant 0 : i32
          %dma_wait3A_64 = arith.constant 0 : i32
          %dma_wait3A_65 = tpu.memref_slice %arg2[%dma_wait3A_63, %dma_wait3A_64] : memref<10240x128xf32, #tpu.memory_space<hbm>> -> memref<10240x128xf32, #tpu.memory_space<hbm>>
          tpu.wait_indirect_dma semaphore(%arg14 : memref<!tpu.dma_semaphore, #tpu.memory_space<semaphore_mem>>) src(%dma_wait3A_65 : memref<10240x128xf32, #tpu.memory_space<hbm>>) dst(%arg12 : memref<128x128xf32, #tpu.memory_space<vmem>>)
          "tpu.region"() ({
            %run_scoped3A = tpu.sem_alloc : memref<!tpu.dma_semaphore, #tpu.memory_space<semaphore_mem>>
            %dma_start3A_68 = arith.constant 0 : i32
            %dma_start3A_69 = tpu.memref_slice %arg10[%add3A_41, %dma_start3A_68] : memref<32x128xi32, #tpu.memory_space<vmem>> -> memref<1x128xi32, #tpu.memory_space<vmem>>
            %dma_start3A_70 = tpu.memref_squeeze %dma_start3A_69 : memref<1x128xi32, #tpu.memory_space<vmem>> -> memref<128xi32, #tpu.memory_space<vmem>>
            %dma_start3A_71 = arith.constant 0 : i32
            %dma_start3A_72 = arith.constant 0 : i32
            %dma_start3A_73 = tpu.memref_slice %arg13[%dma_start3A_71, %dma_start3A_72] : memref<10240x128xf32, #tpu.memory_space<vmem_shared>> -> memref<10240x128xf32, #tpu.memory_space<vmem_shared>>
            tpu.enqueue_indirect_dma source(%arg11 : memref<128x128xf32, #tpu.memory_space<vmem>>) target(%dma_start3A_73 : memref<10240x128xf32, #tpu.memory_space<vmem_shared>>) offsets(%dma_start3A_70 : memref<128xi32, #tpu.memory_space<vmem>>) semaphore(%run_scoped3A : memref<!tpu.dma_semaphore, #tpu.memory_space<semaphore_mem>>) {add = true}
            %dma_wait3A_74 = arith.constant 0 : i32
            %dma_wait3A_75 = tpu.memref_slice %arg10[%add3A_41, %dma_wait3A_74] : memref<32x128xi32, #tpu.memory_space<vmem>> -> memref<1x128xi32, #tpu.memory_space<vmem>>
            %dma_wait3A_76 = tpu.memref_squeeze %dma_wait3A_75 : memref<1x128xi32, #tpu.memory_space<vmem>> -> memref<128xi32, #tpu.memory_space<vmem>>
            %dma_wait3A_77 = arith.constant 0 : i32
            %dma_wait3A_78 = arith.constant 0 : i32
            %dma_wait3A_79 = tpu.memref_slice %arg13[%dma_wait3A_77, %dma_wait3A_78] : memref<10240x128xf32, #tpu.memory_space<vmem_shared>> -> memref<10240x128xf32, #tpu.memory_space<vmem_shared>>
            tpu.wait_indirect_dma semaphore(%run_scoped3A : memref<!tpu.dma_semaphore, #tpu.memory_space<semaphore_mem>>) src(%arg11 : memref<128x128xf32, #tpu.memory_space<vmem>>) dst(%dma_wait3A_79 : memref<10240x128xf32, #tpu.memory_space<vmem_shared>>)
            tpu.yield
          }) : () -> ()
          %add3A_66 = arith.constant 1 : i32
          %add3A_67 = arith.addi %add3A_41, %add3A_66 : i32
          "tpu.region"() ({
            %run_scoped3A = tpu.sem_alloc : memref<!tpu.dma_semaphore, #tpu.memory_space<semaphore_mem>>
            %dma_start3A_68 = arith.constant 0 : i32
            %dma_start3A_69 = tpu.memref_slice %arg10[%add3A_67, %dma_start3A_68] : memref<32x128xi32, #tpu.memory_space<vmem>> -> memref<1x128xi32, #tpu.memory_space<vmem>>
            %dma_start3A_70 = tpu.memref_squeeze %dma_start3A_69 : memref<1x128xi32, #tpu.memory_space<vmem>> -> memref<128xi32, #tpu.memory_space<vmem>>
            %dma_start3A_71 = arith.constant 0 : i32
            %dma_start3A_72 = arith.constant 0 : i32
            %dma_start3A_73 = tpu.memref_slice %arg13[%dma_start3A_71, %dma_start3A_72] : memref<10240x128xf32, #tpu.memory_space<vmem_shared>> -> memref<10240x128xf32, #tpu.memory_space<vmem_shared>>
            tpu.enqueue_indirect_dma source(%arg12 : memref<128x128xf32, #tpu.memory_space<vmem>>) target(%dma_start3A_73 : memref<10240x128xf32, #tpu.memory_space<vmem_shared>>) offsets(%dma_start3A_70 : memref<128xi32, #tpu.memory_space<vmem>>) semaphore(%run_scoped3A : memref<!tpu.dma_semaphore, #tpu.memory_space<semaphore_mem>>) {add = true}
            %dma_wait3A_74 = arith.constant 0 : i32
            %dma_wait3A_75 = tpu.memref_slice %arg10[%add3A_67, %dma_wait3A_74] : memref<32x128xi32, #tpu.memory_space<vmem>> -> memref<1x128xi32, #tpu.memory_space<vmem>>
            %dma_wait3A_76 = tpu.memref_squeeze %dma_wait3A_75 : memref<1x128xi32, #tpu.memory_space<vmem>> -> memref<128xi32, #tpu.memory_space<vmem>>
            %dma_wait3A_77 = arith.constant 0 : i32
            %dma_wait3A_78 = arith.constant 0 : i32
            %dma_wait3A_79 = tpu.memref_slice %arg13[%dma_wait3A_77, %dma_wait3A_78] : memref<10240x128xf32, #tpu.memory_space<vmem_shared>> -> memref<10240x128xf32, #tpu.memory_space<vmem_shared>>
            tpu.wait_indirect_dma semaphore(%run_scoped3A : memref<!tpu.dma_semaphore, #tpu.memory_space<semaphore_mem>>) src(%arg12 : memref<128x128xf32, #tpu.memory_space<vmem>>) dst(%dma_wait3A_79 : memref<10240x128xf32, #tpu.memory_space<vmem_shared>>)
            tpu.yield
          }) : () -> ()
        }
        %scan3A_36 = arith.constant 16 : i32
      }
      %scan3A_22 = arith.constant 5 : i32
    } else {
    }
    %eq3A_3 = arith.constant 1 : i32
    %eq3A_4 = arith.cmpi eq, %arg0, %eq3A_3 : i32
    %convert_element_type3A_5 = arith.extui %eq3A_4 : i1 to i32
    %cond3A_6 = arith.constant 0 : i32
    %cond3A_7 = arith.cmpi ne, %convert_element_type3A_5, %cond3A_6 : i32
    scf.if %cond3A_7 {
      %scan3A = arith.constant 0 : i32
      %scan3A_19 = arith.constant 5 : i32
      %scan3A_20 = arith.addi %scan3A, %scan3A_19 : i32
      %scan3A_21 = arith.constant 1 : i32
      scf.for %scan3A_23 = %scan3A to %scan3A_20 step %scan3A_21  : i32 {
        %mul3A_24 = arith.constant 1 : i32
        %mul3A_25 = arith.muli %scan3A_23, %mul3A_24 : i32
        %add3A = arith.constant 0 : i32
        %add3A_26 = arith.addi %add3A, %mul3A_25 : i32
        %mul3A_27 = arith.constant 160 : i32
        %mul3A_28 = arith.muli %arg1, %mul3A_27 : i32
        %mul3A_29 = arith.constant 32 : i32
        %mul3A_30 = arith.muli %add3A_26, %mul3A_29 : i32
        %add3A_31 = arith.addi %mul3A_28, %mul3A_30 : i32
        "tpu.region"() ({
          %run_scoped3A = tpu.sem_alloc : memref<!tpu.dma_semaphore, #tpu.memory_space<semaphore_mem>>
          %dma_start3A = arith.constant 0 : i32
          %dma_start3A_37 = tpu.memref_slice %arg4[%add3A_31, %dma_start3A] : memref<2560x128xi32, #tpu.memory_space<hbm>> -> memref<32x128xi32, #tpu.memory_space<hbm>>
          %dma_start3A_38 = arith.constant 0 : i32
          %dma_start3A_39 = tpu.memref_slice %arg4[%add3A_31, %dma_start3A_38] : memref<2560x128xi32, #tpu.memory_space<hbm>> -> memref<32x128xi32, #tpu.memory_space<hbm>>
          tpu.enqueue_dma source(%dma_start3A_39 : memref<32x128xi32, #tpu.memory_space<hbm>>) target(%arg9 : memref<32x128xi32, #tpu.memory_space<vmem>>) target_semaphore(%run_scoped3A : memref<!tpu.dma_semaphore, #tpu.memory_space<semaphore_mem>>)
          %dma_wait3A = arith.constant 0 : i32
          %dma_wait3A_40 = tpu.memref_slice %arg4[%add3A_31, %dma_wait3A] : memref<2560x128xi32, #tpu.memory_space<hbm>> -> memref<32x128xi32, #tpu.memory_space<hbm>>
          %dma_wait3A_41 = arith.constant 0 : i32
          %dma_wait3A_42 = tpu.memref_slice %arg4[%add3A_31, %dma_wait3A_41] : memref<2560x128xi32, #tpu.memory_space<hbm>> -> memref<32x128xi32, #tpu.memory_space<hbm>>
          tpu.wait_dma2 semaphore(%run_scoped3A : memref<!tpu.dma_semaphore, #tpu.memory_space<semaphore_mem>>) src(%dma_wait3A_42 : memref<32x128xi32, #tpu.memory_space<hbm>>) dst(%arg9 : memref<32x128xi32, #tpu.memory_space<vmem>>)
          tpu.yield
        }) : () -> ()
        "tpu.region"() ({
          %run_scoped3A = tpu.sem_alloc : memref<!tpu.dma_semaphore, #tpu.memory_space<semaphore_mem>>
          %dma_start3A = arith.constant 0 : i32
          %dma_start3A_37 = tpu.memref_slice %arg5[%add3A_31, %dma_start3A] : memref<2560x128xi32, #tpu.memory_space<hbm>> -> memref<32x128xi32, #tpu.memory_space<hbm>>
          %dma_start3A_38 = arith.constant 0 : i32
          %dma_start3A_39 = tpu.memref_slice %arg5[%add3A_31, %dma_start3A_38] : memref<2560x128xi32, #tpu.memory_space<hbm>> -> memref<32x128xi32, #tpu.memory_space<hbm>>
          tpu.enqueue_dma source(%dma_start3A_39 : memref<32x128xi32, #tpu.memory_space<hbm>>) target(%arg10 : memref<32x128xi32, #tpu.memory_space<vmem>>) target_semaphore(%run_scoped3A : memref<!tpu.dma_semaphore, #tpu.memory_space<semaphore_mem>>)
          %dma_wait3A = arith.constant 0 : i32
          %dma_wait3A_40 = tpu.memref_slice %arg5[%add3A_31, %dma_wait3A] : memref<2560x128xi32, #tpu.memory_space<hbm>> -> memref<32x128xi32, #tpu.memory_space<hbm>>
          %dma_wait3A_41 = arith.constant 0 : i32
          %dma_wait3A_42 = tpu.memref_slice %arg5[%add3A_31, %dma_wait3A_41] : memref<2560x128xi32, #tpu.memory_space<hbm>> -> memref<32x128xi32, #tpu.memory_space<hbm>>
          tpu.wait_dma2 semaphore(%run_scoped3A : memref<!tpu.dma_semaphore, #tpu.memory_space<semaphore_mem>>) src(%dma_wait3A_42 : memref<32x128xi32, #tpu.memory_space<hbm>>) dst(%arg10 : memref<32x128xi32, #tpu.memory_space<vmem>>)
          tpu.yield
        }) : () -> ()
        %scan3A_32 = arith.constant 0 : i32
        %scan3A_33 = arith.constant 16 : i32
        %scan3A_34 = arith.addi %scan3A_32, %scan3A_33 : i32
        %scan3A_35 = arith.constant 1 : i32
        scf.for %scan3A_37 = %scan3A_32 to %scan3A_34 step %scan3A_35  : i32 {
          %mul3A_38 = arith.constant 2 : i32
          %mul3A_39 = arith.muli %scan3A_37, %mul3A_38 : i32
          %add3A_40 = arith.constant 0 : i32
          %add3A_41 = arith.addi %add3A_40, %mul3A_39 : i32
          %dma_start3A = arith.constant 0 : i32
          %dma_start3A_42 = tpu.memref_slice %arg9[%add3A_41, %dma_start3A] : memref<32x128xi32, #tpu.memory_space<vmem>> -> memref<1x128xi32, #tpu.memory_space<vmem>>
          %dma_start3A_43 = tpu.memref_squeeze %dma_start3A_42 : memref<1x128xi32, #tpu.memory_space<vmem>> -> memref<128xi32, #tpu.memory_space<vmem>>
          %dma_start3A_44 = arith.constant 0 : i32
          %dma_start3A_45 = arith.constant 0 : i32
          %dma_start3A_46 = tpu.memref_slice %arg3[%dma_start3A_44, %dma_start3A_45] : memref<10240x128xf32, #tpu.memory_space<hbm>> -> memref<10240x128xf32, #tpu.memory_space<hbm>>
          tpu.enqueue_indirect_dma source(%dma_start3A_46 : memref<10240x128xf32, #tpu.memory_space<hbm>>) target(%arg11 : memref<128x128xf32, #tpu.memory_space<vmem>>) offsets(%dma_start3A_43 : memref<128xi32, #tpu.memory_space<vmem>>) semaphore(%arg14 : memref<!tpu.dma_semaphore, #tpu.memory_space<semaphore_mem>>)
          %add3A_47 = arith.constant 1 : i32
          %add3A_48 = arith.addi %add3A_41, %add3A_47 : i32
          %dma_start3A_49 = arith.constant 0 : i32
          %dma_start3A_50 = tpu.memref_slice %arg9[%add3A_48, %dma_start3A_49] : memref<32x128xi32, #tpu.memory_space<vmem>> -> memref<1x128xi32, #tpu.memory_space<vmem>>
          %dma_start3A_51 = tpu.memref_squeeze %dma_start3A_50 : memref<1x128xi32, #tpu.memory_space<vmem>> -> memref<128xi32, #tpu.memory_space<vmem>>
          %dma_start3A_52 = arith.constant 0 : i32
          %dma_start3A_53 = arith.constant 0 : i32
          %dma_start3A_54 = tpu.memref_slice %arg3[%dma_start3A_52, %dma_start3A_53] : memref<10240x128xf32, #tpu.memory_space<hbm>> -> memref<10240x128xf32, #tpu.memory_space<hbm>>
          tpu.enqueue_indirect_dma source(%dma_start3A_54 : memref<10240x128xf32, #tpu.memory_space<hbm>>) target(%arg12 : memref<128x128xf32, #tpu.memory_space<vmem>>) offsets(%dma_start3A_51 : memref<128xi32, #tpu.memory_space<vmem>>) semaphore(%arg14 : memref<!tpu.dma_semaphore, #tpu.memory_space<semaphore_mem>>)
          %dma_wait3A = arith.constant 0 : i32
          %dma_wait3A_55 = tpu.memref_slice %arg9[%add3A_41, %dma_wait3A] : memref<32x128xi32, #tpu.memory_space<vmem>> -> memref<1x128xi32, #tpu.memory_space<vmem>>
          %dma_wait3A_56 = tpu.memref_squeeze %dma_wait3A_55 : memref<1x128xi32, #tpu.memory_space<vmem>> -> memref<128xi32, #tpu.memory_space<vmem>>
          %dma_wait3A_57 = arith.constant 0 : i32
          %dma_wait3A_58 = arith.constant 0 : i32
          %dma_wait3A_59 = tpu.memref_slice %arg3[%dma_wait3A_57, %dma_wait3A_58] : memref<10240x128xf32, #tpu.memory_space<hbm>> -> memref<10240x128xf32, #tpu.memory_space<hbm>>
          tpu.wait_indirect_dma semaphore(%arg14 : memref<!tpu.dma_semaphore, #tpu.memory_space<semaphore_mem>>) src(%dma_wait3A_59 : memref<10240x128xf32, #tpu.memory_space<hbm>>) dst(%arg11 : memref<128x128xf32, #tpu.memory_space<vmem>>)
          %dma_wait3A_60 = arith.constant 0 : i32
          %dma_wait3A_61 = tpu.memref_slice %arg9[%add3A_48, %dma_wait3A_60] : memref<32x128xi32, #tpu.memory_space<vmem>> -> memref<1x128xi32, #tpu.memory_space<vmem>>
          %dma_wait3A_62 = tpu.memref_squeeze %dma_wait3A_61 : memref<1x128xi32, #tpu.memory_space<vmem>> -> memref<128xi32, #tpu.memory_space<vmem>>
          %dma_wait3A_63 = arith.constant 0 : i32
          %dma_wait3A_64 = arith.constant 0 : i32
          %dma_wait3A_65 = tpu.memref_slice %arg3[%dma_wait3A_63, %dma_wait3A_64] : memref<10240x128xf32, #tpu.memory_space<hbm>> -> memref<10240x128xf32, #tpu.memory_space<hbm>>
          tpu.wait_indirect_dma semaphore(%arg14 : memref<!tpu.dma_semaphore, #tpu.memory_space<semaphore_mem>>) src(%dma_wait3A_65 : memref<10240x128xf32, #tpu.memory_space<hbm>>) dst(%arg12 : memref<128x128xf32, #tpu.memory_space<vmem>>)
          "tpu.region"() ({
            %run_scoped3A = tpu.sem_alloc : memref<!tpu.dma_semaphore, #tpu.memory_space<semaphore_mem>>
            %dma_start3A_68 = arith.constant 0 : i32
            %dma_start3A_69 = tpu.memref_slice %arg10[%add3A_41, %dma_start3A_68] : memref<32x128xi32, #tpu.memory_space<vmem>> -> memref<1x128xi32, #tpu.memory_space<vmem>>
            %dma_start3A_70 = tpu.memref_squeeze %dma_start3A_69 : memref<1x128xi32, #tpu.memory_space<vmem>> -> memref<128xi32, #tpu.memory_space<vmem>>
            %dma_start3A_71 = arith.constant 0 : i32
            %dma_start3A_72 = arith.constant 0 : i32
            %dma_start3A_73 = tpu.memref_slice %arg13[%dma_start3A_71, %dma_start3A_72] : memref<10240x128xf32, #tpu.memory_space<vmem_shared>> -> memref<10240x128xf32, #tpu.memory_space<vmem_shared>>
            tpu.enqueue_indirect_dma source(%arg11 : memref<128x128xf32, #tpu.memory_space<vmem>>) target(%dma_start3A_73 : memref<10240x128xf32, #tpu.memory_space<vmem_shared>>) offsets(%dma_start3A_70 : memref<128xi32, #tpu.memory_space<vmem>>) semaphore(%run_scoped3A : memref<!tpu.dma_semaphore, #tpu.memory_space<semaphore_mem>>) {add = true}
            %dma_wait3A_74 = arith.constant 0 : i32
            %dma_wait3A_75 = tpu.memref_slice %arg10[%add3A_41, %dma_wait3A_74] : memref<32x128xi32, #tpu.memory_space<vmem>> -> memref<1x128xi32, #tpu.memory_space<vmem>>
            %dma_wait3A_76 = tpu.memref_squeeze %dma_wait3A_75 : memref<1x128xi32, #tpu.memory_space<vmem>> -> memref<128xi32, #tpu.memory_space<vmem>>
            %dma_wait3A_77 = arith.constant 0 : i32
            %dma_wait3A_78 = arith.constant 0 : i32
            %dma_wait3A_79 = tpu.memref_slice %arg13[%dma_wait3A_77, %dma_wait3A_78] : memref<10240x128xf32, #tpu.memory_space<vmem_shared>> -> memref<10240x128xf32, #tpu.memory_space<vmem_shared>>
            tpu.wait_indirect_dma semaphore(%run_scoped3A : memref<!tpu.dma_semaphore, #tpu.memory_space<semaphore_mem>>) src(%arg11 : memref<128x128xf32, #tpu.memory_space<vmem>>) dst(%dma_wait3A_79 : memref<10240x128xf32, #tpu.memory_space<vmem_shared>>)
            tpu.yield
          }) : () -> ()
          %add3A_66 = arith.constant 1 : i32
          %add3A_67 = arith.addi %add3A_41, %add3A_66 : i32
          "tpu.region"() ({
            %run_scoped3A = tpu.sem_alloc : memref<!tpu.dma_semaphore, #tpu.memory_space<semaphore_mem>>
            %dma_start3A_68 = arith.constant 0 : i32
            %dma_start3A_69 = tpu.memref_slice %arg10[%add3A_67, %dma_start3A_68] : memref<32x128xi32, #tpu.memory_space<vmem>> -> memref<1x128xi32, #tpu.memory_space<vmem>>
            %dma_start3A_70 = tpu.memref_squeeze %dma_start3A_69 : memref<1x128xi32, #tpu.memory_space<vmem>> -> memref<128xi32, #tpu.memory_space<vmem>>
            %dma_start3A_71 = arith.constant 0 : i32
            %dma_start3A_72 = arith.constant 0 : i32
            %dma_start3A_73 = tpu.memref_slice %arg13[%dma_start3A_71, %dma_start3A_72] : memref<10240x128xf32, #tpu.memory_space<vmem_shared>> -> memref<10240x128xf32, #tpu.memory_space<vmem_shared>>
            tpu.enqueue_indirect_dma source(%arg12 : memref<128x128xf32, #tpu.memory_space<vmem>>) target(%dma_start3A_73 : memref<10240x128xf32, #tpu.memory_space<vmem_shared>>) offsets(%dma_start3A_70 : memref<128xi32, #tpu.memory_space<vmem>>) semaphore(%run_scoped3A : memref<!tpu.dma_semaphore, #tpu.memory_space<semaphore_mem>>) {add = true}
            %dma_wait3A_74 = arith.constant 0 : i32
            %dma_wait3A_75 = tpu.memref_slice %arg10[%add3A_67, %dma_wait3A_74] : memref<32x128xi32, #tpu.memory_space<vmem>> -> memref<1x128xi32, #tpu.memory_space<vmem>>
            %dma_wait3A_76 = tpu.memref_squeeze %dma_wait3A_75 : memref<1x128xi32, #tpu.memory_space<vmem>> -> memref<128xi32, #tpu.memory_space<vmem>>
            %dma_wait3A_77 = arith.constant 0 : i32
            %dma_wait3A_78 = arith.constant 0 : i32
            %dma_wait3A_79 = tpu.memref_slice %arg13[%dma_wait3A_77, %dma_wait3A_78] : memref<10240x128xf32, #tpu.memory_space<vmem_shared>> -> memref<10240x128xf32, #tpu.memory_space<vmem_shared>>
            tpu.wait_indirect_dma semaphore(%run_scoped3A : memref<!tpu.dma_semaphore, #tpu.memory_space<semaphore_mem>>) src(%arg12 : memref<128x128xf32, #tpu.memory_space<vmem>>) dst(%dma_wait3A_79 : memref<10240x128xf32, #tpu.memory_space<vmem_shared>>)
            tpu.yield
          }) : () -> ()
        }
        %scan3A_36 = arith.constant 16 : i32
      }
      %scan3A_22 = arith.constant 5 : i32
    } else {
    }
    %barrier3A_8 = arith.constant 0 : index
    tpu.barrier barrier_id(%barrier3A_8)
    %eq3A_9 = arith.constant 0 : i32
    %eq3A_10 = arith.cmpi eq, %arg0, %eq3A_9 : i32
    %convert_element_type3A_11 = arith.extui %eq3A_10 : i1 to i32
    %cond3A_12 = arith.constant 0 : i32
    %cond3A_13 = arith.cmpi ne, %convert_element_type3A_11, %cond3A_12 : i32
    scf.if %cond3A_13 {
      "tpu.region"() ({
        %run_scoped3A = tpu.sem_alloc : memref<!tpu.dma_semaphore, #tpu.memory_space<semaphore_mem>>
        %dma_start3A = arith.constant 0 : i32
        %dma_start3A_19 = tpu.memref_slice %arg7[%mul3A_0, %dma_start3A] : memref<10240x128xf32, #tpu.memory_space<hbm>> -> memref<640x128xf32, #tpu.memory_space<hbm>>
        %dma_start3A_20 = arith.constant 0 : i32
        %dma_start3A_21 = tpu.memref_slice %arg13[%mul3A_0, %dma_start3A_20] : memref<10240x128xf32, #tpu.memory_space<vmem_shared>> -> memref<640x128xf32, #tpu.memory_space<vmem_shared>>
        tpu.enqueue_dma source(%dma_start3A_21 : memref<640x128xf32, #tpu.memory_space<vmem_shared>>) target(%dma_start3A_19 : memref<640x128xf32, #tpu.memory_space<hbm>>) target_semaphore(%run_scoped3A : memref<!tpu.dma_semaphore, #tpu.memory_space<semaphore_mem>>)
        %dma_wait3A = arith.constant 0 : i32
        %dma_wait3A_22 = tpu.memref_slice %arg7[%mul3A_0, %dma_wait3A] : memref<10240x128xf32, #tpu.memory_space<hbm>> -> memref<640x128xf32, #tpu.memory_space<hbm>>
        %dma_wait3A_23 = arith.constant 0 : i32
        %dma_wait3A_24 = tpu.memref_slice %arg13[%mul3A_0, %dma_wait3A_23] : memref<10240x128xf32, #tpu.memory_space<vmem_shared>> -> memref<640x128xf32, #tpu.memory_space<vmem_shared>>
        tpu.wait_dma2 semaphore(%run_scoped3A : memref<!tpu.dma_semaphore, #tpu.memory_space<semaphore_mem>>) src(%dma_wait3A_24 : memref<640x128xf32, #tpu.memory_space<vmem_shared>>) dst(%dma_wait3A_22 : memref<640x128xf32, #tpu.memory_space<hbm>>)
        tpu.yield
      }) : () -> ()
    } else {
    }
    %eq3A_14 = arith.constant 1 : i32
    %eq3A_15 = arith.cmpi eq, %arg0, %eq3A_14 : i32
    %convert_element_type3A_16 = arith.extui %eq3A_15 : i1 to i32
    %cond3A_17 = arith.constant 0 : i32
    %cond3A_18 = arith.cmpi ne, %convert_element_type3A_16, %cond3A_17 : i32
    scf.if %cond3A_18 {
      "tpu.region"() ({
        %run_scoped3A = tpu.sem_alloc : memref<!tpu.dma_semaphore, #tpu.memory_space<semaphore_mem>>
        %dma_start3A = arith.constant 0 : i32
        %dma_start3A_19 = tpu.memref_slice %arg8[%mul3A_0, %dma_start3A] : memref<10240x128xf32, #tpu.memory_space<hbm>> -> memref<640x128xf32, #tpu.memory_space<hbm>>
        %dma_start3A_20 = arith.constant 0 : i32
        %dma_start3A_21 = tpu.memref_slice %arg13[%mul3A_0, %dma_start3A_20] : memref<10240x128xf32, #tpu.memory_space<vmem_shared>> -> memref<640x128xf32, #tpu.memory_space<vmem_shared>>
        tpu.enqueue_dma source(%dma_start3A_21 : memref<640x128xf32, #tpu.memory_space<vmem_shared>>) target(%dma_start3A_19 : memref<640x128xf32, #tpu.memory_space<hbm>>) target_semaphore(%run_scoped3A : memref<!tpu.dma_semaphore, #tpu.memory_space<semaphore_mem>>)
        %dma_wait3A = arith.constant 0 : i32
        %dma_wait3A_22 = tpu.memref_slice %arg8[%mul3A_0, %dma_wait3A] : memref<10240x128xf32, #tpu.memory_space<hbm>> -> memref<640x128xf32, #tpu.memory_space<hbm>>
        %dma_wait3A_23 = arith.constant 0 : i32
        %dma_wait3A_24 = tpu.memref_slice %arg13[%mul3A_0, %dma_wait3A_23] : memref<10240x128xf32, #tpu.memory_space<vmem_shared>> -> memref<640x128xf32, #tpu.memory_space<vmem_shared>>
        tpu.wait_dma2 semaphore(%run_scoped3A : memref<!tpu.dma_semaphore, #tpu.memory_space<semaphore_mem>>) src(%dma_wait3A_24 : memref<640x128xf32, #tpu.memory_space<vmem_shared>>) dst(%dma_wait3A_22 : memref<640x128xf32, #tpu.memory_space<hbm>>)
        tpu.yield
      }) : () -> ()
    } else {
    }
    return
  }
}

#map = affine_map<(d0, d1) -> (0, 0)>
module attributes {stable_mosaic.version = 14 : i64} {
  func.func @_agg_kernel(%arg0: i32, %arg1: i32, %arg2: memref<10240x128xf32, #tpu.memory_space<hbm>>, %arg3: memref<10240x128xf32, #tpu.memory_space<hbm>>, %arg4: memref<2560x128xi32, #tpu.memory_space<hbm>>, %arg5: memref<2560x128xi32, #tpu.memory_space<hbm>>, %arg6: memref<10240x128xf32, #tpu.memory_space<hbm>>, %arg7: memref<10240x128xf32, #tpu.memory_space<hbm>>, %arg8: memref<10240x128xf32, #tpu.memory_space<hbm>>, %arg9: memref<32x128xi32, #tpu.memory_space<vmem>>, %arg10: memref<32x128xi32, #tpu.memory_space<vmem>>, %arg11: memref<128x128xf32, #tpu.memory_space<vmem>>, %arg12: memref<128x128xf32, #tpu.memory_space<vmem>>, %arg13: memref<10240x128xf32, #tpu.memory_space<vmem_shared>>, %arg14: memref<!tpu.dma_semaphore, #tpu.memory_space<semaphore_mem>>) attributes {dimension_semantics = [#tpu.dimension_semantics<core_parallel>, #tpu.dimension_semantics<subcore_parallel>], iteration_bounds = array<i64: 2, 16>, scalar_prefetch = 0 : i64, scratch_operands = 6 : i64, tpu.core_type = #tpu.core_type<sc_vector_subcore>, window_params = [{transform_indices = #map}, {transform_indices = #map}, {transform_indices = #map}, {transform_indices = #map}, {transform_indices = #map}, {transform_indices = #map}, {transform_indices = #map}]} {
    %mul3A = arith.constant 640 : i32
    %mul3A_0 = arith.muli %arg1, %mul3A : i32
    "tpu.region"() ({
      %run_scoped3A = tpu.sem_alloc : memref<!tpu.dma_semaphore, #tpu.memory_space<semaphore_mem>>
      %dma_start3A = arith.constant 0 : i32
      %dma_start3A_19 = tpu.memref_slice %arg13[%mul3A_0, %dma_start3A] : memref<10240x128xf32, #tpu.memory_space<vmem_shared>> -> memref<640x128xf32, #tpu.memory_space<vmem_shared>>
      %dma_start3A_20 = arith.constant 0 : i32
      %dma_start3A_21 = tpu.memref_slice %arg6[%mul3A_0, %dma_start3A_20] : memref<10240x128xf32, #tpu.memory_space<hbm>> -> memref<640x128xf32, #tpu.memory_space<hbm>>
      tpu.enqueue_dma source(%dma_start3A_21 : memref<640x128xf32, #tpu.memory_space<hbm>>) target(%dma_start3A_19 : memref<640x128xf32, #tpu.memory_space<vmem_shared>>) target_semaphore(%run_scoped3A : memref<!tpu.dma_semaphore, #tpu.memory_space<semaphore_mem>>)
      %dma_wait3A = arith.constant 0 : i32
      %dma_wait3A_22 = tpu.memref_slice %arg13[%mul3A_0, %dma_wait3A] : memref<10240x128xf32, #tpu.memory_space<vmem_shared>> -> memref<640x128xf32, #tpu.memory_space<vmem_shared>>
      %dma_wait3A_23 = arith.constant 0 : i32
      %dma_wait3A_24 = tpu.memref_slice %arg6[%mul3A_0, %dma_wait3A_23] : memref<10240x128xf32, #tpu.memory_space<hbm>> -> memref<640x128xf32, #tpu.memory_space<hbm>>
      tpu.wait_dma2 semaphore(%run_scoped3A : memref<!tpu.dma_semaphore, #tpu.memory_space<semaphore_mem>>) src(%dma_wait3A_24 : memref<640x128xf32, #tpu.memory_space<hbm>>) dst(%dma_wait3A_22 : memref<640x128xf32, #tpu.memory_space<vmem_shared>>)
      tpu.yield
    }) : () -> ()
    %barrier3A = arith.constant 0 : index
    tpu.barrier barrier_id(%barrier3A)
    %eq3A = arith.constant 0 : i32
    %eq3A_1 = arith.cmpi eq, %arg0, %eq3A : i32
    %convert_element_type3A = arith.extui %eq3A_1 : i1 to i32
    %cond3A = arith.constant 0 : i32
    %cond3A_2 = arith.cmpi ne, %convert_element_type3A, %cond3A : i32
    scf.if %cond3A_2 {
      %scan3A = arith.constant 0 : i32
      %scan3A_19 = arith.constant 5 : i32
      %scan3A_20 = arith.addi %scan3A, %scan3A_19 : i32
      %scan3A_21 = arith.constant 1 : i32
      scf.for %scan3A_23 = %scan3A to %scan3A_20 step %scan3A_21  : i32 {
        %mul3A_24 = arith.constant 1 : i32
        %mul3A_25 = arith.muli %scan3A_23, %mul3A_24 : i32
        %add3A = arith.constant 0 : i32
        %add3A_26 = arith.addi %add3A, %mul3A_25 : i32
        %mul3A_27 = arith.constant 160 : i32
        %mul3A_28 = arith.muli %arg1, %mul3A_27 : i32
        %mul3A_29 = arith.constant 32 : i32
        %mul3A_30 = arith.muli %add3A_26, %mul3A_29 : i32
        %add3A_31 = arith.addi %mul3A_28, %mul3A_30 : i32
        "tpu.region"() ({
          %run_scoped3A = tpu.sem_alloc : memref<!tpu.dma_semaphore, #tpu.memory_space<semaphore_mem>>
          %dma_start3A = arith.constant 0 : i32
          %dma_start3A_37 = tpu.memref_slice %arg4[%add3A_31, %dma_start3A] : memref<2560x128xi32, #tpu.memory_space<hbm>> -> memref<32x128xi32, #tpu.memory_space<hbm>>
          %dma_start3A_38 = arith.constant 0 : i32
          %dma_start3A_39 = tpu.memref_slice %arg4[%add3A_31, %dma_start3A_38] : memref<2560x128xi32, #tpu.memory_space<hbm>> -> memref<32x128xi32, #tpu.memory_space<hbm>>
          tpu.enqueue_dma source(%dma_start3A_39 : memref<32x128xi32, #tpu.memory_space<hbm>>) target(%arg9 : memref<32x128xi32, #tpu.memory_space<vmem>>) target_semaphore(%run_scoped3A : memref<!tpu.dma_semaphore, #tpu.memory_space<semaphore_mem>>)
          %dma_wait3A = arith.constant 0 : i32
          %dma_wait3A_40 = tpu.memref_slice %arg4[%add3A_31, %dma_wait3A] : memref<2560x128xi32, #tpu.memory_space<hbm>> -> memref<32x128xi32, #tpu.memory_space<hbm>>
          %dma_wait3A_41 = arith.constant 0 : i32
          %dma_wait3A_42 = tpu.memref_slice %arg4[%add3A_31, %dma_wait3A_41] : memref<2560x128xi32, #tpu.memory_space<hbm>> -> memref<32x128xi32, #tpu.memory_space<hbm>>
          tpu.wait_dma2 semaphore(%run_scoped3A : memref<!tpu.dma_semaphore, #tpu.memory_space<semaphore_mem>>) src(%dma_wait3A_42 : memref<32x128xi32, #tpu.memory_space<hbm>>) dst(%arg9 : memref<32x128xi32, #tpu.memory_space<vmem>>)
          tpu.yield
        }) : () -> ()
        "tpu.region"() ({
          %run_scoped3A = tpu.sem_alloc : memref<!tpu.dma_semaphore, #tpu.memory_space<semaphore_mem>>
          %dma_start3A = arith.constant 0 : i32
          %dma_start3A_37 = tpu.memref_slice %arg5[%add3A_31, %dma_start3A] : memref<2560x128xi32, #tpu.memory_space<hbm>> -> memref<32x128xi32, #tpu.memory_space<hbm>>
          %dma_start3A_38 = arith.constant 0 : i32
          %dma_start3A_39 = tpu.memref_slice %arg5[%add3A_31, %dma_start3A_38] : memref<2560x128xi32, #tpu.memory_space<hbm>> -> memref<32x128xi32, #tpu.memory_space<hbm>>
          tpu.enqueue_dma source(%dma_start3A_39 : memref<32x128xi32, #tpu.memory_space<hbm>>) target(%arg10 : memref<32x128xi32, #tpu.memory_space<vmem>>) target_semaphore(%run_scoped3A : memref<!tpu.dma_semaphore, #tpu.memory_space<semaphore_mem>>)
          %dma_wait3A = arith.constant 0 : i32
          %dma_wait3A_40 = tpu.memref_slice %arg5[%add3A_31, %dma_wait3A] : memref<2560x128xi32, #tpu.memory_space<hbm>> -> memref<32x128xi32, #tpu.memory_space<hbm>>
          %dma_wait3A_41 = arith.constant 0 : i32
          %dma_wait3A_42 = tpu.memref_slice %arg5[%add3A_31, %dma_wait3A_41] : memref<2560x128xi32, #tpu.memory_space<hbm>> -> memref<32x128xi32, #tpu.memory_space<hbm>>
          tpu.wait_dma2 semaphore(%run_scoped3A : memref<!tpu.dma_semaphore, #tpu.memory_space<semaphore_mem>>) src(%dma_wait3A_42 : memref<32x128xi32, #tpu.memory_space<hbm>>) dst(%arg10 : memref<32x128xi32, #tpu.memory_space<vmem>>)
          tpu.yield
        }) : () -> ()
        %scan3A_32 = arith.constant 0 : i32
        %scan3A_33 = arith.constant 16 : i32
        %scan3A_34 = arith.addi %scan3A_32, %scan3A_33 : i32
        %scan3A_35 = arith.constant 1 : i32
        scf.for %scan3A_37 = %scan3A_32 to %scan3A_34 step %scan3A_35  : i32 {
          %mul3A_38 = arith.constant 2 : i32
          %mul3A_39 = arith.muli %scan3A_37, %mul3A_38 : i32
          %add3A_40 = arith.constant 0 : i32
          %add3A_41 = arith.addi %add3A_40, %mul3A_39 : i32
          %dma_start3A = arith.constant 0 : i32
          %dma_start3A_42 = tpu.memref_slice %arg9[%add3A_41, %dma_start3A] : memref<32x128xi32, #tpu.memory_space<vmem>> -> memref<1x128xi32, #tpu.memory_space<vmem>>
          %dma_start3A_43 = tpu.memref_squeeze %dma_start3A_42 : memref<1x128xi32, #tpu.memory_space<vmem>> -> memref<128xi32, #tpu.memory_space<vmem>>
          %dma_start3A_44 = arith.constant 0 : i32
          %dma_start3A_45 = arith.constant 0 : i32
          %dma_start3A_46 = tpu.memref_slice %arg2[%dma_start3A_44, %dma_start3A_45] : memref<10240x128xf32, #tpu.memory_space<hbm>> -> memref<10240x128xf32, #tpu.memory_space<hbm>>
          tpu.enqueue_indirect_dma source(%dma_start3A_46 : memref<10240x128xf32, #tpu.memory_space<hbm>>) target(%arg11 : memref<128x128xf32, #tpu.memory_space<vmem>>) offsets(%dma_start3A_43 : memref<128xi32, #tpu.memory_space<vmem>>) semaphore(%arg14 : memref<!tpu.dma_semaphore, #tpu.memory_space<semaphore_mem>>)
          %add3A_47 = arith.constant 1 : i32
          %add3A_48 = arith.addi %add3A_41, %add3A_47 : i32
          %dma_start3A_49 = arith.constant 0 : i32
          %dma_start3A_50 = tpu.memref_slice %arg9[%add3A_48, %dma_start3A_49] : memref<32x128xi32, #tpu.memory_space<vmem>> -> memref<1x128xi32, #tpu.memory_space<vmem>>
          %dma_start3A_51 = tpu.memref_squeeze %dma_start3A_50 : memref<1x128xi32, #tpu.memory_space<vmem>> -> memref<128xi32, #tpu.memory_space<vmem>>
          %dma_start3A_52 = arith.constant 0 : i32
          %dma_start3A_53 = arith.constant 0 : i32
          %dma_start3A_54 = tpu.memref_slice %arg2[%dma_start3A_52, %dma_start3A_53] : memref<10240x128xf32, #tpu.memory_space<hbm>> -> memref<10240x128xf32, #tpu.memory_space<hbm>>
          tpu.enqueue_indirect_dma source(%dma_start3A_54 : memref<10240x128xf32, #tpu.memory_space<hbm>>) target(%arg12 : memref<128x128xf32, #tpu.memory_space<vmem>>) offsets(%dma_start3A_51 : memref<128xi32, #tpu.memory_space<vmem>>) semaphore(%arg14 : memref<!tpu.dma_semaphore, #tpu.memory_space<semaphore_mem>>)
          %dma_wait3A = arith.constant 0 : i32
          %dma_wait3A_55 = tpu.memref_slice %arg9[%add3A_41, %dma_wait3A] : memref<32x128xi32, #tpu.memory_space<vmem>> -> memref<1x128xi32, #tpu.memory_space<vmem>>
          %dma_wait3A_56 = tpu.memref_squeeze %dma_wait3A_55 : memref<1x128xi32, #tpu.memory_space<vmem>> -> memref<128xi32, #tpu.memory_space<vmem>>
          %dma_wait3A_57 = arith.constant 0 : i32
          %dma_wait3A_58 = arith.constant 0 : i32
          %dma_wait3A_59 = tpu.memref_slice %arg2[%dma_wait3A_57, %dma_wait3A_58] : memref<10240x128xf32, #tpu.memory_space<hbm>> -> memref<10240x128xf32, #tpu.memory_space<hbm>>
          tpu.wait_indirect_dma semaphore(%arg14 : memref<!tpu.dma_semaphore, #tpu.memory_space<semaphore_mem>>) src(%dma_wait3A_59 : memref<10240x128xf32, #tpu.memory_space<hbm>>) dst(%arg11 : memref<128x128xf32, #tpu.memory_space<vmem>>)
          %dma_wait3A_60 = arith.constant 0 : i32
          %dma_wait3A_61 = tpu.memref_slice %arg9[%add3A_48, %dma_wait3A_60] : memref<32x128xi32, #tpu.memory_space<vmem>> -> memref<1x128xi32, #tpu.memory_space<vmem>>
          %dma_wait3A_62 = tpu.memref_squeeze %dma_wait3A_61 : memref<1x128xi32, #tpu.memory_space<vmem>> -> memref<128xi32, #tpu.memory_space<vmem>>
          %dma_wait3A_63 = arith.constant 0 : i32
          %dma_wait3A_64 = arith.constant 0 : i32
          %dma_wait3A_65 = tpu.memref_slice %arg2[%dma_wait3A_63, %dma_wait3A_64] : memref<10240x128xf32, #tpu.memory_space<hbm>> -> memref<10240x128xf32, #tpu.memory_space<hbm>>
          tpu.wait_indirect_dma semaphore(%arg14 : memref<!tpu.dma_semaphore, #tpu.memory_space<semaphore_mem>>) src(%dma_wait3A_65 : memref<10240x128xf32, #tpu.memory_space<hbm>>) dst(%arg12 : memref<128x128xf32, #tpu.memory_space<vmem>>)
          "tpu.region"() ({
            %run_scoped3A = tpu.sem_alloc : memref<!tpu.dma_semaphore, #tpu.memory_space<semaphore_mem>>
            %dma_start3A_68 = arith.constant 0 : i32
            %dma_start3A_69 = tpu.memref_slice %arg10[%add3A_41, %dma_start3A_68] : memref<32x128xi32, #tpu.memory_space<vmem>> -> memref<1x128xi32, #tpu.memory_space<vmem>>
            %dma_start3A_70 = tpu.memref_squeeze %dma_start3A_69 : memref<1x128xi32, #tpu.memory_space<vmem>> -> memref<128xi32, #tpu.memory_space<vmem>>
            %dma_start3A_71 = arith.constant 0 : i32
            %dma_start3A_72 = arith.constant 0 : i32
            %dma_start3A_73 = tpu.memref_slice %arg13[%dma_start3A_71, %dma_start3A_72] : memref<10240x128xf32, #tpu.memory_space<vmem_shared>> -> memref<10240x128xf32, #tpu.memory_space<vmem_shared>>
            tpu.enqueue_indirect_dma source(%arg11 : memref<128x128xf32, #tpu.memory_space<vmem>>) target(%dma_start3A_73 : memref<10240x128xf32, #tpu.memory_space<vmem_shared>>) offsets(%dma_start3A_70 : memref<128xi32, #tpu.memory_space<vmem>>) semaphore(%run_scoped3A : memref<!tpu.dma_semaphore, #tpu.memory_space<semaphore_mem>>) {add = true}
            %dma_wait3A_74 = arith.constant 0 : i32
            %dma_wait3A_75 = tpu.memref_slice %arg10[%add3A_41, %dma_wait3A_74] : memref<32x128xi32, #tpu.memory_space<vmem>> -> memref<1x128xi32, #tpu.memory_space<vmem>>
            %dma_wait3A_76 = tpu.memref_squeeze %dma_wait3A_75 : memref<1x128xi32, #tpu.memory_space<vmem>> -> memref<128xi32, #tpu.memory_space<vmem>>
            %dma_wait3A_77 = arith.constant 0 : i32
            %dma_wait3A_78 = arith.constant 0 : i32
            %dma_wait3A_79 = tpu.memref_slice %arg13[%dma_wait3A_77, %dma_wait3A_78] : memref<10240x128xf32, #tpu.memory_space<vmem_shared>> -> memref<10240x128xf32, #tpu.memory_space<vmem_shared>>
            tpu.wait_indirect_dma semaphore(%run_scoped3A : memref<!tpu.dma_semaphore, #tpu.memory_space<semaphore_mem>>) src(%arg11 : memref<128x128xf32, #tpu.memory_space<vmem>>) dst(%dma_wait3A_79 : memref<10240x128xf32, #tpu.memory_space<vmem_shared>>)
            tpu.yield
          }) : () -> ()
          %add3A_66 = arith.constant 1 : i32
          %add3A_67 = arith.addi %add3A_41, %add3A_66 : i32
          "tpu.region"() ({
            %run_scoped3A = tpu.sem_alloc : memref<!tpu.dma_semaphore, #tpu.memory_space<semaphore_mem>>
            %dma_start3A_68 = arith.constant 0 : i32
            %dma_start3A_69 = tpu.memref_slice %arg10[%add3A_67, %dma_start3A_68] : memref<32x128xi32, #tpu.memory_space<vmem>> -> memref<1x128xi32, #tpu.memory_space<vmem>>
            %dma_start3A_70 = tpu.memref_squeeze %dma_start3A_69 : memref<1x128xi32, #tpu.memory_space<vmem>> -> memref<128xi32, #tpu.memory_space<vmem>>
            %dma_start3A_71 = arith.constant 0 : i32
            %dma_start3A_72 = arith.constant 0 : i32
            %dma_start3A_73 = tpu.memref_slice %arg13[%dma_start3A_71, %dma_start3A_72] : memref<10240x128xf32, #tpu.memory_space<vmem_shared>> -> memref<10240x128xf32, #tpu.memory_space<vmem_shared>>
            tpu.enqueue_indirect_dma source(%arg12 : memref<128x128xf32, #tpu.memory_space<vmem>>) target(%dma_start3A_73 : memref<10240x128xf32, #tpu.memory_space<vmem_shared>>) offsets(%dma_start3A_70 : memref<128xi32, #tpu.memory_space<vmem>>) semaphore(%run_scoped3A : memref<!tpu.dma_semaphore, #tpu.memory_space<semaphore_mem>>) {add = true}
            %dma_wait3A_74 = arith.constant 0 : i32
            %dma_wait3A_75 = tpu.memref_slice %arg10[%add3A_67, %dma_wait3A_74] : memref<32x128xi32, #tpu.memory_space<vmem>> -> memref<1x128xi32, #tpu.memory_space<vmem>>
            %dma_wait3A_76 = tpu.memref_squeeze %dma_wait3A_75 : memref<1x128xi32, #tpu.memory_space<vmem>> -> memref<128xi32, #tpu.memory_space<vmem>>
            %dma_wait3A_77 = arith.constant 0 : i32
            %dma_wait3A_78 = arith.constant 0 : i32
            %dma_wait3A_79 = tpu.memref_slice %arg13[%dma_wait3A_77, %dma_wait3A_78] : memref<10240x128xf32, #tpu.memory_space<vmem_shared>> -> memref<10240x128xf32, #tpu.memory_space<vmem_shared>>
            tpu.wait_indirect_dma semaphore(%run_scoped3A : memref<!tpu.dma_semaphore, #tpu.memory_space<semaphore_mem>>) src(%arg12 : memref<128x128xf32, #tpu.memory_space<vmem>>) dst(%dma_wait3A_79 : memref<10240x128xf32, #tpu.memory_space<vmem_shared>>)
            tpu.yield
          }) : () -> ()
        }
        %scan3A_36 = arith.constant 16 : i32
      }
      %scan3A_22 = arith.constant 5 : i32
    } else {
    }
    %eq3A_3 = arith.constant 1 : i32
    %eq3A_4 = arith.cmpi eq, %arg0, %eq3A_3 : i32
    %convert_element_type3A_5 = arith.extui %eq3A_4 : i1 to i32
    %cond3A_6 = arith.constant 0 : i32
    %cond3A_7 = arith.cmpi ne, %convert_element_type3A_5, %cond3A_6 : i32
    scf.if %cond3A_7 {
      %scan3A = arith.constant 0 : i32
      %scan3A_19 = arith.constant 5 : i32
      %scan3A_20 = arith.addi %scan3A, %scan3A_19 : i32
      %scan3A_21 = arith.constant 1 : i32
      scf.for %scan3A_23 = %scan3A to %scan3A_20 step %scan3A_21  : i32 {
        %mul3A_24 = arith.constant 1 : i32
        %mul3A_25 = arith.muli %scan3A_23, %mul3A_24 : i32
        %add3A = arith.constant 0 : i32
        %add3A_26 = arith.addi %add3A, %mul3A_25 : i32
        %mul3A_27 = arith.constant 160 : i32
        %mul3A_28 = arith.muli %arg1, %mul3A_27 : i32
        %mul3A_29 = arith.constant 32 : i32
        %mul3A_30 = arith.muli %add3A_26, %mul3A_29 : i32
        %add3A_31 = arith.addi %mul3A_28, %mul3A_30 : i32
        "tpu.region"() ({
          %run_scoped3A = tpu.sem_alloc : memref<!tpu.dma_semaphore, #tpu.memory_space<semaphore_mem>>
          %dma_start3A = arith.constant 0 : i32
          %dma_start3A_37 = tpu.memref_slice %arg4[%add3A_31, %dma_start3A] : memref<2560x128xi32, #tpu.memory_space<hbm>> -> memref<32x128xi32, #tpu.memory_space<hbm>>
          %dma_start3A_38 = arith.constant 0 : i32
          %dma_start3A_39 = tpu.memref_slice %arg4[%add3A_31, %dma_start3A_38] : memref<2560x128xi32, #tpu.memory_space<hbm>> -> memref<32x128xi32, #tpu.memory_space<hbm>>
          tpu.enqueue_dma source(%dma_start3A_39 : memref<32x128xi32, #tpu.memory_space<hbm>>) target(%arg9 : memref<32x128xi32, #tpu.memory_space<vmem>>) target_semaphore(%run_scoped3A : memref<!tpu.dma_semaphore, #tpu.memory_space<semaphore_mem>>)
          %dma_wait3A = arith.constant 0 : i32
          %dma_wait3A_40 = tpu.memref_slice %arg4[%add3A_31, %dma_wait3A] : memref<2560x128xi32, #tpu.memory_space<hbm>> -> memref<32x128xi32, #tpu.memory_space<hbm>>
          %dma_wait3A_41 = arith.constant 0 : i32
          %dma_wait3A_42 = tpu.memref_slice %arg4[%add3A_31, %dma_wait3A_41] : memref<2560x128xi32, #tpu.memory_space<hbm>> -> memref<32x128xi32, #tpu.memory_space<hbm>>
          tpu.wait_dma2 semaphore(%run_scoped3A : memref<!tpu.dma_semaphore, #tpu.memory_space<semaphore_mem>>) src(%dma_wait3A_42 : memref<32x128xi32, #tpu.memory_space<hbm>>) dst(%arg9 : memref<32x128xi32, #tpu.memory_space<vmem>>)
          tpu.yield
        }) : () -> ()
        "tpu.region"() ({
          %run_scoped3A = tpu.sem_alloc : memref<!tpu.dma_semaphore, #tpu.memory_space<semaphore_mem>>
          %dma_start3A = arith.constant 0 : i32
          %dma_start3A_37 = tpu.memref_slice %arg5[%add3A_31, %dma_start3A] : memref<2560x128xi32, #tpu.memory_space<hbm>> -> memref<32x128xi32, #tpu.memory_space<hbm>>
          %dma_start3A_38 = arith.constant 0 : i32
          %dma_start3A_39 = tpu.memref_slice %arg5[%add3A_31, %dma_start3A_38] : memref<2560x128xi32, #tpu.memory_space<hbm>> -> memref<32x128xi32, #tpu.memory_space<hbm>>
          tpu.enqueue_dma source(%dma_start3A_39 : memref<32x128xi32, #tpu.memory_space<hbm>>) target(%arg10 : memref<32x128xi32, #tpu.memory_space<vmem>>) target_semaphore(%run_scoped3A : memref<!tpu.dma_semaphore, #tpu.memory_space<semaphore_mem>>)
          %dma_wait3A = arith.constant 0 : i32
          %dma_wait3A_40 = tpu.memref_slice %arg5[%add3A_31, %dma_wait3A] : memref<2560x128xi32, #tpu.memory_space<hbm>> -> memref<32x128xi32, #tpu.memory_space<hbm>>
          %dma_wait3A_41 = arith.constant 0 : i32
          %dma_wait3A_42 = tpu.memref_slice %arg5[%add3A_31, %dma_wait3A_41] : memref<2560x128xi32, #tpu.memory_space<hbm>> -> memref<32x128xi32, #tpu.memory_space<hbm>>
          tpu.wait_dma2 semaphore(%run_scoped3A : memref<!tpu.dma_semaphore, #tpu.memory_space<semaphore_mem>>) src(%dma_wait3A_42 : memref<32x128xi32, #tpu.memory_space<hbm>>) dst(%arg10 : memref<32x128xi32, #tpu.memory_space<vmem>>)
          tpu.yield
        }) : () -> ()
        %scan3A_32 = arith.constant 0 : i32
        %scan3A_33 = arith.constant 16 : i32
        %scan3A_34 = arith.addi %scan3A_32, %scan3A_33 : i32
        %scan3A_35 = arith.constant 1 : i32
        scf.for %scan3A_37 = %scan3A_32 to %scan3A_34 step %scan3A_35  : i32 {
          %mul3A_38 = arith.constant 2 : i32
          %mul3A_39 = arith.muli %scan3A_37, %mul3A_38 : i32
          %add3A_40 = arith.constant 0 : i32
          %add3A_41 = arith.addi %add3A_40, %mul3A_39 : i32
          %dma_start3A = arith.constant 0 : i32
          %dma_start3A_42 = tpu.memref_slice %arg9[%add3A_41, %dma_start3A] : memref<32x128xi32, #tpu.memory_space<vmem>> -> memref<1x128xi32, #tpu.memory_space<vmem>>
          %dma_start3A_43 = tpu.memref_squeeze %dma_start3A_42 : memref<1x128xi32, #tpu.memory_space<vmem>> -> memref<128xi32, #tpu.memory_space<vmem>>
          %dma_start3A_44 = arith.constant 0 : i32
          %dma_start3A_45 = arith.constant 0 : i32
          %dma_start3A_46 = tpu.memref_slice %arg3[%dma_start3A_44, %dma_start3A_45] : memref<10240x128xf32, #tpu.memory_space<hbm>> -> memref<10240x128xf32, #tpu.memory_space<hbm>>
          tpu.enqueue_indirect_dma source(%dma_start3A_46 : memref<10240x128xf32, #tpu.memory_space<hbm>>) target(%arg11 : memref<128x128xf32, #tpu.memory_space<vmem>>) offsets(%dma_start3A_43 : memref<128xi32, #tpu.memory_space<vmem>>) semaphore(%arg14 : memref<!tpu.dma_semaphore, #tpu.memory_space<semaphore_mem>>)
          %add3A_47 = arith.constant 1 : i32
          %add3A_48 = arith.addi %add3A_41, %add3A_47 : i32
          %dma_start3A_49 = arith.constant 0 : i32
          %dma_start3A_50 = tpu.memref_slice %arg9[%add3A_48, %dma_start3A_49] : memref<32x128xi32, #tpu.memory_space<vmem>> -> memref<1x128xi32, #tpu.memory_space<vmem>>
          %dma_start3A_51 = tpu.memref_squeeze %dma_start3A_50 : memref<1x128xi32, #tpu.memory_space<vmem>> -> memref<128xi32, #tpu.memory_space<vmem>>
          %dma_start3A_52 = arith.constant 0 : i32
          %dma_start3A_53 = arith.constant 0 : i32
          %dma_start3A_54 = tpu.memref_slice %arg3[%dma_start3A_52, %dma_start3A_53] : memref<10240x128xf32, #tpu.memory_space<hbm>> -> memref<10240x128xf32, #tpu.memory_space<hbm>>
          tpu.enqueue_indirect_dma source(%dma_start3A_54 : memref<10240x128xf32, #tpu.memory_space<hbm>>) target(%arg12 : memref<128x128xf32, #tpu.memory_space<vmem>>) offsets(%dma_start3A_51 : memref<128xi32, #tpu.memory_space<vmem>>) semaphore(%arg14 : memref<!tpu.dma_semaphore, #tpu.memory_space<semaphore_mem>>)
          %dma_wait3A = arith.constant 0 : i32
          %dma_wait3A_55 = tpu.memref_slice %arg9[%add3A_41, %dma_wait3A] : memref<32x128xi32, #tpu.memory_space<vmem>> -> memref<1x128xi32, #tpu.memory_space<vmem>>
          %dma_wait3A_56 = tpu.memref_squeeze %dma_wait3A_55 : memref<1x128xi32, #tpu.memory_space<vmem>> -> memref<128xi32, #tpu.memory_space<vmem>>
          %dma_wait3A_57 = arith.constant 0 : i32
          %dma_wait3A_58 = arith.constant 0 : i32
          %dma_wait3A_59 = tpu.memref_slice %arg3[%dma_wait3A_57, %dma_wait3A_58] : memref<10240x128xf32, #tpu.memory_space<hbm>> -> memref<10240x128xf32, #tpu.memory_space<hbm>>
          tpu.wait_indirect_dma semaphore(%arg14 : memref<!tpu.dma_semaphore, #tpu.memory_space<semaphore_mem>>) src(%dma_wait3A_59 : memref<10240x128xf32, #tpu.memory_space<hbm>>) dst(%arg11 : memref<128x128xf32, #tpu.memory_space<vmem>>)
          %dma_wait3A_60 = arith.constant 0 : i32
          %dma_wait3A_61 = tpu.memref_slice %arg9[%add3A_48, %dma_wait3A_60] : memref<32x128xi32, #tpu.memory_space<vmem>> -> memref<1x128xi32, #tpu.memory_space<vmem>>
          %dma_wait3A_62 = tpu.memref_squeeze %dma_wait3A_61 : memref<1x128xi32, #tpu.memory_space<vmem>> -> memref<128xi32, #tpu.memory_space<vmem>>
          %dma_wait3A_63 = arith.constant 0 : i32
          %dma_wait3A_64 = arith.constant 0 : i32
          %dma_wait3A_65 = tpu.memref_slice %arg3[%dma_wait3A_63, %dma_wait3A_64] : memref<10240x128xf32, #tpu.memory_space<hbm>> -> memref<10240x128xf32, #tpu.memory_space<hbm>>
          tpu.wait_indirect_dma semaphore(%arg14 : memref<!tpu.dma_semaphore, #tpu.memory_space<semaphore_mem>>) src(%dma_wait3A_65 : memref<10240x128xf32, #tpu.memory_space<hbm>>) dst(%arg12 : memref<128x128xf32, #tpu.memory_space<vmem>>)
          "tpu.region"() ({
            %run_scoped3A = tpu.sem_alloc : memref<!tpu.dma_semaphore, #tpu.memory_space<semaphore_mem>>
            %dma_start3A_68 = arith.constant 0 : i32
            %dma_start3A_69 = tpu.memref_slice %arg10[%add3A_41, %dma_start3A_68] : memref<32x128xi32, #tpu.memory_space<vmem>> -> memref<1x128xi32, #tpu.memory_space<vmem>>
            %dma_start3A_70 = tpu.memref_squeeze %dma_start3A_69 : memref<1x128xi32, #tpu.memory_space<vmem>> -> memref<128xi32, #tpu.memory_space<vmem>>
            %dma_start3A_71 = arith.constant 0 : i32
            %dma_start3A_72 = arith.constant 0 : i32
            %dma_start3A_73 = tpu.memref_slice %arg13[%dma_start3A_71, %dma_start3A_72] : memref<10240x128xf32, #tpu.memory_space<vmem_shared>> -> memref<10240x128xf32, #tpu.memory_space<vmem_shared>>
            tpu.enqueue_indirect_dma source(%arg11 : memref<128x128xf32, #tpu.memory_space<vmem>>) target(%dma_start3A_73 : memref<10240x128xf32, #tpu.memory_space<vmem_shared>>) offsets(%dma_start3A_70 : memref<128xi32, #tpu.memory_space<vmem>>) semaphore(%run_scoped3A : memref<!tpu.dma_semaphore, #tpu.memory_space<semaphore_mem>>) {add = true}
            %dma_wait3A_74 = arith.constant 0 : i32
            %dma_wait3A_75 = tpu.memref_slice %arg10[%add3A_41, %dma_wait3A_74] : memref<32x128xi32, #tpu.memory_space<vmem>> -> memref<1x128xi32, #tpu.memory_space<vmem>>
            %dma_wait3A_76 = tpu.memref_squeeze %dma_wait3A_75 : memref<1x128xi32, #tpu.memory_space<vmem>> -> memref<128xi32, #tpu.memory_space<vmem>>
            %dma_wait3A_77 = arith.constant 0 : i32
            %dma_wait3A_78 = arith.constant 0 : i32
            %dma_wait3A_79 = tpu.memref_slice %arg13[%dma_wait3A_77, %dma_wait3A_78] : memref<10240x128xf32, #tpu.memory_space<vmem_shared>> -> memref<10240x128xf32, #tpu.memory_space<vmem_shared>>
            tpu.wait_indirect_dma semaphore(%run_scoped3A : memref<!tpu.dma_semaphore, #tpu.memory_space<semaphore_mem>>) src(%arg11 : memref<128x128xf32, #tpu.memory_space<vmem>>) dst(%dma_wait3A_79 : memref<10240x128xf32, #tpu.memory_space<vmem_shared>>)
            tpu.yield
          }) : () -> ()
          %add3A_66 = arith.constant 1 : i32
          %add3A_67 = arith.addi %add3A_41, %add3A_66 : i32
          "tpu.region"() ({
            %run_scoped3A = tpu.sem_alloc : memref<!tpu.dma_semaphore, #tpu.memory_space<semaphore_mem>>
            %dma_start3A_68 = arith.constant 0 : i32
            %dma_start3A_69 = tpu.memref_slice %arg10[%add3A_67, %dma_start3A_68] : memref<32x128xi32, #tpu.memory_space<vmem>> -> memref<1x128xi32, #tpu.memory_space<vmem>>
            %dma_start3A_70 = tpu.memref_squeeze %dma_start3A_69 : memref<1x128xi32, #tpu.memory_space<vmem>> -> memref<128xi32, #tpu.memory_space<vmem>>
            %dma_start3A_71 = arith.constant 0 : i32
            %dma_start3A_72 = arith.constant 0 : i32
            %dma_start3A_73 = tpu.memref_slice %arg13[%dma_start3A_71, %dma_start3A_72] : memref<10240x128xf32, #tpu.memory_space<vmem_shared>> -> memref<10240x128xf32, #tpu.memory_space<vmem_shared>>
            tpu.enqueue_indirect_dma source(%arg12 : memref<128x128xf32, #tpu.memory_space<vmem>>) target(%dma_start3A_73 : memref<10240x128xf32, #tpu.memory_space<vmem_shared>>) offsets(%dma_start3A_70 : memref<128xi32, #tpu.memory_space<vmem>>) semaphore(%run_scoped3A : memref<!tpu.dma_semaphore, #tpu.memory_space<semaphore_mem>>) {add = true}
            %dma_wait3A_74 = arith.constant 0 : i32
            %dma_wait3A_75 = tpu.memref_slice %arg10[%add3A_67, %dma_wait3A_74] : memref<32x128xi32, #tpu.memory_space<vmem>> -> memref<1x128xi32, #tpu.memory_space<vmem>>
            %dma_wait3A_76 = tpu.memref_squeeze %dma_wait3A_75 : memref<1x128xi32, #tpu.memory_space<vmem>> -> memref<128xi32, #tpu.memory_space<vmem>>
            %dma_wait3A_77 = arith.constant 0 : i32
            %dma_wait3A_78 = arith.constant 0 : i32
            %dma_wait3A_79 = tpu.memref_slice %arg13[%dma_wait3A_77, %dma_wait3A_78] : memref<10240x128xf32, #tpu.memory_space<vmem_shared>> -> memref<10240x128xf32, #tpu.memory_space<vmem_shared>>
            tpu.wait_indirect_dma semaphore(%run_scoped3A : memref<!tpu.dma_semaphore, #tpu.memory_space<semaphore_mem>>) src(%arg12 : memref<128x128xf32, #tpu.memory_space<vmem>>) dst(%dma_wait3A_79 : memref<10240x128xf32, #tpu.memory_space<vmem_shared>>)
            tpu.yield
          }) : () -> ()
        }
        %scan3A_36 = arith.constant 16 : i32
      }
      %scan3A_22 = arith.constant 5 : i32
    } else {
    }
    %barrier3A_8 = arith.constant 0 : index
    tpu.barrier barrier_id(%barrier3A_8)
    %eq3A_9 = arith.constant 0 : i32
    %eq3A_10 = arith.cmpi eq, %arg0, %eq3A_9 : i32
    %convert_element_type3A_11 = arith.extui %eq3A_10 : i1 to i32
    %cond3A_12 = arith.constant 0 : i32
    %cond3A_13 = arith.cmpi ne, %convert_element_type3A_11, %cond3A_12 : i32
    scf.if %cond3A_13 {
      "tpu.region"() ({
        %run_scoped3A = tpu.sem_alloc : memref<!tpu.dma_semaphore, #tpu.memory_space<semaphore_mem>>
        %dma_start3A = arith.constant 0 : i32
        %dma_start3A_19 = tpu.memref_slice %arg7[%mul3A_0, %dma_start3A] : memref<10240x128xf32, #tpu.memory_space<hbm>> -> memref<640x128xf32, #tpu.memory_space<hbm>>
        %dma_start3A_20 = arith.constant 0 : i32
        %dma_start3A_21 = tpu.memref_slice %arg13[%mul3A_0, %dma_start3A_20] : memref<10240x128xf32, #tpu.memory_space<vmem_shared>> -> memref<640x128xf32, #tpu.memory_space<vmem_shared>>
        tpu.enqueue_dma source(%dma_start3A_21 : memref<640x128xf32, #tpu.memory_space<vmem_shared>>) target(%dma_start3A_19 : memref<640x128xf32, #tpu.memory_space<hbm>>) target_semaphore(%run_scoped3A : memref<!tpu.dma_semaphore, #tpu.memory_space<semaphore_mem>>)
        %dma_wait3A = arith.constant 0 : i32
        %dma_wait3A_22 = tpu.memref_slice %arg7[%mul3A_0, %dma_wait3A] : memref<10240x128xf32, #tpu.memory_space<hbm>> -> memref<640x128xf32, #tpu.memory_space<hbm>>
        %dma_wait3A_23 = arith.constant 0 : i32
        %dma_wait3A_24 = tpu.memref_slice %arg13[%mul3A_0, %dma_wait3A_23] : memref<10240x128xf32, #tpu.memory_space<vmem_shared>> -> memref<640x128xf32, #tpu.memory_space<vmem_shared>>
        tpu.wait_dma2 semaphore(%run_scoped3A : memref<!tpu.dma_semaphore, #tpu.memory_space<semaphore_mem>>) src(%dma_wait3A_24 : memref<640x128xf32, #tpu.memory_space<vmem_shared>>) dst(%dma_wait3A_22 : memref<640x128xf32, #tpu.memory_space<hbm>>)
        tpu.yield
      }) : () -> ()
    } else {
    }
    %eq3A_14 = arith.constant 1 : i32
    %eq3A_15 = arith.cmpi eq, %arg0, %eq3A_14 : i32
    %convert_element_type3A_16 = arith.extui %eq3A_15 : i1 to i32
    %cond3A_17 = arith.constant 0 : i32
    %cond3A_18 = arith.cmpi ne, %convert_element_type3A_16, %cond3A_17 : i32
    scf.if %cond3A_18 {
      "tpu.region"() ({
        %run_scoped3A = tpu.sem_alloc : memref<!tpu.dma_semaphore, #tpu.memory_space<semaphore_mem>>
        %dma_start3A = arith.constant 0 : i32
        %dma_start3A_19 = tpu.memref_slice %arg8[%mul3A_0, %dma_start3A] : memref<10240x128xf32, #tpu.memory_space<hbm>> -> memref<640x128xf32, #tpu.memory_space<hbm>>
        %dma_start3A_20 = arith.constant 0 : i32
        %dma_start3A_21 = tpu.memref_slice %arg13[%mul3A_0, %dma_start3A_20] : memref<10240x128xf32, #tpu.memory_space<vmem_shared>> -> memref<640x128xf32, #tpu.memory_space<vmem_shared>>
        tpu.enqueue_dma source(%dma_start3A_21 : memref<640x128xf32, #tpu.memory_space<vmem_shared>>) target(%dma_start3A_19 : memref<640x128xf32, #tpu.memory_space<hbm>>) target_semaphore(%run_scoped3A : memref<!tpu.dma_semaphore, #tpu.memory_space<semaphore_mem>>)
        %dma_wait3A = arith.constant 0 : i32
        %dma_wait3A_22 = tpu.memref_slice %arg8[%mul3A_0, %dma_wait3A] : memref<10240x128xf32, #tpu.memory_space<hbm>> -> memref<640x128xf32, #tpu.memory_space<hbm>>
        %dma_wait3A_23 = arith.constant 0 : i32
        %dma_wait3A_24 = tpu.memref_slice %arg13[%mul3A_0, %dma_wait3A_23] : memref<10240x128xf32, #tpu.memory_space<vmem_shared>> -> memref<640x128xf32, #tpu.memory_space<vmem_shared>>
        tpu.wait_dma2 semaphore(%run_scoped3A : memref<!tpu.dma_semaphore, #tpu.memory_space<semaphore_mem>>) src(%dma_wait3A_24 : memref<640x128xf32, #tpu.memory_space<vmem_shared>>) dst(%dma_wait3A_22 : memref<640x128xf32, #tpu.memory_space<hbm>>)
        tpu.yield
      }) : () -> ()
    } else {
    }
    return
  }
}

module attributes {stable_mosaic.version = 14 : i64} {
  func.func @_lift_body(%arg0: i32, %arg1: memref<512x128xf32, #tpu.memory_space<vmem>>, %arg2: memref<128x128xf32, #tpu.memory_space<vmem>>, %arg3: memref<1x128xf32, #tpu.memory_space<vmem>>, %arg4: memref<128x128xf32, #tpu.memory_space<vmem>>, %arg5: memref<1x128xf32, #tpu.memory_space<vmem>>, %arg6: memref<512x128xf32, #tpu.memory_space<vmem>>, %arg7: memref<512x128xf32, #tpu.memory_space<vmem>>) attributes {dimension_semantics = [#tpu.dimension_semantics<arbitrary>], iteration_bounds = array<i64: 20>, scalar_prefetch = 0 : i64, scratch_operands = 0 : i64, tpu.core_type = #tpu.core_type<tc>, window_params = [{transform_indices = @transform_0, window_bounds = array<i64: 512, 128>}, {pipeline_mode = #tpu.pipeline_mode<synchronous>, transform_indices = @transform_1, window_bounds = array<i64: 128, 128>}, {pipeline_mode = #tpu.pipeline_mode<synchronous>, transform_indices = @transform_2, window_bounds = array<i64: 1, 128>}, {pipeline_mode = #tpu.pipeline_mode<synchronous>, transform_indices = @transform_3, window_bounds = array<i64: 128, 128>}, {pipeline_mode = #tpu.pipeline_mode<synchronous>, transform_indices = @transform_4, window_bounds = array<i64: 1, 128>}, {transform_indices = @transform_5, window_bounds = array<i64: 512, 128>}, {transform_indices = @transform_6, window_bounds = array<i64: 512, 128>}]} {
    %get3A = arith.constant 0 : index
    %get3A_0 = arith.constant 0 : index
    %get3A_1 = vector.load %arg1[%get3A, %get3A_0] : memref<512x128xf32, #tpu.memory_space<vmem>>, vector<512x128xf32>
    %get3A_2 = arith.constant 0 : index
    %get3A_3 = arith.constant 0 : index
    %get3A_4 = vector.load %arg2[%get3A_2, %get3A_3] : memref<128x128xf32, #tpu.memory_space<vmem>>, vector<128x128xf32>
    %dot_general3A = arith.constant dense<0.000000e+00> : vector<512x128xf32>
    %dot_general3A_5 = tpu.matmul %get3A_1, %get3A_4, %dot_general3A {dimension_numbers = #tpu.dot_dimension_numbers<[1], [0], [0], [1], [0, 0, 1, 1], [], []>, transpose_lhs_hint = false} : vector<512x128xf32>, vector<128x128xf32>, vector<512x128xf32> -> vector<512x128xf32>
    %get3A_6 = arith.constant 0 : index
    %get3A_7 = arith.constant 0 : index
    %get3A_8 = vector.load %arg3[%get3A_6, %get3A_7] : memref<1x128xf32, #tpu.memory_space<vmem>>, vector<1x128xf32>
    %add3A = vector.broadcast %get3A_8 : vector<1x128xf32> to vector<512x128xf32>
    %add3A_9 = arith.addf %dot_general3A_5, %add3A : vector<512x128xf32>
    %tanh3A = math.tanh %add3A_9 : vector<512x128xf32>
    %swap3A = arith.constant 0 : index
    %swap3A_10 = arith.constant 0 : index
    %swap3A_11 = vector.load %arg6[%swap3A, %swap3A_10] : memref<512x128xf32, #tpu.memory_space<vmem>>, vector<512x128xf32>
    tpu.vector_store %arg6[%swap3A, %swap3A_10], %tanh3A {strides = array<i32>} : memref<512x128xf32, #tpu.memory_space<vmem>>, vector<512x128xf32>,
    %get3A_12 = arith.constant 0 : index
    %get3A_13 = arith.constant 0 : index
    %get3A_14 = vector.load %arg4[%get3A_12, %get3A_13] : memref<128x128xf32, #tpu.memory_space<vmem>>, vector<128x128xf32>
    %dot_general3A_15 = arith.constant dense<0.000000e+00> : vector<512x128xf32>
    %dot_general3A_16 = tpu.matmul %get3A_1, %get3A_14, %dot_general3A_15 {dimension_numbers = #tpu.dot_dimension_numbers<[1], [0], [0], [1], [0, 0, 1, 1], [], []>, transpose_lhs_hint = false} : vector<512x128xf32>, vector<128x128xf32>, vector<512x128xf32> -> vector<512x128xf32>
    %get3A_17 = arith.constant 0 : index
    %get3A_18 = arith.constant 0 : index
    %get3A_19 = vector.load %arg5[%get3A_17, %get3A_18] : memref<1x128xf32, #tpu.memory_space<vmem>>, vector<1x128xf32>
    %add3A_20 = vector.broadcast %get3A_19 : vector<1x128xf32> to vector<512x128xf32>
    %add3A_21 = arith.addf %dot_general3A_16, %add3A_20 : vector<512x128xf32>
    %tanh3A_22 = math.tanh %add3A_21 : vector<512x128xf32>
    %swap3A_23 = arith.constant 0 : index
    %swap3A_24 = arith.constant 0 : index
    %swap3A_25 = vector.load %arg7[%swap3A_23, %swap3A_24] : memref<512x128xf32, #tpu.memory_space<vmem>>, vector<512x128xf32>
    tpu.vector_store %arg7[%swap3A_23, %swap3A_24], %tanh3A_22 {strides = array<i32>} : memref<512x128xf32, #tpu.memory_space<vmem>>, vector<512x128xf32>,
    return
  }
  func.func @transform_0(%arg0: i32) -> (i32, i32) {
    %c0_i32 = arith.constant 0 : i32
    %c0_i32_0 = arith.constant 0 : i32
    return %arg0, %c0_i32 : i32, i32
  }
  func.func @transform_1(%arg0: i32) -> (i32, i32) {
    %c0_i32 = arith.constant 0 : i32
    %c0_i32_0 = arith.constant 0 : i32
    %c0_i32_1 = arith.constant 0 : i32
    return %c0_i32, %c0_i32_0 : i32, i32
  }
  func.func @transform_2(%arg0: i32) -> (i32, i32) {
    %c0_i32 = arith.constant 0 : i32
    %c0_i32_0 = arith.constant 0 : i32
    %c0_i32_1 = arith.constant 0 : i32
    return %c0_i32, %c0_i32_0 : i32, i32
  }
  func.func @transform_3(%arg0: i32) -> (i32, i32) {
    %c0_i32 = arith.constant 0 : i32
    %c0_i32_0 = arith.constant 0 : i32
    %c0_i32_1 = arith.constant 0 : i32
    return %c0_i32, %c0_i32_0 : i32, i32
  }
  func.func @transform_4(%arg0: i32) -> (i32, i32) {
    %c0_i32 = arith.constant 0 : i32
    %c0_i32_0 = arith.constant 0 : i32
    %c0_i32_1 = arith.constant 0 : i32
    return %c0_i32, %c0_i32_0 : i32, i32
  }
  func.func @transform_5(%arg0: i32) -> (i32, i32) {
    %c0_i32 = arith.constant 0 : i32
    %c0_i32_0 = arith.constant 0 : i32
    return %arg0, %c0_i32 : i32, i32
  }
  func.func @transform_6(%arg0: i32) -> (i32, i32) {
    %c0_i32 = arith.constant 0 : i32
    %c0_i32_0 = arith.constant 0 : i32
    return %arg0, %c0_i32 : i32, i32
  }
}

module attributes {stable_mosaic.version = 14 : i64} {
  func.func @_update_body(%arg0: i32, %arg1: memref<512x128xf32, #tpu.memory_space<vmem>>, %arg2: memref<512x128xf32, #tpu.memory_space<vmem>>, %arg3: memref<512x128xf32, #tpu.memory_space<vmem>>, %arg4: memref<512x128xf32, #tpu.memory_space<vmem>>, %arg5: memref<512x1xf32, #tpu.memory_space<vmem>>, %arg6: memref<1x128xf32, #tpu.memory_space<vmem>>, %arg7: memref<1x128xf32, #tpu.memory_space<vmem>>, %arg8: memref<1x128xf32, #tpu.memory_space<vmem>>, %arg9: memref<1x128xf32, #tpu.memory_space<vmem>>, %arg10: memref<512x128xf32, #tpu.memory_space<vmem>>, %arg11: memref<512x128xf32, #tpu.memory_space<vmem>>) attributes {dimension_semantics = [#tpu.dimension_semantics<arbitrary>], iteration_bounds = array<i64: 20>, scalar_prefetch = 0 : i64, scratch_operands = 0 : i64, tpu.core_type = #tpu.core_type<tc>, window_params = [{transform_indices = @transform_0, window_bounds = array<i64: 512, 128>}, {transform_indices = @transform_1, window_bounds = array<i64: 512, 128>}, {transform_indices = @transform_2, window_bounds = array<i64: 512, 128>}, {transform_indices = @transform_3, window_bounds = array<i64: 512, 128>}, {transform_indices = @transform_4, window_bounds = array<i64: 512, 1>}, {pipeline_mode = #tpu.pipeline_mode<synchronous>, transform_indices = @transform_5, window_bounds = array<i64: 1, 128>}, {pipeline_mode = #tpu.pipeline_mode<synchronous>, transform_indices = @transform_6, window_bounds = array<i64: 1, 128>}, {pipeline_mode = #tpu.pipeline_mode<synchronous>, transform_indices = @transform_7, window_bounds = array<i64: 1, 128>}, {pipeline_mode = #tpu.pipeline_mode<synchronous>, transform_indices = @transform_8, window_bounds = array<i64: 1, 128>}, {transform_indices = @transform_9, window_bounds = array<i64: 512, 128>}, {transform_indices = @transform_10, window_bounds = array<i64: 512, 128>}]} {
    %get3A = arith.constant 0 : index
    %get3A_0 = arith.constant 0 : index
    %get3A_1 = vector.load %arg5[%get3A, %get3A_0] : memref<512x1xf32, #tpu.memory_space<vmem>>, vector<512x1xf32>
    %max3A = arith.constant 1.000000e+00 : f32
    %max3A_2 = vector.broadcast %max3A : f32 to vector<512x1xf32>
    %max3A_3 = arith.maximumf %get3A_1, %max3A_2 : vector<512x1xf32>
    %div3A = arith.constant 1.000000e+00 : f32
    %div3A_4 = vector.broadcast %div3A : f32 to vector<512x1xf32>
    %div3A_5 = arith.divf %div3A_4, %max3A_3 : vector<512x1xf32>
    %get3A_6 = arith.constant 0 : index
    %get3A_7 = arith.constant 0 : index
    %get3A_8 = vector.load %arg1[%get3A_6, %get3A_7] : memref<512x128xf32, #tpu.memory_space<vmem>>, vector<512x128xf32>
    %get3A_9 = arith.constant 0 : index
    %get3A_10 = arith.constant 0 : index
    %get3A_11 = vector.load %arg2[%get3A_9, %get3A_10] : memref<512x128xf32, #tpu.memory_space<vmem>>, vector<512x128xf32>
    %get3A_12 = arith.constant 0 : index
    %get3A_13 = arith.constant 0 : index
    %get3A_14 = vector.load %arg3[%get3A_12, %get3A_13] : memref<512x128xf32, #tpu.memory_space<vmem>>, vector<512x128xf32>
    %mul3A = vector.broadcast %div3A_5 : vector<512x1xf32> to vector<512x128xf32>
    %mul3A_15 = arith.mulf %get3A_14, %mul3A : vector<512x128xf32>
    %get3A_16 = arith.constant 0 : index
    %get3A_17 = arith.constant 0 : index
    %get3A_18 = vector.load %arg4[%get3A_16, %get3A_17] : memref<512x128xf32, #tpu.memory_space<vmem>>, vector<512x128xf32>
    %mul3A_19 = vector.broadcast %div3A_5 : vector<512x1xf32> to vector<512x128xf32>
    %mul3A_20 = arith.mulf %get3A_18, %mul3A_19 : vector<512x128xf32>
    %mul3A_21 = arith.constant 5.000000e-02 : f32
    %mul3A_22 = vector.broadcast %mul3A_21 : f32 to vector<512x128xf32>
    %mul3A_23 = arith.mulf %mul3A_22, %get3A_8 : vector<512x128xf32>
    %get3A_24 = arith.constant 0 : index
    %get3A_25 = arith.constant 0 : index
    %get3A_26 = vector.load %arg6[%get3A_24, %get3A_25] : memref<1x128xf32, #tpu.memory_space<vmem>>, vector<1x128xf32>
    %get3A_27 = arith.constant 0 : index
    %get3A_28 = arith.constant 0 : index
    %get3A_29 = vector.load %arg7[%get3A_27, %get3A_28] : memref<1x128xf32, #tpu.memory_space<vmem>>, vector<1x128xf32>
    %mul3A_30 = vector.broadcast %get3A_29 : vector<1x128xf32> to vector<512x128xf32>
    %mul3A_31 = arith.mulf %mul3A_30, %mul3A_20 : vector<512x128xf32>
    %sub3A = vector.broadcast %get3A_26 : vector<1x128xf32> to vector<512x128xf32>
    %sub3A_32 = arith.subf %sub3A, %mul3A_31 : vector<512x128xf32>
    %mul3A_33 = arith.mulf %mul3A_23, %sub3A_32 : vector<512x128xf32>
    %add3A = arith.addf %get3A_8, %mul3A_33 : vector<512x128xf32>
    %swap3A = arith.constant 0 : index
    %swap3A_34 = arith.constant 0 : index
    %swap3A_35 = vector.load %arg10[%swap3A, %swap3A_34] : memref<512x128xf32, #tpu.memory_space<vmem>>, vector<512x128xf32>
    tpu.vector_store %arg10[%swap3A, %swap3A_34], %add3A {strides = array<i32>} : memref<512x128xf32, #tpu.memory_space<vmem>>, vector<512x128xf32>,
    %mul3A_36 = arith.constant 5.000000e-02 : f32
    %mul3A_37 = vector.broadcast %mul3A_36 : f32 to vector<512x128xf32>
    %mul3A_38 = arith.mulf %mul3A_37, %get3A_11 : vector<512x128xf32>
    %get3A_39 = arith.constant 0 : index
    %get3A_40 = arith.constant 0 : index
    %get3A_41 = vector.load %arg8[%get3A_39, %get3A_40] : memref<1x128xf32, #tpu.memory_space<vmem>>, vector<1x128xf32>
    %neg3A = arith.constant 0.000000e+00 : f32
    %neg3A_42 = vector.broadcast %neg3A : f32 to vector<1x128xf32>
    %neg3A_43 = arith.subf %neg3A_42, %get3A_41 : vector<1x128xf32>
    %get3A_44 = arith.constant 0 : index
    %get3A_45 = arith.constant 0 : index
    %get3A_46 = vector.load %arg9[%get3A_44, %get3A_45] : memref<1x128xf32, #tpu.memory_space<vmem>>, vector<1x128xf32>
    %mul3A_47 = vector.broadcast %get3A_46 : vector<1x128xf32> to vector<512x128xf32>
    %mul3A_48 = arith.mulf %mul3A_47, %mul3A_15 : vector<512x128xf32>
    %add3A_49 = vector.broadcast %neg3A_43 : vector<1x128xf32> to vector<512x128xf32>
    %add3A_50 = arith.addf %add3A_49, %mul3A_48 : vector<512x128xf32>
    %mul3A_51 = arith.mulf %mul3A_38, %add3A_50 : vector<512x128xf32>
    %add3A_52 = arith.addf %get3A_11, %mul3A_51 : vector<512x128xf32>
    %swap3A_53 = arith.constant 0 : index
    %swap3A_54 = arith.constant 0 : index
    %swap3A_55 = vector.load %arg11[%swap3A_53, %swap3A_54] : memref<512x128xf32, #tpu.memory_space<vmem>>, vector<512x128xf32>
    tpu.vector_store %arg11[%swap3A_53, %swap3A_54], %add3A_52 {strides = array<i32>} : memref<512x128xf32, #tpu.memory_space<vmem>>, vector<512x128xf32>,
    return
  }
  func.func @transform_0(%arg0: i32) -> (i32, i32) {
    %c0_i32 = arith.constant 0 : i32
    %c0_i32_0 = arith.constant 0 : i32
    return %arg0, %c0_i32 : i32, i32
  }
  func.func @transform_1(%arg0: i32) -> (i32, i32) {
    %c0_i32 = arith.constant 0 : i32
    %c0_i32_0 = arith.constant 0 : i32
    return %arg0, %c0_i32 : i32, i32
  }
  func.func @transform_2(%arg0: i32) -> (i32, i32) {
    %c0_i32 = arith.constant 0 : i32
    %c0_i32_0 = arith.constant 0 : i32
    return %arg0, %c0_i32 : i32, i32
  }
  func.func @transform_3(%arg0: i32) -> (i32, i32) {
    %c0_i32 = arith.constant 0 : i32
    %c0_i32_0 = arith.constant 0 : i32
    return %arg0, %c0_i32 : i32, i32
  }
  func.func @transform_4(%arg0: i32) -> (i32, i32) {
    %c0_i32 = arith.constant 0 : i32
    %c0_i32_0 = arith.constant 0 : i32
    return %arg0, %c0_i32 : i32, i32
  }
  func.func @transform_5(%arg0: i32) -> (i32, i32) {
    %c0_i32 = arith.constant 0 : i32
    %c0_i32_0 = arith.constant 0 : i32
    %c0_i32_1 = arith.constant 0 : i32
    return %c0_i32, %c0_i32_0 : i32, i32
  }
  func.func @transform_6(%arg0: i32) -> (i32, i32) {
    %c0_i32 = arith.constant 0 : i32
    %c0_i32_0 = arith.constant 0 : i32
    %c0_i32_1 = arith.constant 0 : i32
    return %c0_i32, %c0_i32_0 : i32, i32
  }
  func.func @transform_7(%arg0: i32) -> (i32, i32) {
    %c0_i32 = arith.constant 0 : i32
    %c0_i32_0 = arith.constant 0 : i32
    %c0_i32_1 = arith.constant 0 : i32
    return %c0_i32, %c0_i32_0 : i32, i32
  }
  func.func @transform_8(%arg0: i32) -> (i32, i32) {
    %c0_i32 = arith.constant 0 : i32
    %c0_i32_0 = arith.constant 0 : i32
    %c0_i32_1 = arith.constant 0 : i32
    return %c0_i32, %c0_i32_0 : i32, i32
  }
  func.func @transform_9(%arg0: i32) -> (i32, i32) {
    %c0_i32 = arith.constant 0 : i32
    %c0_i32_0 = arith.constant 0 : i32
    return %arg0, %c0_i32 : i32, i32
  }
  func.func @transform_10(%arg0: i32) -> (i32, i32) {
    %c0_i32 = arith.constant 0 : i32
    %c0_i32_0 = arith.constant 0 : i32
    return %arg0, %c0_i32 : i32, i32
  }
}

module attributes {stable_mosaic.version = 14 : i64} {
  func.func @_readout_body(%arg0: i32, %arg1: memref<512x128xf32, #tpu.memory_space<vmem>>, %arg2: memref<512x128xf32, #tpu.memory_space<vmem>>, %arg3: memref<128x128xf32, #tpu.memory_space<vmem>>, %arg4: memref<128x128xf32, #tpu.memory_space<vmem>>, %arg5: memref<1x128xf32, #tpu.memory_space<vmem>>, %arg6: memref<512x128xf32, #tpu.memory_space<vmem>>) attributes {dimension_semantics = [#tpu.dimension_semantics<arbitrary>], iteration_bounds = array<i64: 20>, scalar_prefetch = 0 : i64, scratch_operands = 0 : i64, tpu.core_type = #tpu.core_type<tc>, window_params = [{transform_indices = @transform_0, window_bounds = array<i64: 512, 128>}, {transform_indices = @transform_1, window_bounds = array<i64: 512, 128>}, {pipeline_mode = #tpu.pipeline_mode<synchronous>, transform_indices = @transform_2, window_bounds = array<i64: 128, 128>}, {pipeline_mode = #tpu.pipeline_mode<synchronous>, transform_indices = @transform_3, window_bounds = array<i64: 128, 128>}, {pipeline_mode = #tpu.pipeline_mode<synchronous>, transform_indices = @transform_4, window_bounds = array<i64: 1, 128>}, {transform_indices = @transform_5, window_bounds = array<i64: 512, 128>}]} {
    %get3A = arith.constant 0 : index
    %get3A_0 = arith.constant 0 : index
    %get3A_1 = vector.load %arg1[%get3A, %get3A_0] : memref<512x128xf32, #tpu.memory_space<vmem>>, vector<512x128xf32>
    %get3A_2 = arith.constant 0 : index
    %get3A_3 = arith.constant 0 : index
    %get3A_4 = vector.load %arg3[%get3A_2, %get3A_3] : memref<128x128xf32, #tpu.memory_space<vmem>>, vector<128x128xf32>
    %dot_general3A = arith.constant dense<0.000000e+00> : vector<512x128xf32>
    %dot_general3A_5 = tpu.matmul %get3A_1, %get3A_4, %dot_general3A {dimension_numbers = #tpu.dot_dimension_numbers<[1], [0], [0], [1], [0, 0, 1, 1], [], []>, transpose_lhs_hint = false} : vector<512x128xf32>, vector<128x128xf32>, vector<512x128xf32> -> vector<512x128xf32>
    %get3A_6 = arith.constant 0 : index
    %get3A_7 = arith.constant 0 : index
    %get3A_8 = vector.load %arg2[%get3A_6, %get3A_7] : memref<512x128xf32, #tpu.memory_space<vmem>>, vector<512x128xf32>
    %get3A_9 = arith.constant 0 : index
    %get3A_10 = arith.constant 0 : index
    %get3A_11 = vector.load %arg4[%get3A_9, %get3A_10] : memref<128x128xf32, #tpu.memory_space<vmem>>, vector<128x128xf32>
    %dot_general3A_12 = arith.constant dense<0.000000e+00> : vector<512x128xf32>
    %dot_general3A_13 = tpu.matmul %get3A_8, %get3A_11, %dot_general3A_12 {dimension_numbers = #tpu.dot_dimension_numbers<[1], [0], [0], [1], [0, 0, 1, 1], [], []>, transpose_lhs_hint = false} : vector<512x128xf32>, vector<128x128xf32>, vector<512x128xf32> -> vector<512x128xf32>
    %add3A = arith.addf %dot_general3A_5, %dot_general3A_13 : vector<512x128xf32>
    %get3A_14 = arith.constant 0 : index
    %get3A_15 = arith.constant 0 : index
    %get3A_16 = vector.load %arg5[%get3A_14, %get3A_15] : memref<1x128xf32, #tpu.memory_space<vmem>>, vector<1x128xf32>
    %add3A_17 = vector.broadcast %get3A_16 : vector<1x128xf32> to vector<512x128xf32>
    %add3A_18 = arith.addf %add3A, %add3A_17 : vector<512x128xf32>
    %swap3A = arith.constant 0 : index
    %swap3A_19 = arith.constant 0 : index
    %swap3A_20 = vector.load %arg6[%swap3A, %swap3A_19] : memref<512x128xf32, #tpu.memory_space<vmem>>, vector<512x128xf32>
    tpu.vector_store %arg6[%swap3A, %swap3A_19], %add3A_18 {strides = array<i32>} : memref<512x128xf32, #tpu.memory_space<vmem>>, vector<512x128xf32>,
    return
  }
  func.func @transform_0(%arg0: i32) -> (i32, i32) {
    %c0_i32 = arith.constant 0 : i32
    %c0_i32_0 = arith.constant 0 : i32
    return %arg0, %c0_i32 : i32, i32
  }
  func.func @transform_1(%arg0: i32) -> (i32, i32) {
    %c0_i32 = arith.constant 0 : i32
    %c0_i32_0 = arith.constant 0 : i32
    return %arg0, %c0_i32 : i32, i32
  }
  func.func @transform_2(%arg0: i32) -> (i32, i32) {
    %c0_i32 = arith.constant 0 : i32
    %c0_i32_0 = arith.constant 0 : i32
    %c0_i32_1 = arith.constant 0 : i32
    return %c0_i32, %c0_i32_0 : i32, i32
  }
  func.func @transform_3(%arg0: i32) -> (i32, i32) {
    %c0_i32 = arith.constant 0 : i32
    %c0_i32_0 = arith.constant 0 : i32
    %c0_i32_1 = arith.constant 0 : i32
    return %c0_i32, %c0_i32_0 : i32, i32
  }
  func.func @transform_4(%arg0: i32) -> (i32, i32) {
    %c0_i32 = arith.constant 0 : i32
    %c0_i32_0 = arith.constant 0 : i32
    %c0_i32_1 = arith.constant 0 : i32
    return %c0_i32, %c0_i32_0 : i32, i32
  }
  func.func @transform_5(%arg0: i32) -> (i32, i32) {
    %c0_i32 = arith.constant 0 : i32
    %c0_i32_0 = arith.constant 0 : i32
    return %arg0, %c0_i32 : i32, i32
  }
}

</mosaic_0001>

<sc_bundles>
// kernel: kernel.15.cloned.1.call-start
scs
__scs_entry_jumppad:
0x0: {  	(pc) =	sbr.rel $0x88, $3  }
0x1: {  	(tag) =	ssettag $0x0;
	lr =	simm.s32 $0x1  }
0x2: {  	[smem:$0x3F95] =	sst lr;
	_ =	strace $0xD0000000  }
0x3: {  	_ = 	snop  }
0x4: {  	_ = 	snop  }
0x5: {  	_ = 	snop  }
0x6: {  	_ = 	snop  }
0x7: {  	_ = 	snop  }
__scs_overlays_trampoline_lowered:
0x8: {  	[smem:$0x3FA4] =	sst s0  }
0x9: {  	[smem:$0x3FA5] =	sst s1  }
0xa: {  	[smem:$0x3FA6] =	sst s2  }
0xb: {  	[smem:$0x3FA7] =	sst s3  }
0xc: {  	[smem:$0x3FA8] =	sst s4  }
0xd: {  	[smem:$0x3FA9] =	sst s5  }
0xe: {  	[smem:$0x3FAA] =	sst s6  }
0xf: {  	[smem:$0x3FAB] =	sst s7  }
0x10: {  	[smem:$0x3FAC] =	sst s8  }
0x11: {  	[smem:$0x3FAD] =	sst s9;
	s0 =	simm.s32 @!p0 $0x0  }
0x12: {  	s1 =	sld [smem:$0x3F93];
	s0 =	simm.s32 @p0 $0x1  }
0x13: {  	[smem:$0x3FAE] =	sst s0;
	s0 =	simm.s32 @!p1 $0x0  }
0x14: {  	s2 =	sld [smem:$0x3F92];
	s0 =	simm.s32 @p1 $0x1  }
0x15: {  	[smem:$0x3FAF] =	sst s0;
	s0 =	simm.s32 @!p2 $0x0  }
0x16: {  	s3 =	sld [smem:$0x3FDB];
	s0 =	simm.s32 @p2 $0x1  }
0x17: {  	s4 =	simm.s32 $0x1BF5;
	[smem:$0x3FB1] =	sst s0  }
0x18: {  	s0 =	sld [smem:$0x3F94];
	_ =	swait.ge [sflag:s4], $0x0  }
0x19: {  	s7 =	sld [smem:$0x3F95]  }
0x1a: {  	s8 =	sadd.s32 $0xFFFFE003, lr  }
0x1b: {  	s9 =	sadd.s32 $0xFFFFFEF7, lr;
	s5 =	simm.s32 $0xFFFFFFFF;
	p2 =	slt.u32 s8, $0xFFFFF086  }
0x1c: {  	p1 =	slt.u32 s9, $0xF7A;
	s5 =	simm.s32 @!p2 $0x0  }
0x1d: {  	s5 =	simm.s32 @p1 $0x1;
	p0 =	seq.s32 s7, s2  }
0x1e: {  	s7 =	smul.u32 @!p0 $0xF7A, s2;
	p2 =	seq.s32 @!p0 s5, $0x0  }
0x1f: {  	s9 =	smul.u32 $0xF7A, s1;
	s8 =	simm.s32 @!p0 $0x1BF5;
	p2 =	por !p2, p0  }
0x20: {  	[sflag:s8] =	ssyncset.s32 @!p0 $0xFFFFF086;
	s6 =	sadd.s32 @!p0 s3, s7;
	s7 =	simm.s32 @!p0 $0x108  }
0x21: {  	s3 =	sadd.s32 s3, s9;
	s6 =	sadd.s32 @!p0 $0x88, s6;
	s7 =	simm.s32 @p2 $0x1082  }
0x22: {  	[simem:s7], [sflag:s8] =	dma.local @!p0 [hbm:s6], $0xF7A  }
0x23: {  	s9 =	sor.u32 $0xD0000000, s2;
	s6 =	simm.s32 $0x108;
	_ =	swait.ge @!p0 [sflag:s8], $0x0  }
0x24: {  	s3 =	sadd.s32 $0x88, s3;
	s6 =	simm.s32 @!p1 $0x1082;
	[sflag:s4] =	ssyncset.s32 $0xFFFFF086  }
0x25: {  	[simem:s6], [sflag:s4] =	dma.local [hbm:s3], $0xF7A  }
0x26: {  	[smem:$0x3F95] =	sst s1;
	(tag) =	ssettag s2;
	_ =	strace s9  }
0x27: {  	s1 =	sld [smem:$0x3FA5]  }
0x28: {  	s2 =	sld [smem:$0x3FA6]  }
0x29: {  	s4 =	sld [smem:$0x3FA8]  }
0x2a: {  	p0 =	seq.s32 s5, $0x0;
	s5 =	sld [smem:$0x3FA9]  }
0x2b: {  	s6 =	sld [smem:$0x3FAA]  }
0x2c: {  	s7 =	sld [smem:$0x3FAB]  }
0x2d: {  	s3 =	simm.s32 $0x108;
	s8 =	sld [smem:$0x3FAC]  }
0x2e: {  	s3 =	simm.s32 @!p0 $0x1082;
	s9 =	sld [smem:$0x3FAD]  }
0x2f: {  	lr =	sadd.s32 s0, s3;
	s0 =	sld [smem:$0x3FA4]  }
0x30: {  	s3 =	sld [smem:$0x3FA7]  }
0x31: {  	[smem:$0x3FB0] =	sst s10  }
0x32: {  	s10 =	sld [smem:$0x3FAE];
	_ =	sdelay $0x3  }
0x33: {  	p0 =	seq.s32 s10, $0x1;
	s10 =	sld [smem:$0x3FB0];
	_ =	sdelay $0x3  }
0x34: {  	[smem:$0x3FB0] =	sst s10  }
0x35: {  	s10 =	sld [smem:$0x3FAF];
	_ =	sdelay $0x3  }
0x36: {  	p1 =	seq.s32 s10, $0x1;
	s10 =	sld [smem:$0x3FB0];
	_ =	sdelay $0x3  }
0x37: {  	[smem:$0x3FB0] =	sst s10  }
0x38: {  	s10 =	sld [smem:$0x3FB1]  }
0x39: {  	_ = 	snop;
	(pc) =	sbr.ind lr, $3  }
0x3a: {  	_ = 	snop  }
0x3b: {  	_ = 	snop  }
0x3c: {  	p2 =	seq.s32 s10, $0x1;
	s10 =	sld [smem:$0x3FB0]  }
0x3d: {  	_ =	shalt  }
0x3e: {  	_ =	shalt  }
0x3f: {  	_ =	shalt  }
0x40: {  	_ =	shalt  }
0x41: {  	_ =	shalt  }
0x42: {  	_ =	shalt  }
0x43: {  	_ =	shalt  }
0x44: {  	_ =	shalt  }
0x45: {  	_ =	shalt  }
0x46: {  	_ =	shalt  }
0x47: {  	_ =	shalt  }
0x48: {  	_ =	shalt  }
0x49: {  	_ =	shalt  }
0x4a: {  	_ =	shalt  }
0x4b: {  	_ =	shalt  }
0x4c: {  	_ =	shalt  }
0x4d: {  	_ =	shalt  }
0x4e: {  	_ =	shalt  }
0x4f: {  	_ =	shalt  }
0x50: {  	_ =	shalt  }
0x51: {  	_ =	shalt  }
0x52: {  	_ =	shalt  }
0x53: {  	_ =	shalt  }
0x54: {  	_ =	shalt  }
0x55: {  	_ =	shalt  }
0x56: {  	_ =	shalt  }
0x57: {  	_ =	shalt  }
0x58: {  	_ =	shalt  }
0x59: {  	_ =	shalt  }
0x5a: {  	_ =	shalt  }
0x5b: {  	_ =	shalt  }
0x5c: {  	_ =	shalt  }
0x5d: {  	_ =	shalt  }
0x5e: {  	_ =	shalt  }
0x5f: {  	_ =	shalt  }
0x60: {  	_ =	shalt  }
0x61: {  	_ =	shalt  }
0x62: {  	_ =	shalt  }
0x63: {  	_ =	shalt  }
0x64: {  	_ =	shalt  }
0x65: {  	_ =	shalt  }
0x66: {  	_ =	shalt  }
0x67: {  	_ =	shalt  }
0x68: {  	_ =	shalt  }
0x69: {  	_ =	shalt  }
0x6a: {  	_ =	shalt  }
0x6b: {  	_ =	shalt  }
0x6c: {  	_ =	shalt  }
0x6d: {  	_ =	shalt  }
0x6e: {  	_ =	shalt  }
0x6f: {  	_ =	shalt  }
0x70: {  	_ =	shalt  }
0x71: {  	_ =	shalt  }
0x72: {  	_ =	shalt  }
0x73: {  	_ =	shalt  }
0x74: {  	_ =	shalt  }
0x75: {  	_ =	shalt  }
0x76: {  	_ =	shalt  }
0x77: {  	_ =	shalt  }
0x78: {  	_ =	shalt  }
0x79: {  	_ =	shalt  }
0x7a: {  	_ =	shalt  }
0x7b: {  	_ =	shalt  }
0x7c: {  	_ =	shalt  }
0x7d: {  	_ =	shalt  }
0x7e: {  	_ =	shalt  }
0x7f: {  	_ =	shalt  }
0x80: {  	_ =	shalt  }
0x81: {  	_ =	shalt  }
0x82: {  	_ =	shalt  }
0x83: {  	_ =	shalt  }
0x84: {  	_ =	shalt  }
0x85: {  	_ =	shalt  }
0x86: {  	_ =	shalt  }
0x87: {  	_ =	shalt  }
.Lfunc_end0:
.L_simem_size_0:
called_computation_lowered:
.L_overlay_start_0:
0x88: {  	s2 =	sld [smem:$0x3FD9]  }
0x89: {  	s3 =	sld [smem:$0x3FFE];
	_ =	sdelay $0x1  }
0x8a: {  	s1 =	srdreg.scid  }
0x8b: {  	s0 =	sand.u32 $0x1, s1  }
0x8c: {  	s17 =	sshll.u32 s0, $0xA;
	s2 =	sadd.s32 s3, s2  }
0x8d: {  	s2 =	sadd.s32 s2, s17  }
0x8e: {  	[smem:$0x3FBC] =	sst s2  }
0x8f: {  	_ = 	snop  }
0x90: {  	s18 =	sld [smem:$0x3FD0];
	(tm) =	ssettm $0x1  }
0x91: {  	s19 =	sld [smem:$0x3FFB];
	_ =	sdelay $0x3  }
0x92: {  	_ =	strace s19  }
0x93: {  	s2 =	sld [smem:$0x3FFC];
	_ =	sdelay $0x3  }
0x94: {  	_ =	strace s2  }
0x95: {  	s2 =	sld [smem:$0x3FFD];
	_ =	sdelay $0x3  }
0x96: {  	_ =	strace s2  }
0x97: {  	_ =	strace $0x8FFFFFFF  }
0x98: {  	s20 =	sld [smem:$0x3FDB];
	_ =	sdelay $0x1  }
0x99: {  	s4 =	simm.s32 $_scs_section_size  }
0x9a: {  	s5 =	simm.s32 $_size__tile_overlayer_lowered;
	s6 =	simm.s32 $_tile_overlayer_lowered  }
0x9b: {  	s7 =	simm.s32 $0x1BFF;
	s21 =	sshll.u32 s6, $0x1;
	s4 =	sadd.s32 s4, s20  }
0x9c: {  	s22 =	simm.s32 $0x0;
	s5 =	sshll.u32 s5, $0x1;
	s6 =	sadd.s32 s21, s4  }
0x9d: {  	[timem:s22], [sflag:s7] =	dma.local [hbm:s6], s5  }
0x9e: {  	_ =	swait.ge [sflag:s7], s5  }
0x9f: {  	s5 =	ssub.s32 $0x0, s5;
	[sflag:s7] =	ssyncset.done $0x0  }
0xa0: {  	[sflag:s7] =	ssyncadd.s32 s5;
	_ =	sdelay $0x1  }
0xa1: {  	s23 =	simm.s32 $0x1B8B  }
0xa2: {  	_ =	swait.ge [sflag:s23], $0x1  }
0xa3: {  	[sflag:s23] =	ssyncset.done $0x0  }
0xa4: {  	[sflag:s23] =	ssyncadd.s32 $0xFFFFFFFF  }
0xa5: {  	s5 =	sld [smem:$0x0]  }
0xa6: {  	s6 =	sand.u32 $0xFFFFFFFE, s1  }
0xa7: {  	p0 =	sne.s32 s1, s6  }
0xa8: {  	s6 =	sshll.u32 @p0 s6, $0xE  }
0xa9: {  	s6 =	sadd.s32 @p0 $0x11B8D, s6;
	s7 =	sshll.u32 @p0 s5, $0x11  }
0xaa: {  	s6 =	sor.u32 @p0 s7, s6  }
0xab: {  	[sflag:s6] =	ssyncadd.remote.s32 @p0 $0x1;
	_ =	sdelay $0x1  }
0xac: {  	s6 =	simm.s32 @p0 $0x1B8D  }
0xad: {  	_ =	swait.eq @p0 [sflag:s6], $0x1  }
0xae: {  	[sflag:s6] =	ssyncadd.s32 @p0 $0xFFFFFFFF  }
0xaf: {  	s7 =	sshll.u32 @!p0 s1, $0xE  }
0xb0: {  	s7 =	sor.u32 @!p0 $0x4000, s7;
	s6 =	simm.s32 @!p0 $0x1B8D  }
0xb1: {  	s5 =	sshll.u32 @!p0 s5, $0x11;
	s7 =	sadd.s32 @!p0 $0x11B8D, s7;
	_ =	swait.eq @!p0 [sflag:s6], $0x1  }
0xb2: {  	s5 =	sor.u32 @!p0 s5, s7;
	[sflag:s6] =	ssyncadd.s32 @!p0 $0xFFFFFFFF  }
0xb3: {  	s25 =	simm.s32 $0x1B8E;
	s24 =	sld [smem:$0x3FFE];
	[sflag:s5] =	ssyncadd.remote.s32 @!p0 $0x1  }
0xb4: {  	s26 =	simm.s32 $execute0_lowered;
	[smem:$0x3FD2] =	sst s25  }
0xb5: {  	s6 =	sshll.u32 s26, $0x1;
	_ =	strace $0x80000049;
	[dreg:$0x1] =	wrdreg $0xFFFFFFFF  }
0xb6: {  	s28 =	simm.s32 $_size_execute0_lowered;
	s4 =	sadd.s32 s4, s6;
	[dreg:$0x0] =	wrdreg $0x0  }
0xb7: {  	s6 =	sshll.u32 s28, $0x1;
	[dreg:$0x2] =	wrdreg s4  }
0xb8: {  	[dreg:$0x3] =	wrdreg s6  }
0xb9: {  	[dreg:$0x4] =	wrdreg $0xC0  }
0xba: {  	_ =	task [dreg:s22], $0x5FFFF  }
0xbb: {  	[dreg:$0x1] =	wrdreg $0xFFFFFFFF  }
0xbc: {  	[dreg:$0x0] =	wrdreg $0x60  }
0xbd: {  	[dreg:$0x2] =	wrdreg s18  }
0xbe: {  	[dreg:$0x3] =	wrdreg s24  }
0xbf: {  	[dreg:$0x4] =	wrdreg $0x50000  }
0xc0: {  	[dreg:$0x5] =	wrdreg $0x9  }
0xc1: {  	_ =	task.clear_ibuf [dreg:s22], $0x6FFFF;
	_ =	strace $0x90000049  }
0xc2: {  	s29 =	simm.s32 $0x9;
	_ =	strace $0x8000004B  }
0xc3: {  	_ =	swait.ge [sflag:s29], $0x1  }
0xc4: {  	[sflag:s29] =	ssyncadd.s32 $0xFFFFFFFF  }
0xc5: {  	_ =	strace $0x9000004B  }
0xc6: {  	_ =	sfence  }
0xc7: {  	s30 =	sld [smem:$0x0];
	_ =	sdelay $0x2  }
0xc8: {  	s31 =	sshll.u32 s1, $0xD;
	s1 =	sshrl.u32 s1, $0x2  }
0xc9: {  	s4 =	sand.u32 $0x4000, s31;
	s1 =	sadd.s32 s1, s30  }
0xca: {  	s0 =	sor.u32 s4, s0;
	s1 =	sshll.u32 s1, $0x11  }
0xcb: {  	s0 =	sor.u32 s1, s0  }
0xcc: {  	s0 =	sadd.s32 $0x8F2B, s0  }
0xcd: {  	[sflag:s0] =	ssyncadd.remote.s32 $0x1  }
0xce: {  	_ =	sfence.sel $0xFFFF  }
0xcf: {  	[dreg:$0x0] =	wrdreg $0xFFFFFFFF;
	(pc) =	sbr.abs _section_cstart, $3  }
0xd0: {  	[dreg:$0x1] =	wrdreg $0xFFFFFFFF  }
0xd1: {  	_ =	task.clear_ibuf [dreg:s22], $0x2FFFF;
	_ =	strace $0x9FFFFFFF  }
0xd2: {  	(tm) =	ssettm $0x7FFFFFFF  }
0xd3: {  	_ =	shalt  }
tec
execute0_lowered:
.L_overlay_start_1:
0x0: {  	(tag) =	ssettag $0x1  }
0x1: {  	s7 =	rddreg [dreg:$0x0]  }
0x2: {  	s5 =	rddreg [dreg:$0x1]  }
0x3: {  	s2 =	rddreg [dreg:$0x2]  }
0x4: {  	s0 =	rddreg [dreg:$0x3];
	s3 =	simm.s32 $0x0  }
0x5: {  	s1 =	stileid.u32;
	s4 =	srdreg.scid;
	s16 =	simm.s32 $0x1000  }
0x6: {  	s17 =	simm.s32 $0x80;
	s18 =	simm.s32 $0x0;
	s6 =	smul.u32 $0x2800, s1  }
0x7: {  	[smem:$0x7FF] =	sst s3;
	s14 =	sand.u32 $0x1, s4;
	s9 =	smul.u32 $0x50000, s1  }
0x8: {  	s4 =	sadd.s32 $0xD9C00, s5;
	s11 =	smul.u32 $0x5000, s1;
	s30 =	sshll.u32 s1, $0x6  }
0x9: {  	_ =	strace $0x8000004A;
	s8 =	ssub.s32 $0x2, s14;
	p0 =	sne.s32 s14, $0x0  }
0xa: {  	s10 =	sshrl.u32 s8, $0x1;
	s12 =	sadd.s32 s6, s5;
	s29 =	sshrl.u32 s9, $0x2  }
.Ltmp0:
0xb: {  	s31 =	sshrl.u32 s11, $0x3;
	s6 =	sor.u32 $0x1C01, s30;
	(pc) =	sbr.rel .LBB2_1-.Ltmp0, $4  }
0xc: {  	s10 =	ssub.s32 s8, s10;
	s15 =	sadd.s32 s29, s2;
	s5 =	sadd.s32 $0x61C00, s12  }
0xd: {  	s7 =	sadd.s32 s7, s31;
	s8 =	sadd.s32 $0xDA400, s12;
	s9 =	smax.u32 s10, $0x1  }
0xe: {  	s10 =	sadd.s32 $0x200, s7;
	s11 =	sadd.s32 $0x400, s7;
	s12 =	sadd.s32 $0x600, s7  }
0xf: {  	s13 =	sadd.s32 $0x800, s7;
	s14 =	sshrl.u32 s15, $0x3;
	s15 =	simm.s32 $0x1  }
.LBB2_13:
0x10: {  	[bflag:$0x0] =	sbarrier.arrive $0xFFFF  }
.LBB2_14:
0x11: {  	s18 =	sadd.s32 $0x1, s18  }
0x12: {  	p1 =	sne.s32 s18, s9  }
.Ltmp1:
0x13: {  	_ = 	snop;
	(pc) =	sbr.rel @!p1 .LBB2_15-.Ltmp1, $1  }
0x14: {  	_ =	sdelay $0x3  }
.LBB2_1:
0x15: {  	[spmem:s14], [sflag:s6] =	dma.local [hbm:s5], $0x2800  }
0x16: {  	_ =	swait.ge [sflag:s15], $0x2800  }
0x17: {  	[sflag:s15] =	ssyncset.done $0x0  }
0x18: {  	[sflag:s15] =	ssyncadd.s32 $0xFFFFD800  }
0x19: {  	[tilespmem:s16], [sflag:$0x1] =	stream.linear.gather [hbm4b:s4+s3], $0x4000, $0x38;
	[tilespmem:$0x19000] =	vst v63  }
.Ltmp2:
0x1a: {  	_ =	swait.ge [sflag:s15], $0x4000;
	(pc) =	sbr.rel @p0 .LBB2_13-.Ltmp2, $3  }
0x1b: {  	[sflag:s15] =	ssyncset.done $0x0  }
0x1c: {  	[sflag:s15] =	ssyncadd.s32 $0xFFFFC000  }
0x1d: {  	[bflag:$0x0] =	sbarrier.arrive $0xFFFF;
	_ =	sdelay $0x1  }
0x1e: {  	s19 =	simm.s32 $0x0  }
0x1f: {  	[tilespmem:s19], [sflag:$0x1] =	stream.linear.gather [hbm4b:s7+s19], $0x1000, $0x38;
	[tilespmem:$0x19000] =	vst v63  }
0x20: {  	_ =	swait.ge [sflag:s15], $0x1000  }
0x21: {  	[sflag:s15] =	ssyncset.done $0x0  }
0x22: {  	s31 =	simm.s32 $0x0;
	[sflag:s15] =	ssyncadd.s32 $0xFFFFF000  }
0x23: {  	[spmem:s2] =	stream.indirect.scatter.add.f32 [tilespmem:s16], [sflag:$0x1], $0x80, s31, s17, $0xb8;
	[tilespmem:$0x19000] =	vst v63  }
0x24: {  	_ =	swait.ge [sflag:s15], $0x4000  }
0x25: {  	s19 =	simm.s32 $0x200;
	[sflag:s15] =	ssyncset.done $0x0  }
.LBB2_3:
0x26: {  	s20 =	sshra.s32 s19, $0x2;
	[sflag:s15] =	ssyncadd.s32 $0xFFFFC000;
	p1 =	sne.s32 s19, $0x3E00  }
0x27: {  	[spmem:s2] =	stream.indirect.scatter.add.f32 [tilespmem:s16], [sflag:$0x1], $0x80, s20, s17, $0xb8;
	[tilespmem:$0x19000] =	vst v63  }
.Ltmp3:
0x28: {  	_ = 	snop;
	(pc) =	sbr.rel @p1 .LBB2_3-.Ltmp3, $4  }
0x29: {  	_ = 	snop  }
0x2a: {  	s19 =	sadd.s32 $0x200, s19  }
0x2b: {  	_ =	swait.ge [sflag:s15], $0x4000  }
0x2c: {  	[sflag:s15] =	ssyncset.done $0x0  }
0x2d: {  	[sflag:s15] =	ssyncadd.s32 $0xFFFFC000;
	s19 =	simm.s32 $0x0  }
0x2e: {  	[tilespmem:s19], [sflag:$0x1] =	stream.linear.gather [hbm4b:s10+s19], $0x1000, $0x38;
	[tilespmem:$0x19000] =	vst v63  }
0x2f: {  	_ =	swait.ge [sflag:s15], $0x1000  }
0x30: {  	[sflag:s15] =	ssyncset.done $0x0  }
0x31: {  	s31 =	simm.s32 $0x0;
	[sflag:s15] =	ssyncadd.s32 $0xFFFFF000  }
0x32: {  	[spmem:s2] =	stream.indirect.scatter.add.f32 [tilespmem:s16], [sflag:$0x1], $0x80, s31, s17, $0xb8;
	[tilespmem:$0x19000] =	vst v63  }
0x33: {  	_ =	swait.ge [sflag:s15], $0x4000  }
0x34: {  	s19 =	simm.s32 $0x200;
	[sflag:s15] =	ssyncset.done $0x0  }
.LBB2_5:
0x35: {  	s20 =	sshra.s32 s19, $0x2;
	[sflag:s15] =	ssyncadd.s32 $0xFFFFC000;
	p1 =	sne.s32 s19, $0x3E00  }
0x36: {  	[spmem:s2] =	stream.indirect.scatter.add.f32 [tilespmem:s16], [sflag:$0x1], $0x80, s20, s17, $0xb8;
	[tilespmem:$0x19000] =	vst v63  }
.Ltmp4:
0x37: {  	_ = 	snop;
	(pc) =	sbr.rel @p1 .LBB2_5-.Ltmp4, $4  }
0x38: {  	_ = 	snop  }
0x39: {  	s19 =	sadd.s32 $0x200, s19  }
0x3a: {  	_ =	swait.ge [sflag:s15], $0x4000  }
0x3b: {  	[sflag:s15] =	ssyncset.done $0x0  }
0x3c: {  	[sflag:s15] =	ssyncadd.s32 $0xFFFFC000;
	s19 =	simm.s32 $0x0  }
0x3d: {  	[tilespmem:s19], [sflag:$0x1] =	stream.linear.gather [hbm4b:s11+s19], $0x1000, $0x38;
	[tilespmem:$0x19000] =	vst v63  }
0x3e: {  	_ =	swait.ge [sflag:s15], $0x1000  }
0x3f: {  	[sflag:s15] =	ssyncset.done $0x0  }
0x40: {  	s31 =	simm.s32 $0x0;
	[sflag:s15] =	ssyncadd.s32 $0xFFFFF000  }
0x41: {  	[spmem:s2] =	stream.indirect.scatter.add.f32 [tilespmem:s16], [sflag:$0x1], $0x80, s31, s17, $0xb8;
	[tilespmem:$0x19000] =	vst v63  }
0x42: {  	_ =	swait.ge [sflag:s15], $0x4000  }
0x43: {  	s19 =	simm.s32 $0x200;
	[sflag:s15] =	ssyncset.done $0x0  }
.LBB2_7:
0x44: {  	s20 =	sshra.s32 s19, $0x2;
	[sflag:s15] =	ssyncadd.s32 $0xFFFFC000;
	p1 =	sne.s32 s19, $0x3E00  }
0x45: {  	[spmem:s2] =	stream.indirect.scatter.add.f32 [tilespmem:s16], [sflag:$0x1], $0x80, s20, s17, $0xb8;
	[tilespmem:$0x19000] =	vst v63  }
.Ltmp5:
0x46: {  	_ = 	snop;
	(pc) =	sbr.rel @p1 .LBB2_7-.Ltmp5, $4  }
0x47: {  	_ = 	snop  }
0x48: {  	s19 =	sadd.s32 $0x200, s19  }
0x49: {  	_ =	swait.ge [sflag:s15], $0x4000  }
0x4a: {  	[sflag:s15] =	ssyncset.done $0x0  }
0x4b: {  	[sflag:s15] =	ssyncadd.s32 $0xFFFFC000;
	s19 =	simm.s32 $0x0  }
0x4c: {  	[tilespmem:s19], [sflag:$0x1] =	stream.linear.gather [hbm4b:s12+s19], $0x1000, $0x38;
	[tilespmem:$0x19000] =	vst v63  }
0x4d: {  	_ =	swait.ge [sflag:s15], $0x1000  }
0x4e: {  	[sflag:s15] =	ssyncset.done $0x0  }
0x4f: {  	s31 =	simm.s32 $0x0;
	[sflag:s15] =	ssyncadd.s32 $0xFFFFF000  }
0x50: {  	[spmem:s2] =	stream.indirect.scatter.add.f32 [tilespmem:s16], [sflag:$0x1], $0x80, s31, s17, $0xb8;
	[tilespmem:$0x19000] =	vst v63  }
0x51: {  	_ =	swait.ge [sflag:s15], $0x4000  }
0x52: {  	s19 =	simm.s32 $0x200;
	[sflag:s15] =	ssyncset.done $0x0  }
.LBB2_9:
0x53: {  	s20 =	sshra.s32 s19, $0x2;
	[sflag:s15] =	ssyncadd.s32 $0xFFFFC000;
	p1 =	sne.s32 s19, $0x3E00  }
0x54: {  	[spmem:s2] =	stream.indirect.scatter.add.f32 [tilespmem:s16], [sflag:$0x1], $0x80, s20, s17, $0xb8;
	[tilespmem:$0x19000] =	vst v63  }
.Ltmp6:
0x55: {  	_ = 	snop;
	(pc) =	sbr.rel @p1 .LBB2_9-.Ltmp6, $4  }
0x56: {  	_ = 	snop  }
0x57: {  	s19 =	sadd.s32 $0x200, s19  }
0x58: {  	_ =	swait.ge [sflag:s15], $0x4000  }
0x59: {  	[sflag:s15] =	ssyncset.done $0x0  }
0x5a: {  	[sflag:s15] =	ssyncadd.s32 $0xFFFFC000;
	s19 =	simm.s32 $0x0  }
0x5b: {  	[tilespmem:s19], [sflag:$0x1] =	stream.linear.gather [hbm4b:s13+s19], $0x1000, $0x38;
	[tilespmem:$0x19000] =	vst v63  }
0x5c: {  	_ =	swait.ge [sflag:s15], $0x1000  }
0x5d: {  	[sflag:s15] =	ssyncset.done $0x0  }
0x5e: {  	s31 =	simm.s32 $0x0;
	[sflag:s15] =	ssyncadd.s32 $0xFFFFF000  }
0x5f: {  	[spmem:s2] =	stream.indirect.scatter.add.f32 [tilespmem:s16], [sflag:$0x1], $0x80, s31, s17, $0xb8;
	[tilespmem:$0x19000] =	vst v63  }
0x60: {  	_ =	swait.ge [sflag:s15], $0x4000  }
0x61: {  	s19 =	simm.s32 $0x200;
	[sflag:s15] =	ssyncset.done $0x0  }
.LBB2_11:
0x62: {  	s20 =	sshra.s32 s19, $0x2;
	[sflag:s15] =	ssyncadd.s32 $0xFFFFC000;
	p1 =	sne.s32 s19, $0x3E00  }
0x63: {  	[spmem:s2] =	stream.indirect.scatter.add.f32 [tilespmem:s16], [sflag:$0x1], $0x80, s20, s17, $0xb8;
	[tilespmem:$0x19000] =	vst v63  }
.Ltmp7:
0x64: {  	_ = 	snop;
	(pc) =	sbr.rel @p1 .LBB2_11-.Ltmp7, $4  }
0x65: {  	_ = 	snop  }
0x66: {  	s19 =	sadd.s32 $0x200, s19  }
0x67: {  	_ =	swait.ge [sflag:s15], $0x4000  }
0x68: {  	[sflag:s15] =	ssyncset.done $0x0  }
0x69: {  	[sflag:s15] =	ssyncadd.s32 $0xFFFFC000  }
.Ltmp8:
0x6a: {  	[bflag:$0x0] =	sbarrier.arrive $0xFFFF;
	(pc) =	sbr.rel .LBB2_14-.Ltmp8, $4  }
0x6b: {  	[hbm:s8], [sflag:s6] =	dma.local [spmem:s14], $0x2800  }
0x6c: {  	_ =	swait.ge [sflag:s15], $0x2800  }
0x6d: {  	[sflag:s15] =	ssyncset.done $0x0  }
0x6e: {  	[sflag:s15] =	ssyncadd.s32 $0xFFFFD800  }
.LBB2_15:
0x6f: {  	_ =	sfence.sel $0x180000  }
0x70: {  	[bflag:$0x0] =	sbarrier.arrive $0xFFFF  }
0x71: {  	p0 =	sne.s32 s1, $0x0;
	_ =	strace $0x9000004A  }
0x72: {  	s0 =	sadd.s32 @!p0 $0x100000, s0;
	[bflag:$0x2] =	sbarrier.arrive $0xFFFF  }
0x73: {  	[sflag:s0] =	ssyncadd.tile.s32 @!p0 $0x1;
	_ =	shalt  }
.Lfunc_end2:
_tile_overlayer_lowered:
.L_overlay_start_2:
0x74: {  	(tag) =	ssettag $0x2  }
0x75: {  	s0 =	rddreg [dreg:$0x0];
	s2 =	stileid.u32  }
0x76: {  	s1 =	rddreg [dreg:$0x1];
	p0 =	sne.s32 s2, $0x0  }
0x77: {  	s3 =	rddreg [dreg:$0x2];
	[bflag:$0x3] =	sbarrier.arrive $0xFFFF;
	s2 =	simm.s32 @!p0 $0x1C01  }
0x78: {  	[timem:s3], [sflag:s2] =	dma.local @!p0 [hbm:s0], s1  }
0x79: {  	s0 =	simm.s32 @!p0 $0x1  }
0x7a: {  	_ =	swait.ge @!p0 [sflag:s0], s1  }
0x7b: {  	s1 =	ssub.s32 @!p0 $0x0, s1;
	[sflag:s0] =	ssyncset.done @!p0 $0x0  }
0x7c: {  	[sflag:s0] =	ssyncadd.s32 @!p0 s1  }
0x7d: {  	[bflag:$0x3] =	sbarrier.arrive $0xFFFF  }
0x7e: {  	_ =	shalt  }

// kernel: kernel.18.cloned.1.call-start
scs
__scs_entry_jumppad:
0x0: {  	(pc) =	sbr.rel $0x88, $3  }
0x1: {  	(tag) =	ssettag $0x0;
	lr =	simm.s32 $0x1  }
0x2: {  	[smem:$0x3F95] =	sst lr;
	_ =	strace $0xD0000000  }
0x3: {  	_ = 	snop  }
0x4: {  	_ = 	snop  }
0x5: {  	_ = 	snop  }
0x6: {  	_ = 	snop  }
0x7: {  	_ = 	snop  }
__scs_overlays_trampoline_lowered:
0x8: {  	[smem:$0x3FA4] =	sst s0  }
0x9: {  	[smem:$0x3FA5] =	sst s1  }
0xa: {  	[smem:$0x3FA6] =	sst s2  }
0xb: {  	[smem:$0x3FA7] =	sst s3  }
0xc: {  	[smem:$0x3FA8] =	sst s4  }
0xd: {  	[smem:$0x3FA9] =	sst s5  }
0xe: {  	[smem:$0x3FAA] =	sst s6  }
0xf: {  	[smem:$0x3FAB] =	sst s7  }
0x10: {  	[smem:$0x3FAC] =	sst s8  }
0x11: {  	[smem:$0x3FAD] =	sst s9;
	s0 =	simm.s32 @!p0 $0x0  }
0x12: {  	s1 =	sld [smem:$0x3F93];
	s0 =	simm.s32 @p0 $0x1  }
0x13: {  	[smem:$0x3FAE] =	sst s0;
	s0 =	simm.s32 @!p1 $0x0  }
0x14: {  	s2 =	sld [smem:$0x3F92];
	s0 =	simm.s32 @p1 $0x1  }
0x15: {  	[smem:$0x3FAF] =	sst s0;
	s0 =	simm.s32 @!p2 $0x0  }
0x16: {  	s3 =	sld [smem:$0x3FDB];
	s0 =	simm.s32 @p2 $0x1  }
0x17: {  	s4 =	simm.s32 $0x1BF5;
	[smem:$0x3FB1] =	sst s0  }
0x18: {  	s0 =	sld [smem:$0x3F94];
	_ =	swait.ge [sflag:s4], $0x0  }
0x19: {  	s7 =	sld [smem:$0x3F95]  }
0x1a: {  	s8 =	sadd.s32 $0xFFFFE003, lr  }
0x1b: {  	s9 =	sadd.s32 $0xFFFFFEF7, lr;
	s5 =	simm.s32 $0xFFFFFFFF;
	p2 =	slt.u32 s8, $0xFFFFF086  }
0x1c: {  	p1 =	slt.u32 s9, $0xF7A;
	s5 =	simm.s32 @!p2 $0x0  }
0x1d: {  	s5 =	simm.s32 @p1 $0x1;
	p0 =	seq.s32 s7, s2  }
0x1e: {  	s7 =	smul.u32 @!p0 $0xF7A, s2;
	p2 =	seq.s32 @!p0 s5, $0x0  }
0x1f: {  	s9 =	smul.u32 $0xF7A, s1;
	s8 =	simm.s32 @!p0 $0x1BF5;
	p2 =	por !p2, p0  }
0x20: {  	[sflag:s8] =	ssyncset.s32 @!p0 $0xFFFFF086;
	s6 =	sadd.s32 @!p0 s3, s7;
	s7 =	simm.s32 @!p0 $0x108  }
0x21: {  	s3 =	sadd.s32 s3, s9;
	s6 =	sadd.s32 @!p0 $0x88, s6;
	s7 =	simm.s32 @p2 $0x1082  }
0x22: {  	[simem:s7], [sflag:s8] =	dma.local @!p0 [hbm:s6], $0xF7A  }
0x23: {  	s9 =	sor.u32 $0xD0000000, s2;
	s6 =	simm.s32 $0x108;
	_ =	swait.ge @!p0 [sflag:s8], $0x0  }
0x24: {  	s3 =	sadd.s32 $0x88, s3;
	s6 =	simm.s32 @!p1 $0x1082;
	[sflag:s4] =	ssyncset.s32 $0xFFFFF086  }
0x25: {  	[simem:s6], [sflag:s4] =	dma.local [hbm:s3], $0xF7A  }
0x26: {  	[smem:$0x3F95] =	sst s1;
	(tag) =	ssettag s2;
	_ =	strace s9  }
0x27: {  	s1 =	sld [smem:$0x3FA5]  }
0x28: {  	s2 =	sld [smem:$0x3FA6]  }
0x29: {  	s4 =	sld [smem:$0x3FA8]  }
0x2a: {  	p0 =	seq.s32 s5, $0x0;
	s5 =	sld [smem:$0x3FA9]  }
0x2b: {  	s6 =	sld [smem:$0x3FAA]  }
0x2c: {  	s7 =	sld [smem:$0x3FAB]  }
0x2d: {  	s3 =	simm.s32 $0x108;
	s8 =	sld [smem:$0x3FAC]  }
0x2e: {  	s3 =	simm.s32 @!p0 $0x1082;
	s9 =	sld [smem:$0x3FAD]  }
0x2f: {  	lr =	sadd.s32 s0, s3;
	s0 =	sld [smem:$0x3FA4]  }
0x30: {  	s3 =	sld [smem:$0x3FA7]  }
0x31: {  	[smem:$0x3FB0] =	sst s10  }
0x32: {  	s10 =	sld [smem:$0x3FAE];
	_ =	sdelay $0x3  }
0x33: {  	p0 =	seq.s32 s10, $0x1;
	s10 =	sld [smem:$0x3FB0];
	_ =	sdelay $0x3  }
0x34: {  	[smem:$0x3FB0] =	sst s10  }
0x35: {  	s10 =	sld [smem:$0x3FAF];
	_ =	sdelay $0x3  }
0x36: {  	p1 =	seq.s32 s10, $0x1;
	s10 =	sld [smem:$0x3FB0];
	_ =	sdelay $0x3  }
0x37: {  	[smem:$0x3FB0] =	sst s10  }
0x38: {  	s10 =	sld [smem:$0x3FB1]  }
0x39: {  	_ = 	snop;
	(pc) =	sbr.ind lr, $3  }
0x3a: {  	_ = 	snop  }
0x3b: {  	_ = 	snop  }
0x3c: {  	p2 =	seq.s32 s10, $0x1;
	s10 =	sld [smem:$0x3FB0]  }
0x3d: {  	_ =	shalt  }
0x3e: {  	_ =	shalt  }
0x3f: {  	_ =	shalt  }
0x40: {  	_ =	shalt  }
0x41: {  	_ =	shalt  }
0x42: {  	_ =	shalt  }
0x43: {  	_ =	shalt  }
0x44: {  	_ =	shalt  }
0x45: {  	_ =	shalt  }
0x46: {  	_ =	shalt  }
0x47: {  	_ =	shalt  }
0x48: {  	_ =	shalt  }
0x49: {  	_ =	shalt  }
0x4a: {  	_ =	shalt  }
0x4b: {  	_ =	shalt  }
0x4c: {  	_ =	shalt  }
0x4d: {  	_ =	shalt  }
0x4e: {  	_ =	shalt  }
0x4f: {  	_ =	shalt  }
0x50: {  	_ =	shalt  }
0x51: {  	_ =	shalt  }
0x52: {  	_ =	shalt  }
0x53: {  	_ =	shalt  }
0x54: {  	_ =	shalt  }
0x55: {  	_ =	shalt  }
0x56: {  	_ =	shalt  }
0x57: {  	_ =	shalt  }
0x58: {  	_ =	shalt  }
0x59: {  	_ =	shalt  }
0x5a: {  	_ =	shalt  }
0x5b: {  	_ =	shalt  }
0x5c: {  	_ =	shalt  }
0x5d: {  	_ =	shalt  }
0x5e: {  	_ =	shalt  }
0x5f: {  	_ =	shalt  }
0x60: {  	_ =	shalt  }
0x61: {  	_ =	shalt  }
0x62: {  	_ =	shalt  }
0x63: {  	_ =	shalt  }
0x64: {  	_ =	shalt  }
0x65: {  	_ =	shalt  }
0x66: {  	_ =	shalt  }
0x67: {  	_ =	shalt  }
0x68: {  	_ =	shalt  }
0x69: {  	_ =	shalt  }
0x6a: {  	_ =	shalt  }
0x6b: {  	_ =	shalt  }
0x6c: {  	_ =	shalt  }
0x6d: {  	_ =	shalt  }
0x6e: {  	_ =	shalt  }
0x6f: {  	_ =	shalt  }
0x70: {  	_ =	shalt  }
0x71: {  	_ =	shalt  }
0x72: {  	_ =	shalt  }
0x73: {  	_ =	shalt  }
0x74: {  	_ =	shalt  }
0x75: {  	_ =	shalt  }
0x76: {  	_ =	shalt  }
0x77: {  	_ =	shalt  }
0x78: {  	_ =	shalt  }
0x79: {  	_ =	shalt  }
0x7a: {  	_ =	shalt  }
0x7b: {  	_ =	shalt  }
0x7c: {  	_ =	shalt  }
0x7d: {  	_ =	shalt  }
0x7e: {  	_ =	shalt  }
0x7f: {  	_ =	shalt  }
0x80: {  	_ =	shalt  }
0x81: {  	_ =	shalt  }
0x82: {  	_ =	shalt  }
0x83: {  	_ =	shalt  }
0x84: {  	_ =	shalt  }
0x85: {  	_ =	shalt  }
0x86: {  	_ =	shalt  }
0x87: {  	_ =	shalt  }
.Lfunc_end0:
.L_simem_size_0:
called_computation.1_lowered:
.L_overlay_start_0:
0x88: {  	s2 =	sld [smem:$0x3FD9]  }
0x89: {  	s3 =	sld [smem:$0x3FFE];
	_ =	sdelay $0x1  }
0x8a: {  	s1 =	srdreg.scid  }
0x8b: {  	s0 =	sand.u32 $0x1, s1  }
0x8c: {  	s17 =	sshll.u32 s0, $0xA;
	s2 =	sadd.s32 s3, s2  }
0x8d: {  	s2 =	sadd.s32 s2, s17  }
0x8e: {  	[smem:$0x3FBC] =	sst s2  }
0x8f: {  	_ = 	snop  }
0x90: {  	s2 =	sld [smem:$0x3FD0];
	(tm) =	ssettm $0x1  }
0x91: {  	s18 =	sld [smem:$0x3FFB];
	_ =	sdelay $0x3  }
0x92: {  	_ =	strace s18  }
0x93: {  	s3 =	sld [smem:$0x3FFC];
	_ =	sdelay $0x3  }
0x94: {  	_ =	strace s3  }
0x95: {  	s3 =	sld [smem:$0x3FFD];
	_ =	sdelay $0x3  }
0x96: {  	_ =	strace s3  }
0x97: {  	_ =	strace $0x8FFFFFFF  }
0x98: {  	s19 =	sld [smem:$0x3FDB];
	_ =	sdelay $0x1  }
0x99: {  	s4 =	simm.s32 $_scs_section_size  }
0x9a: {  	s5 =	simm.s32 $_size__tile_overlayer_lowered;
	s6 =	simm.s32 $_tile_overlayer_lowered  }
0x9b: {  	s22 =	simm.s32 $0x1BFF;
	s21 =	sshll.u32 s6, $0x1;
	s3 =	sadd.s32 s4, s19  }
0x9c: {  	s7 =	simm.s32 $0x0;
	s20 =	sshll.u32 s5, $0x1;
	s5 =	sadd.s32 s21, s3  }
0x9d: {  	[timem:s7], [sflag:s22] =	dma.local [hbm:s5], s20  }
0x9e: {  	_ =	swait.ge [sflag:s22], s20  }
0x9f: {  	s4 =	ssub.s32 $0x0, s20;
	[sflag:s22] =	ssyncset.done $0x0  }
0xa0: {  	[sflag:s22] =	ssyncadd.s32 s4;
	_ =	sdelay $0x1  }
0xa1: {  	s23 =	simm.s32 $0x1B8B  }
0xa2: {  	_ =	swait.ge [sflag:s23], $0x1  }
0xa3: {  	[sflag:s23] =	ssyncset.done $0x0  }
0xa4: {  	s25 =	simm.s32 $0x1B8E;
	s24 =	sld [smem:$0x3FFE];
	[sflag:s23] =	ssyncadd.s32 $0xFFFFFFFF  }
0xa5: {  	s26 =	simm.s32 $execute0_lowered;
	[smem:$0x3FD2] =	sst s25  }
0xa6: {  	s5 =	sshll.u32 s26, $0x1;
	_ =	strace $0x80000046;
	[dreg:$0x1] =	wrdreg $0xFFFFFFFF  }
0xa7: {  	s28 =	simm.s32 $_size_execute0_lowered;
	s3 =	sadd.s32 s3, s5;
	[dreg:$0x0] =	wrdreg $0x0  }
0xa8: {  	s5 =	sshll.u32 s28, $0x1;
	[dreg:$0x2] =	wrdreg s3  }
0xa9: {  	[dreg:$0x3] =	wrdreg s5  }
0xaa: {  	[dreg:$0x4] =	wrdreg $0xC0  }
0xab: {  	_ =	task [dreg:s7], $0x5FFFF  }
0xac: {  	[dreg:$0x1] =	wrdreg $0xFFFFFFFF  }
0xad: {  	[dreg:$0x0] =	wrdreg $0x60  }
0xae: {  	[dreg:$0x2] =	wrdreg s24  }
0xaf: {  	[dreg:$0x3] =	wrdreg s2  }
0xb0: {  	[dreg:$0x4] =	wrdreg $0xA0000  }
0xb1: {  	[dreg:$0x5] =	wrdreg $0xA  }
0xb2: {  	_ =	task.clear_ibuf [dreg:s7], $0x6FFFF;
	_ =	strace $0x90000046  }
0xb3: {  	s29 =	simm.s32 $0xA;
	_ =	strace $0x80000048  }
0xb4: {  	_ =	swait.ge [sflag:s29], $0x1  }
0xb5: {  	[sflag:s29] =	ssyncadd.s32 $0xFFFFFFFF  }
0xb6: {  	_ =	strace $0x90000048  }
0xb7: {  	_ =	sfence  }
0xb8: {  	s30 =	sld [smem:$0x0];
	_ =	sdelay $0x2  }
0xb9: {  	s31 =	sshll.u32 s1, $0xD;
	s1 =	sshrl.u32 s1, $0x2  }
0xba: {  	s3 =	sand.u32 $0x4000, s31;
	s1 =	sadd.s32 s1, s30  }
0xbb: {  	s0 =	sor.u32 s3, s0;
	s1 =	sshll.u32 s1, $0x11  }
0xbc: {  	s0 =	sor.u32 s1, s0  }
0xbd: {  	s0 =	sadd.s32 $0x8F2B, s0  }
0xbe: {  	[sflag:s0] =	ssyncadd.remote.s32 $0x1  }
0xbf: {  	_ =	sfence.sel $0xFFFF  }
0xc0: {  	[dreg:$0x0] =	wrdreg $0xFFFFFFFF;
	(pc) =	sbr.abs _section_cstart, $3  }
0xc1: {  	[dreg:$0x1] =	wrdreg $0xFFFFFFFF  }
0xc2: {  	_ =	task.clear_ibuf [dreg:s7], $0x2FFFF;
	_ =	strace $0x9FFFFFFF  }
0xc3: {  	(tm) =	ssettm $0x7FFFFFFF  }
tec
execute0_lowered:
.L_overlay_start_1:
0x0: {  	(tag) =	ssettag $0x1  }
0x1: {  	s10 =	rddreg [dreg:$0x0]  }
0x2: {  	s1 =	rddreg [dreg:$0x1]  }
0x3: {  	s2 =	rddreg [dreg:$0x2]  }
0x4: {  	s0 =	rddreg [dreg:$0x3]  }
0x5: {  	s4 =	simm.s32 $0x0;
	s3 =	stileid.u32;
	s9 =	srdreg.scid  }
0x6: {  	s17 =	simm.s32 $0x1000;
	s18 =	simm.s32 $0x80;
	s19 =	simm.s32 $0x2000  }
0x7: {  	s20 =	simm.s32 $0x6000;
	s21 =	simm.s32 $0x1;
	[smem:$0x7FF] =	sst s4  }
0x8: {  	s5 =	sadd.s32 $0x39C00, s10;
	s6 =	sadd.s32 $0x11C00, s10;
	s7 =	smul.u32 $0x2800, s3  }
0x9: {  	s8 =	sadd.s32 $0x7C00, s10;
	s15 =	sand.u32 $0x1, s9;
	s11 =	smul.u32 $0x50000, s3  }
0xa: {  	s9 =	sadd.s32 $0x89C00, s10;
	s31 =	sshll.u32 s3, $0x6;
	_ =	strace $0x80000047  }
.Ltmp0:
0xb: {  	s13 =	ssub.s32 $0x2, s15;
	p0 =	sne.s32 s15, $0x0;
	(pc) =	sbr.rel .LBB2_1-.Ltmp0, $4  }
0xc: {  	s12 =	sadd.s32 s7, s10;
	s14 =	sshrl.u32 s13, $0x1;
	s11 =	sshrl.u32 s11, $0x2  }
0xd: {  	s10 =	sadd.s32 $0xB1C00, s10;
	s14 =	ssub.s32 s13, s14;
	s16 =	sadd.s32 s11, s2  }
0xe: {  	s11 =	sadd.s32 $0x61C00, s12;
	s12 =	sor.u32 $0x1C02, s31;
	s13 =	smul.u32 $0x5000, s3  }
0xf: {  	s14 =	smax.u32 s14, $0x1;
	s15 =	sshrl.u32 s16, $0x3;
	s16 =	simm.s32 $0x2  }
.LBB2_10:
0x10: {  	s4 =	sadd.s32 $0x1, s4  }
0x11: {  	p1 =	sne.s32 s4, s14  }
.Ltmp1:
0x12: {  	s22 =	sadd.s32 s22, s7;
	[bflag:$0x0] =	sbarrier.arrive $0xFFFF;
	(pc) =	sbr.rel @!p1 .LBB2_11-.Ltmp1, $4  }
0x13: {  	[hbm:s22], [sflag:s12] =	dma.local [spmem:s15], $0x2800  }
0x14: {  	_ =	swait.ge [sflag:s16], $0x2800  }
0x15: {  	[sflag:s16] =	ssyncset.done $0x0  }
0x16: {  	[sflag:s16] =	ssyncadd.s32 $0xFFFFD800  }
.LBB2_1:
0x17: {  	[spmem:s15], [sflag:s12] =	dma.local [hbm:s11], $0x2800  }
.Ltmp2:
0x18: {  	_ =	swait.ge [sflag:s16], $0x2800;
	(pc) =	sbr.rel @p0 .LBB2_6-.Ltmp2, $4  }
0x19: {  	[sflag:s16] =	ssyncset.done $0x0  }
0x1a: {  	[sflag:s16] =	ssyncadd.s32 $0xFFFFD800  }
0x1b: {  	[bflag:$0x0] =	sbarrier.arrive $0xFFFF  }
0x1c: {  	s22 =	simm.s32 $0x0;
	s23 =	simm.s32 $0x0  }
.LBB2_2:
0x1d: {  	s23 =	sshll.u32 s22, $0xC  }
0x1e: {  	s23 =	sadd.s32 s13, s23  }
0x1f: {  	s23 =	sshrl.u32 s23, $0x3  }
0x20: {  	s25 =	simm.s32 $0x0;
	s24 =	sadd.s32 s8, s23  }
0x21: {  	[tilespmem:s25], [sflag:$0x2] =	stream.linear.gather [hbm4b:s24+s25], $0x1000, $0x38;
	[tilespmem:$0x1E000] =	vst v63  }
0x22: {  	_ =	swait.ge [sflag:s16], $0x1000  }
0x23: {  	[sflag:s16] =	ssyncset.done $0x0  }
0x24: {  	s23 =	sadd.s32 s1, s23;
	[sflag:s16] =	ssyncadd.s32 $0xFFFFF000  }
0x25: {  	[tilespmem:s17], [sflag:$0x2] =	stream.linear.gather [hbm4b:s23+s25], $0x1000, $0x38;
	[tilespmem:$0x1E000] =	vst v63  }
0x26: {  	_ =	swait.ge [sflag:s16], $0x1000  }
0x27: {  	[sflag:s16] =	ssyncset.done $0x0  }
0x28: {  	s28 =	simm.s32 $0x0;
	[sflag:s16] =	ssyncadd.s32 $0xFFFFF000  }
0x29: {  	[tilespmem:s19], [sflag:$0x1] =	stream.indirect.gather [hbm4b:s5+s18], $0x80, s28, s18, $0xb8;
	[tilespmem:$0x1E000] =	vst v63  }
0x2a: {  	s29 =	simm.s32 $0x80  }
0x2b: {  	[tilespmem:s20], [sflag:$0x1] =	stream.indirect.gather [hbm4b:s5+s18], $0x80, s29, s18, $0xb8;
	[tilespmem:$0x1E000] =	vst v63  }
0x2c: {  	_ =	swait.ge [sflag:s21], $0x4000  }
0x2d: {  	[sflag:s21] =	ssyncset.done $0x0  }
0x2e: {  	[sflag:s21] =	ssyncadd.s32 $0xFFFFC000  }
0x2f: {  	_ =	swait.ge [sflag:s21], $0x4000  }
0x30: {  	[sflag:s21] =	ssyncset.done $0x0  }
0x31: {  	s30 =	simm.s32 $0x1000;
	[sflag:s21] =	ssyncadd.s32 $0xFFFFC000  }
0x32: {  	[spmem:s2] =	stream.indirect.scatter.add.f32 [tilespmem:s19], [sflag:$0x2], $0x80, s30, s18, $0xb8;
	[tilespmem:$0x1E000] =	vst v63  }
0x33: {  	_ =	swait.ge [sflag:s16], $0x4000  }
0x34: {  	[sflag:s16] =	ssyncset.done $0x0  }
0x35: {  	s31 =	simm.s32 $0x1080;
	[sflag:s16] =	ssyncadd.s32 $0xFFFFC000  }
0x36: {  	[spmem:s2] =	stream.indirect.scatter.add.f32 [tilespmem:s20], [sflag:$0x2], $0x80, s31, s18, $0xb8;
	[tilespmem:$0x1E000] =	vst v63  }
0x37: {  	_ =	swait.ge [sflag:s16], $0x4000  }
0x38: {  	s24 =	simm.s32 $0x800;
	s23 =	simm.s32 $0x400;
	[sflag:s16] =	ssyncset.done $0x0  }
.LBB2_3:
0x39: {  	s25 =	sshra.s32 s23, $0x2  }
0x3a: {  	[sflag:s16] =	ssyncadd.s32 $0xFFFFC000;
	s23 =	smov.u32 s24;
	s26 =	sadd.s32 $0x400, s24  }
0x3b: {  	[tilespmem:s19], [sflag:$0x1] =	stream.indirect.gather [hbm4b:s5+s18], $0x80, s25, s18, $0xb8;
	[tilespmem:$0x1E000] =	vst v63  }
0x3c: {  	p1 =	sne.s32 s24, $0x3C00;
	s24 =	sadd.s32 $0x80, s25  }
0x3d: {  	[tilespmem:s20], [sflag:$0x1] =	stream.indirect.gather [hbm4b:s5+s18], $0x80, s24, s18, $0xb8;
	[tilespmem:$0x1E000] =	vst v63  }
0x3e: {  	_ =	swait.ge [sflag:s21], $0x4000  }
0x3f: {  	[sflag:s21] =	ssyncset.done $0x0  }
0x40: {  	[sflag:s21] =	ssyncadd.s32 $0xFFFFC000  }
0x41: {  	_ =	swait.ge [sflag:s21], $0x4000  }
0x42: {  	[sflag:s21] =	ssyncset.done $0x0  }
0x43: {  	s24 =	sadd.s32 $0x1000, s25;
	[sflag:s21] =	ssyncadd.s32 $0xFFFFC000  }
0x44: {  	[spmem:s2] =	stream.indirect.scatter.add.f32 [tilespmem:s19], [sflag:$0x2], $0x80, s24, s18, $0xb8;
	[tilespmem:$0x1E000] =	vst v63  }
0x45: {  	_ =	swait.ge [sflag:s16], $0x4000  }
.Ltmp3:
0x46: {  	[sflag:s16] =	ssyncset.done $0x0;
	(pc) =	sbr.rel @p1 .LBB2_3-.Ltmp3, $4  }
0x47: {  	s24 =	sadd.s32 $0x1080, s25;
	[sflag:s16] =	ssyncadd.s32 $0xFFFFC000  }
0x48: {  	[spmem:s2] =	stream.indirect.scatter.add.f32 [tilespmem:s20], [sflag:$0x2], $0x80, s24, s18, $0xb8;
	[tilespmem:$0x1E000] =	vst v63  }
0x49: {  	_ =	swait.ge [sflag:s16], $0x4000  }
0x4a: {  	s24 =	smov.u32 s26;
	[sflag:s16] =	ssyncset.done $0x0  }
0x4b: {  	s23 =	sshra.s32 s23, $0x2;
	[sflag:s16] =	ssyncadd.s32 $0xFFFFC000  }
0x4c: {  	[tilespmem:s19], [sflag:$0x1] =	stream.indirect.gather [hbm4b:s5+s18], $0x80, s23, s18, $0xb8;
	[tilespmem:$0x1E000] =	vst v63  }
0x4d: {  	s24 =	sadd.s32 $0x80, s23  }
0x4e: {  	[tilespmem:s20], [sflag:$0x1] =	stream.indirect.gather [hbm4b:s5+s18], $0x80, s24, s18, $0xb8;
	[tilespmem:$0x1E000] =	vst v63  }
0x4f: {  	_ =	swait.ge [sflag:s21], $0x4000  }
0x50: {  	[sflag:s21] =	ssyncset.done $0x0  }
0x51: {  	[sflag:s21] =	ssyncadd.s32 $0xFFFFC000  }
0x52: {  	_ =	swait.ge [sflag:s21], $0x4000  }
0x53: {  	[sflag:s21] =	ssyncset.done $0x0  }
0x54: {  	s31 =	sadd.s32 $0x1000, s23;
	[sflag:s21] =	ssyncadd.s32 $0xFFFFC000  }
0x55: {  	[spmem:s2] =	stream.indirect.scatter.add.f32 [tilespmem:s19], [sflag:$0x2], $0x80, s31, s18, $0xb8;
	[tilespmem:$0x1E000] =	vst v63  }
0x56: {  	s22 =	sadd.s32 $0x1, s22;
	_ =	swait.ge [sflag:s16], $0x4000  }
0x57: {  	p1 =	seq.s32 s22, $0x5;
	[sflag:s16] =	ssyncset.done $0x0  }
.Ltmp4:
0x58: {  	s23 =	sadd.s32 $0x1080, s23;
	[sflag:s16] =	ssyncadd.s32 $0xFFFFC000;
	(pc) =	sbr.rel @!p1 .LBB2_2-.Ltmp4, $4  }
0x59: {  	[spmem:s2] =	stream.indirect.scatter.add.f32 [tilespmem:s20], [sflag:$0x2], $0x80, s23, s18, $0xb8;
	[tilespmem:$0x1E000] =	vst v63  }
0x5a: {  	_ =	swait.ge [sflag:s16], $0x4000  }
0x5b: {  	[sflag:s16] =	ssyncset.done $0x0  }
0x5c: {  	[sflag:s16] =	ssyncadd.s32 $0xFFFFC000  }
.Ltmp5:
0x5d: {  	(pc) =	sbr.rel .LBB2_10-.Ltmp5, $2  }
0x5e: {  	_ =	sdelay $0x2  }
0x5f: {  	s22 =	smov.u32 s9  }
.LBB2_6:
0x60: {  	s22 =	sshll.u32 s23, $0xC  }
0x61: {  	s22 =	sadd.s32 s13, s22  }
0x62: {  	s22 =	sshrl.u32 s22, $0x3  }
0x63: {  	s25 =	simm.s32 $0x0;
	s24 =	sadd.s32 s8, s22  }
0x64: {  	[tilespmem:s25], [sflag:$0x2] =	stream.linear.gather [hbm4b:s24+s25], $0x1000, $0x38;
	[tilespmem:$0x1E000] =	vst v63  }
0x65: {  	_ =	swait.ge [sflag:s16], $0x1000  }
0x66: {  	[sflag:s16] =	ssyncset.done $0x0  }
0x67: {  	s22 =	sadd.s32 s1, s22;
	[sflag:s16] =	ssyncadd.s32 $0xFFFFF000  }
0x68: {  	[tilespmem:s17], [sflag:$0x2] =	stream.linear.gather [hbm4b:s22+s25], $0x1000, $0x38;
	[tilespmem:$0x1E000] =	vst v63  }
0x69: {  	_ =	swait.ge [sflag:s16], $0x1000  }
0x6a: {  	[sflag:s16] =	ssyncset.done $0x0  }
0x6b: {  	s28 =	simm.s32 $0x0;
	[sflag:s16] =	ssyncadd.s32 $0xFFFFF000  }
0x6c: {  	[tilespmem:s19], [sflag:$0x1] =	stream.indirect.gather [hbm4b:s6+s18], $0x80, s28, s18, $0xb8;
	[tilespmem:$0x1E000] =	vst v63  }
0x6d: {  	s29 =	simm.s32 $0x80  }
0x6e: {  	[tilespmem:s20], [sflag:$0x1] =	stream.indirect.gather [hbm4b:s6+s18], $0x80, s29, s18, $0xb8;
	[tilespmem:$0x1E000] =	vst v63  }
0x6f: {  	_ =	swait.ge [sflag:s21], $0x4000  }
0x70: {  	[sflag:s21] =	ssyncset.done $0x0  }
0x71: {  	[sflag:s21] =	ssyncadd.s32 $0xFFFFC000  }
0x72: {  	_ =	swait.ge [sflag:s21], $0x4000  }
0x73: {  	[sflag:s21] =	ssyncset.done $0x0  }
0x74: {  	s30 =	simm.s32 $0x1000;
	[sflag:s21] =	ssyncadd.s32 $0xFFFFC000  }
0x75: {  	[spmem:s2] =	stream.indirect.scatter.add.f32 [tilespmem:s19], [sflag:$0x2], $0x80, s30, s18, $0xb8;
	[tilespmem:$0x1E000] =	vst v63  }
0x76: {  	_ =	swait.ge [sflag:s16], $0x4000  }
0x77: {  	[sflag:s16] =	ssyncset.done $0x0  }
0x78: {  	s31 =	simm.s32 $0x1080;
	[sflag:s16] =	ssyncadd.s32 $0xFFFFC000  }
0x79: {  	[spmem:s2] =	stream.indirect.scatter.add.f32 [tilespmem:s20], [sflag:$0x2], $0x80, s31, s18, $0xb8;
	[tilespmem:$0x1E000] =	vst v63  }
0x7a: {  	_ =	swait.ge [sflag:s16], $0x4000  }
0x7b: {  	s24 =	simm.s32 $0x800;
	s22 =	simm.s32 $0x400;
	[sflag:s16] =	ssyncset.done $0x0  }
.LBB2_7:
0x7c: {  	s25 =	sshra.s32 s22, $0x2  }
0x7d: {  	[sflag:s16] =	ssyncadd.s32 $0xFFFFC000;
	s22 =	smov.u32 s24;
	s26 =	sadd.s32 $0x400, s24  }
0x7e: {  	[tilespmem:s19], [sflag:$0x1] =	stream.indirect.gather [hbm4b:s6+s18], $0x80, s25, s18, $0xb8;
	[tilespmem:$0x1E000] =	vst v63  }
0x7f: {  	p1 =	sne.s32 s24, $0x3C00;
	s24 =	sadd.s32 $0x80, s25  }
0x80: {  	[tilespmem:s20], [sflag:$0x1] =	stream.indirect.gather [hbm4b:s6+s18], $0x80, s24, s18, $0xb8;
	[tilespmem:$0x1E000] =	vst v63  }
0x81: {  	_ =	swait.ge [sflag:s21], $0x4000  }
0x82: {  	[sflag:s21] =	ssyncset.done $0x0  }
0x83: {  	[sflag:s21] =	ssyncadd.s32 $0xFFFFC000  }
0x84: {  	_ =	swait.ge [sflag:s21], $0x4000  }
0x85: {  	[sflag:s21] =	ssyncset.done $0x0  }
0x86: {  	s24 =	sadd.s32 $0x1000, s25;
	[sflag:s21] =	ssyncadd.s32 $0xFFFFC000  }
0x87: {  	[spmem:s2] =	stream.indirect.scatter.add.f32 [tilespmem:s19], [sflag:$0x2], $0x80, s24, s18, $0xb8;
	[tilespmem:$0x1E000] =	vst v63  }
0x88: {  	_ =	swait.ge [sflag:s16], $0x4000  }
.Ltmp6:
0x89: {  	[sflag:s16] =	ssyncset.done $0x0;
	(pc) =	sbr.rel @p1 .LBB2_7-.Ltmp6, $4  }
0x8a: {  	s24 =	sadd.s32 $0x1080, s25;
	[sflag:s16] =	ssyncadd.s32 $0xFFFFC000  }
0x8b: {  	[spmem:s2] =	stream.indirect.scatter.add.f32 [tilespmem:s20], [sflag:$0x2], $0x80, s24, s18, $0xb8;
	[tilespmem:$0x1E000] =	vst v63  }
0x8c: {  	_ =	swait.ge [sflag:s16], $0x4000  }
0x8d: {  	s24 =	smov.u32 s26;
	[sflag:s16] =	ssyncset.done $0x0  }
0x8e: {  	s22 =	sshra.s32 s22, $0x2;
	[sflag:s16] =	ssyncadd.s32 $0xFFFFC000  }
0x8f: {  	[tilespmem:s19], [sflag:$0x1] =	stream.indirect.gather [hbm4b:s6+s18], $0x80, s22, s18, $0xb8;
	[tilespmem:$0x1E000] =	vst v63  }
0x90: {  	s24 =	sadd.s32 $0x80, s22  }
0x91: {  	[tilespmem:s20], [sflag:$0x1] =	stream.indirect.gather [hbm4b:s6+s18], $0x80, s24, s18, $0xb8;
	[tilespmem:$0x1E000] =	vst v63  }
0x92: {  	_ =	swait.ge [sflag:s21], $0x4000  }
0x93: {  	[sflag:s21] =	ssyncset.done $0x0  }
0x94: {  	[sflag:s21] =	ssyncadd.s32 $0xFFFFC000  }
0x95: {  	_ =	swait.ge [sflag:s21], $0x4000  }
0x96: {  	[sflag:s21] =	ssyncset.done $0x0  }
0x97: {  	s31 =	sadd.s32 $0x1000, s22;
	[sflag:s21] =	ssyncadd.s32 $0xFFFFC000  }
0x98: {  	[spmem:s2] =	stream.indirect.scatter.add.f32 [tilespmem:s19], [sflag:$0x2], $0x80, s31, s18, $0xb8;
	[tilespmem:$0x1E000] =	vst v63  }
0x99: {  	s23 =	sadd.s32 $0x1, s23;
	_ =	swait.ge [sflag:s16], $0x4000  }
0x9a: {  	p1 =	sne.s32 s23, $0x5;
	[sflag:s16] =	ssyncset.done $0x0  }
.Ltmp7:
0x9b: {  	s22 =	sadd.s32 $0x1080, s22;
	[sflag:s16] =	ssyncadd.s32 $0xFFFFC000;
	(pc) =	sbr.rel @p1 .LBB2_6-.Ltmp7, $4  }
0x9c: {  	[spmem:s2] =	stream.indirect.scatter.add.f32 [tilespmem:s20], [sflag:$0x2], $0x80, s22, s18, $0xb8;
	[tilespmem:$0x1E000] =	vst v63  }
0x9d: {  	_ =	swait.ge [sflag:s16], $0x4000  }
0x9e: {  	[sflag:s16] =	ssyncset.done $0x0  }
0x9f: {  	[sflag:s16] =	ssyncadd.s32 $0xFFFFC000  }
.Ltmp8:
0xa0: {  	(pc) =	sbr.rel .LBB2_10-.Ltmp8, $2  }
0xa1: {  	_ =	sdelay $0x2  }
0xa2: {  	s22 =	smov.u32 s10  }
.LBB2_11:
0xa3: {  	_ =	sfence.sel $0x180000  }
0xa4: {  	[bflag:$0x0] =	sbarrier.arrive $0xFFFF  }
0xa5: {  	p0 =	sne.s32 s3, $0x0;
	_ =	strace $0x90000047  }
0xa6: {  	s0 =	sadd.s32 @!p0 $0x100000, s0;
	[bflag:$0x2] =	sbarrier.arrive $0xFFFF  }
0xa7: {  	[sflag:s0] =	ssyncadd.tile.s32 @!p0 $0x1;
	_ =	shalt  }
.Lfunc_end2:
_tile_overlayer_lowered:
.L_overlay_start_2:
0xa8: {  	(tag) =	ssettag $0x2  }
0xa9: {  	s0 =	rddreg [dreg:$0x0];
	s2 =	stileid.u32  }
0xaa: {  	s1 =	rddreg [dreg:$0x1];
	p0 =	sne.s32 s2, $0x0  }
0xab: {  	s3 =	rddreg [dreg:$0x2];
	[bflag:$0x3] =	sbarrier.arrive $0xFFFF;
	s2 =	simm.s32 @!p0 $0x1C02  }
0xac: {  	[timem:s3], [sflag:s2] =	dma.local @!p0 [hbm:s0], s1  }
0xad: {  	s0 =	simm.s32 @!p0 $0x2  }
0xae: {  	_ =	swait.ge @!p0 [sflag:s0], s1  }
0xaf: {  	s1 =	ssub.s32 @!p0 $0x0, s1;
	[sflag:s0] =	ssyncset.done @!p0 $0x0  }
0xb0: {  	[sflag:s0] =	ssyncadd.s32 @!p0 s1  }
0xb1: {  	[bflag:$0x3] =	sbarrier.arrive $0xFFFF  }
0xb2: {  	_ =	shalt  }

// kernel: kernel.21.cloned.1.call-start
scs
__scs_entry_jumppad:
0x0: {  	(pc) =	sbr.rel $0x88, $3  }
0x1: {  	(tag) =	ssettag $0x0;
	lr =	simm.s32 $0x1  }
0x2: {  	[smem:$0x3F95] =	sst lr;
	_ =	strace $0xD0000000  }
0x3: {  	_ = 	snop  }
0x4: {  	_ = 	snop  }
0x5: {  	_ = 	snop  }
0x6: {  	_ = 	snop  }
0x7: {  	_ = 	snop  }
__scs_overlays_trampoline_lowered:
0x8: {  	[smem:$0x3FA4] =	sst s0  }
0x9: {  	[smem:$0x3FA5] =	sst s1  }
0xa: {  	[smem:$0x3FA6] =	sst s2  }
0xb: {  	[smem:$0x3FA7] =	sst s3  }
0xc: {  	[smem:$0x3FA8] =	sst s4  }
0xd: {  	[smem:$0x3FA9] =	sst s5  }
0xe: {  	[smem:$0x3FAA] =	sst s6  }
0xf: {  	[smem:$0x3FAB] =	sst s7  }
0x10: {  	[smem:$0x3FAC] =	sst s8  }
0x11: {  	[smem:$0x3FAD] =	sst s9;
	s0 =	simm.s32 @!p0 $0x0  }
0x12: {  	s1 =	sld [smem:$0x3F93];
	s0 =	simm.s32 @p0 $0x1  }
0x13: {  	[smem:$0x3FAE] =	sst s0;
	s0 =	simm.s32 @!p1 $0x0  }
0x14: {  	s2 =	sld [smem:$0x3F92];
	s0 =	simm.s32 @p1 $0x1  }
0x15: {  	[smem:$0x3FAF] =	sst s0;
	s0 =	simm.s32 @!p2 $0x0  }
0x16: {  	s3 =	sld [smem:$0x3FDB];
	s0 =	simm.s32 @p2 $0x1  }
0x17: {  	s4 =	simm.s32 $0x1BF5;
	[smem:$0x3FB1] =	sst s0  }
0x18: {  	s0 =	sld [smem:$0x3F94];
	_ =	swait.ge [sflag:s4], $0x0  }
0x19: {  	s7 =	sld [smem:$0x3F95]  }
0x1a: {  	s8 =	sadd.s32 $0xFFFFE003, lr  }
0x1b: {  	s9 =	sadd.s32 $0xFFFFFEF7, lr;
	s5 =	simm.s32 $0xFFFFFFFF;
	p2 =	slt.u32 s8, $0xFFFFF086  }
0x1c: {  	p1 =	slt.u32 s9, $0xF7A;
	s5 =	simm.s32 @!p2 $0x0  }
0x1d: {  	s5 =	simm.s32 @p1 $0x1;
	p0 =	seq.s32 s7, s2  }
0x1e: {  	s7 =	smul.u32 @!p0 $0xF7A, s2;
	p2 =	seq.s32 @!p0 s5, $0x0  }
0x1f: {  	s9 =	smul.u32 $0xF7A, s1;
	s8 =	simm.s32 @!p0 $0x1BF5;
	p2 =	por !p2, p0  }
0x20: {  	[sflag:s8] =	ssyncset.s32 @!p0 $0xFFFFF086;
	s6 =	sadd.s32 @!p0 s3, s7;
	s7 =	simm.s32 @!p0 $0x108  }
0x21: {  	s3 =	sadd.s32 s3, s9;
	s6 =	sadd.s32 @!p0 $0x88, s6;
	s7 =	simm.s32 @p2 $0x1082  }
0x22: {  	[simem:s7], [sflag:s8] =	dma.local @!p0 [hbm:s6], $0xF7A  }
0x23: {  	s9 =	sor.u32 $0xD0000000, s2;
	s6 =	simm.s32 $0x108;
	_ =	swait.ge @!p0 [sflag:s8], $0x0  }
0x24: {  	s3 =	sadd.s32 $0x88, s3;
	s6 =	simm.s32 @!p1 $0x1082;
	[sflag:s4] =	ssyncset.s32 $0xFFFFF086  }
0x25: {  	[simem:s6], [sflag:s4] =	dma.local [hbm:s3], $0xF7A  }
0x26: {  	[smem:$0x3F95] =	sst s1;
	(tag) =	ssettag s2;
	_ =	strace s9  }
0x27: {  	s1 =	sld [smem:$0x3FA5]  }
0x28: {  	s2 =	sld [smem:$0x3FA6]  }
0x29: {  	s4 =	sld [smem:$0x3FA8]  }
0x2a: {  	p0 =	seq.s32 s5, $0x0;
	s5 =	sld [smem:$0x3FA9]  }
0x2b: {  	s6 =	sld [smem:$0x3FAA]  }
0x2c: {  	s7 =	sld [smem:$0x3FAB]  }
0x2d: {  	s3 =	simm.s32 $0x108;
	s8 =	sld [smem:$0x3FAC]  }
0x2e: {  	s3 =	simm.s32 @!p0 $0x1082;
	s9 =	sld [smem:$0x3FAD]  }
0x2f: {  	lr =	sadd.s32 s0, s3;
	s0 =	sld [smem:$0x3FA4]  }
0x30: {  	s3 =	sld [smem:$0x3FA7]  }
0x31: {  	[smem:$0x3FB0] =	sst s10  }
0x32: {  	s10 =	sld [smem:$0x3FAE];
	_ =	sdelay $0x3  }
0x33: {  	p0 =	seq.s32 s10, $0x1;
	s10 =	sld [smem:$0x3FB0];
	_ =	sdelay $0x3  }
0x34: {  	[smem:$0x3FB0] =	sst s10  }
0x35: {  	s10 =	sld [smem:$0x3FAF];
	_ =	sdelay $0x3  }
0x36: {  	p1 =	seq.s32 s10, $0x1;
	s10 =	sld [smem:$0x3FB0];
	_ =	sdelay $0x3  }
0x37: {  	[smem:$0x3FB0] =	sst s10  }
0x38: {  	s10 =	sld [smem:$0x3FB1]  }
0x39: {  	_ = 	snop;
	(pc) =	sbr.ind lr, $3  }
0x3a: {  	_ = 	snop  }
0x3b: {  	_ = 	snop  }
0x3c: {  	p2 =	seq.s32 s10, $0x1;
	s10 =	sld [smem:$0x3FB0]  }
0x3d: {  	_ =	shalt  }
0x3e: {  	_ =	shalt  }
0x3f: {  	_ =	shalt  }
0x40: {  	_ =	shalt  }
0x41: {  	_ =	shalt  }
0x42: {  	_ =	shalt  }
0x43: {  	_ =	shalt  }
0x44: {  	_ =	shalt  }
0x45: {  	_ =	shalt  }
0x46: {  	_ =	shalt  }
0x47: {  	_ =	shalt  }
0x48: {  	_ =	shalt  }
0x49: {  	_ =	shalt  }
0x4a: {  	_ =	shalt  }
0x4b: {  	_ =	shalt  }
0x4c: {  	_ =	shalt  }
0x4d: {  	_ =	shalt  }
0x4e: {  	_ =	shalt  }
0x4f: {  	_ =	shalt  }
0x50: {  	_ =	shalt  }
0x51: {  	_ =	shalt  }
0x52: {  	_ =	shalt  }
0x53: {  	_ =	shalt  }
0x54: {  	_ =	shalt  }
0x55: {  	_ =	shalt  }
0x56: {  	_ =	shalt  }
0x57: {  	_ =	shalt  }
0x58: {  	_ =	shalt  }
0x59: {  	_ =	shalt  }
0x5a: {  	_ =	shalt  }
0x5b: {  	_ =	shalt  }
0x5c: {  	_ =	shalt  }
0x5d: {  	_ =	shalt  }
0x5e: {  	_ =	shalt  }
0x5f: {  	_ =	shalt  }
0x60: {  	_ =	shalt  }
0x61: {  	_ =	shalt  }
0x62: {  	_ =	shalt  }
0x63: {  	_ =	shalt  }
0x64: {  	_ =	shalt  }
0x65: {  	_ =	shalt  }
0x66: {  	_ =	shalt  }
0x67: {  	_ =	shalt  }
0x68: {  	_ =	shalt  }
0x69: {  	_ =	shalt  }
0x6a: {  	_ =	shalt  }
0x6b: {  	_ =	shalt  }
0x6c: {  	_ =	shalt  }
0x6d: {  	_ =	shalt  }
0x6e: {  	_ =	shalt  }
0x6f: {  	_ =	shalt  }
0x70: {  	_ =	shalt  }
0x71: {  	_ =	shalt  }
0x72: {  	_ =	shalt  }
0x73: {  	_ =	shalt  }
0x74: {  	_ =	shalt  }
0x75: {  	_ =	shalt  }
0x76: {  	_ =	shalt  }
0x77: {  	_ =	shalt  }
0x78: {  	_ =	shalt  }
0x79: {  	_ =	shalt  }
0x7a: {  	_ =	shalt  }
0x7b: {  	_ =	shalt  }
0x7c: {  	_ =	shalt  }
0x7d: {  	_ =	shalt  }
0x7e: {  	_ =	shalt  }
0x7f: {  	_ =	shalt  }
0x80: {  	_ =	shalt  }
0x81: {  	_ =	shalt  }
0x82: {  	_ =	shalt  }
0x83: {  	_ =	shalt  }
0x84: {  	_ =	shalt  }
0x85: {  	_ =	shalt  }
0x86: {  	_ =	shalt  }
0x87: {  	_ =	shalt  }
.Lfunc_end0:
.L_simem_size_0:
called_computation.2_lowered:
.L_overlay_start_0:
0x88: {  	s2 =	sld [smem:$0x3FD9]  }
0x89: {  	s3 =	sld [smem:$0x3FFE];
	_ =	sdelay $0x1  }
0x8a: {  	s1 =	srdreg.scid  }
0x8b: {  	s0 =	sand.u32 $0x1, s1  }
0x8c: {  	s17 =	sshll.u32 s0, $0xA;
	s2 =	sadd.s32 s3, s2  }
0x8d: {  	s2 =	sadd.s32 s2, s17  }
0x8e: {  	[smem:$0x3FBC] =	sst s2  }
0x8f: {  	_ = 	snop  }
0x90: {  	s2 =	sld [smem:$0x3FD0];
	(tm) =	ssettm $0x1  }
0x91: {  	s18 =	sld [smem:$0x3FFB];
	_ =	sdelay $0x3  }
0x92: {  	_ =	strace s18  }
0x93: {  	s3 =	sld [smem:$0x3FFC];
	_ =	sdelay $0x3  }
0x94: {  	_ =	strace s3  }
0x95: {  	s3 =	sld [smem:$0x3FFD];
	_ =	sdelay $0x3  }
0x96: {  	_ =	strace s3  }
0x97: {  	_ =	strace $0x8FFFFFFF  }
0x98: {  	s19 =	sld [smem:$0x3FDB];
	_ =	sdelay $0x1  }
0x99: {  	s4 =	simm.s32 $_scs_section_size  }
0x9a: {  	s5 =	simm.s32 $_size__tile_overlayer_lowered;
	s6 =	simm.s32 $_tile_overlayer_lowered  }
0x9b: {  	s22 =	simm.s32 $0x1BFF;
	s21 =	sshll.u32 s6, $0x1;
	s3 =	sadd.s32 s4, s19  }
0x9c: {  	s7 =	simm.s32 $0x0;
	s20 =	sshll.u32 s5, $0x1;
	s5 =	sadd.s32 s21, s3  }
0x9d: {  	[timem:s7], [sflag:s22] =	dma.local [hbm:s5], s20  }
0x9e: {  	_ =	swait.ge [sflag:s22], s20  }
0x9f: {  	s4 =	ssub.s32 $0x0, s20;
	[sflag:s22] =	ssyncset.done $0x0  }
0xa0: {  	[sflag:s22] =	ssyncadd.s32 s4;
	_ =	sdelay $0x1  }
0xa1: {  	s23 =	simm.s32 $0x1B8B  }
0xa2: {  	_ =	swait.ge [sflag:s23], $0x1  }
0xa3: {  	[sflag:s23] =	ssyncset.done $0x0  }
0xa4: {  	s25 =	simm.s32 $0x1B8E;
	s24 =	sld [smem:$0x3FFE];
	[sflag:s23] =	ssyncadd.s32 $0xFFFFFFFF  }
0xa5: {  	s26 =	simm.s32 $execute0_lowered;
	[smem:$0x3FD2] =	sst s25  }
0xa6: {  	s5 =	sshll.u32 s26, $0x1;
	_ =	strace $0x8000004C;
	[dreg:$0x1] =	wrdreg $0xFFFFFFFF  }
0xa7: {  	s28 =	simm.s32 $_size_execute0_lowered;
	s3 =	sadd.s32 s3, s5;
	[dreg:$0x0] =	wrdreg $0x0  }
0xa8: {  	s5 =	sshll.u32 s28, $0x1;
	[dreg:$0x2] =	wrdreg s3  }
0xa9: {  	[dreg:$0x3] =	wrdreg s5  }
0xaa: {  	[dreg:$0x4] =	wrdreg $0xC0  }
0xab: {  	_ =	task [dreg:s7], $0x5FFFF  }
0xac: {  	[dreg:$0x1] =	wrdreg $0xFFFFFFFF  }
0xad: {  	[dreg:$0x0] =	wrdreg $0x60  }
0xae: {  	[dreg:$0x2] =	wrdreg s24  }
0xaf: {  	[dreg:$0x3] =	wrdreg s2  }
0xb0: {  	[dreg:$0x4] =	wrdreg $0xA0000  }
0xb1: {  	[dreg:$0x5] =	wrdreg $0x9  }
0xb2: {  	_ =	task.clear_ibuf [dreg:s7], $0x6FFFF;
	_ =	strace $0x9000004C  }
0xb3: {  	s29 =	simm.s32 $0x9;
	_ =	strace $0x8000004E  }
0xb4: {  	_ =	swait.ge [sflag:s29], $0x1  }
0xb5: {  	[sflag:s29] =	ssyncadd.s32 $0xFFFFFFFF  }
0xb6: {  	_ =	strace $0x9000004E  }
0xb7: {  	_ =	sfence  }
0xb8: {  	s30 =	sld [smem:$0x0];
	_ =	sdelay $0x2  }
0xb9: {  	s31 =	sshll.u32 s1, $0xD;
	s1 =	sshrl.u32 s1, $0x2  }
0xba: {  	s3 =	sand.u32 $0x4000, s31;
	s1 =	sadd.s32 s1, s30  }
0xbb: {  	s0 =	sor.u32 s3, s0;
	s1 =	sshll.u32 s1, $0x11  }
0xbc: {  	s0 =	sor.u32 s1, s0  }
0xbd: {  	s0 =	sadd.s32 $0x8F2B, s0  }
0xbe: {  	[sflag:s0] =	ssyncadd.remote.s32 $0x1  }
0xbf: {  	_ =	sfence.sel $0xFFFF  }
0xc0: {  	[dreg:$0x0] =	wrdreg $0xFFFFFFFF;
	(pc) =	sbr.abs _section_cstart, $3  }
0xc1: {  	[dreg:$0x1] =	wrdreg $0xFFFFFFFF  }
0xc2: {  	_ =	task.clear_ibuf [dreg:s7], $0x2FFFF;
	_ =	strace $0x9FFFFFFF  }
0xc3: {  	(tm) =	ssettm $0x7FFFFFFF  }
tec
execute0_lowered:
.L_overlay_start_1:
0x0: {  	(tag) =	ssettag $0x1  }
0x1: {  	s10 =	rddreg [dreg:$0x0]  }
0x2: {  	s1 =	rddreg [dreg:$0x1]  }
0x3: {  	s2 =	rddreg [dreg:$0x2]  }
0x4: {  	s0 =	rddreg [dreg:$0x3]  }
0x5: {  	s4 =	simm.s32 $0x0;
	s3 =	stileid.u32;
	s9 =	srdreg.scid  }
0x6: {  	s17 =	simm.s32 $0x1000;
	s18 =	simm.s32 $0x80;
	s19 =	simm.s32 $0x2000  }
0x7: {  	s20 =	simm.s32 $0x6000;
	s21 =	simm.s32 $0x1;
	[smem:$0x7FF] =	sst s4  }
0x8: {  	s5 =	sadd.s32 $0x11C00, s10;
	s6 =	sadd.s32 $0x39C00, s10;
	s7 =	smul.u32 $0x2800, s3  }
0x9: {  	s8 =	sadd.s32 $0x7C00, s10;
	s15 =	sand.u32 $0x1, s9;
	s11 =	smul.u32 $0x50000, s3  }
0xa: {  	s9 =	sadd.s32 $0x89C00, s10;
	s31 =	sshll.u32 s3, $0x6;
	_ =	strace $0x8000004D  }
.Ltmp0:
0xb: {  	s13 =	ssub.s32 $0x2, s15;
	p0 =	sne.s32 s15, $0x0;
	(pc) =	sbr.rel .LBB2_1-.Ltmp0, $4  }
0xc: {  	s12 =	sadd.s32 s7, s10;
	s14 =	sshrl.u32 s13, $0x1;
	s11 =	sshrl.u32 s11, $0x2  }
0xd: {  	s10 =	sadd.s32 $0xB1C00, s10;
	s14 =	ssub.s32 s13, s14;
	s16 =	sadd.s32 s11, s2  }
0xe: {  	s11 =	sadd.s32 $0x61C00, s12;
	s12 =	sor.u32 $0x1C02, s31;
	s13 =	smul.u32 $0x5000, s3  }
0xf: {  	s14 =	smax.u32 s14, $0x1;
	s15 =	sshrl.u32 s16, $0x3;
	s16 =	simm.s32 $0x2  }
.LBB2_10:
0x10: {  	s4 =	sadd.s32 $0x1, s4  }
0x11: {  	p1 =	sne.s32 s4, s14  }
.Ltmp1:
0x12: {  	s22 =	sadd.s32 s22, s7;
	[bflag:$0x0] =	sbarrier.arrive $0xFFFF;
	(pc) =	sbr.rel @!p1 .LBB2_11-.Ltmp1, $4  }
0x13: {  	[hbm:s22], [sflag:s12] =	dma.local [spmem:s15], $0x2800  }
0x14: {  	_ =	swait.ge [sflag:s16], $0x2800  }
0x15: {  	[sflag:s16] =	ssyncset.done $0x0  }
0x16: {  	[sflag:s16] =	ssyncadd.s32 $0xFFFFD800  }
.LBB2_1:
0x17: {  	[spmem:s15], [sflag:s12] =	dma.local [hbm:s11], $0x2800  }
.Ltmp2:
0x18: {  	_ =	swait.ge [sflag:s16], $0x2800;
	(pc) =	sbr.rel @p0 .LBB2_6-.Ltmp2, $4  }
0x19: {  	[sflag:s16] =	ssyncset.done $0x0  }
0x1a: {  	[sflag:s16] =	ssyncadd.s32 $0xFFFFD800  }
0x1b: {  	[bflag:$0x0] =	sbarrier.arrive $0xFFFF  }
0x1c: {  	s22 =	simm.s32 $0x0;
	s23 =	simm.s32 $0x0  }
.LBB2_2:
0x1d: {  	s23 =	sshll.u32 s22, $0xC  }
0x1e: {  	s23 =	sadd.s32 s13, s23  }
0x1f: {  	s23 =	sshrl.u32 s23, $0x3  }
0x20: {  	s25 =	simm.s32 $0x0;
	s24 =	sadd.s32 s8, s23  }
0x21: {  	[tilespmem:s25], [sflag:$0x2] =	stream.linear.gather [hbm4b:s24+s25], $0x1000, $0x38;
	[tilespmem:$0x1E000] =	vst v63  }
0x22: {  	_ =	swait.ge [sflag:s16], $0x1000  }
0x23: {  	[sflag:s16] =	ssyncset.done $0x0  }
0x24: {  	s23 =	sadd.s32 s1, s23;
	[sflag:s16] =	ssyncadd.s32 $0xFFFFF000  }
0x25: {  	[tilespmem:s17], [sflag:$0x2] =	stream.linear.gather [hbm4b:s23+s25], $0x1000, $0x38;
	[tilespmem:$0x1E000] =	vst v63  }
0x26: {  	_ =	swait.ge [sflag:s16], $0x1000  }
0x27: {  	[sflag:s16] =	ssyncset.done $0x0  }
0x28: {  	s28 =	simm.s32 $0x0;
	[sflag:s16] =	ssyncadd.s32 $0xFFFFF000  }
0x29: {  	[tilespmem:s19], [sflag:$0x1] =	stream.indirect.gather [hbm4b:s5+s18], $0x80, s28, s18, $0xb8;
	[tilespmem:$0x1E000] =	vst v63  }
0x2a: {  	s29 =	simm.s32 $0x80  }
0x2b: {  	[tilespmem:s20], [sflag:$0x1] =	stream.indirect.gather [hbm4b:s5+s18], $0x80, s29, s18, $0xb8;
	[tilespmem:$0x1E000] =	vst v63  }
0x2c: {  	_ =	swait.ge [sflag:s21], $0x4000  }
0x2d: {  	[sflag:s21] =	ssyncset.done $0x0  }
0x2e: {  	[sflag:s21] =	ssyncadd.s32 $0xFFFFC000  }
0x2f: {  	_ =	swait.ge [sflag:s21], $0x4000  }
0x30: {  	[sflag:s21] =	ssyncset.done $0x0  }
0x31: {  	s30 =	simm.s32 $0x1000;
	[sflag:s21] =	ssyncadd.s32 $0xFFFFC000  }
0x32: {  	[spmem:s2] =	stream.indirect.scatter.add.f32 [tilespmem:s19], [sflag:$0x2], $0x80, s30, s18, $0xb8;
	[tilespmem:$0x1E000] =	vst v63  }
0x33: {  	_ =	swait.ge [sflag:s16], $0x4000  }
0x34: {  	[sflag:s16] =	ssyncset.done $0x0  }
0x35: {  	s31 =	simm.s32 $0x1080;
	[sflag:s16] =	ssyncadd.s32 $0xFFFFC000  }
0x36: {  	[spmem:s2] =	stream.indirect.scatter.add.f32 [tilespmem:s20], [sflag:$0x2], $0x80, s31, s18, $0xb8;
	[tilespmem:$0x1E000] =	vst v63  }
0x37: {  	_ =	swait.ge [sflag:s16], $0x4000  }
0x38: {  	s24 =	simm.s32 $0x800;
	s23 =	simm.s32 $0x400;
	[sflag:s16] =	ssyncset.done $0x0  }
.LBB2_3:
0x39: {  	s25 =	sshra.s32 s23, $0x2  }
0x3a: {  	[sflag:s16] =	ssyncadd.s32 $0xFFFFC000;
	s23 =	smov.u32 s24;
	s26 =	sadd.s32 $0x400, s24  }
0x3b: {  	[tilespmem:s19], [sflag:$0x1] =	stream.indirect.gather [hbm4b:s5+s18], $0x80, s25, s18, $0xb8;
	[tilespmem:$0x1E000] =	vst v63  }
0x3c: {  	p1 =	sne.s32 s24, $0x3C00;
	s24 =	sadd.s32 $0x80, s25  }
0x3d: {  	[tilespmem:s20], [sflag:$0x1] =	stream.indirect.gather [hbm4b:s5+s18], $0x80, s24, s18, $0xb8;
	[tilespmem:$0x1E000] =	vst v63  }
0x3e: {  	_ =	swait.ge [sflag:s21], $0x4000  }
0x3f: {  	[sflag:s21] =	ssyncset.done $0x0  }
0x40: {  	[sflag:s21] =	ssyncadd.s32 $0xFFFFC000  }
0x41: {  	_ =	swait.ge [sflag:s21], $0x4000  }
0x42: {  	[sflag:s21] =	ssyncset.done $0x0  }
0x43: {  	s24 =	sadd.s32 $0x1000, s25;
	[sflag:s21] =	ssyncadd.s32 $0xFFFFC000  }
0x44: {  	[spmem:s2] =	stream.indirect.scatter.add.f32 [tilespmem:s19], [sflag:$0x2], $0x80, s24, s18, $0xb8;
	[tilespmem:$0x1E000] =	vst v63  }
0x45: {  	_ =	swait.ge [sflag:s16], $0x4000  }
.Ltmp3:
0x46: {  	[sflag:s16] =	ssyncset.done $0x0;
	(pc) =	sbr.rel @p1 .LBB2_3-.Ltmp3, $4  }
0x47: {  	s24 =	sadd.s32 $0x1080, s25;
	[sflag:s16] =	ssyncadd.s32 $0xFFFFC000  }
0x48: {  	[spmem:s2] =	stream.indirect.scatter.add.f32 [tilespmem:s20], [sflag:$0x2], $0x80, s24, s18, $0xb8;
	[tilespmem:$0x1E000] =	vst v63  }
0x49: {  	_ =	swait.ge [sflag:s16], $0x4000  }
0x4a: {  	s24 =	smov.u32 s26;
	[sflag:s16] =	ssyncset.done $0x0  }
0x4b: {  	s23 =	sshra.s32 s23, $0x2;
	[sflag:s16] =	ssyncadd.s32 $0xFFFFC000  }
0x4c: {  	[tilespmem:s19], [sflag:$0x1] =	stream.indirect.gather [hbm4b:s5+s18], $0x80, s23, s18, $0xb8;
	[tilespmem:$0x1E000] =	vst v63  }
0x4d: {  	s24 =	sadd.s32 $0x80, s23  }
0x4e: {  	[tilespmem:s20], [sflag:$0x1] =	stream.indirect.gather [hbm4b:s5+s18], $0x80, s24, s18, $0xb8;
	[tilespmem:$0x1E000] =	vst v63  }
0x4f: {  	_ =	swait.ge [sflag:s21], $0x4000  }
0x50: {  	[sflag:s21] =	ssyncset.done $0x0  }
0x51: {  	[sflag:s21] =	ssyncadd.s32 $0xFFFFC000  }
0x52: {  	_ =	swait.ge [sflag:s21], $0x4000  }
0x53: {  	[sflag:s21] =	ssyncset.done $0x0  }
0x54: {  	s31 =	sadd.s32 $0x1000, s23;
	[sflag:s21] =	ssyncadd.s32 $0xFFFFC000  }
0x55: {  	[spmem:s2] =	stream.indirect.scatter.add.f32 [tilespmem:s19], [sflag:$0x2], $0x80, s31, s18, $0xb8;
	[tilespmem:$0x1E000] =	vst v63  }
0x56: {  	s22 =	sadd.s32 $0x1, s22;
	_ =	swait.ge [sflag:s16], $0x4000  }
0x57: {  	p1 =	seq.s32 s22, $0x5;
	[sflag:s16] =	ssyncset.done $0x0  }
.Ltmp4:
0x58: {  	s23 =	sadd.s32 $0x1080, s23;
	[sflag:s16] =	ssyncadd.s32 $0xFFFFC000;
	(pc) =	sbr.rel @!p1 .LBB2_2-.Ltmp4, $4  }
0x59: {  	[spmem:s2] =	stream.indirect.scatter.add.f32 [tilespmem:s20], [sflag:$0x2], $0x80, s23, s18, $0xb8;
	[tilespmem:$0x1E000] =	vst v63  }
0x5a: {  	_ =	swait.ge [sflag:s16], $0x4000  }
0x5b: {  	[sflag:s16] =	ssyncset.done $0x0  }
0x5c: {  	[sflag:s16] =	ssyncadd.s32 $0xFFFFC000  }
.Ltmp5:
0x5d: {  	(pc) =	sbr.rel .LBB2_10-.Ltmp5, $2  }
0x5e: {  	_ =	sdelay $0x2  }
0x5f: {  	s22 =	smov.u32 s9  }
.LBB2_6:
0x60: {  	s22 =	sshll.u32 s23, $0xC  }
0x61: {  	s22 =	sadd.s32 s13, s22  }
0x62: {  	s22 =	sshrl.u32 s22, $0x3  }
0x63: {  	s25 =	simm.s32 $0x0;
	s24 =	sadd.s32 s8, s22  }
0x64: {  	[tilespmem:s25], [sflag:$0x2] =	stream.linear.gather [hbm4b:s24+s25], $0x1000, $0x38;
	[tilespmem:$0x1E000] =	vst v63  }
0x65: {  	_ =	swait.ge [sflag:s16], $0x1000  }
0x66: {  	[sflag:s16] =	ssyncset.done $0x0  }
0x67: {  	s22 =	sadd.s32 s1, s22;
	[sflag:s16] =	ssyncadd.s32 $0xFFFFF000  }
0x68: {  	[tilespmem:s17], [sflag:$0x2] =	stream.linear.gather [hbm4b:s22+s25], $0x1000, $0x38;
	[tilespmem:$0x1E000] =	vst v63  }
0x69: {  	_ =	swait.ge [sflag:s16], $0x1000  }
0x6a: {  	[sflag:s16] =	ssyncset.done $0x0  }
0x6b: {  	s28 =	simm.s32 $0x0;
	[sflag:s16] =	ssyncadd.s32 $0xFFFFF000  }
0x6c: {  	[tilespmem:s19], [sflag:$0x1] =	stream.indirect.gather [hbm4b:s6+s18], $0x80, s28, s18, $0xb8;
	[tilespmem:$0x1E000] =	vst v63  }
0x6d: {  	s29 =	simm.s32 $0x80  }
0x6e: {  	[tilespmem:s20], [sflag:$0x1] =	stream.indirect.gather [hbm4b:s6+s18], $0x80, s29, s18, $0xb8;
	[tilespmem:$0x1E000] =	vst v63  }
0x6f: {  	_ =	swait.ge [sflag:s21], $0x4000  }
0x70: {  	[sflag:s21] =	ssyncset.done $0x0  }
0x71: {  	[sflag:s21] =	ssyncadd.s32 $0xFFFFC000  }
0x72: {  	_ =	swait.ge [sflag:s21], $0x4000  }
0x73: {  	[sflag:s21] =	ssyncset.done $0x0  }
0x74: {  	s30 =	simm.s32 $0x1000;
	[sflag:s21] =	ssyncadd.s32 $0xFFFFC000  }
0x75: {  	[spmem:s2] =	stream.indirect.scatter.add.f32 [tilespmem:s19], [sflag:$0x2], $0x80, s30, s18, $0xb8;
	[tilespmem:$0x1E000] =	vst v63  }
0x76: {  	_ =	swait.ge [sflag:s16], $0x4000  }
0x77: {  	[sflag:s16] =	ssyncset.done $0x0  }
0x78: {  	s31 =	simm.s32 $0x1080;
	[sflag:s16] =	ssyncadd.s32 $0xFFFFC000  }
0x79: {  	[spmem:s2] =	stream.indirect.scatter.add.f32 [tilespmem:s20], [sflag:$0x2], $0x80, s31, s18, $0xb8;
	[tilespmem:$0x1E000] =	vst v63  }
0x7a: {  	_ =	swait.ge [sflag:s16], $0x4000  }
0x7b: {  	s24 =	simm.s32 $0x800;
	s22 =	simm.s32 $0x400;
	[sflag:s16] =	ssyncset.done $0x0  }
.LBB2_7:
0x7c: {  	s25 =	sshra.s32 s22, $0x2  }
0x7d: {  	[sflag:s16] =	ssyncadd.s32 $0xFFFFC000;
	s22 =	smov.u32 s24;
	s26 =	sadd.s32 $0x400, s24  }
0x7e: {  	[tilespmem:s19], [sflag:$0x1] =	stream.indirect.gather [hbm4b:s6+s18], $0x80, s25, s18, $0xb8;
	[tilespmem:$0x1E000] =	vst v63  }
0x7f: {  	p1 =	sne.s32 s24, $0x3C00;
	s24 =	sadd.s32 $0x80, s25  }
0x80: {  	[tilespmem:s20], [sflag:$0x1] =	stream.indirect.gather [hbm4b:s6+s18], $0x80, s24, s18, $0xb8;
	[tilespmem:$0x1E000] =	vst v63  }
0x81: {  	_ =	swait.ge [sflag:s21], $0x4000  }
0x82: {  	[sflag:s21] =	ssyncset.done $0x0  }
0x83: {  	[sflag:s21] =	ssyncadd.s32 $0xFFFFC000  }
0x84: {  	_ =	swait.ge [sflag:s21], $0x4000  }
0x85: {  	[sflag:s21] =	ssyncset.done $0x0  }
0x86: {  	s24 =	sadd.s32 $0x1000, s25;
	[sflag:s21] =	ssyncadd.s32 $0xFFFFC000  }
0x87: {  	[spmem:s2] =	stream.indirect.scatter.add.f32 [tilespmem:s19], [sflag:$0x2], $0x80, s24, s18, $0xb8;
	[tilespmem:$0x1E000] =	vst v63  }
0x88: {  	_ =	swait.ge [sflag:s16], $0x4000  }
.Ltmp6:
0x89: {  	[sflag:s16] =	ssyncset.done $0x0;
	(pc) =	sbr.rel @p1 .LBB2_7-.Ltmp6, $4  }
0x8a: {  	s24 =	sadd.s32 $0x1080, s25;
	[sflag:s16] =	ssyncadd.s32 $0xFFFFC000  }
0x8b: {  	[spmem:s2] =	stream.indirect.scatter.add.f32 [tilespmem:s20], [sflag:$0x2], $0x80, s24, s18, $0xb8;
	[tilespmem:$0x1E000] =	vst v63  }
0x8c: {  	_ =	swait.ge [sflag:s16], $0x4000  }
0x8d: {  	s24 =	smov.u32 s26;
	[sflag:s16] =	ssyncset.done $0x0  }
0x8e: {  	s22 =	sshra.s32 s22, $0x2;
	[sflag:s16] =	ssyncadd.s32 $0xFFFFC000  }
0x8f: {  	[tilespmem:s19], [sflag:$0x1] =	stream.indirect.gather [hbm4b:s6+s18], $0x80, s22, s18, $0xb8;
	[tilespmem:$0x1E000] =	vst v63  }
0x90: {  	s24 =	sadd.s32 $0x80, s22  }
0x91: {  	[tilespmem:s20], [sflag:$0x1] =	stream.indirect.gather [hbm4b:s6+s18], $0x80, s24, s18, $0xb8;
	[tilespmem:$0x1E000] =	vst v63  }
0x92: {  	_ =	swait.ge [sflag:s21], $0x4000  }
0x93: {  	[sflag:s21] =	ssyncset.done $0x0  }
0x94: {  	[sflag:s21] =	ssyncadd.s32 $0xFFFFC000  }
0x95: {  	_ =	swait.ge [sflag:s21], $0x4000  }
0x96: {  	[sflag:s21] =	ssyncset.done $0x0  }
0x97: {  	s31 =	sadd.s32 $0x1000, s22;
	[sflag:s21] =	ssyncadd.s32 $0xFFFFC000  }
0x98: {  	[spmem:s2] =	stream.indirect.scatter.add.f32 [tilespmem:s19], [sflag:$0x2], $0x80, s31, s18, $0xb8;
	[tilespmem:$0x1E000] =	vst v63  }
0x99: {  	s23 =	sadd.s32 $0x1, s23;
	_ =	swait.ge [sflag:s16], $0x4000  }
0x9a: {  	p1 =	sne.s32 s23, $0x5;
	[sflag:s16] =	ssyncset.done $0x0  }
.Ltmp7:
0x9b: {  	s22 =	sadd.s32 $0x1080, s22;
	[sflag:s16] =	ssyncadd.s32 $0xFFFFC000;
	(pc) =	sbr.rel @p1 .LBB2_6-.Ltmp7, $4  }
0x9c: {  	[spmem:s2] =	stream.indirect.scatter.add.f32 [tilespmem:s20], [sflag:$0x2], $0x80, s22, s18, $0xb8;
	[tilespmem:$0x1E000] =	vst v63  }
0x9d: {  	_ =	swait.ge [sflag:s16], $0x4000  }
0x9e: {  	[sflag:s16] =	ssyncset.done $0x0  }
0x9f: {  	[sflag:s16] =	ssyncadd.s32 $0xFFFFC000  }
.Ltmp8:
0xa0: {  	(pc) =	sbr.rel .LBB2_10-.Ltmp8, $2  }
0xa1: {  	_ =	sdelay $0x2  }
0xa2: {  	s22 =	smov.u32 s10  }
.LBB2_11:
0xa3: {  	_ =	sfence.sel $0x180000  }
0xa4: {  	[bflag:$0x0] =	sbarrier.arrive $0xFFFF  }
0xa5: {  	p0 =	sne.s32 s3, $0x0;
	_ =	strace $0x9000004D  }
0xa6: {  	s0 =	sadd.s32 @!p0 $0x100000, s0;
	[bflag:$0x2] =	sbarrier.arrive $0xFFFF  }
0xa7: {  	[sflag:s0] =	ssyncadd.tile.s32 @!p0 $0x1;
	_ =	shalt  }
.Lfunc_end2:
_tile_overlayer_lowered:
.L_overlay_start_2:
0xa8: {  	(tag) =	ssettag $0x2  }
0xa9: {  	s0 =	rddreg [dreg:$0x0];
	s2 =	stileid.u32  }
0xaa: {  	s1 =	rddreg [dreg:$0x1];
	p0 =	sne.s32 s2, $0x0  }
0xab: {  	s3 =	rddreg [dreg:$0x2];
	[bflag:$0x3] =	sbarrier.arrive $0xFFFF;
	s2 =	simm.s32 @!p0 $0x1C02  }
0xac: {  	[timem:s3], [sflag:s2] =	dma.local @!p0 [hbm:s0], s1  }
0xad: {  	s0 =	simm.s32 @!p0 $0x2  }
0xae: {  	_ =	swait.ge @!p0 [sflag:s0], s1  }
0xaf: {  	s1 =	ssub.s32 @!p0 $0x0, s1;
	[sflag:s0] =	ssyncset.done @!p0 $0x0  }
0xb0: {  	[sflag:s0] =	ssyncadd.s32 @!p0 s1  }
0xb1: {  	[bflag:$0x3] =	sbarrier.arrive $0xFFFF  }
0xb2: {  	_ =	shalt  }

// kernel: kernel.24.cloned.1.call-start
scs
__scs_entry_jumppad:
0x0: {  	(pc) =	sbr.rel $0x88, $3  }
0x1: {  	(tag) =	ssettag $0x0;
	lr =	simm.s32 $0x1  }
0x2: {  	[smem:$0x3F95] =	sst lr;
	_ =	strace $0xD0000000  }
0x3: {  	_ = 	snop  }
0x4: {  	_ = 	snop  }
0x5: {  	_ = 	snop  }
0x6: {  	_ = 	snop  }
0x7: {  	_ = 	snop  }
__scs_overlays_trampoline_lowered:
0x8: {  	[smem:$0x3FA4] =	sst s0  }
0x9: {  	[smem:$0x3FA5] =	sst s1  }
0xa: {  	[smem:$0x3FA6] =	sst s2  }
0xb: {  	[smem:$0x3FA7] =	sst s3  }
0xc: {  	[smem:$0x3FA8] =	sst s4  }
0xd: {  	[smem:$0x3FA9] =	sst s5  }
0xe: {  	[smem:$0x3FAA] =	sst s6  }
0xf: {  	[smem:$0x3FAB] =	sst s7  }
0x10: {  	[smem:$0x3FAC] =	sst s8  }
0x11: {  	[smem:$0x3FAD] =	sst s9;
	s0 =	simm.s32 @!p0 $0x0  }
0x12: {  	s1 =	sld [smem:$0x3F93];
	s0 =	simm.s32 @p0 $0x1  }
0x13: {  	[smem:$0x3FAE] =	sst s0;
	s0 =	simm.s32 @!p1 $0x0  }
0x14: {  	s2 =	sld [smem:$0x3F92];
	s0 =	simm.s32 @p1 $0x1  }
0x15: {  	[smem:$0x3FAF] =	sst s0;
	s0 =	simm.s32 @!p2 $0x0  }
0x16: {  	s3 =	sld [smem:$0x3FDB];
	s0 =	simm.s32 @p2 $0x1  }
0x17: {  	s4 =	simm.s32 $0x1BF5;
	[smem:$0x3FB1] =	sst s0  }
0x18: {  	s0 =	sld [smem:$0x3F94];
	_ =	swait.ge [sflag:s4], $0x0  }
0x19: {  	s7 =	sld [smem:$0x3F95]  }
0x1a: {  	s8 =	sadd.s32 $0xFFFFE003, lr  }
0x1b: {  	s9 =	sadd.s32 $0xFFFFFEF7, lr;
	s5 =	simm.s32 $0xFFFFFFFF;
	p2 =	slt.u32 s8, $0xFFFFF086  }
0x1c: {  	p1 =	slt.u32 s9, $0xF7A;
	s5 =	simm.s32 @!p2 $0x0  }
0x1d: {  	s5 =	simm.s32 @p1 $0x1;
	p0 =	seq.s32 s7, s2  }
0x1e: {  	s7 =	smul.u32 @!p0 $0xF7A, s2;
	p2 =	seq.s32 @!p0 s5, $0x0  }
0x1f: {  	s9 =	smul.u32 $0xF7A, s1;
	s8 =	simm.s32 @!p0 $0x1BF5;
	p2 =	por !p2, p0  }
0x20: {  	[sflag:s8] =	ssyncset.s32 @!p0 $0xFFFFF086;
	s6 =	sadd.s32 @!p0 s3, s7;
	s7 =	simm.s32 @!p0 $0x108  }
0x21: {  	s3 =	sadd.s32 s3, s9;
	s6 =	sadd.s32 @!p0 $0x88, s6;
	s7 =	simm.s32 @p2 $0x1082  }
0x22: {  	[simem:s7], [sflag:s8] =	dma.local @!p0 [hbm:s6], $0xF7A  }
0x23: {  	s9 =	sor.u32 $0xD0000000, s2;
	s6 =	simm.s32 $0x108;
	_ =	swait.ge @!p0 [sflag:s8], $0x0  }
0x24: {  	s3 =	sadd.s32 $0x88, s3;
	s6 =	simm.s32 @!p1 $0x1082;
	[sflag:s4] =	ssyncset.s32 $0xFFFFF086  }
0x25: {  	[simem:s6], [sflag:s4] =	dma.local [hbm:s3], $0xF7A  }
0x26: {  	[smem:$0x3F95] =	sst s1;
	(tag) =	ssettag s2;
	_ =	strace s9  }
0x27: {  	s1 =	sld [smem:$0x3FA5]  }
0x28: {  	s2 =	sld [smem:$0x3FA6]  }
0x29: {  	s4 =	sld [smem:$0x3FA8]  }
0x2a: {  	p0 =	seq.s32 s5, $0x0;
	s5 =	sld [smem:$0x3FA9]  }
0x2b: {  	s6 =	sld [smem:$0x3FAA]  }
0x2c: {  	s7 =	sld [smem:$0x3FAB]  }
0x2d: {  	s3 =	simm.s32 $0x108;
	s8 =	sld [smem:$0x3FAC]  }
0x2e: {  	s3 =	simm.s32 @!p0 $0x1082;
	s9 =	sld [smem:$0x3FAD]  }
0x2f: {  	lr =	sadd.s32 s0, s3;
	s0 =	sld [smem:$0x3FA4]  }
0x30: {  	s3 =	sld [smem:$0x3FA7]  }
0x31: {  	[smem:$0x3FB0] =	sst s10  }
0x32: {  	s10 =	sld [smem:$0x3FAE];
	_ =	sdelay $0x3  }
0x33: {  	p0 =	seq.s32 s10, $0x1;
	s10 =	sld [smem:$0x3FB0];
	_ =	sdelay $0x3  }
0x34: {  	[smem:$0x3FB0] =	sst s10  }
0x35: {  	s10 =	sld [smem:$0x3FAF];
	_ =	sdelay $0x3  }
0x36: {  	p1 =	seq.s32 s10, $0x1;
	s10 =	sld [smem:$0x3FB0];
	_ =	sdelay $0x3  }
0x37: {  	[smem:$0x3FB0] =	sst s10  }
0x38: {  	s10 =	sld [smem:$0x3FB1]  }
0x39: {  	_ = 	snop;
	(pc) =	sbr.ind lr, $3  }
0x3a: {  	_ = 	snop  }
0x3b: {  	_ = 	snop  }
0x3c: {  	p2 =	seq.s32 s10, $0x1;
	s10 =	sld [smem:$0x3FB0]  }
0x3d: {  	_ =	shalt  }
0x3e: {  	_ =	shalt  }
0x3f: {  	_ =	shalt  }
0x40: {  	_ =	shalt  }
0x41: {  	_ =	shalt  }
0x42: {  	_ =	shalt  }
0x43: {  	_ =	shalt  }
0x44: {  	_ =	shalt  }
0x45: {  	_ =	shalt  }
0x46: {  	_ =	shalt  }
0x47: {  	_ =	shalt  }
0x48: {  	_ =	shalt  }
0x49: {  	_ =	shalt  }
0x4a: {  	_ =	shalt  }
0x4b: {  	_ =	shalt  }
0x4c: {  	_ =	shalt  }
0x4d: {  	_ =	shalt  }
0x4e: {  	_ =	shalt  }
0x4f: {  	_ =	shalt  }
0x50: {  	_ =	shalt  }
0x51: {  	_ =	shalt  }
0x52: {  	_ =	shalt  }
0x53: {  	_ =	shalt  }
0x54: {  	_ =	shalt  }
0x55: {  	_ =	shalt  }
0x56: {  	_ =	shalt  }
0x57: {  	_ =	shalt  }
0x58: {  	_ =	shalt  }
0x59: {  	_ =	shalt  }
0x5a: {  	_ =	shalt  }
0x5b: {  	_ =	shalt  }
0x5c: {  	_ =	shalt  }
0x5d: {  	_ =	shalt  }
0x5e: {  	_ =	shalt  }
0x5f: {  	_ =	shalt  }
0x60: {  	_ =	shalt  }
0x61: {  	_ =	shalt  }
0x62: {  	_ =	shalt  }
0x63: {  	_ =	shalt  }
0x64: {  	_ =	shalt  }
0x65: {  	_ =	shalt  }
0x66: {  	_ =	shalt  }
0x67: {  	_ =	shalt  }
0x68: {  	_ =	shalt  }
0x69: {  	_ =	shalt  }
0x6a: {  	_ =	shalt  }
0x6b: {  	_ =	shalt  }
0x6c: {  	_ =	shalt  }
0x6d: {  	_ =	shalt  }
0x6e: {  	_ =	shalt  }
0x6f: {  	_ =	shalt  }
0x70: {  	_ =	shalt  }
0x71: {  	_ =	shalt  }
0x72: {  	_ =	shalt  }
0x73: {  	_ =	shalt  }
0x74: {  	_ =	shalt  }
0x75: {  	_ =	shalt  }
0x76: {  	_ =	shalt  }
0x77: {  	_ =	shalt  }
0x78: {  	_ =	shalt  }
0x79: {  	_ =	shalt  }
0x7a: {  	_ =	shalt  }
0x7b: {  	_ =	shalt  }
0x7c: {  	_ =	shalt  }
0x7d: {  	_ =	shalt  }
0x7e: {  	_ =	shalt  }
0x7f: {  	_ =	shalt  }
0x80: {  	_ =	shalt  }
0x81: {  	_ =	shalt  }
0x82: {  	_ =	shalt  }
0x83: {  	_ =	shalt  }
0x84: {  	_ =	shalt  }
0x85: {  	_ =	shalt  }
0x86: {  	_ =	shalt  }
0x87: {  	_ =	shalt  }
.Lfunc_end0:
.L_simem_size_0:
called_computation.3_lowered:
.L_overlay_start_0:
0x88: {  	s2 =	sld [smem:$0x3FD9]  }
0x89: {  	s3 =	sld [smem:$0x3FFE];
	_ =	sdelay $0x1  }
0x8a: {  	s1 =	srdreg.scid  }
0x8b: {  	s0 =	sand.u32 $0x1, s1  }
0x8c: {  	s17 =	sshll.u32 s0, $0xA;
	s2 =	sadd.s32 s3, s2  }
0x8d: {  	s2 =	sadd.s32 s2, s17  }
0x8e: {  	[smem:$0x3FBC] =	sst s2  }
0x8f: {  	_ = 	snop  }
0x90: {  	s2 =	sld [smem:$0x3FD0];
	(tm) =	ssettm $0x1  }
0x91: {  	s18 =	sld [smem:$0x3FFB];
	_ =	sdelay $0x3  }
0x92: {  	_ =	strace s18  }
0x93: {  	s3 =	sld [smem:$0x3FFC];
	_ =	sdelay $0x3  }
0x94: {  	_ =	strace s3  }
0x95: {  	s3 =	sld [smem:$0x3FFD];
	_ =	sdelay $0x3  }
0x96: {  	_ =	strace s3  }
0x97: {  	_ =	strace $0x8FFFFFFF  }
0x98: {  	s19 =	sld [smem:$0x3FDB];
	_ =	sdelay $0x1  }
0x99: {  	s4 =	simm.s32 $_scs_section_size  }
0x9a: {  	s5 =	simm.s32 $_size__tile_overlayer_lowered;
	s6 =	simm.s32 $_tile_overlayer_lowered  }
0x9b: {  	s22 =	simm.s32 $0x1BFF;
	s21 =	sshll.u32 s6, $0x1;
	s3 =	sadd.s32 s4, s19  }
0x9c: {  	s7 =	simm.s32 $0x0;
	s20 =	sshll.u32 s5, $0x1;
	s5 =	sadd.s32 s21, s3  }
0x9d: {  	[timem:s7], [sflag:s22] =	dma.local [hbm:s5], s20  }
0x9e: {  	_ =	swait.ge [sflag:s22], s20  }
0x9f: {  	s4 =	ssub.s32 $0x0, s20;
	[sflag:s22] =	ssyncset.done $0x0  }
0xa0: {  	[sflag:s22] =	ssyncadd.s32 s4;
	_ =	sdelay $0x1  }
0xa1: {  	s23 =	simm.s32 $0x1B8B  }
0xa2: {  	_ =	swait.ge [sflag:s23], $0x1  }
0xa3: {  	[sflag:s23] =	ssyncset.done $0x0  }
0xa4: {  	s25 =	simm.s32 $0x1B8E;
	s24 =	sld [smem:$0x3FFE];
	[sflag:s23] =	ssyncadd.s32 $0xFFFFFFFF  }
0xa5: {  	s26 =	simm.s32 $execute0_lowered;
	[smem:$0x3FD2] =	sst s25  }
0xa6: {  	s5 =	sshll.u32 s26, $0x1;
	_ =	strace $0x8000004F;
	[dreg:$0x1] =	wrdreg $0xFFFFFFFF  }
0xa7: {  	s28 =	simm.s32 $_size_execute0_lowered;
	s3 =	sadd.s32 s3, s5;
	[dreg:$0x0] =	wrdreg $0x0  }
0xa8: {  	s5 =	sshll.u32 s28, $0x1;
	[dreg:$0x2] =	wrdreg s3  }
0xa9: {  	[dreg:$0x3] =	wrdreg s5  }
0xaa: {  	[dreg:$0x4] =	wrdreg $0xC0  }
0xab: {  	_ =	task [dreg:s7], $0x5FFFF  }
0xac: {  	[dreg:$0x1] =	wrdreg $0xFFFFFFFF  }
0xad: {  	[dreg:$0x0] =	wrdreg $0x60  }
0xae: {  	[dreg:$0x2] =	wrdreg s24  }
0xaf: {  	[dreg:$0x3] =	wrdreg s2  }
0xb0: {  	[dreg:$0x4] =	wrdreg $0xA0000  }
0xb1: {  	[dreg:$0x5] =	wrdreg $0x9  }
0xb2: {  	_ =	task.clear_ibuf [dreg:s7], $0x6FFFF;
	_ =	strace $0x9000004F  }
0xb3: {  	s29 =	simm.s32 $0x9;
	_ =	strace $0x80000051  }
0xb4: {  	_ =	swait.ge [sflag:s29], $0x1  }
0xb5: {  	[sflag:s29] =	ssyncadd.s32 $0xFFFFFFFF  }
0xb6: {  	_ =	strace $0x90000051  }
0xb7: {  	_ =	sfence  }
0xb8: {  	s30 =	sld [smem:$0x0];
	_ =	sdelay $0x2  }
0xb9: {  	s31 =	sshll.u32 s1, $0xD;
	s1 =	sshrl.u32 s1, $0x2  }
0xba: {  	s3 =	sand.u32 $0x4000, s31;
	s1 =	sadd.s32 s1, s30  }
0xbb: {  	s0 =	sor.u32 s3, s0;
	s1 =	sshll.u32 s1, $0x11  }
0xbc: {  	s0 =	sor.u32 s1, s0  }
0xbd: {  	s0 =	sadd.s32 $0x8F2B, s0  }
0xbe: {  	[sflag:s0] =	ssyncadd.remote.s32 $0x1  }
0xbf: {  	_ =	sfence.sel $0xFFFF  }
0xc0: {  	[dreg:$0x0] =	wrdreg $0xFFFFFFFF;
	(pc) =	sbr.abs _section_cstart, $3  }
0xc1: {  	[dreg:$0x1] =	wrdreg $0xFFFFFFFF  }
0xc2: {  	_ =	task.clear_ibuf [dreg:s7], $0x2FFFF;
	_ =	strace $0x9FFFFFFF  }
0xc3: {  	(tm) =	ssettm $0x7FFFFFFF  }
tec
execute0_lowered:
.L_overlay_start_1:
0x0: {  	(tag) =	ssettag $0x1  }
0x1: {  	s10 =	rddreg [dreg:$0x0]  }
0x2: {  	s1 =	rddreg [dreg:$0x1]  }
0x3: {  	s2 =	rddreg [dreg:$0x2]  }
0x4: {  	s0 =	rddreg [dreg:$0x3]  }
0x5: {  	s4 =	simm.s32 $0x0;
	s3 =	stileid.u32;
	s9 =	srdreg.scid  }
0x6: {  	s17 =	simm.s32 $0x1000;
	s18 =	simm.s32 $0x80;
	s19 =	simm.s32 $0x2000  }
0x7: {  	s20 =	simm.s32 $0x6000;
	s21 =	simm.s32 $0x1;
	[smem:$0x7FF] =	sst s4  }
0x8: {  	s5 =	sadd.s32 $0x11C00, s10;
	s6 =	sadd.s32 $0x39C00, s10;
	s7 =	smul.u32 $0x2800, s3  }
0x9: {  	s8 =	sadd.s32 $0x7C00, s10;
	s15 =	sand.u32 $0x1, s9;
	s11 =	smul.u32 $0x50000, s3  }
0xa: {  	s9 =	sadd.s32 $0x89C00, s10;
	s31 =	sshll.u32 s3, $0x6;
	_ =	strace $0x80000050  }
.Ltmp0:
0xb: {  	s13 =	ssub.s32 $0x2, s15;
	p0 =	sne.s32 s15, $0x0;
	(pc) =	sbr.rel .LBB2_1-.Ltmp0, $4  }
0xc: {  	s12 =	sadd.s32 s7, s10;
	s14 =	sshrl.u32 s13, $0x1;
	s11 =	sshrl.u32 s11, $0x2  }
0xd: {  	s10 =	sadd.s32 $0xB1C00, s10;
	s14 =	ssub.s32 s13, s14;
	s16 =	sadd.s32 s11, s2  }
0xe: {  	s11 =	sadd.s32 $0x61C00, s12;
	s12 =	sor.u32 $0x1C02, s31;
	s13 =	smul.u32 $0x5000, s3  }
0xf: {  	s14 =	smax.u32 s14, $0x1;
	s15 =	sshrl.u32 s16, $0x3;
	s16 =	simm.s32 $0x2  }
.LBB2_10:
0x10: {  	s4 =	sadd.s32 $0x1, s4  }
0x11: {  	p1 =	sne.s32 s4, s14  }
.Ltmp1:
0x12: {  	s22 =	sadd.s32 s22, s7;
	[bflag:$0x0] =	sbarrier.arrive $0xFFFF;
	(pc) =	sbr.rel @!p1 .LBB2_11-.Ltmp1, $4  }
0x13: {  	[hbm:s22], [sflag:s12] =	dma.local [spmem:s15], $0x2800  }
0x14: {  	_ =	swait.ge [sflag:s16], $0x2800  }
0x15: {  	[sflag:s16] =	ssyncset.done $0x0  }
0x16: {  	[sflag:s16] =	ssyncadd.s32 $0xFFFFD800  }
.LBB2_1:
0x17: {  	[spmem:s15], [sflag:s12] =	dma.local [hbm:s11], $0x2800  }
.Ltmp2:
0x18: {  	_ =	swait.ge [sflag:s16], $0x2800;
	(pc) =	sbr.rel @p0 .LBB2_6-.Ltmp2, $4  }
0x19: {  	[sflag:s16] =	ssyncset.done $0x0  }
0x1a: {  	[sflag:s16] =	ssyncadd.s32 $0xFFFFD800  }
0x1b: {  	[bflag:$0x0] =	sbarrier.arrive $0xFFFF  }
0x1c: {  	s22 =	simm.s32 $0x0;
	s23 =	simm.s32 $0x0  }
.LBB2_2:
0x1d: {  	s23 =	sshll.u32 s22, $0xC  }
0x1e: {  	s23 =	sadd.s32 s13, s23  }
0x1f: {  	s23 =	sshrl.u32 s23, $0x3  }
0x20: {  	s25 =	simm.s32 $0x0;
	s24 =	sadd.s32 s8, s23  }
0x21: {  	[tilespmem:s25], [sflag:$0x2] =	stream.linear.gather [hbm4b:s24+s25], $0x1000, $0x38;
	[tilespmem:$0x1E000] =	vst v63  }
0x22: {  	_ =	swait.ge [sflag:s16], $0x1000  }
0x23: {  	[sflag:s16] =	ssyncset.done $0x0  }
0x24: {  	s23 =	sadd.s32 s1, s23;
	[sflag:s16] =	ssyncadd.s32 $0xFFFFF000  }
0x25: {  	[tilespmem:s17], [sflag:$0x2] =	stream.linear.gather [hbm4b:s23+s25], $0x1000, $0x38;
	[tilespmem:$0x1E000] =	vst v63  }
0x26: {  	_ =	swait.ge [sflag:s16], $0x1000  }
0x27: {  	[sflag:s16] =	ssyncset.done $0x0  }
0x28: {  	s28 =	simm.s32 $0x0;
	[sflag:s16] =	ssyncadd.s32 $0xFFFFF000  }
0x29: {  	[tilespmem:s19], [sflag:$0x1] =	stream.indirect.gather [hbm4b:s5+s18], $0x80, s28, s18, $0xb8;
	[tilespmem:$0x1E000] =	vst v63  }
0x2a: {  	s29 =	simm.s32 $0x80  }
0x2b: {  	[tilespmem:s20], [sflag:$0x1] =	stream.indirect.gather [hbm4b:s5+s18], $0x80, s29, s18, $0xb8;
	[tilespmem:$0x1E000] =	vst v63  }
0x2c: {  	_ =	swait.ge [sflag:s21], $0x4000  }
0x2d: {  	[sflag:s21] =	ssyncset.done $0x0  }
0x2e: {  	[sflag:s21] =	ssyncadd.s32 $0xFFFFC000  }
0x2f: {  	_ =	swait.ge [sflag:s21], $0x4000  }
0x30: {  	[sflag:s21] =	ssyncset.done $0x0  }
0x31: {  	s30 =	simm.s32 $0x1000;
	[sflag:s21] =	ssyncadd.s32 $0xFFFFC000  }
0x32: {  	[spmem:s2] =	stream.indirect.scatter.add.f32 [tilespmem:s19], [sflag:$0x2], $0x80, s30, s18, $0xb8;
	[tilespmem:$0x1E000] =	vst v63  }
0x33: {  	_ =	swait.ge [sflag:s16], $0x4000  }
0x34: {  	[sflag:s16] =	ssyncset.done $0x0  }
0x35: {  	s31 =	simm.s32 $0x1080;
	[sflag:s16] =	ssyncadd.s32 $0xFFFFC000  }
0x36: {  	[spmem:s2] =	stream.indirect.scatter.add.f32 [tilespmem:s20], [sflag:$0x2], $0x80, s31, s18, $0xb8;
	[tilespmem:$0x1E000] =	vst v63  }
0x37: {  	_ =	swait.ge [sflag:s16], $0x4000  }
0x38: {  	s24 =	simm.s32 $0x800;
	s23 =	simm.s32 $0x400;
	[sflag:s16] =	ssyncset.done $0x0  }
.LBB2_3:
0x39: {  	s25 =	sshra.s32 s23, $0x2  }
0x3a: {  	[sflag:s16] =	ssyncadd.s32 $0xFFFFC000;
	s23 =	smov.u32 s24;
	s26 =	sadd.s32 $0x400, s24  }
0x3b: {  	[tilespmem:s19], [sflag:$0x1] =	stream.indirect.gather [hbm4b:s5+s18], $0x80, s25, s18, $0xb8;
	[tilespmem:$0x1E000] =	vst v63  }
0x3c: {  	p1 =	sne.s32 s24, $0x3C00;
	s24 =	sadd.s32 $0x80, s25  }
0x3d: {  	[tilespmem:s20], [sflag:$0x1] =	stream.indirect.gather [hbm4b:s5+s18], $0x80, s24, s18, $0xb8;
	[tilespmem:$0x1E000] =	vst v63  }
0x3e: {  	_ =	swait.ge [sflag:s21], $0x4000  }
0x3f: {  	[sflag:s21] =	ssyncset.done $0x0  }
0x40: {  	[sflag:s21] =	ssyncadd.s32 $0xFFFFC000  }
0x41: {  	_ =	swait.ge [sflag:s21], $0x4000  }
0x42: {  	[sflag:s21] =	ssyncset.done $0x0  }
0x43: {  	s24 =	sadd.s32 $0x1000, s25;
	[sflag:s21] =	ssyncadd.s32 $0xFFFFC000  }
0x44: {  	[spmem:s2] =	stream.indirect.scatter.add.f32 [tilespmem:s19], [sflag:$0x2], $0x80, s24, s18, $0xb8;
	[tilespmem:$0x1E000] =	vst v63  }
0x45: {  	_ =	swait.ge [sflag:s16], $0x4000  }
.Ltmp3:
0x46: {  	[sflag:s16] =	ssyncset.done $0x0;
	(pc) =	sbr.rel @p1 .LBB2_3-.Ltmp3, $4  }
0x47: {  	s24 =	sadd.s32 $0x1080, s25;
	[sflag:s16] =	ssyncadd.s32 $0xFFFFC000  }
0x48: {  	[spmem:s2] =	stream.indirect.scatter.add.f32 [tilespmem:s20], [sflag:$0x2], $0x80, s24, s18, $0xb8;
	[tilespmem:$0x1E000] =	vst v63  }
0x49: {  	_ =	swait.ge [sflag:s16], $0x4000  }
0x4a: {  	s24 =	smov.u32 s26;
	[sflag:s16] =	ssyncset.done $0x0  }
0x4b: {  	s23 =	sshra.s32 s23, $0x2;
	[sflag:s16] =	ssyncadd.s32 $0xFFFFC000  }
0x4c: {  	[tilespmem:s19], [sflag:$0x1] =	stream.indirect.gather [hbm4b:s5+s18], $0x80, s23, s18, $0xb8;
	[tilespmem:$0x1E000] =	vst v63  }
0x4d: {  	s24 =	sadd.s32 $0x80, s23  }
0x4e: {  	[tilespmem:s20], [sflag:$0x1] =	stream.indirect.gather [hbm4b:s5+s18], $0x80, s24, s18, $0xb8;
	[tilespmem:$0x1E000] =	vst v63  }
0x4f: {  	_ =	swait.ge [sflag:s21], $0x4000  }
0x50: {  	[sflag:s21] =	ssyncset.done $0x0  }
0x51: {  	[sflag:s21] =	ssyncadd.s32 $0xFFFFC000  }
0x52: {  	_ =	swait.ge [sflag:s21], $0x4000  }
0x53: {  	[sflag:s21] =	ssyncset.done $0x0  }
0x54: {  	s31 =	sadd.s32 $0x1000, s23;
	[sflag:s21] =	ssyncadd.s32 $0xFFFFC000  }
0x55: {  	[spmem:s2] =	stream.indirect.scatter.add.f32 [tilespmem:s19], [sflag:$0x2], $0x80, s31, s18, $0xb8;
	[tilespmem:$0x1E000] =	vst v63  }
0x56: {  	s22 =	sadd.s32 $0x1, s22;
	_ =	swait.ge [sflag:s16], $0x4000  }
0x57: {  	p1 =	seq.s32 s22, $0x5;
	[sflag:s16] =	ssyncset.done $0x0  }
.Ltmp4:
0x58: {  	s23 =	sadd.s32 $0x1080, s23;
	[sflag:s16] =	ssyncadd.s32 $0xFFFFC000;
	(pc) =	sbr.rel @!p1 .LBB2_2-.Ltmp4, $4  }
0x59: {  	[spmem:s2] =	stream.indirect.scatter.add.f32 [tilespmem:s20], [sflag:$0x2], $0x80, s23, s18, $0xb8;
	[tilespmem:$0x1E000] =	vst v63  }
0x5a: {  	_ =	swait.ge [sflag:s16], $0x4000  }
0x5b: {  	[sflag:s16] =	ssyncset.done $0x0  }
0x5c: {  	[sflag:s16] =	ssyncadd.s32 $0xFFFFC000  }
.Ltmp5:
0x5d: {  	(pc) =	sbr.rel .LBB2_10-.Ltmp5, $2  }
0x5e: {  	_ =	sdelay $0x2  }
0x5f: {  	s22 =	smov.u32 s9  }
.LBB2_6:
0x60: {  	s22 =	sshll.u32 s23, $0xC  }
0x61: {  	s22 =	sadd.s32 s13, s22  }
0x62: {  	s22 =	sshrl.u32 s22, $0x3  }
0x63: {  	s25 =	simm.s32 $0x0;
	s24 =	sadd.s32 s8, s22  }
0x64: {  	[tilespmem:s25], [sflag:$0x2] =	stream.linear.gather [hbm4b:s24+s25], $0x1000, $0x38;
	[tilespmem:$0x1E000] =	vst v63  }
0x65: {  	_ =	swait.ge [sflag:s16], $0x1000  }
0x66: {  	[sflag:s16] =	ssyncset.done $0x0  }
0x67: {  	s22 =	sadd.s32 s1, s22;
	[sflag:s16] =	ssyncadd.s32 $0xFFFFF000  }
0x68: {  	[tilespmem:s17], [sflag:$0x2] =	stream.linear.gather [hbm4b:s22+s25], $0x1000, $0x38;
	[tilespmem:$0x1E000] =	vst v63  }
0x69: {  	_ =	swait.ge [sflag:s16], $0x1000  }
0x6a: {  	[sflag:s16] =	ssyncset.done $0x0  }
0x6b: {  	s28 =	simm.s32 $0x0;
	[sflag:s16] =	ssyncadd.s32 $0xFFFFF000  }
0x6c: {  	[tilespmem:s19], [sflag:$0x1] =	stream.indirect.gather [hbm4b:s6+s18], $0x80, s28, s18, $0xb8;
	[tilespmem:$0x1E000] =	vst v63  }
0x6d: {  	s29 =	simm.s32 $0x80  }
0x6e: {  	[tilespmem:s20], [sflag:$0x1] =	stream.indirect.gather [hbm4b:s6+s18], $0x80, s29, s18, $0xb8;
	[tilespmem:$0x1E000] =	vst v63  }
0x6f: {  	_ =	swait.ge [sflag:s21], $0x4000  }
0x70: {  	[sflag:s21] =	ssyncset.done $0x0  }
0x71: {  	[sflag:s21] =	ssyncadd.s32 $0xFFFFC000  }
0x72: {  	_ =	swait.ge [sflag:s21], $0x4000  }
0x73: {  	[sflag:s21] =	ssyncset.done $0x0  }
0x74: {  	s30 =	simm.s32 $0x1000;
	[sflag:s21] =	ssyncadd.s32 $0xFFFFC000  }
0x75: {  	[spmem:s2] =	stream.indirect.scatter.add.f32 [tilespmem:s19], [sflag:$0x2], $0x80, s30, s18, $0xb8;
	[tilespmem:$0x1E000] =	vst v63  }
0x76: {  	_ =	swait.ge [sflag:s16], $0x4000  }
0x77: {  	[sflag:s16] =	ssyncset.done $0x0  }
0x78: {  	s31 =	simm.s32 $0x1080;
	[sflag:s16] =	ssyncadd.s32 $0xFFFFC000  }
0x79: {  	[spmem:s2] =	stream.indirect.scatter.add.f32 [tilespmem:s20], [sflag:$0x2], $0x80, s31, s18, $0xb8;
	[tilespmem:$0x1E000] =	vst v63  }
0x7a: {  	_ =	swait.ge [sflag:s16], $0x4000  }
0x7b: {  	s24 =	simm.s32 $0x800;
	s22 =	simm.s32 $0x400;
	[sflag:s16] =	ssyncset.done $0x0  }
.LBB2_7:
0x7c: {  	s25 =	sshra.s32 s22, $0x2  }
0x7d: {  	[sflag:s16] =	ssyncadd.s32 $0xFFFFC000;
	s22 =	smov.u32 s24;
	s26 =	sadd.s32 $0x400, s24  }
0x7e: {  	[tilespmem:s19], [sflag:$0x1] =	stream.indirect.gather [hbm4b:s6+s18], $0x80, s25, s18, $0xb8;
	[tilespmem:$0x1E000] =	vst v63  }
0x7f: {  	p1 =	sne.s32 s24, $0x3C00;
	s24 =	sadd.s32 $0x80, s25  }
0x80: {  	[tilespmem:s20], [sflag:$0x1] =	stream.indirect.gather [hbm4b:s6+s18], $0x80, s24, s18, $0xb8;
	[tilespmem:$0x1E000] =	vst v63  }
0x81: {  	_ =	swait.ge [sflag:s21], $0x4000  }
0x82: {  	[sflag:s21] =	ssyncset.done $0x0  }
0x83: {  	[sflag:s21] =	ssyncadd.s32 $0xFFFFC000  }
0x84: {  	_ =	swait.ge [sflag:s21], $0x4000  }
0x85: {  	[sflag:s21] =	ssyncset.done $0x0  }
0x86: {  	s24 =	sadd.s32 $0x1000, s25;
	[sflag:s21] =	ssyncadd.s32 $0xFFFFC000  }
0x87: {  	[spmem:s2] =	stream.indirect.scatter.add.f32 [tilespmem:s19], [sflag:$0x2], $0x80, s24, s18, $0xb8;
	[tilespmem:$0x1E000] =	vst v63  }
0x88: {  	_ =	swait.ge [sflag:s16], $0x4000  }
.Ltmp6:
0x89: {  	[sflag:s16] =	ssyncset.done $0x0;
	(pc) =	sbr.rel @p1 .LBB2_7-.Ltmp6, $4  }
0x8a: {  	s24 =	sadd.s32 $0x1080, s25;
	[sflag:s16] =	ssyncadd.s32 $0xFFFFC000  }
0x8b: {  	[spmem:s2] =	stream.indirect.scatter.add.f32 [tilespmem:s20], [sflag:$0x2], $0x80, s24, s18, $0xb8;
	[tilespmem:$0x1E000] =	vst v63  }
0x8c: {  	_ =	swait.ge [sflag:s16], $0x4000  }
0x8d: {  	s24 =	smov.u32 s26;
	[sflag:s16] =	ssyncset.done $0x0  }
0x8e: {  	s22 =	sshra.s32 s22, $0x2;
	[sflag:s16] =	ssyncadd.s32 $0xFFFFC000  }
0x8f: {  	[tilespmem:s19], [sflag:$0x1] =	stream.indirect.gather [hbm4b:s6+s18], $0x80, s22, s18, $0xb8;
	[tilespmem:$0x1E000] =	vst v63  }
0x90: {  	s24 =	sadd.s32 $0x80, s22  }
0x91: {  	[tilespmem:s20], [sflag:$0x1] =	stream.indirect.gather [hbm4b:s6+s18], $0x80, s24, s18, $0xb8;
	[tilespmem:$0x1E000] =	vst v63  }
0x92: {  	_ =	swait.ge [sflag:s21], $0x4000  }
0x93: {  	[sflag:s21] =	ssyncset.done $0x0  }
0x94: {  	[sflag:s21] =	ssyncadd.s32 $0xFFFFC000  }
0x95: {  	_ =	swait.ge [sflag:s21], $0x4000  }
0x96: {  	[sflag:s21] =	ssyncset.done $0x0  }
0x97: {  	s31 =	sadd.s32 $0x1000, s22;
	[sflag:s21] =	ssyncadd.s32 $0xFFFFC000  }
0x98: {  	[spmem:s2] =	stream.indirect.scatter.add.f32 [tilespmem:s19], [sflag:$0x2], $0x80, s31, s18, $0xb8;
	[tilespmem:$0x1E000] =	vst v63  }
0x99: {  	s23 =	sadd.s32 $0x1, s23;
	_ =	swait.ge [sflag:s16], $0x4000  }
0x9a: {  	p1 =	sne.s32 s23, $0x5;
	[sflag:s16] =	ssyncset.done $0x0  }
.Ltmp7:
0x9b: {  	s22 =	sadd.s32 $0x1080, s22;
	[sflag:s16] =	ssyncadd.s32 $0xFFFFC000;
	(pc) =	sbr.rel @p1 .LBB2_6-.Ltmp7, $4  }
0x9c: {  	[spmem:s2] =	stream.indirect.scatter.add.f32 [tilespmem:s20], [sflag:$0x2], $0x80, s22, s18, $0xb8;
	[tilespmem:$0x1E000] =	vst v63  }
0x9d: {  	_ =	swait.ge [sflag:s16], $0x4000  }
0x9e: {  	[sflag:s16] =	ssyncset.done $0x0  }
0x9f: {  	[sflag:s16] =	ssyncadd.s32 $0xFFFFC000  }
.Ltmp8:
0xa0: {  	(pc) =	sbr.rel .LBB2_10-.Ltmp8, $2  }
0xa1: {  	_ =	sdelay $0x2  }
0xa2: {  	s22 =	smov.u32 s10  }
.LBB2_11:
0xa3: {  	_ =	sfence.sel $0x180000  }
0xa4: {  	[bflag:$0x0] =	sbarrier.arrive $0xFFFF  }
0xa5: {  	p0 =	sne.s32 s3, $0x0;
	_ =	strace $0x90000050  }
0xa6: {  	s0 =	sadd.s32 @!p0 $0x100000, s0;
	[bflag:$0x2] =	sbarrier.arrive $0xFFFF  }
0xa7: {  	[sflag:s0] =	ssyncadd.tile.s32 @!p0 $0x1;
	_ =	shalt  }
.Lfunc_end2:
_tile_overlayer_lowered:
.L_overlay_start_2:
0xa8: {  	(tag) =	ssettag $0x2  }
0xa9: {  	s0 =	rddreg [dreg:$0x0];
	s2 =	stileid.u32  }
0xaa: {  	s1 =	rddreg [dreg:$0x1];
	p0 =	sne.s32 s2, $0x0  }
0xab: {  	s3 =	rddreg [dreg:$0x2];
	[bflag:$0x3] =	sbarrier.arrive $0xFFFF;
	s2 =	simm.s32 @!p0 $0x1C02  }
0xac: {  	[timem:s3], [sflag:s2] =	dma.local @!p0 [hbm:s0], s1  }
0xad: {  	s0 =	simm.s32 @!p0 $0x2  }
0xae: {  	_ =	swait.ge @!p0 [sflag:s0], s1  }
0xaf: {  	s1 =	ssub.s32 @!p0 $0x0, s1;
	[sflag:s0] =	ssyncset.done @!p0 $0x0  }
0xb0: {  	[sflag:s0] =	ssyncadd.s32 @!p0 s1  }
0xb1: {  	[bflag:$0x3] =	sbarrier.arrive $0xFFFF  }
0xb2: {  	_ =	shalt  }

// kernel: kernel.27.cloned.1.call-start
scs
__scs_entry_jumppad:
0x0: {  	(pc) =	sbr.rel $0x88, $3  }
0x1: {  	(tag) =	ssettag $0x0;
	lr =	simm.s32 $0x1  }
0x2: {  	[smem:$0x3F95] =	sst lr;
	_ =	strace $0xD0000000  }
0x3: {  	_ = 	snop  }
0x4: {  	_ = 	snop  }
0x5: {  	_ = 	snop  }
0x6: {  	_ = 	snop  }
0x7: {  	_ = 	snop  }
__scs_overlays_trampoline_lowered:
0x8: {  	[smem:$0x3FA4] =	sst s0  }
0x9: {  	[smem:$0x3FA5] =	sst s1  }
0xa: {  	[smem:$0x3FA6] =	sst s2  }
0xb: {  	[smem:$0x3FA7] =	sst s3  }
0xc: {  	[smem:$0x3FA8] =	sst s4  }
0xd: {  	[smem:$0x3FA9] =	sst s5  }
0xe: {  	[smem:$0x3FAA] =	sst s6  }
0xf: {  	[smem:$0x3FAB] =	sst s7  }
0x10: {  	[smem:$0x3FAC] =	sst s8  }
0x11: {  	[smem:$0x3FAD] =	sst s9;
	s0 =	simm.s32 @!p0 $0x0  }
0x12: {  	s1 =	sld [smem:$0x3F93];
	s0 =	simm.s32 @p0 $0x1  }
0x13: {  	[smem:$0x3FAE] =	sst s0;
	s0 =	simm.s32 @!p1 $0x0  }
0x14: {  	s2 =	sld [smem:$0x3F92];
	s0 =	simm.s32 @p1 $0x1  }
0x15: {  	[smem:$0x3FAF] =	sst s0;
	s0 =	simm.s32 @!p2 $0x0  }
0x16: {  	s3 =	sld [smem:$0x3FDB];
	s0 =	simm.s32 @p2 $0x1  }
0x17: {  	s4 =	simm.s32 $0x1BF5;
	[smem:$0x3FB1] =	sst s0  }
0x18: {  	s0 =	sld [smem:$0x3F94];
	_ =	swait.ge [sflag:s4], $0x0  }
0x19: {  	s7 =	sld [smem:$0x3F95]  }
0x1a: {  	s8 =	sadd.s32 $0xFFFFE003, lr  }
0x1b: {  	s9 =	sadd.s32 $0xFFFFFEF7, lr;
	s5 =	simm.s32 $0xFFFFFFFF;
	p2 =	slt.u32 s8, $0xFFFFF086  }
0x1c: {  	p1 =	slt.u32 s9, $0xF7A;
	s5 =	simm.s32 @!p2 $0x0  }
0x1d: {  	s5 =	simm.s32 @p1 $0x1;
	p0 =	seq.s32 s7, s2  }
0x1e: {  	s7 =	smul.u32 @!p0 $0xF7A, s2;
	p2 =	seq.s32 @!p0 s5, $0x0  }
0x1f: {  	s9 =	smul.u32 $0xF7A, s1;
	s8 =	simm.s32 @!p0 $0x1BF5;
	p2 =	por !p2, p0  }
0x20: {  	[sflag:s8] =	ssyncset.s32 @!p0 $0xFFFFF086;
	s6 =	sadd.s32 @!p0 s3, s7;
	s7 =	simm.s32 @!p0 $0x108  }
0x21: {  	s3 =	sadd.s32 s3, s9;
	s6 =	sadd.s32 @!p0 $0x88, s6;
	s7 =	simm.s32 @p2 $0x1082  }
0x22: {  	[simem:s7], [sflag:s8] =	dma.local @!p0 [hbm:s6], $0xF7A  }
0x23: {  	s9 =	sor.u32 $0xD0000000, s2;
	s6 =	simm.s32 $0x108;
	_ =	swait.ge @!p0 [sflag:s8], $0x0  }
0x24: {  	s3 =	sadd.s32 $0x88, s3;
	s6 =	simm.s32 @!p1 $0x1082;
	[sflag:s4] =	ssyncset.s32 $0xFFFFF086  }
0x25: {  	[simem:s6], [sflag:s4] =	dma.local [hbm:s3], $0xF7A  }
0x26: {  	[smem:$0x3F95] =	sst s1;
	(tag) =	ssettag s2;
	_ =	strace s9  }
0x27: {  	s1 =	sld [smem:$0x3FA5]  }
0x28: {  	s2 =	sld [smem:$0x3FA6]  }
0x29: {  	s4 =	sld [smem:$0x3FA8]  }
0x2a: {  	p0 =	seq.s32 s5, $0x0;
	s5 =	sld [smem:$0x3FA9]  }
0x2b: {  	s6 =	sld [smem:$0x3FAA]  }
0x2c: {  	s7 =	sld [smem:$0x3FAB]  }
0x2d: {  	s3 =	simm.s32 $0x108;
	s8 =	sld [smem:$0x3FAC]  }
0x2e: {  	s3 =	simm.s32 @!p0 $0x1082;
	s9 =	sld [smem:$0x3FAD]  }
0x2f: {  	lr =	sadd.s32 s0, s3;
	s0 =	sld [smem:$0x3FA4]  }
0x30: {  	s3 =	sld [smem:$0x3FA7]  }
0x31: {  	[smem:$0x3FB0] =	sst s10  }
0x32: {  	s10 =	sld [smem:$0x3FAE];
	_ =	sdelay $0x3  }
0x33: {  	p0 =	seq.s32 s10, $0x1;
	s10 =	sld [smem:$0x3FB0];
	_ =	sdelay $0x3  }
0x34: {  	[smem:$0x3FB0] =	sst s10  }
0x35: {  	s10 =	sld [smem:$0x3FAF];
	_ =	sdelay $0x3  }
0x36: {  	p1 =	seq.s32 s10, $0x1;
	s10 =	sld [smem:$0x3FB0];
	_ =	sdelay $0x3  }
0x37: {  	[smem:$0x3FB0] =	sst s10  }
0x38: {  	s10 =	sld [smem:$0x3FB1]  }
0x39: {  	_ = 	snop;
	(pc) =	sbr.ind lr, $3  }
0x3a: {  	_ = 	snop  }
0x3b: {  	_ = 	snop  }
0x3c: {  	p2 =	seq.s32 s10, $0x1;
	s10 =	sld [smem:$0x3FB0]  }
0x3d: {  	_ =	shalt  }
0x3e: {  	_ =	shalt  }
0x3f: {  	_ =	shalt  }
0x40: {  	_ =	shalt  }
0x41: {  	_ =	shalt  }
0x42: {  	_ =	shalt  }
0x43: {  	_ =	shalt  }
0x44: {  	_ =	shalt  }
0x45: {  	_ =	shalt  }
0x46: {  	_ =	shalt  }
0x47: {  	_ =	shalt  }
0x48: {  	_ =	shalt  }
0x49: {  	_ =	shalt  }
0x4a: {  	_ =	shalt  }
0x4b: {  	_ =	shalt  }
0x4c: {  	_ =	shalt  }
0x4d: {  	_ =	shalt  }
0x4e: {  	_ =	shalt  }
0x4f: {  	_ =	shalt  }
0x50: {  	_ =	shalt  }
0x51: {  	_ =	shalt  }
0x52: {  	_ =	shalt  }
0x53: {  	_ =	shalt  }
0x54: {  	_ =	shalt  }
0x55: {  	_ =	shalt  }
0x56: {  	_ =	shalt  }
0x57: {  	_ =	shalt  }
0x58: {  	_ =	shalt  }
0x59: {  	_ =	shalt  }
0x5a: {  	_ =	shalt  }
0x5b: {  	_ =	shalt  }
0x5c: {  	_ =	shalt  }
0x5d: {  	_ =	shalt  }
0x5e: {  	_ =	shalt  }
0x5f: {  	_ =	shalt  }
0x60: {  	_ =	shalt  }
0x61: {  	_ =	shalt  }
0x62: {  	_ =	shalt  }
0x63: {  	_ =	shalt  }
0x64: {  	_ =	shalt  }
0x65: {  	_ =	shalt  }
0x66: {  	_ =	shalt  }
0x67: {  	_ =	shalt  }
0x68: {  	_ =	shalt  }
0x69: {  	_ =	shalt  }
0x6a: {  	_ =	shalt  }
0x6b: {  	_ =	shalt  }
0x6c: {  	_ =	shalt  }
0x6d: {  	_ =	shalt  }
0x6e: {  	_ =	shalt  }
0x6f: {  	_ =	shalt  }
0x70: {  	_ =	shalt  }
0x71: {  	_ =	shalt  }
0x72: {  	_ =	shalt  }
0x73: {  	_ =	shalt  }
0x74: {  	_ =	shalt  }
0x75: {  	_ =	shalt  }
0x76: {  	_ =	shalt  }
0x77: {  	_ =	shalt  }
0x78: {  	_ =	shalt  }
0x79: {  	_ =	shalt  }
0x7a: {  	_ =	shalt  }
0x7b: {  	_ =	shalt  }
0x7c: {  	_ =	shalt  }
0x7d: {  	_ =	shalt  }
0x7e: {  	_ =	shalt  }
0x7f: {  	_ =	shalt  }
0x80: {  	_ =	shalt  }
0x81: {  	_ =	shalt  }
0x82: {  	_ =	shalt  }
0x83: {  	_ =	shalt  }
0x84: {  	_ =	shalt  }
0x85: {  	_ =	shalt  }
0x86: {  	_ =	shalt  }
0x87: {  	_ =	shalt  }
.Lfunc_end0:
.L_simem_size_0:
called_computation.4_lowered:
.L_overlay_start_0:
0x88: {  	s2 =	sld [smem:$0x3FD9]  }
0x89: {  	s3 =	sld [smem:$0x3FFE];
	_ =	sdelay $0x1  }
0x8a: {  	s1 =	srdreg.scid  }
0x8b: {  	s0 =	sand.u32 $0x1, s1  }
0x8c: {  	s17 =	sshll.u32 s0, $0xA;
	s2 =	sadd.s32 s3, s2  }
0x8d: {  	s2 =	sadd.s32 s2, s17  }
0x8e: {  	[smem:$0x3FBC] =	sst s2  }
0x8f: {  	_ = 	snop  }
0x90: {  	s2 =	sld [smem:$0x3FD0];
	(tm) =	ssettm $0x1  }
0x91: {  	s18 =	sld [smem:$0x3FFB];
	_ =	sdelay $0x3  }
0x92: {  	_ =	strace s18  }
0x93: {  	s3 =	sld [smem:$0x3FFC];
	_ =	sdelay $0x3  }
0x94: {  	_ =	strace s3  }
0x95: {  	s3 =	sld [smem:$0x3FFD];
	_ =	sdelay $0x3  }
0x96: {  	_ =	strace s3  }
0x97: {  	_ =	strace $0x8FFFFFFF  }
0x98: {  	s19 =	sld [smem:$0x3FDB];
	_ =	sdelay $0x1  }
0x99: {  	s4 =	simm.s32 $_scs_section_size  }
0x9a: {  	s5 =	simm.s32 $_size__tile_overlayer_lowered;
	s6 =	simm.s32 $_tile_overlayer_lowered  }
0x9b: {  	s22 =	simm.s32 $0x1BFF;
	s21 =	sshll.u32 s6, $0x1;
	s3 =	sadd.s32 s4, s19  }
0x9c: {  	s7 =	simm.s32 $0x0;
	s20 =	sshll.u32 s5, $0x1;
	s5 =	sadd.s32 s21, s3  }
0x9d: {  	[timem:s7], [sflag:s22] =	dma.local [hbm:s5], s20  }
0x9e: {  	_ =	swait.ge [sflag:s22], s20  }
0x9f: {  	s4 =	ssub.s32 $0x0, s20;
	[sflag:s22] =	ssyncset.done $0x0  }
0xa0: {  	[sflag:s22] =	ssyncadd.s32 s4;
	_ =	sdelay $0x1  }
0xa1: {  	s23 =	simm.s32 $0x1B8B  }
0xa2: {  	_ =	swait.ge [sflag:s23], $0x1  }
0xa3: {  	[sflag:s23] =	ssyncset.done $0x0  }
0xa4: {  	s25 =	simm.s32 $0x1B8E;
	s24 =	sld [smem:$0x3FFE];
	[sflag:s23] =	ssyncadd.s32 $0xFFFFFFFF  }
0xa5: {  	s26 =	simm.s32 $execute0_lowered;
	[smem:$0x3FD2] =	sst s25  }
0xa6: {  	s5 =	sshll.u32 s26, $0x1;
	_ =	strace $0x80000052;
	[dreg:$0x1] =	wrdreg $0xFFFFFFFF  }
0xa7: {  	s28 =	simm.s32 $_size_execute0_lowered;
	s3 =	sadd.s32 s3, s5;
	[dreg:$0x0] =	wrdreg $0x0  }
0xa8: {  	s5 =	sshll.u32 s28, $0x1;
	[dreg:$0x2] =	wrdreg s3  }
0xa9: {  	[dreg:$0x3] =	wrdreg s5  }
0xaa: {  	[dreg:$0x4] =	wrdreg $0xC0  }
0xab: {  	_ =	task [dreg:s7], $0x5FFFF  }
0xac: {  	[dreg:$0x1] =	wrdreg $0xFFFFFFFF  }
0xad: {  	[dreg:$0x0] =	wrdreg $0x60  }
0xae: {  	[dreg:$0x2] =	wrdreg s24  }
0xaf: {  	[dreg:$0x3] =	wrdreg s2  }
0xb0: {  	[dreg:$0x4] =	wrdreg $0xA0000  }
0xb1: {  	[dreg:$0x5] =	wrdreg $0x9  }
0xb2: {  	_ =	task.clear_ibuf [dreg:s7], $0x6FFFF;
	_ =	strace $0x90000052  }
0xb3: {  	s29 =	simm.s32 $0x9;
	_ =	strace $0x80000054  }
0xb4: {  	_ =	swait.ge [sflag:s29], $0x1  }
0xb5: {  	[sflag:s29] =	ssyncadd.s32 $0xFFFFFFFF  }
0xb6: {  	_ =	strace $0x90000054  }
0xb7: {  	_ =	sfence  }
0xb8: {  	s30 =	sld [smem:$0x0];
	_ =	sdelay $0x2  }
0xb9: {  	s31 =	sshll.u32 s1, $0xD;
	s1 =	sshrl.u32 s1, $0x2  }
0xba: {  	s3 =	sand.u32 $0x4000, s31;
	s1 =	sadd.s32 s1, s30  }
0xbb: {  	s0 =	sor.u32 s3, s0;
	s1 =	sshll.u32 s1, $0x11  }
0xbc: {  	s0 =	sor.u32 s1, s0  }
0xbd: {  	s0 =	sadd.s32 $0x8F2B, s0  }
0xbe: {  	[sflag:s0] =	ssyncadd.remote.s32 $0x1  }
0xbf: {  	_ =	sfence.sel $0xFFFF  }
0xc0: {  	[dreg:$0x0] =	wrdreg $0xFFFFFFFF;
	(pc) =	sbr.abs _section_cstart, $3  }
0xc1: {  	[dreg:$0x1] =	wrdreg $0xFFFFFFFF  }
0xc2: {  	_ =	task.clear_ibuf [dreg:s7], $0x2FFFF;
	_ =	strace $0x9FFFFFFF  }
0xc3: {  	(tm) =	ssettm $0x7FFFFFFF  }
tec
execute0_lowered:
.L_overlay_start_1:
0x0: {  	(tag) =	ssettag $0x1  }
0x1: {  	s10 =	rddreg [dreg:$0x0]  }
0x2: {  	s1 =	rddreg [dreg:$0x1]  }
0x3: {  	s2 =	rddreg [dreg:$0x2]  }
0x4: {  	s0 =	rddreg [dreg:$0x3]  }
0x5: {  	s4 =	simm.s32 $0x0;
	s3 =	stileid.u32;
	s9 =	srdreg.scid  }
0x6: {  	s17 =	simm.s32 $0x1000;
	s18 =	simm.s32 $0x80;
	s19 =	simm.s32 $0x2000  }
0x7: {  	s20 =	simm.s32 $0x6000;
	s21 =	simm.s32 $0x1;
	[smem:$0x7FF] =	sst s4  }
0x8: {  	s5 =	sadd.s32 $0x11C00, s10;
	s6 =	sadd.s32 $0x39C00, s10;
	s7 =	smul.u32 $0x2800, s3  }
0x9: {  	s8 =	sadd.s32 $0x7C00, s10;
	s15 =	sand.u32 $0x1, s9;
	s11 =	smul.u32 $0x50000, s3  }
0xa: {  	s9 =	sadd.s32 $0x89C00, s10;
	s31 =	sshll.u32 s3, $0x6;
	_ =	strace $0x80000053  }
.Ltmp0:
0xb: {  	s13 =	ssub.s32 $0x2, s15;
	p0 =	sne.s32 s15, $0x0;
	(pc) =	sbr.rel .LBB2_1-.Ltmp0, $4  }
0xc: {  	s12 =	sadd.s32 s7, s10;
	s14 =	sshrl.u32 s13, $0x1;
	s11 =	sshrl.u32 s11, $0x2  }
0xd: {  	s10 =	sadd.s32 $0xB1C00, s10;
	s14 =	ssub.s32 s13, s14;
	s16 =	sadd.s32 s11, s2  }
0xe: {  	s11 =	sadd.s32 $0x61C00, s12;
	s12 =	sor.u32 $0x1C02, s31;
	s13 =	smul.u32 $0x5000, s3  }
0xf: {  	s14 =	smax.u32 s14, $0x1;
	s15 =	sshrl.u32 s16, $0x3;
	s16 =	simm.s32 $0x2  }
.LBB2_10:
0x10: {  	s4 =	sadd.s32 $0x1, s4  }
0x11: {  	p1 =	sne.s32 s4, s14  }
.Ltmp1:
0x12: {  	s22 =	sadd.s32 s22, s7;
	[bflag:$0x0] =	sbarrier.arrive $0xFFFF;
	(pc) =	sbr.rel @!p1 .LBB2_11-.Ltmp1, $4  }
0x13: {  	[hbm:s22], [sflag:s12] =	dma.local [spmem:s15], $0x2800  }
0x14: {  	_ =	swait.ge [sflag:s16], $0x2800  }
0x15: {  	[sflag:s16] =	ssyncset.done $0x0  }
0x16: {  	[sflag:s16] =	ssyncadd.s32 $0xFFFFD800  }
.LBB2_1:
0x17: {  	[spmem:s15], [sflag:s12] =	dma.local [hbm:s11], $0x2800  }
.Ltmp2:
0x18: {  	_ =	swait.ge [sflag:s16], $0x2800;
	(pc) =	sbr.rel @p0 .LBB2_6-.Ltmp2, $4  }
0x19: {  	[sflag:s16] =	ssyncset.done $0x0  }
0x1a: {  	[sflag:s16] =	ssyncadd.s32 $0xFFFFD800  }
0x1b: {  	[bflag:$0x0] =	sbarrier.arrive $0xFFFF  }
0x1c: {  	s22 =	simm.s32 $0x0;
	s23 =	simm.s32 $0x0  }
.LBB2_2:
0x1d: {  	s23 =	sshll.u32 s22, $0xC  }
0x1e: {  	s23 =	sadd.s32 s13, s23  }
0x1f: {  	s23 =	sshrl.u32 s23, $0x3  }
0x20: {  	s25 =	simm.s32 $0x0;
	s24 =	sadd.s32 s8, s23  }
0x21: {  	[tilespmem:s25], [sflag:$0x2] =	stream.linear.gather [hbm4b:s24+s25], $0x1000, $0x38;
	[tilespmem:$0x1E000] =	vst v63  }
0x22: {  	_ =	swait.ge [sflag:s16], $0x1000  }
0x23: {  	[sflag:s16] =	ssyncset.done $0x0  }
0x24: {  	s23 =	sadd.s32 s1, s23;
	[sflag:s16] =	ssyncadd.s32 $0xFFFFF000  }
0x25: {  	[tilespmem:s17], [sflag:$0x2] =	stream.linear.gather [hbm4b:s23+s25], $0x1000, $0x38;
	[tilespmem:$0x1E000] =	vst v63  }
0x26: {  	_ =	swait.ge [sflag:s16], $0x1000  }
0x27: {  	[sflag:s16] =	ssyncset.done $0x0  }
0x28: {  	s28 =	simm.s32 $0x0;
	[sflag:s16] =	ssyncadd.s32 $0xFFFFF000  }
0x29: {  	[tilespmem:s19], [sflag:$0x1] =	stream.indirect.gather [hbm4b:s5+s18], $0x80, s28, s18, $0xb8;
	[tilespmem:$0x1E000] =	vst v63  }
0x2a: {  	s29 =	simm.s32 $0x80  }
0x2b: {  	[tilespmem:s20], [sflag:$0x1] =	stream.indirect.gather [hbm4b:s5+s18], $0x80, s29, s18, $0xb8;
	[tilespmem:$0x1E000] =	vst v63  }
0x2c: {  	_ =	swait.ge [sflag:s21], $0x4000  }
0x2d: {  	[sflag:s21] =	ssyncset.done $0x0  }
0x2e: {  	[sflag:s21] =	ssyncadd.s32 $0xFFFFC000  }
0x2f: {  	_ =	swait.ge [sflag:s21], $0x4000  }
0x30: {  	[sflag:s21] =	ssyncset.done $0x0  }
0x31: {  	s30 =	simm.s32 $0x1000;
	[sflag:s21] =	ssyncadd.s32 $0xFFFFC000  }
0x32: {  	[spmem:s2] =	stream.indirect.scatter.add.f32 [tilespmem:s19], [sflag:$0x2], $0x80, s30, s18, $0xb8;
	[tilespmem:$0x1E000] =	vst v63  }
0x33: {  	_ =	swait.ge [sflag:s16], $0x4000  }
0x34: {  	[sflag:s16] =	ssyncset.done $0x0  }
0x35: {  	s31 =	simm.s32 $0x1080;
	[sflag:s16] =	ssyncadd.s32 $0xFFFFC000  }
0x36: {  	[spmem:s2] =	stream.indirect.scatter.add.f32 [tilespmem:s20], [sflag:$0x2], $0x80, s31, s18, $0xb8;
	[tilespmem:$0x1E000] =	vst v63  }
0x37: {  	_ =	swait.ge [sflag:s16], $0x4000  }
0x38: {  	s24 =	simm.s32 $0x800;
	s23 =	simm.s32 $0x400;
	[sflag:s16] =	ssyncset.done $0x0  }
.LBB2_3:
0x39: {  	s25 =	sshra.s32 s23, $0x2  }
0x3a: {  	[sflag:s16] =	ssyncadd.s32 $0xFFFFC000;
	s23 =	smov.u32 s24;
	s26 =	sadd.s32 $0x400, s24  }
0x3b: {  	[tilespmem:s19], [sflag:$0x1] =	stream.indirect.gather [hbm4b:s5+s18], $0x80, s25, s18, $0xb8;
	[tilespmem:$0x1E000] =	vst v63  }
0x3c: {  	p1 =	sne.s32 s24, $0x3C00;
	s24 =	sadd.s32 $0x80, s25  }
0x3d: {  	[tilespmem:s20], [sflag:$0x1] =	stream.indirect.gather [hbm4b:s5+s18], $0x80, s24, s18, $0xb8;
	[tilespmem:$0x1E000] =	vst v63  }
0x3e: {  	_ =	swait.ge [sflag:s21], $0x4000  }
0x3f: {  	[sflag:s21] =	ssyncset.done $0x0  }
0x40: {  	[sflag:s21] =	ssyncadd.s32 $0xFFFFC000  }
0x41: {  	_ =	swait.ge [sflag:s21], $0x4000  }
0x42: {  	[sflag:s21] =	ssyncset.done $0x0  }
0x43: {  	s24 =	sadd.s32 $0x1000, s25;
	[sflag:s21] =	ssyncadd.s32 $0xFFFFC000  }
0x44: {  	[spmem:s2] =	stream.indirect.scatter.add.f32 [tilespmem:s19], [sflag:$0x2], $0x80, s24, s18, $0xb8;
	[tilespmem:$0x1E000] =	vst v63  }
0x45: {  	_ =	swait.ge [sflag:s16], $0x4000  }
.Ltmp3:
0x46: {  	[sflag:s16] =	ssyncset.done $0x0;
	(pc) =	sbr.rel @p1 .LBB2_3-.Ltmp3, $4  }
0x47: {  	s24 =	sadd.s32 $0x1080, s25;
	[sflag:s16] =	ssyncadd.s32 $0xFFFFC000  }
0x48: {  	[spmem:s2] =	stream.indirect.scatter.add.f32 [tilespmem:s20], [sflag:$0x2], $0x80, s24, s18, $0xb8;
	[tilespmem:$0x1E000] =	vst v63  }
0x49: {  	_ =	swait.ge [sflag:s16], $0x4000  }
0x4a: {  	s24 =	smov.u32 s26;
	[sflag:s16] =	ssyncset.done $0x0  }
0x4b: {  	s23 =	sshra.s32 s23, $0x2;
	[sflag:s16] =	ssyncadd.s32 $0xFFFFC000  }
0x4c: {  	[tilespmem:s19], [sflag:$0x1] =	stream.indirect.gather [hbm4b:s5+s18], $0x80, s23, s18, $0xb8;
	[tilespmem:$0x1E000] =	vst v63  }
0x4d: {  	s24 =	sadd.s32 $0x80, s23  }
0x4e: {  	[tilespmem:s20], [sflag:$0x1] =	stream.indirect.gather [hbm4b:s5+s18], $0x80, s24, s18, $0xb8;
	[tilespmem:$0x1E000] =	vst v63  }
0x4f: {  	_ =	swait.ge [sflag:s21], $0x4000  }
0x50: {  	[sflag:s21] =	ssyncset.done $0x0  }
0x51: {  	[sflag:s21] =	ssyncadd.s32 $0xFFFFC000  }
0x52: {  	_ =	swait.ge [sflag:s21], $0x4000  }
0x53: {  	[sflag:s21] =	ssyncset.done $0x0  }
0x54: {  	s31 =	sadd.s32 $0x1000, s23;
	[sflag:s21] =	ssyncadd.s32 $0xFFFFC000  }
0x55: {  	[spmem:s2] =	stream.indirect.scatter.add.f32 [tilespmem:s19], [sflag:$0x2], $0x80, s31, s18, $0xb8;
	[tilespmem:$0x1E000] =	vst v63  }
0x56: {  	s22 =	sadd.s32 $0x1, s22;
	_ =	swait.ge [sflag:s16], $0x4000  }
0x57: {  	p1 =	seq.s32 s22, $0x5;
	[sflag:s16] =	ssyncset.done $0x0  }
.Ltmp4:
0x58: {  	s23 =	sadd.s32 $0x1080, s23;
	[sflag:s16] =	ssyncadd.s32 $0xFFFFC000;
	(pc) =	sbr.rel @!p1 .LBB2_2-.Ltmp4, $4  }
0x59: {  	[spmem:s2] =	stream.indirect.scatter.add.f32 [tilespmem:s20], [sflag:$0x2], $0x80, s23, s18, $0xb8;
	[tilespmem:$0x1E000] =	vst v63  }
0x5a: {  	_ =	swait.ge [sflag:s16], $0x4000  }
0x5b: {  	[sflag:s16] =	ssyncset.done $0x0  }
0x5c: {  	[sflag:s16] =	ssyncadd.s32 $0xFFFFC000  }
.Ltmp5:
0x5d: {  	(pc) =	sbr.rel .LBB2_10-.Ltmp5, $2  }
0x5e: {  	_ =	sdelay $0x2  }
0x5f: {  	s22 =	smov.u32 s9  }
.LBB2_6:
0x60: {  	s22 =	sshll.u32 s23, $0xC  }
0x61: {  	s22 =	sadd.s32 s13, s22  }
0x62: {  	s22 =	sshrl.u32 s22, $0x3  }
0x63: {  	s25 =	simm.s32 $0x0;
	s24 =	sadd.s32 s8, s22  }
0x64: {  	[tilespmem:s25], [sflag:$0x2] =	stream.linear.gather [hbm4b:s24+s25], $0x1000, $0x38;
	[tilespmem:$0x1E000] =	vst v63  }
0x65: {  	_ =	swait.ge [sflag:s16], $0x1000  }
0x66: {  	[sflag:s16] =	ssyncset.done $0x0  }
0x67: {  	s22 =	sadd.s32 s1, s22;
	[sflag:s16] =	ssyncadd.s32 $0xFFFFF000  }
0x68: {  	[tilespmem:s17], [sflag:$0x2] =	stream.linear.gather [hbm4b:s22+s25], $0x1000, $0x38;
	[tilespmem:$0x1E000] =	vst v63  }
0x69: {  	_ =	swait.ge [sflag:s16], $0x1000  }
0x6a: {  	[sflag:s16] =	ssyncset.done $0x0  }
0x6b: {  	s28 =	simm.s32 $0x0;
	[sflag:s16] =	ssyncadd.s32 $0xFFFFF000  }
0x6c: {  	[tilespmem:s19], [sflag:$0x1] =	stream.indirect.gather [hbm4b:s6+s18], $0x80, s28, s18, $0xb8;
	[tilespmem:$0x1E000] =	vst v63  }
0x6d: {  	s29 =	simm.s32 $0x80  }
0x6e: {  	[tilespmem:s20], [sflag:$0x1] =	stream.indirect.gather [hbm4b:s6+s18], $0x80, s29, s18, $0xb8;
	[tilespmem:$0x1E000] =	vst v63  }
0x6f: {  	_ =	swait.ge [sflag:s21], $0x4000  }
0x70: {  	[sflag:s21] =	ssyncset.done $0x0  }
0x71: {  	[sflag:s21] =	ssyncadd.s32 $0xFFFFC000  }
0x72: {  	_ =	swait.ge [sflag:s21], $0x4000  }
0x73: {  	[sflag:s21] =	ssyncset.done $0x0  }
0x74: {  	s30 =	simm.s32 $0x1000;
	[sflag:s21] =	ssyncadd.s32 $0xFFFFC000  }
0x75: {  	[spmem:s2] =	stream.indirect.scatter.add.f32 [tilespmem:s19], [sflag:$0x2], $0x80, s30, s18, $0xb8;
	[tilespmem:$0x1E000] =	vst v63  }
0x76: {  	_ =	swait.ge [sflag:s16], $0x4000  }
0x77: {  	[sflag:s16] =	ssyncset.done $0x0  }
0x78: {  	s31 =	simm.s32 $0x1080;
	[sflag:s16] =	ssyncadd.s32 $0xFFFFC000  }
0x79: {  	[spmem:s2] =	stream.indirect.scatter.add.f32 [tilespmem:s20], [sflag:$0x2], $0x80, s31, s18, $0xb8;
	[tilespmem:$0x1E000] =	vst v63  }
0x7a: {  	_ =	swait.ge [sflag:s16], $0x4000  }
0x7b: {  	s24 =	simm.s32 $0x800;
	s22 =	simm.s32 $0x400;
	[sflag:s16] =	ssyncset.done $0x0  }
.LBB2_7:
0x7c: {  	s25 =	sshra.s32 s22, $0x2  }
0x7d: {  	[sflag:s16] =	ssyncadd.s32 $0xFFFFC000;
	s22 =	smov.u32 s24;
	s26 =	sadd.s32 $0x400, s24  }
0x7e: {  	[tilespmem:s19], [sflag:$0x1] =	stream.indirect.gather [hbm4b:s6+s18], $0x80, s25, s18, $0xb8;
	[tilespmem:$0x1E000] =	vst v63  }
0x7f: {  	p1 =	sne.s32 s24, $0x3C00;
	s24 =	sadd.s32 $0x80, s25  }
0x80: {  	[tilespmem:s20], [sflag:$0x1] =	stream.indirect.gather [hbm4b:s6+s18], $0x80, s24, s18, $0xb8;
	[tilespmem:$0x1E000] =	vst v63  }
0x81: {  	_ =	swait.ge [sflag:s21], $0x4000  }
0x82: {  	[sflag:s21] =	ssyncset.done $0x0  }
0x83: {  	[sflag:s21] =	ssyncadd.s32 $0xFFFFC000  }
0x84: {  	_ =	swait.ge [sflag:s21], $0x4000  }
0x85: {  	[sflag:s21] =	ssyncset.done $0x0  }
0x86: {  	s24 =	sadd.s32 $0x1000, s25;
	[sflag:s21] =	ssyncadd.s32 $0xFFFFC000  }
0x87: {  	[spmem:s2] =	stream.indirect.scatter.add.f32 [tilespmem:s19], [sflag:$0x2], $0x80, s24, s18, $0xb8;
	[tilespmem:$0x1E000] =	vst v63  }
0x88: {  	_ =	swait.ge [sflag:s16], $0x4000  }
.Ltmp6:
0x89: {  	[sflag:s16] =	ssyncset.done $0x0;
	(pc) =	sbr.rel @p1 .LBB2_7-.Ltmp6, $4  }
0x8a: {  	s24 =	sadd.s32 $0x1080, s25;
	[sflag:s16] =	ssyncadd.s32 $0xFFFFC000  }
0x8b: {  	[spmem:s2] =	stream.indirect.scatter.add.f32 [tilespmem:s20], [sflag:$0x2], $0x80, s24, s18, $0xb8;
	[tilespmem:$0x1E000] =	vst v63  }
0x8c: {  	_ =	swait.ge [sflag:s16], $0x4000  }
0x8d: {  	s24 =	smov.u32 s26;
	[sflag:s16] =	ssyncset.done $0x0  }
0x8e: {  	s22 =	sshra.s32 s22, $0x2;
	[sflag:s16] =	ssyncadd.s32 $0xFFFFC000  }
0x8f: {  	[tilespmem:s19], [sflag:$0x1] =	stream.indirect.gather [hbm4b:s6+s18], $0x80, s22, s18, $0xb8;
	[tilespmem:$0x1E000] =	vst v63  }
0x90: {  	s24 =	sadd.s32 $0x80, s22  }
0x91: {  	[tilespmem:s20], [sflag:$0x1] =	stream.indirect.gather [hbm4b:s6+s18], $0x80, s24, s18, $0xb8;
	[tilespmem:$0x1E000] =	vst v63  }
0x92: {  	_ =	swait.ge [sflag:s21], $0x4000  }
0x93: {  	[sflag:s21] =	ssyncset.done $0x0  }
0x94: {  	[sflag:s21] =	ssyncadd.s32 $0xFFFFC000  }
0x95: {  	_ =	swait.ge [sflag:s21], $0x4000  }
0x96: {  	[sflag:s21] =	ssyncset.done $0x0  }
0x97: {  	s31 =	sadd.s32 $0x1000, s22;
	[sflag:s21] =	ssyncadd.s32 $0xFFFFC000  }
0x98: {  	[spmem:s2] =	stream.indirect.scatter.add.f32 [tilespmem:s19], [sflag:$0x2], $0x80, s31, s18, $0xb8;
	[tilespmem:$0x1E000] =	vst v63  }
0x99: {  	s23 =	sadd.s32 $0x1, s23;
	_ =	swait.ge [sflag:s16], $0x4000  }
0x9a: {  	p1 =	sne.s32 s23, $0x5;
	[sflag:s16] =	ssyncset.done $0x0  }
.Ltmp7:
0x9b: {  	s22 =	sadd.s32 $0x1080, s22;
	[sflag:s16] =	ssyncadd.s32 $0xFFFFC000;
	(pc) =	sbr.rel @p1 .LBB2_6-.Ltmp7, $4  }
0x9c: {  	[spmem:s2] =	stream.indirect.scatter.add.f32 [tilespmem:s20], [sflag:$0x2], $0x80, s22, s18, $0xb8;
	[tilespmem:$0x1E000] =	vst v63  }
0x9d: {  	_ =	swait.ge [sflag:s16], $0x4000  }
0x9e: {  	[sflag:s16] =	ssyncset.done $0x0  }
0x9f: {  	[sflag:s16] =	ssyncadd.s32 $0xFFFFC000  }
.Ltmp8:
0xa0: {  	(pc) =	sbr.rel .LBB2_10-.Ltmp8, $2  }
0xa1: {  	_ =	sdelay $0x2  }
0xa2: {  	s22 =	smov.u32 s10  }
.LBB2_11:
0xa3: {  	_ =	sfence.sel $0x180000  }
0xa4: {  	[bflag:$0x0] =	sbarrier.arrive $0xFFFF  }
0xa5: {  	p0 =	sne.s32 s3, $0x0;
	_ =	strace $0x90000053  }
0xa6: {  	s0 =	sadd.s32 @!p0 $0x100000, s0;
	[bflag:$0x2] =	sbarrier.arrive $0xFFFF  }
0xa7: {  	[sflag:s0] =	ssyncadd.tile.s32 @!p0 $0x1;
	_ =	shalt  }
.Lfunc_end2:
_tile_overlayer_lowered:
.L_overlay_start_2:
0xa8: {  	(tag) =	ssettag $0x2  }
0xa9: {  	s0 =	rddreg [dreg:$0x0];
	s2 =	stileid.u32  }
0xaa: {  	s1 =	rddreg [dreg:$0x1];
	p0 =	sne.s32 s2, $0x0  }
0xab: {  	s3 =	rddreg [dreg:$0x2];
	[bflag:$0x3] =	sbarrier.arrive $0xFFFF;
	s2 =	simm.s32 @!p0 $0x1C02  }
0xac: {  	[timem:s3], [sflag:s2] =	dma.local @!p0 [hbm:s0], s1  }
0xad: {  	s0 =	simm.s32 @!p0 $0x2  }
0xae: {  	_ =	swait.ge @!p0 [sflag:s0], s1  }
0xaf: {  	s1 =	ssub.s32 @!p0 $0x0, s1;
	[sflag:s0] =	ssyncset.done @!p0 $0x0  }
0xb0: {  	[sflag:s0] =	ssyncadd.s32 @!p0 s1  }
0xb1: {  	[bflag:$0x3] =	sbarrier.arrive $0xFFFF  }
0xb2: {  	_ =	shalt  }

// kernel: kernel.30.cloned.1.call-start
scs
__scs_entry_jumppad:
0x0: {  	(pc) =	sbr.rel $0x88, $3  }
0x1: {  	(tag) =	ssettag $0x0;
	lr =	simm.s32 $0x1  }
0x2: {  	[smem:$0x3F95] =	sst lr;
	_ =	strace $0xD0000000  }
0x3: {  	_ = 	snop  }
0x4: {  	_ = 	snop  }
0x5: {  	_ = 	snop  }
0x6: {  	_ = 	snop  }
0x7: {  	_ = 	snop  }
__scs_overlays_trampoline_lowered:
0x8: {  	[smem:$0x3FA4] =	sst s0  }
0x9: {  	[smem:$0x3FA5] =	sst s1  }
0xa: {  	[smem:$0x3FA6] =	sst s2  }
0xb: {  	[smem:$0x3FA7] =	sst s3  }
0xc: {  	[smem:$0x3FA8] =	sst s4  }
0xd: {  	[smem:$0x3FA9] =	sst s5  }
0xe: {  	[smem:$0x3FAA] =	sst s6  }
0xf: {  	[smem:$0x3FAB] =	sst s7  }
0x10: {  	[smem:$0x3FAC] =	sst s8  }
0x11: {  	[smem:$0x3FAD] =	sst s9;
	s0 =	simm.s32 @!p0 $0x0  }
0x12: {  	s1 =	sld [smem:$0x3F93];
	s0 =	simm.s32 @p0 $0x1  }
0x13: {  	[smem:$0x3FAE] =	sst s0;
	s0 =	simm.s32 @!p1 $0x0  }
0x14: {  	s2 =	sld [smem:$0x3F92];
	s0 =	simm.s32 @p1 $0x1  }
0x15: {  	[smem:$0x3FAF] =	sst s0;
	s0 =	simm.s32 @!p2 $0x0  }
0x16: {  	s3 =	sld [smem:$0x3FDB];
	s0 =	simm.s32 @p2 $0x1  }
0x17: {  	s4 =	simm.s32 $0x1BF5;
	[smem:$0x3FB1] =	sst s0  }
0x18: {  	s0 =	sld [smem:$0x3F94];
	_ =	swait.ge [sflag:s4], $0x0  }
0x19: {  	s7 =	sld [smem:$0x3F95]  }
0x1a: {  	s8 =	sadd.s32 $0xFFFFE003, lr  }
0x1b: {  	s9 =	sadd.s32 $0xFFFFFEF7, lr;
	s5 =	simm.s32 $0xFFFFFFFF;
	p2 =	slt.u32 s8, $0xFFFFF086  }
0x1c: {  	p1 =	slt.u32 s9, $0xF7A;
	s5 =	simm.s32 @!p2 $0x0  }
0x1d: {  	s5 =	simm.s32 @p1 $0x1;
	p0 =	seq.s32 s7, s2  }
0x1e: {  	s7 =	smul.u32 @!p0 $0xF7A, s2;
	p2 =	seq.s32 @!p0 s5, $0x0  }
0x1f: {  	s9 =	smul.u32 $0xF7A, s1;
	s8 =	simm.s32 @!p0 $0x1BF5;
	p2 =	por !p2, p0  }
0x20: {  	[sflag:s8] =	ssyncset.s32 @!p0 $0xFFFFF086;
	s6 =	sadd.s32 @!p0 s3, s7;
	s7 =	simm.s32 @!p0 $0x108  }
0x21: {  	s3 =	sadd.s32 s3, s9;
	s6 =	sadd.s32 @!p0 $0x88, s6;
	s7 =	simm.s32 @p2 $0x1082  }
0x22: {  	[simem:s7], [sflag:s8] =	dma.local @!p0 [hbm:s6], $0xF7A  }
0x23: {  	s9 =	sor.u32 $0xD0000000, s2;
	s6 =	simm.s32 $0x108;
	_ =	swait.ge @!p0 [sflag:s8], $0x0  }
0x24: {  	s3 =	sadd.s32 $0x88, s3;
	s6 =	simm.s32 @!p1 $0x1082;
	[sflag:s4] =	ssyncset.s32 $0xFFFFF086  }
0x25: {  	[simem:s6], [sflag:s4] =	dma.local [hbm:s3], $0xF7A  }
0x26: {  	[smem:$0x3F95] =	sst s1;
	(tag) =	ssettag s2;
	_ =	strace s9  }
0x27: {  	s1 =	sld [smem:$0x3FA5]  }
0x28: {  	s2 =	sld [smem:$0x3FA6]  }
0x29: {  	s4 =	sld [smem:$0x3FA8]  }
0x2a: {  	p0 =	seq.s32 s5, $0x0;
	s5 =	sld [smem:$0x3FA9]  }
0x2b: {  	s6 =	sld [smem:$0x3FAA]  }
0x2c: {  	s7 =	sld [smem:$0x3FAB]  }
0x2d: {  	s3 =	simm.s32 $0x108;
	s8 =	sld [smem:$0x3FAC]  }
0x2e: {  	s3 =	simm.s32 @!p0 $0x1082;
	s9 =	sld [smem:$0x3FAD]  }
0x2f: {  	lr =	sadd.s32 s0, s3;
	s0 =	sld [smem:$0x3FA4]  }
0x30: {  	s3 =	sld [smem:$0x3FA7]  }
0x31: {  	[smem:$0x3FB0] =	sst s10  }
0x32: {  	s10 =	sld [smem:$0x3FAE];
	_ =	sdelay $0x3  }
0x33: {  	p0 =	seq.s32 s10, $0x1;
	s10 =	sld [smem:$0x3FB0];
	_ =	sdelay $0x3  }
0x34: {  	[smem:$0x3FB0] =	sst s10  }
0x35: {  	s10 =	sld [smem:$0x3FAF];
	_ =	sdelay $0x3  }
0x36: {  	p1 =	seq.s32 s10, $0x1;
	s10 =	sld [smem:$0x3FB0];
	_ =	sdelay $0x3  }
0x37: {  	[smem:$0x3FB0] =	sst s10  }
0x38: {  	s10 =	sld [smem:$0x3FB1]  }
0x39: {  	_ = 	snop;
	(pc) =	sbr.ind lr, $3  }
0x3a: {  	_ = 	snop  }
0x3b: {  	_ = 	snop  }
0x3c: {  	p2 =	seq.s32 s10, $0x1;
	s10 =	sld [smem:$0x3FB0]  }
0x3d: {  	_ =	shalt  }
0x3e: {  	_ =	shalt  }
0x3f: {  	_ =	shalt  }
0x40: {  	_ =	shalt  }
0x41: {  	_ =	shalt  }
0x42: {  	_ =	shalt  }
0x43: {  	_ =	shalt  }
0x44: {  	_ =	shalt  }
0x45: {  	_ =	shalt  }
0x46: {  	_ =	shalt  }
0x47: {  	_ =	shalt  }
0x48: {  	_ =	shalt  }
0x49: {  	_ =	shalt  }
0x4a: {  	_ =	shalt  }
0x4b: {  	_ =	shalt  }
0x4c: {  	_ =	shalt  }
0x4d: {  	_ =	shalt  }
0x4e: {  	_ =	shalt  }
0x4f: {  	_ =	shalt  }
0x50: {  	_ =	shalt  }
0x51: {  	_ =	shalt  }
0x52: {  	_ =	shalt  }
0x53: {  	_ =	shalt  }
0x54: {  	_ =	shalt  }
0x55: {  	_ =	shalt  }
0x56: {  	_ =	shalt  }
0x57: {  	_ =	shalt  }
0x58: {  	_ =	shalt  }
0x59: {  	_ =	shalt  }
0x5a: {  	_ =	shalt  }
0x5b: {  	_ =	shalt  }
0x5c: {  	_ =	shalt  }
0x5d: {  	_ =	shalt  }
0x5e: {  	_ =	shalt  }
0x5f: {  	_ =	shalt  }
0x60: {  	_ =	shalt  }
0x61: {  	_ =	shalt  }
0x62: {  	_ =	shalt  }
0x63: {  	_ =	shalt  }
0x64: {  	_ =	shalt  }
0x65: {  	_ =	shalt  }
0x66: {  	_ =	shalt  }
0x67: {  	_ =	shalt  }
0x68: {  	_ =	shalt  }
0x69: {  	_ =	shalt  }
0x6a: {  	_ =	shalt  }
0x6b: {  	_ =	shalt  }
0x6c: {  	_ =	shalt  }
0x6d: {  	_ =	shalt  }
0x6e: {  	_ =	shalt  }
0x6f: {  	_ =	shalt  }
0x70: {  	_ =	shalt  }
0x71: {  	_ =	shalt  }
0x72: {  	_ =	shalt  }
0x73: {  	_ =	shalt  }
0x74: {  	_ =	shalt  }
0x75: {  	_ =	shalt  }
0x76: {  	_ =	shalt  }
0x77: {  	_ =	shalt  }
0x78: {  	_ =	shalt  }
0x79: {  	_ =	shalt  }
0x7a: {  	_ =	shalt  }
0x7b: {  	_ =	shalt  }
0x7c: {  	_ =	shalt  }
0x7d: {  	_ =	shalt  }
0x7e: {  	_ =	shalt  }
0x7f: {  	_ =	shalt  }
0x80: {  	_ =	shalt  }
0x81: {  	_ =	shalt  }
0x82: {  	_ =	shalt  }
0x83: {  	_ =	shalt  }
0x84: {  	_ =	shalt  }
0x85: {  	_ =	shalt  }
0x86: {  	_ =	shalt  }
0x87: {  	_ =	shalt  }
.Lfunc_end0:
.L_simem_size_0:
called_computation.5_lowered:
.L_overlay_start_0:
0x88: {  	s2 =	sld [smem:$0x3FD9]  }
0x89: {  	s3 =	sld [smem:$0x3FFE];
	_ =	sdelay $0x1  }
0x8a: {  	s1 =	srdreg.scid  }
0x8b: {  	s0 =	sand.u32 $0x1, s1  }
0x8c: {  	s17 =	sshll.u32 s0, $0xA;
	s2 =	sadd.s32 s3, s2  }
0x8d: {  	s2 =	sadd.s32 s2, s17  }
0x8e: {  	[smem:$0x3FBC] =	sst s2  }
0x8f: {  	_ = 	snop  }
0x90: {  	s2 =	sld [smem:$0x3FD0];
	(tm) =	ssettm $0x1  }
0x91: {  	s18 =	sld [smem:$0x3FFB];
	_ =	sdelay $0x3  }
0x92: {  	_ =	strace s18  }
0x93: {  	s3 =	sld [smem:$0x3FFC];
	_ =	sdelay $0x3  }
0x94: {  	_ =	strace s3  }
0x95: {  	s3 =	sld [smem:$0x3FFD];
	_ =	sdelay $0x3  }
0x96: {  	_ =	strace s3  }
0x97: {  	_ =	strace $0x8FFFFFFF  }
0x98: {  	s19 =	sld [smem:$0x3FDB];
	_ =	sdelay $0x1  }
0x99: {  	s4 =	simm.s32 $_scs_section_size  }
0x9a: {  	s5 =	simm.s32 $_size__tile_overlayer_lowered;
	s6 =	simm.s32 $_tile_overlayer_lowered  }
0x9b: {  	s22 =	simm.s32 $0x1BFF;
	s21 =	sshll.u32 s6, $0x1;
	s3 =	sadd.s32 s4, s19  }
0x9c: {  	s7 =	simm.s32 $0x0;
	s20 =	sshll.u32 s5, $0x1;
	s5 =	sadd.s32 s21, s3  }
0x9d: {  	[timem:s7], [sflag:s22] =	dma.local [hbm:s5], s20  }
0x9e: {  	_ =	swait.ge [sflag:s22], s20  }
0x9f: {  	s4 =	ssub.s32 $0x0, s20;
	[sflag:s22] =	ssyncset.done $0x0  }
0xa0: {  	[sflag:s22] =	ssyncadd.s32 s4;
	_ =	sdelay $0x1  }
0xa1: {  	s23 =	simm.s32 $0x1B8B  }
0xa2: {  	_ =	swait.ge [sflag:s23], $0x1  }
0xa3: {  	[sflag:s23] =	ssyncset.done $0x0  }
0xa4: {  	s25 =	simm.s32 $0x1B8E;
	s24 =	sld [smem:$0x3FFE];
	[sflag:s23] =	ssyncadd.s32 $0xFFFFFFFF  }
0xa5: {  	s26 =	simm.s32 $execute0_lowered;
	[smem:$0x3FD2] =	sst s25  }
0xa6: {  	s5 =	sshll.u32 s26, $0x1;
	_ =	strace $0x80000055;
	[dreg:$0x1] =	wrdreg $0xFFFFFFFF  }
0xa7: {  	s28 =	simm.s32 $_size_execute0_lowered;
	s3 =	sadd.s32 s3, s5;
	[dreg:$0x0] =	wrdreg $0x0  }
0xa8: {  	s5 =	sshll.u32 s28, $0x1;
	[dreg:$0x2] =	wrdreg s3  }
0xa9: {  	[dreg:$0x3] =	wrdreg s5  }
0xaa: {  	[dreg:$0x4] =	wrdreg $0xC0  }
0xab: {  	_ =	task [dreg:s7], $0x5FFFF  }
0xac: {  	[dreg:$0x1] =	wrdreg $0xFFFFFFFF  }
0xad: {  	[dreg:$0x0] =	wrdreg $0x60  }
0xae: {  	[dreg:$0x2] =	wrdreg s24  }
0xaf: {  	[dreg:$0x3] =	wrdreg s2  }
0xb0: {  	[dreg:$0x4] =	wrdreg $0xA0000  }
0xb1: {  	[dreg:$0x5] =	wrdreg $0x9  }
0xb2: {  	_ =	task.clear_ibuf [dreg:s7], $0x6FFFF;
	_ =	strace $0x90000055  }
0xb3: {  	s29 =	simm.s32 $0x9;
	_ =	strace $0x80000057  }
0xb4: {  	_ =	swait.ge [sflag:s29], $0x1  }
0xb5: {  	[sflag:s29] =	ssyncadd.s32 $0xFFFFFFFF  }
0xb6: {  	_ =	strace $0x90000057  }
0xb7: {  	_ =	sfence  }
0xb8: {  	s30 =	sld [smem:$0x0];
	_ =	sdelay $0x2  }
0xb9: {  	s31 =	sshll.u32 s1, $0xD;
	s1 =	sshrl.u32 s1, $0x2  }
0xba: {  	s3 =	sand.u32 $0x4000, s31;
	s1 =	sadd.s32 s1, s30  }
0xbb: {  	s0 =	sor.u32 s3, s0;
	s1 =	sshll.u32 s1, $0x11  }
0xbc: {  	s0 =	sor.u32 s1, s0  }
0xbd: {  	s0 =	sadd.s32 $0x8F2B, s0  }
0xbe: {  	[sflag:s0] =	ssyncadd.remote.s32 $0x1  }
0xbf: {  	_ =	sfence.sel $0xFFFF  }
0xc0: {  	[dreg:$0x0] =	wrdreg $0xFFFFFFFF;
	(pc) =	sbr.abs _section_cstart, $3  }
0xc1: {  	[dreg:$0x1] =	wrdreg $0xFFFFFFFF  }
0xc2: {  	_ =	task.clear_ibuf [dreg:s7], $0x2FFFF;
	_ =	strace $0x9FFFFFFF  }
0xc3: {  	(tm) =	ssettm $0x7FFFFFFF  }
tec
execute0_lowered:
.L_overlay_start_1:
0x0: {  	(tag) =	ssettag $0x1  }
0x1: {  	s10 =	rddreg [dreg:$0x0]  }
0x2: {  	s1 =	rddreg [dreg:$0x1]  }
0x3: {  	s2 =	rddreg [dreg:$0x2]  }
0x4: {  	s0 =	rddreg [dreg:$0x3]  }
0x5: {  	s4 =	simm.s32 $0x0;
	s3 =	stileid.u32;
	s9 =	srdreg.scid  }
0x6: {  	s17 =	simm.s32 $0x1000;
	s18 =	simm.s32 $0x80;
	s19 =	simm.s32 $0x2000  }
0x7: {  	s20 =	simm.s32 $0x6000;
	s21 =	simm.s32 $0x1;
	[smem:$0x7FF] =	sst s4  }
0x8: {  	s5 =	sadd.s32 $0x11C00, s10;
	s6 =	sadd.s32 $0x39C00, s10;
	s7 =	smul.u32 $0x2800, s3  }
0x9: {  	s8 =	sadd.s32 $0x7C00, s10;
	s15 =	sand.u32 $0x1, s9;
	s11 =	smul.u32 $0x50000, s3  }
0xa: {  	s9 =	sadd.s32 $0x89C00, s10;
	s31 =	sshll.u32 s3, $0x6;
	_ =	strace $0x80000056  }
.Ltmp0:
0xb: {  	s13 =	ssub.s32 $0x2, s15;
	p0 =	sne.s32 s15, $0x0;
	(pc) =	sbr.rel .LBB2_1-.Ltmp0, $4  }
0xc: {  	s12 =	sadd.s32 s7, s10;
	s14 =	sshrl.u32 s13, $0x1;
	s11 =	sshrl.u32 s11, $0x2  }
0xd: {  	s10 =	sadd.s32 $0xB1C00, s10;
	s14 =	ssub.s32 s13, s14;
	s16 =	sadd.s32 s11, s2  }
0xe: {  	s11 =	sadd.s32 $0x61C00, s12;
	s12 =	sor.u32 $0x1C02, s31;
	s13 =	smul.u32 $0x5000, s3  }
0xf: {  	s14 =	smax.u32 s14, $0x1;
	s15 =	sshrl.u32 s16, $0x3;
	s16 =	simm.s32 $0x2  }
.LBB2_10:
0x10: {  	s4 =	sadd.s32 $0x1, s4  }
0x11: {  	p1 =	sne.s32 s4, s14  }
.Ltmp1:
0x12: {  	s22 =	sadd.s32 s22, s7;
	[bflag:$0x0] =	sbarrier.arrive $0xFFFF;
	(pc) =	sbr.rel @!p1 .LBB2_11-.Ltmp1, $4  }
0x13: {  	[hbm:s22], [sflag:s12] =	dma.local [spmem:s15], $0x2800  }
0x14: {  	_ =	swait.ge [sflag:s16], $0x2800  }
0x15: {  	[sflag:s16] =	ssyncset.done $0x0  }
0x16: {  	[sflag:s16] =	ssyncadd.s32 $0xFFFFD800  }
.LBB2_1:
0x17: {  	[spmem:s15], [sflag:s12] =	dma.local [hbm:s11], $0x2800  }
.Ltmp2:
0x18: {  	_ =	swait.ge [sflag:s16], $0x2800;
	(pc) =	sbr.rel @p0 .LBB2_6-.Ltmp2, $4  }
0x19: {  	[sflag:s16] =	ssyncset.done $0x0  }
0x1a: {  	[sflag:s16] =	ssyncadd.s32 $0xFFFFD800  }
0x1b: {  	[bflag:$0x0] =	sbarrier.arrive $0xFFFF  }
0x1c: {  	s22 =	simm.s32 $0x0;
	s23 =	simm.s32 $0x0  }
.LBB2_2:
0x1d: {  	s23 =	sshll.u32 s22, $0xC  }
0x1e: {  	s23 =	sadd.s32 s13, s23  }
0x1f: {  	s23 =	sshrl.u32 s23, $0x3  }
0x20: {  	s25 =	simm.s32 $0x0;
	s24 =	sadd.s32 s8, s23  }
0x21: {  	[tilespmem:s25], [sflag:$0x2] =	stream.linear.gather [hbm4b:s24+s25], $0x1000, $0x38;
	[tilespmem:$0x1E000] =	vst v63  }
0x22: {  	_ =	swait.ge [sflag:s16], $0x1000  }
0x23: {  	[sflag:s16] =	ssyncset.done $0x0  }
0x24: {  	s23 =	sadd.s32 s1, s23;
	[sflag:s16] =	ssyncadd.s32 $0xFFFFF000  }
0x25: {  	[tilespmem:s17], [sflag:$0x2] =	stream.linear.gather [hbm4b:s23+s25], $0x1000, $0x38;
	[tilespmem:$0x1E000] =	vst v63  }
0x26: {  	_ =	swait.ge [sflag:s16], $0x1000  }
0x27: {  	[sflag:s16] =	ssyncset.done $0x0  }
0x28: {  	s28 =	simm.s32 $0x0;
	[sflag:s16] =	ssyncadd.s32 $0xFFFFF000  }
0x29: {  	[tilespmem:s19], [sflag:$0x1] =	stream.indirect.gather [hbm4b:s5+s18], $0x80, s28, s18, $0xb8;
	[tilespmem:$0x1E000] =	vst v63  }
0x2a: {  	s29 =	simm.s32 $0x80  }
0x2b: {  	[tilespmem:s20], [sflag:$0x1] =	stream.indirect.gather [hbm4b:s5+s18], $0x80, s29, s18, $0xb8;
	[tilespmem:$0x1E000] =	vst v63  }
0x2c: {  	_ =	swait.ge [sflag:s21], $0x4000  }
0x2d: {  	[sflag:s21] =	ssyncset.done $0x0  }
0x2e: {  	[sflag:s21] =	ssyncadd.s32 $0xFFFFC000  }
0x2f: {  	_ =	swait.ge [sflag:s21], $0x4000  }
0x30: {  	[sflag:s21] =	ssyncset.done $0x0  }
0x31: {  	s30 =	simm.s32 $0x1000;
	[sflag:s21] =	ssyncadd.s32 $0xFFFFC000  }
0x32: {  	[spmem:s2] =	stream.indirect.scatter.add.f32 [tilespmem:s19], [sflag:$0x2], $0x80, s30, s18, $0xb8;
	[tilespmem:$0x1E000] =	vst v63  }
0x33: {  	_ =	swait.ge [sflag:s16], $0x4000  }
0x34: {  	[sflag:s16] =	ssyncset.done $0x0  }
0x35: {  	s31 =	simm.s32 $0x1080;
	[sflag:s16] =	ssyncadd.s32 $0xFFFFC000  }
0x36: {  	[spmem:s2] =	stream.indirect.scatter.add.f32 [tilespmem:s20], [sflag:$0x2], $0x80, s31, s18, $0xb8;
	[tilespmem:$0x1E000] =	vst v63  }
0x37: {  	_ =	swait.ge [sflag:s16], $0x4000  }
0x38: {  	s24 =	simm.s32 $0x800;
	s23 =	simm.s32 $0x400;
	[sflag:s16] =	ssyncset.done $0x0  }
.LBB2_3:
0x39: {  	s25 =	sshra.s32 s23, $0x2  }
0x3a: {  	[sflag:s16] =	ssyncadd.s32 $0xFFFFC000;
	s23 =	smov.u32 s24;
	s26 =	sadd.s32 $0x400, s24  }
0x3b: {  	[tilespmem:s19], [sflag:$0x1] =	stream.indirect.gather [hbm4b:s5+s18], $0x80, s25, s18, $0xb8;
	[tilespmem:$0x1E000] =	vst v63  }
0x3c: {  	p1 =	sne.s32 s24, $0x3C00;
	s24 =	sadd.s32 $0x80, s25  }
0x3d: {  	[tilespmem:s20], [sflag:$0x1] =	stream.indirect.gather [hbm4b:s5+s18], $0x80, s24, s18, $0xb8;
	[tilespmem:$0x1E000] =	vst v63  }
0x3e: {  	_ =	swait.ge [sflag:s21], $0x4000  }
0x3f: {  	[sflag:s21] =	ssyncset.done $0x0  }
0x40: {  	[sflag:s21] =	ssyncadd.s32 $0xFFFFC000  }
0x41: {  	_ =	swait.ge [sflag:s21], $0x4000  }
0x42: {  	[sflag:s21] =	ssyncset.done $0x0  }
0x43: {  	s24 =	sadd.s32 $0x1000, s25;
	[sflag:s21] =	ssyncadd.s32 $0xFFFFC000  }
0x44: {  	[spmem:s2] =	stream.indirect.scatter.add.f32 [tilespmem:s19], [sflag:$0x2], $0x80, s24, s18, $0xb8;
	[tilespmem:$0x1E000] =	vst v63  }
0x45: {  	_ =	swait.ge [sflag:s16], $0x4000  }
.Ltmp3:
0x46: {  	[sflag:s16] =	ssyncset.done $0x0;
	(pc) =	sbr.rel @p1 .LBB2_3-.Ltmp3, $4  }
0x47: {  	s24 =	sadd.s32 $0x1080, s25;
	[sflag:s16] =	ssyncadd.s32 $0xFFFFC000  }
0x48: {  	[spmem:s2] =	stream.indirect.scatter.add.f32 [tilespmem:s20], [sflag:$0x2], $0x80, s24, s18, $0xb8;
	[tilespmem:$0x1E000] =	vst v63  }
0x49: {  	_ =	swait.ge [sflag:s16], $0x4000  }
0x4a: {  	s24 =	smov.u32 s26;
	[sflag:s16] =	ssyncset.done $0x0  }
0x4b: {  	s23 =	sshra.s32 s23, $0x2;
	[sflag:s16] =	ssyncadd.s32 $0xFFFFC000  }
0x4c: {  	[tilespmem:s19], [sflag:$0x1] =	stream.indirect.gather [hbm4b:s5+s18], $0x80, s23, s18, $0xb8;
	[tilespmem:$0x1E000] =	vst v63  }
0x4d: {  	s24 =	sadd.s32 $0x80, s23  }
0x4e: {  	[tilespmem:s20], [sflag:$0x1] =	stream.indirect.gather [hbm4b:s5+s18], $0x80, s24, s18, $0xb8;
	[tilespmem:$0x1E000] =	vst v63  }
0x4f: {  	_ =	swait.ge [sflag:s21], $0x4000  }
0x50: {  	[sflag:s21] =	ssyncset.done $0x0  }
0x51: {  	[sflag:s21] =	ssyncadd.s32 $0xFFFFC000  }
0x52: {  	_ =	swait.ge [sflag:s21], $0x4000  }
0x53: {  	[sflag:s21] =	ssyncset.done $0x0  }
0x54: {  	s31 =	sadd.s32 $0x1000, s23;
	[sflag:s21] =	ssyncadd.s32 $0xFFFFC000  }
0x55: {  	[spmem:s2] =	stream.indirect.scatter.add.f32 [tilespmem:s19], [sflag:$0x2], $0x80, s31, s18, $0xb8;
	[tilespmem:$0x1E000] =	vst v63  }
0x56: {  	s22 =	sadd.s32 $0x1, s22;
	_ =	swait.ge [sflag:s16], $0x4000  }
0x57: {  	p1 =	seq.s32 s22, $0x5;
	[sflag:s16] =	ssyncset.done $0x0  }
.Ltmp4:
0x58: {  	s23 =	sadd.s32 $0x1080, s23;
	[sflag:s16] =	ssyncadd.s32 $0xFFFFC000;
	(pc) =	sbr.rel @!p1 .LBB2_2-.Ltmp4, $4  }
0x59: {  	[spmem:s2] =	stream.indirect.scatter.add.f32 [tilespmem:s20], [sflag:$0x2], $0x80, s23, s18, $0xb8;
	[tilespmem:$0x1E000] =	vst v63  }
0x5a: {  	_ =	swait.ge [sflag:s16], $0x4000  }
0x5b: {  	[sflag:s16] =	ssyncset.done $0x0  }
0x5c: {  	[sflag:s16] =	ssyncadd.s32 $0xFFFFC000  }
.Ltmp5:
0x5d: {  	(pc) =	sbr.rel .LBB2_10-.Ltmp5, $2  }
0x5e: {  	_ =	sdelay $0x2  }
0x5f: {  	s22 =	smov.u32 s9  }
.LBB2_6:
0x60: {  	s22 =	sshll.u32 s23, $0xC  }
0x61: {  	s22 =	sadd.s32 s13, s22  }
0x62: {  	s22 =	sshrl.u32 s22, $0x3  }
0x63: {  	s25 =	simm.s32 $0x0;
	s24 =	sadd.s32 s8, s22  }
0x64: {  	[tilespmem:s25], [sflag:$0x2] =	stream.linear.gather [hbm4b:s24+s25], $0x1000, $0x38;
	[tilespmem:$0x1E000] =	vst v63  }
0x65: {  	_ =	swait.ge [sflag:s16], $0x1000  }
0x66: {  	[sflag:s16] =	ssyncset.done $0x0  }
0x67: {  	s22 =	sadd.s32 s1, s22;
	[sflag:s16] =	ssyncadd.s32 $0xFFFFF000  }
0x68: {  	[tilespmem:s17], [sflag:$0x2] =	stream.linear.gather [hbm4b:s22+s25], $0x1000, $0x38;
	[tilespmem:$0x1E000] =	vst v63  }
0x69: {  	_ =	swait.ge [sflag:s16], $0x1000  }
0x6a: {  	[sflag:s16] =	ssyncset.done $0x0  }
0x6b: {  	s28 =	simm.s32 $0x0;
	[sflag:s16] =	ssyncadd.s32 $0xFFFFF000  }
0x6c: {  	[tilespmem:s19], [sflag:$0x1] =	stream.indirect.gather [hbm4b:s6+s18], $0x80, s28, s18, $0xb8;
	[tilespmem:$0x1E000] =	vst v63  }
0x6d: {  	s29 =	simm.s32 $0x80  }
0x6e: {  	[tilespmem:s20], [sflag:$0x1] =	stream.indirect.gather [hbm4b:s6+s18], $0x80, s29, s18, $0xb8;
	[tilespmem:$0x1E000] =	vst v63  }
0x6f: {  	_ =	swait.ge [sflag:s21], $0x4000  }
0x70: {  	[sflag:s21] =	ssyncset.done $0x0  }
0x71: {  	[sflag:s21] =	ssyncadd.s32 $0xFFFFC000  }
0x72: {  	_ =	swait.ge [sflag:s21], $0x4000  }
0x73: {  	[sflag:s21] =	ssyncset.done $0x0  }
0x74: {  	s30 =	simm.s32 $0x1000;
	[sflag:s21] =	ssyncadd.s32 $0xFFFFC000  }
0x75: {  	[spmem:s2] =	stream.indirect.scatter.add.f32 [tilespmem:s19], [sflag:$0x2], $0x80, s30, s18, $0xb8;
	[tilespmem:$0x1E000] =	vst v63  }
0x76: {  	_ =	swait.ge [sflag:s16], $0x4000  }
0x77: {  	[sflag:s16] =	ssyncset.done $0x0  }
0x78: {  	s31 =	simm.s32 $0x1080;
	[sflag:s16] =	ssyncadd.s32 $0xFFFFC000  }
0x79: {  	[spmem:s2] =	stream.indirect.scatter.add.f32 [tilespmem:s20], [sflag:$0x2], $0x80, s31, s18, $0xb8;
	[tilespmem:$0x1E000] =	vst v63  }
0x7a: {  	_ =	swait.ge [sflag:s16], $0x4000  }
0x7b: {  	s24 =	simm.s32 $0x800;
	s22 =	simm.s32 $0x400;
	[sflag:s16] =	ssyncset.done $0x0  }
.LBB2_7:
0x7c: {  	s25 =	sshra.s32 s22, $0x2  }
0x7d: {  	[sflag:s16] =	ssyncadd.s32 $0xFFFFC000;
	s22 =	smov.u32 s24;
	s26 =	sadd.s32 $0x400, s24  }
0x7e: {  	[tilespmem:s19], [sflag:$0x1] =	stream.indirect.gather [hbm4b:s6+s18], $0x80, s25, s18, $0xb8;
	[tilespmem:$0x1E000] =	vst v63  }
0x7f: {  	p1 =	sne.s32 s24, $0x3C00;
	s24 =	sadd.s32 $0x80, s25  }
0x80: {  	[tilespmem:s20], [sflag:$0x1] =	stream.indirect.gather [hbm4b:s6+s18], $0x80, s24, s18, $0xb8;
	[tilespmem:$0x1E000] =	vst v63  }
0x81: {  	_ =	swait.ge [sflag:s21], $0x4000  }
0x82: {  	[sflag:s21] =	ssyncset.done $0x0  }
0x83: {  	[sflag:s21] =	ssyncadd.s32 $0xFFFFC000  }
0x84: {  	_ =	swait.ge [sflag:s21], $0x4000  }
0x85: {  	[sflag:s21] =	ssyncset.done $0x0  }
0x86: {  	s24 =	sadd.s32 $0x1000, s25;
	[sflag:s21] =	ssyncadd.s32 $0xFFFFC000  }
0x87: {  	[spmem:s2] =	stream.indirect.scatter.add.f32 [tilespmem:s19], [sflag:$0x2], $0x80, s24, s18, $0xb8;
	[tilespmem:$0x1E000] =	vst v63  }
0x88: {  	_ =	swait.ge [sflag:s16], $0x4000  }
.Ltmp6:
0x89: {  	[sflag:s16] =	ssyncset.done $0x0;
	(pc) =	sbr.rel @p1 .LBB2_7-.Ltmp6, $4  }
0x8a: {  	s24 =	sadd.s32 $0x1080, s25;
	[sflag:s16] =	ssyncadd.s32 $0xFFFFC000  }
0x8b: {  	[spmem:s2] =	stream.indirect.scatter.add.f32 [tilespmem:s20], [sflag:$0x2], $0x80, s24, s18, $0xb8;
	[tilespmem:$0x1E000] =	vst v63  }
0x8c: {  	_ =	swait.ge [sflag:s16], $0x4000  }
0x8d: {  	s24 =	smov.u32 s26;
	[sflag:s16] =	ssyncset.done $0x0  }
0x8e: {  	s22 =	sshra.s32 s22, $0x2;
	[sflag:s16] =	ssyncadd.s32 $0xFFFFC000  }
0x8f: {  	[tilespmem:s19], [sflag:$0x1] =	stream.indirect.gather [hbm4b:s6+s18], $0x80, s22, s18, $0xb8;
	[tilespmem:$0x1E000] =	vst v63  }
0x90: {  	s24 =	sadd.s32 $0x80, s22  }
0x91: {  	[tilespmem:s20], [sflag:$0x1] =	stream.indirect.gather [hbm4b:s6+s18], $0x80, s24, s18, $0xb8;
	[tilespmem:$0x1E000] =	vst v63  }
0x92: {  	_ =	swait.ge [sflag:s21], $0x4000  }
0x93: {  	[sflag:s21] =	ssyncset.done $0x0  }
0x94: {  	[sflag:s21] =	ssyncadd.s32 $0xFFFFC000  }
0x95: {  	_ =	swait.ge [sflag:s21], $0x4000  }
0x96: {  	[sflag:s21] =	ssyncset.done $0x0  }
0x97: {  	s31 =	sadd.s32 $0x1000, s22;
	[sflag:s21] =	ssyncadd.s32 $0xFFFFC000  }
0x98: {  	[spmem:s2] =	stream.indirect.scatter.add.f32 [tilespmem:s19], [sflag:$0x2], $0x80, s31, s18, $0xb8;
	[tilespmem:$0x1E000] =	vst v63  }
0x99: {  	s23 =	sadd.s32 $0x1, s23;
	_ =	swait.ge [sflag:s16], $0x4000  }
0x9a: {  	p1 =	sne.s32 s23, $0x5;
	[sflag:s16] =	ssyncset.done $0x0  }
.Ltmp7:
0x9b: {  	s22 =	sadd.s32 $0x1080, s22;
	[sflag:s16] =	ssyncadd.s32 $0xFFFFC000;
	(pc) =	sbr.rel @p1 .LBB2_6-.Ltmp7, $4  }
0x9c: {  	[spmem:s2] =	stream.indirect.scatter.add.f32 [tilespmem:s20], [sflag:$0x2], $0x80, s22, s18, $0xb8;
	[tilespmem:$0x1E000] =	vst v63  }
0x9d: {  	_ =	swait.ge [sflag:s16], $0x4000  }
0x9e: {  	[sflag:s16] =	ssyncset.done $0x0  }
0x9f: {  	[sflag:s16] =	ssyncadd.s32 $0xFFFFC000  }
.Ltmp8:
0xa0: {  	(pc) =	sbr.rel .LBB2_10-.Ltmp8, $2  }
0xa1: {  	_ =	sdelay $0x2  }
0xa2: {  	s22 =	smov.u32 s10  }
.LBB2_11:
0xa3: {  	_ =	sfence.sel $0x180000  }
0xa4: {  	[bflag:$0x0] =	sbarrier.arrive $0xFFFF  }
0xa5: {  	p0 =	sne.s32 s3, $0x0;
	_ =	strace $0x90000056  }
0xa6: {  	s0 =	sadd.s32 @!p0 $0x100000, s0;
	[bflag:$0x2] =	sbarrier.arrive $0xFFFF  }
0xa7: {  	[sflag:s0] =	ssyncadd.tile.s32 @!p0 $0x1;
	_ =	shalt  }
.Lfunc_end2:
_tile_overlayer_lowered:
.L_overlay_start_2:
0xa8: {  	(tag) =	ssettag $0x2  }
0xa9: {  	s0 =	rddreg [dreg:$0x0];
	s2 =	stileid.u32  }
0xaa: {  	s1 =	rddreg [dreg:$0x1];
	p0 =	sne.s32 s2, $0x0  }
0xab: {  	s3 =	rddreg [dreg:$0x2];
	[bflag:$0x3] =	sbarrier.arrive $0xFFFF;
	s2 =	simm.s32 @!p0 $0x1C02  }
0xac: {  	[timem:s3], [sflag:s2] =	dma.local @!p0 [hbm:s0], s1  }
0xad: {  	s0 =	simm.s32 @!p0 $0x2  }
0xae: {  	_ =	swait.ge @!p0 [sflag:s0], s1  }
0xaf: {  	s1 =	ssub.s32 @!p0 $0x0, s1;
	[sflag:s0] =	ssyncset.done @!p0 $0x0  }
0xb0: {  	[sflag:s0] =	ssyncadd.s32 @!p0 s1  }
0xb1: {  	[bflag:$0x3] =	sbarrier.arrive $0xFFFF  }
0xb2: {  	_ =	shalt  }

</sc_bundles>
